<compile_context>
chip_gen: v7x
topology: tpu7x:2x2x1
jax: 0.10.2.dev20260603
libtpu: 0.0.44.dev20260713+nightly
codegen_flags: <defaults>
</compile_context>

<pallas_src>
import jax
import jax.numpy as jnp
from jax import lax
from jax.experimental import pallas as pl
from jax.experimental.pallas import tpu as pltpu
from jax.experimental.pallas import tpu_sc as plsc

B, At, Nbr = 8, 128, 512
NA = 25
AC = NA + 1
F = 128
NT = B * At
QW = AC * At
NC, NS, L = 2, 16, 16
TASKS_PER_W = NT // (NC * NS)


def _sc_hist_body(Tf, jf, kf, mf, R_out,
                  Tv0, jv0, kv0, mv0, Qj0, Qk0,
                  Tv1, jv1, kv1, mv1, Qj1, Qk1,
                  semi0, semi1, semo0, semo1):
    wid = lax.axis_index("s") * NC + lax.axis_index("c")
    lane = lax.iota(jnp.int32, L)
    l25 = lane * NA
    zero16 = jnp.zeros((L,), jnp.float32)
    t0 = wid * TASKS_PER_W
    set0 = (Tv0, jv0, kv0, mv0, Qj0, Qk0, semi0, semo0)
    set1 = (Tv1, jv1, kv1, mv1, Qj1, Qk1, semi1, semo1)

    b0 = lax.shift_right_logical(t0, 7)
    i0 = lax.bitwise_and(t0, At - 1)

    def issue_in(t, bufs):
        Tv, jv, kv, mv, _, _, semi, _ = bufs
        b = lax.shift_right_logical(t, 7)
        i = lax.bitwise_and(t, At - 1)
        pltpu.async_copy(Tf.at[t], Tv, semi)
        pltpu.async_copy(jf.at[b, i], jv, semi)
        pltpu.async_copy(kf.at[b, i], kv, semi)
        pltpu.async_copy(mf.at[b, i], mv, semi)

    def drain_in(bufs):
        Tv, jv, kv, mv, _, _, semi, _ = bufs
        pltpu.make_async_copy(Tf.at[t0], Tv, semi).wait()
        pltpu.make_async_copy(jf.at[b0, i0], jv, semi).wait()
        pltpu.make_async_copy(kf.at[b0, i0], kv, semi).wait()
        pltpu.make_async_copy(mf.at[b0, i0], mv, semi).wait()

    def process(t, tt, bufs):
        Tv, jv, kv, mv, Qj, Qk, _, semo = bufs
        b = lax.shift_right_logical(t, 7)
        i = lax.bitwise_and(t, At - 1)

        @pl.when(tt >= 2)
        def _():
            pltpu.make_async_copy(Qj, R_out.at[0, :, 0, :], semo).wait()

        @plsc.parallel_loop(0, QW // L, unroll=4)
        def _zero(z):
            a = lax.shift_right_logical(z, 3)
            c = lax.bitwise_and(z, 7) * L
            Qj[a, pl.ds(c, L)] = zero16
            Qk[a, pl.ds(c, L)] = zero16

        @plsc.parallel_loop(0, Nbr // L, unroll=2)
        def _gather_scatter(g):
            jg = jv[pl.ds(g * L, L)]
            kg = kv[pl.ds(g * L, L)]
            mg = mv[pl.ds(g * L, L)]
            tbase = l25 + g * (L * NA)
            for a in range(NA):
                av = jnp.full((L,), a, jnp.int32)
                tvals = plsc.load_gather(Tv, [tbase + a])
                val = tvals * mg
                plsc.addupdate_scatter(Qj, [av, jg], val)
                plsc.addupdate_scatter(Qk, [av, kg], val)
            avm = jnp.full((L,), NA, jnp.int32)
            plsc.addupdate_scatter(Qj, [avm, jg], mg)
            plsc.addupdate_scatter(Qk, [avm, kg], mg)

        @plsc.parallel_loop(0, QW // L, unroll=4)
        def _merge(z):
            a = lax.shift_right_logical(z, 3)
            c = lax.bitwise_and(z, 7) * L
            sl = pl.ds(c, L)
            Qj[a, sl] = Qj[a, sl] + Qk[a, sl]

        pltpu.async_copy(Qj, R_out.at[b, :, i, :], semo)

    issue_in(t0, set0)

    def pair_body(it, carry):
        tA = t0 + 2 * it
        issue_in(tA + 1, set1)
        drain_in(set0)
        process(tA, 2 * it, set0)

        @pl.when(it + 1 < TASKS_PER_W // 2)
        def _():
            issue_in(tA + 2, set0)

        drain_in(set1)
        process(tA + 1, 2 * it + 1, set1)
        return carry

    lax.fori_loop(0, TASKS_PER_W // 2, pair_body, 0)
    pltpu.make_async_copy(Qj0, R_out.at[0, :, 0, :], semo0).wait()
    pltpu.make_async_copy(Qj1, R_out.at[0, :, 0, :], semo1).wait()


@jax.jit
def _sc_hist(Tf, jf, kf, mf):
    mesh = plsc.VectorSubcoreMesh(core_axis_name="c", subcore_axis_name="s")
    return pl.kernel(
        _sc_hist_body,
        out_type=jax.ShapeDtypeStruct((B, AC, At, At), jnp.float32),
        mesh=mesh,
        scratch_types=(
            [pltpu.VMEM((Nbr * NA,), jnp.float32),
             pltpu.VMEM((Nbr,), jnp.int32),
             pltpu.VMEM((Nbr,), jnp.int32),
             pltpu.VMEM((Nbr,), jnp.float32),
             pltpu.VMEM((AC, At), jnp.float32),
             pltpu.VMEM((AC, At), jnp.float32)] * 2
            + [pltpu.SemaphoreType.DMA] * 4
        ),
        compiler_params=pltpu.CompilerParams(needs_layout_passes=False),
    )(Tf, jf, kf, mf)


def _tc_finish_body(x_ref, R_ref, Wi_ref, Wfe_ref, Wo_ref, bo_ref, out_ref):
    y = jnp.dot(x_ref[0], Wi_ref[...], preferred_element_type=jnp.float32,
                precision=lax.Precision.HIGHEST)
    yagg = jnp.zeros((At, F), jnp.float32)
    for a in range(AC):
        yagg += jnp.dot(R_ref[0, a], y * Wfe_ref[a],
                        preferred_element_type=jnp.float32,
                        precision=lax.Precision.HIGHEST)
    out_ref[0] = (
        jnp.dot(yagg, Wo_ref[...], preferred_element_type=jnp.float32,
                precision=lax.Precision.HIGHEST)
        + bo_ref[...]
    )


@jax.jit
def _tc_finish(x, R4, Wi, Wfe, Wo, bo2):
    return pl.pallas_call(
        _tc_finish_body,
        grid=(B,),
        in_specs=[
            pl.BlockSpec((1, At, F), lambda b: (b, 0, 0)),
            pl.BlockSpec((1, AC, At, At), lambda b: (b, 0, 0, 0)),
            pl.BlockSpec((F, F), lambda b: (0, 0)),
            pl.BlockSpec((AC, 1, F), lambda b: (0, 0, 0)),
            pl.BlockSpec((F, F), lambda b: (0, 0)),
            pl.BlockSpec((1, F), lambda b: (0, 0)),
        ],
        out_specs=pl.BlockSpec((1, At, F), lambda b: (b, 0, 0)),
        out_shape=jax.ShapeDtypeStruct((B, At, F), jnp.float32),
    )(x, R4, Wi, Wfe, Wo, bo2)


def kernel(x, r_ij, r_ik, triple_ijk, neighbors_j, neighbors_k, triple_mask,
           W_in2f, W_filter, b_filter, W_f2out, b_f2out):
    Tf = triple_ijk.reshape(NT, Nbr * NA)
    R4 = _sc_hist(Tf, neighbors_j, neighbors_k, triple_mask)
    Wfe = jnp.concatenate([W_filter, b_filter[None, :]], axis=0).reshape(AC, 1, F)
    bo2 = b_f2out.reshape(1, F)
    return _tc_finish(x, R4, W_in2f, Wfe, W_f2out, bo2)

# --- scband reference (transcript-rebuilt; emitter-appended) ---
"""Pipeline reference for scband-cfconv-triple-35407710388578 (READ-ONLY COPY).

The authoritative reference and input builder live on the scoring server;
editing this copy changes nothing except your own understanding.
"""

import jax, jax.numpy as jnp
import numpy as np

B, At, Nbr = 8, 128, 512
N_IN, N_FILTERS, N_OUT, N_ANGULAR = 128, 128, 128, 25


def setup_inputs(seed: int = 0) -> dict:
    key = jax.random.key(seed)
    ks = jax.random.split(key, 10)
    x = jax.random.normal(ks[0], (B, At, N_IN), dtype=jnp.float32)
    r_ij = jax.random.uniform(ks[1], (B, At, Nbr), dtype=jnp.float32)
    r_ik = jax.random.uniform(ks[2], (B, At, Nbr), dtype=jnp.float32)
    triple_ijk = jax.random.normal(ks[3], (B, At, Nbr, N_ANGULAR), dtype=jnp.float32)
    neighbors_j = jax.random.randint(ks[4], (B, At, Nbr), 0, At, dtype=jnp.int32)
    neighbors_k = jax.random.randint(ks[5], (B, At, Nbr), 0, At, dtype=jnp.int32)
    triple_mask = jnp.ones((B, At, Nbr), dtype=jnp.float32)
    # learned parameters
    W_in2f = jax.random.normal(ks[6], (N_IN, N_FILTERS), dtype=jnp.float32) / np.sqrt(N_IN)
    W_filter = jax.random.normal(ks[7], (N_ANGULAR, N_FILTERS), dtype=jnp.float32) / np.sqrt(N_ANGULAR)
    b_filter = jnp.zeros((N_FILTERS,), dtype=jnp.float32)
    W_f2out = jax.random.normal(ks[8], (N_FILTERS, N_OUT), dtype=jnp.float32) / np.sqrt(N_FILTERS)
    b_f2out = jnp.zeros((N_OUT,), dtype=jnp.float32)
    return {"x": x, "r_ij": r_ij, "r_ik": r_ik, "triple_ijk": triple_ijk,
            "neighbors_j": neighbors_j, "neighbors_k": neighbors_k,
            "triple_mask": triple_mask, "W_in2f": W_in2f, "W_filter": W_filter,
            "b_filter": b_filter, "W_f2out": W_f2out, "b_f2out": b_f2out}


def reference(x, r_ij, r_ik, triple_ijk, neighbors_j, neighbors_k, triple_mask,
              W_in2f, W_filter, b_filter, W_f2out, b_f2out):
    # filternet_triple: Dense(n_angular -> n_filters) with bias, no activation
    W_triple = triple_ijk @ W_filter + b_filter  # [B, At, Nbr, F]
    # cutoffnet is None -> r_ij / r_ik unused in the computation
    y = x @ W_in2f  # in2f: Dense, no bias, no activation -> [B, At, F]
    b, at, nbr = neighbors_j.shape
    nbh_j = neighbors_j.reshape(b, at * nbr)[:, :, None]  # [B, At*Nbr, 1]
    nbh_k = neighbors_k.reshape(b, at * nbr)[:, :, None]
    y_j = jnp.take_along_axis(y, nbh_j, axis=1)  # gather -> [B, At*Nbr, F]
    y_k = jnp.take_along_axis(y, nbh_k, axis=1)
    y_triple = (y_j + y_k).reshape(b, at, nbr, -1)
    y_triple = y_triple * W_triple
    # Aggregate(axis=2, mean=False): mask then sum over Nbr
    y_triple = y_triple * triple_mask[..., None]
    y_agg = jnp.sum(y_triple, axis=2)  # [B, At, F]
    out = y_agg @ W_f2out + b_f2out  # f2out: Dense with bias, activation None
    return out

if __name__ == "__main__":
    import jax
    _d = setup_inputs()
    print(jax.jit(kernel)(*tuple(_d.values())))

</pallas_src>

<mosaic_0001>
#map = affine_map<(d0, d1) -> (0, 0)>
#map1 = affine_map<(d0, d1) -> (0, 0, 0)>
#map2 = affine_map<(d0, d1) -> (0, 0, 0, 0)>
module attributes {stable_mosaic.version = 14 : i64} {
  func.func @_sc_hist_body(%arg0: i32, %arg1: i32, %arg2: memref<1024x12800xf32, #tpu.memory_space<hbm>>, %arg3: memref<8x128x512xi32, #tpu.memory_space<hbm>>, %arg4: memref<8x128x512xi32, #tpu.memory_space<hbm>>, %arg5: memref<8x128x512xf32, #tpu.memory_space<hbm>>, %arg6: memref<8x26x128x128xf32, #tpu.memory_space<hbm>>, %arg7: memref<12800xf32, #tpu.memory_space<vmem>>, %arg8: memref<512xi32, #tpu.memory_space<vmem>>, %arg9: memref<512xi32, #tpu.memory_space<vmem>>, %arg10: memref<512xf32, #tpu.memory_space<vmem>>, %arg11: memref<26x128xf32, #tpu.memory_space<vmem>>, %arg12: memref<26x128xf32, #tpu.memory_space<vmem>>, %arg13: memref<12800xf32, #tpu.memory_space<vmem>>, %arg14: memref<512xi32, #tpu.memory_space<vmem>>, %arg15: memref<512xi32, #tpu.memory_space<vmem>>, %arg16: memref<512xf32, #tpu.memory_space<vmem>>, %arg17: memref<26x128xf32, #tpu.memory_space<vmem>>, %arg18: memref<26x128xf32, #tpu.memory_space<vmem>>, %arg19: memref<!tpu.dma_semaphore, #tpu.memory_space<semaphore_mem>>, %arg20: memref<!tpu.dma_semaphore, #tpu.memory_space<semaphore_mem>>, %arg21: memref<!tpu.dma_semaphore, #tpu.memory_space<semaphore_mem>>, %arg22: memref<!tpu.dma_semaphore, #tpu.memory_space<semaphore_mem>>) attributes {dimension_semantics = [#tpu.dimension_semantics<core_parallel>, #tpu.dimension_semantics<subcore_parallel>], iteration_bounds = array<i64: 2, 16>, scalar_prefetch = 0 : i64, scratch_operands = 16 : i64, tpu.core_type = #tpu.core_type<sc_vector_subcore>, window_params = [{transform_indices = #map}, {transform_indices = #map1}, {transform_indices = #map1}, {transform_indices = #map1}, {transform_indices = #map2}]} {
    %mul3A = arith.constant 2 : i32
    %mul3A_0 = arith.muli %arg1, %mul3A : i32
    %add3A = arith.addi %mul3A_0, %arg0 : i32
    %iota3A = tpu.iota {dimensions = array<i32: 0>} : vector<16xi32>
    %mul3A_1 = arith.constant 25 : i32
    %mul3A_2 = vector.broadcast %mul3A_1 : i32 to vector<16xi32>
    %mul3A_3 = arith.muli %iota3A, %mul3A_2 : vector<16xi32>
    %broadcast_in_dim3A = arith.constant 0.000000e+00 : f32
    %broadcast_in_dim3A_4 = vector.broadcast %broadcast_in_dim3A : f32 to vector<16xf32>
    %mul3A_5 = arith.constant 32 : i32
    %mul3A_6 = arith.muli %add3A, %mul3A_5 : i32
    %shift_right_logical3A = arith.constant 7 : i32
    %shift_right_logical3A_7 = arith.shrui %mul3A_6, %shift_right_logical3A : i32
    %and3A = arith.constant 127 : i32
    %and3A_8 = arith.andi %mul3A_6, %and3A : i32
    %shift_right_logical3A_9 = arith.constant 7 : i32
    %shift_right_logical3A_10 = arith.shrui %mul3A_6, %shift_right_logical3A_9 : i32
    %and3A_11 = arith.constant 127 : i32
    %and3A_12 = arith.andi %mul3A_6, %and3A_11 : i32
    %dma_start3A = arith.constant 0 : i32
    %dma_start3A_13 = tpu.memref_slice %arg2[%mul3A_6, %dma_start3A] : memref<1024x12800xf32, #tpu.memory_space<hbm>> -> memref<1x12800xf32, #tpu.memory_space<hbm>>
    %dma_start3A_14 = tpu.memref_squeeze %dma_start3A_13 : memref<1x12800xf32, #tpu.memory_space<hbm>> -> memref<12800xf32, #tpu.memory_space<hbm>>
    %dma_start3A_15 = arith.constant 0 : i32
    %dma_start3A_16 = tpu.memref_slice %arg2[%mul3A_6, %dma_start3A_15] : memref<1024x12800xf32, #tpu.memory_space<hbm>> -> memref<1x12800xf32, #tpu.memory_space<hbm>>
    %dma_start3A_17 = tpu.memref_squeeze %dma_start3A_16 : memref<1x12800xf32, #tpu.memory_space<hbm>> -> memref<12800xf32, #tpu.memory_space<hbm>>
    tpu.enqueue_dma source(%dma_start3A_17 : memref<12800xf32, #tpu.memory_space<hbm>>) target(%arg7 : memref<12800xf32, #tpu.memory_space<vmem>>) target_semaphore(%arg19 : memref<!tpu.dma_semaphore, #tpu.memory_space<semaphore_mem>>)
    %dma_start3A_18 = arith.constant 0 : i32
    %dma_start3A_19 = tpu.memref_slice %arg3[%shift_right_logical3A_10, %and3A_12, %dma_start3A_18] : memref<8x128x512xi32, #tpu.memory_space<hbm>> -> memref<1x1x512xi32, #tpu.memory_space<hbm>>
    %dma_start3A_20 = tpu.memref_squeeze %dma_start3A_19 : memref<1x1x512xi32, #tpu.memory_space<hbm>> -> memref<512xi32, #tpu.memory_space<hbm>>
    %dma_start3A_21 = arith.constant 0 : i32
    %dma_start3A_22 = tpu.memref_slice %arg3[%shift_right_logical3A_10, %and3A_12, %dma_start3A_21] : memref<8x128x512xi32, #tpu.memory_space<hbm>> -> memref<1x1x512xi32, #tpu.memory_space<hbm>>
    %dma_start3A_23 = tpu.memref_squeeze %dma_start3A_22 : memref<1x1x512xi32, #tpu.memory_space<hbm>> -> memref<512xi32, #tpu.memory_space<hbm>>
    tpu.enqueue_dma source(%dma_start3A_23 : memref<512xi32, #tpu.memory_space<hbm>>) target(%arg8 : memref<512xi32, #tpu.memory_space<vmem>>) target_semaphore(%arg19 : memref<!tpu.dma_semaphore, #tpu.memory_space<semaphore_mem>>)
    %dma_start3A_24 = arith.constant 0 : i32
    %dma_start3A_25 = tpu.memref_slice %arg4[%shift_right_logical3A_10, %and3A_12, %dma_start3A_24] : memref<8x128x512xi32, #tpu.memory_space<hbm>> -> memref<1x1x512xi32, #tpu.memory_space<hbm>>
    %dma_start3A_26 = tpu.memref_squeeze %dma_start3A_25 : memref<1x1x512xi32, #tpu.memory_space<hbm>> -> memref<512xi32, #tpu.memory_space<hbm>>
    %dma_start3A_27 = arith.constant 0 : i32
    %dma_start3A_28 = tpu.memref_slice %arg4[%shift_right_logical3A_10, %and3A_12, %dma_start3A_27] : memref<8x128x512xi32, #tpu.memory_space<hbm>> -> memref<1x1x512xi32, #tpu.memory_space<hbm>>
    %dma_start3A_29 = tpu.memref_squeeze %dma_start3A_28 : memref<1x1x512xi32, #tpu.memory_space<hbm>> -> memref<512xi32, #tpu.memory_space<hbm>>
    tpu.enqueue_dma source(%dma_start3A_29 : memref<512xi32, #tpu.memory_space<hbm>>) target(%arg9 : memref<512xi32, #tpu.memory_space<vmem>>) target_semaphore(%arg19 : memref<!tpu.dma_semaphore, #tpu.memory_space<semaphore_mem>>)
    %dma_start3A_30 = arith.constant 0 : i32
    %dma_start3A_31 = tpu.memref_slice %arg5[%shift_right_logical3A_10, %and3A_12, %dma_start3A_30] : memref<8x128x512xf32, #tpu.memory_space<hbm>> -> memref<1x1x512xf32, #tpu.memory_space<hbm>>
    %dma_start3A_32 = tpu.memref_squeeze %dma_start3A_31 : memref<1x1x512xf32, #tpu.memory_space<hbm>> -> memref<512xf32, #tpu.memory_space<hbm>>
    %dma_start3A_33 = arith.constant 0 : i32
    %dma_start3A_34 = tpu.memref_slice %arg5[%shift_right_logical3A_10, %and3A_12, %dma_start3A_33] : memref<8x128x512xf32, #tpu.memory_space<hbm>> -> memref<1x1x512xf32, #tpu.memory_space<hbm>>
    %dma_start3A_35 = tpu.memref_squeeze %dma_start3A_34 : memref<1x1x512xf32, #tpu.memory_space<hbm>> -> memref<512xf32, #tpu.memory_space<hbm>>
    tpu.enqueue_dma source(%dma_start3A_35 : memref<512xf32, #tpu.memory_space<hbm>>) target(%arg10 : memref<512xf32, #tpu.memory_space<vmem>>) target_semaphore(%arg19 : memref<!tpu.dma_semaphore, #tpu.memory_space<semaphore_mem>>)
    %scan3A = arith.constant 0 : i32
    %scan3A_36 = arith.constant 0 : i32
    %scan3A_37 = arith.constant 16 : i32
    %scan3A_38 = arith.addi %scan3A_36, %scan3A_37 : i32
    %scan3A_39 = arith.constant 1 : i32
    scf.for %scan3A_60 = %scan3A_36 to %scan3A_38 step %scan3A_39  : i32 {
      %mul3A_61 = arith.constant 2 : i32
      %mul3A_62 = arith.muli %mul3A_61, %scan3A_60 : i32
      %add3A_63 = arith.addi %mul3A_6, %mul3A_62 : i32
      %add3A_64 = arith.constant 1 : i32
      %add3A_65 = arith.addi %add3A_63, %add3A_64 : i32
      %shift_right_logical3A_66 = arith.constant 7 : i32
      %shift_right_logical3A_67 = arith.shrui %add3A_65, %shift_right_logical3A_66 : i32
      %and3A_68 = arith.constant 127 : i32
      %and3A_69 = arith.andi %add3A_65, %and3A_68 : i32
      %dma_start3A_70 = arith.constant 0 : i32
      %dma_start3A_71 = tpu.memref_slice %arg2[%add3A_65, %dma_start3A_70] : memref<1024x12800xf32, #tpu.memory_space<hbm>> -> memref<1x12800xf32, #tpu.memory_space<hbm>>
      %dma_start3A_72 = tpu.memref_squeeze %dma_start3A_71 : memref<1x12800xf32, #tpu.memory_space<hbm>> -> memref<12800xf32, #tpu.memory_space<hbm>>
      %dma_start3A_73 = arith.constant 0 : i32
      %dma_start3A_74 = tpu.memref_slice %arg2[%add3A_65, %dma_start3A_73] : memref<1024x12800xf32, #tpu.memory_space<hbm>> -> memref<1x12800xf32, #tpu.memory_space<hbm>>
      %dma_start3A_75 = tpu.memref_squeeze %dma_start3A_74 : memref<1x12800xf32, #tpu.memory_space<hbm>> -> memref<12800xf32, #tpu.memory_space<hbm>>
      tpu.enqueue_dma source(%dma_start3A_75 : memref<12800xf32, #tpu.memory_space<hbm>>) target(%arg13 : memref<12800xf32, #tpu.memory_space<vmem>>) target_semaphore(%arg20 : memref<!tpu.dma_semaphore, #tpu.memory_space<semaphore_mem>>)
      %dma_start3A_76 = arith.constant 0 : i32
      %dma_start3A_77 = tpu.memref_slice %arg3[%shift_right_logical3A_67, %and3A_69, %dma_start3A_76] : memref<8x128x512xi32, #tpu.memory_space<hbm>> -> memref<1x1x512xi32, #tpu.memory_space<hbm>>
      %dma_start3A_78 = tpu.memref_squeeze %dma_start3A_77 : memref<1x1x512xi32, #tpu.memory_space<hbm>> -> memref<512xi32, #tpu.memory_space<hbm>>
      %dma_start3A_79 = arith.constant 0 : i32
      %dma_start3A_80 = tpu.memref_slice %arg3[%shift_right_logical3A_67, %and3A_69, %dma_start3A_79] : memref<8x128x512xi32, #tpu.memory_space<hbm>> -> memref<1x1x512xi32, #tpu.memory_space<hbm>>
      %dma_start3A_81 = tpu.memref_squeeze %dma_start3A_80 : memref<1x1x512xi32, #tpu.memory_space<hbm>> -> memref<512xi32, #tpu.memory_space<hbm>>
      tpu.enqueue_dma source(%dma_start3A_81 : memref<512xi32, #tpu.memory_space<hbm>>) target(%arg14 : memref<512xi32, #tpu.memory_space<vmem>>) target_semaphore(%arg20 : memref<!tpu.dma_semaphore, #tpu.memory_space<semaphore_mem>>)
      %dma_start3A_82 = arith.constant 0 : i32
      %dma_start3A_83 = tpu.memref_slice %arg4[%shift_right_logical3A_67, %and3A_69, %dma_start3A_82] : memref<8x128x512xi32, #tpu.memory_space<hbm>> -> memref<1x1x512xi32, #tpu.memory_space<hbm>>
      %dma_start3A_84 = tpu.memref_squeeze %dma_start3A_83 : memref<1x1x512xi32, #tpu.memory_space<hbm>> -> memref<512xi32, #tpu.memory_space<hbm>>
      %dma_start3A_85 = arith.constant 0 : i32
      %dma_start3A_86 = tpu.memref_slice %arg4[%shift_right_logical3A_67, %and3A_69, %dma_start3A_85] : memref<8x128x512xi32, #tpu.memory_space<hbm>> -> memref<1x1x512xi32, #tpu.memory_space<hbm>>
      %dma_start3A_87 = tpu.memref_squeeze %dma_start3A_86 : memref<1x1x512xi32, #tpu.memory_space<hbm>> -> memref<512xi32, #tpu.memory_space<hbm>>
      tpu.enqueue_dma source(%dma_start3A_87 : memref<512xi32, #tpu.memory_space<hbm>>) target(%arg15 : memref<512xi32, #tpu.memory_space<vmem>>) target_semaphore(%arg20 : memref<!tpu.dma_semaphore, #tpu.memory_space<semaphore_mem>>)
      %dma_start3A_88 = arith.constant 0 : i32
      %dma_start3A_89 = tpu.memref_slice %arg5[%shift_right_logical3A_67, %and3A_69, %dma_start3A_88] : memref<8x128x512xf32, #tpu.memory_space<hbm>> -> memref<1x1x512xf32, #tpu.memory_space<hbm>>
      %dma_start3A_90 = tpu.memref_squeeze %dma_start3A_89 : memref<1x1x512xf32, #tpu.memory_space<hbm>> -> memref<512xf32, #tpu.memory_space<hbm>>
      %dma_start3A_91 = arith.constant 0 : i32
      %dma_start3A_92 = tpu.memref_slice %arg5[%shift_right_logical3A_67, %and3A_69, %dma_start3A_91] : memref<8x128x512xf32, #tpu.memory_space<hbm>> -> memref<1x1x512xf32, #tpu.memory_space<hbm>>
      %dma_start3A_93 = tpu.memref_squeeze %dma_start3A_92 : memref<1x1x512xf32, #tpu.memory_space<hbm>> -> memref<512xf32, #tpu.memory_space<hbm>>
      tpu.enqueue_dma source(%dma_start3A_93 : memref<512xf32, #tpu.memory_space<hbm>>) target(%arg16 : memref<512xf32, #tpu.memory_space<vmem>>) target_semaphore(%arg20 : memref<!tpu.dma_semaphore, #tpu.memory_space<semaphore_mem>>)
      %dma_wait3A_94 = arith.constant 0 : i32
      %dma_wait3A_95 = tpu.memref_slice %arg2[%mul3A_6, %dma_wait3A_94] : memref<1024x12800xf32, #tpu.memory_space<hbm>> -> memref<1x12800xf32, #tpu.memory_space<hbm>>
      %dma_wait3A_96 = tpu.memref_squeeze %dma_wait3A_95 : memref<1x12800xf32, #tpu.memory_space<hbm>> -> memref<12800xf32, #tpu.memory_space<hbm>>
      %dma_wait3A_97 = arith.constant 0 : i32
      %dma_wait3A_98 = tpu.memref_slice %arg2[%mul3A_6, %dma_wait3A_97] : memref<1024x12800xf32, #tpu.memory_space<hbm>> -> memref<1x12800xf32, #tpu.memory_space<hbm>>
      %dma_wait3A_99 = tpu.memref_squeeze %dma_wait3A_98 : memref<1x12800xf32, #tpu.memory_space<hbm>> -> memref<12800xf32, #tpu.memory_space<hbm>>
      tpu.wait_dma2 semaphore(%arg19 : memref<!tpu.dma_semaphore, #tpu.memory_space<semaphore_mem>>) src(%dma_wait3A_99 : memref<12800xf32, #tpu.memory_space<hbm>>) dst(%arg7 : memref<12800xf32, #tpu.memory_space<vmem>>)
      %dma_wait3A_100 = arith.constant 0 : i32
      %dma_wait3A_101 = tpu.memref_slice %arg3[%shift_right_logical3A_7, %and3A_8, %dma_wait3A_100] : memref<8x128x512xi32, #tpu.memory_space<hbm>> -> memref<1x1x512xi32, #tpu.memory_space<hbm>>
      %dma_wait3A_102 = tpu.memref_squeeze %dma_wait3A_101 : memref<1x1x512xi32, #tpu.memory_space<hbm>> -> memref<512xi32, #tpu.memory_space<hbm>>
      %dma_wait3A_103 = arith.constant 0 : i32
      %dma_wait3A_104 = tpu.memref_slice %arg3[%shift_right_logical3A_7, %and3A_8, %dma_wait3A_103] : memref<8x128x512xi32, #tpu.memory_space<hbm>> -> memref<1x1x512xi32, #tpu.memory_space<hbm>>
      %dma_wait3A_105 = tpu.memref_squeeze %dma_wait3A_104 : memref<1x1x512xi32, #tpu.memory_space<hbm>> -> memref<512xi32, #tpu.memory_space<hbm>>
      tpu.wait_dma2 semaphore(%arg19 : memref<!tpu.dma_semaphore, #tpu.memory_space<semaphore_mem>>) src(%dma_wait3A_105 : memref<512xi32, #tpu.memory_space<hbm>>) dst(%arg8 : memref<512xi32, #tpu.memory_space<vmem>>)
      %dma_wait3A_106 = arith.constant 0 : i32
      %dma_wait3A_107 = tpu.memref_slice %arg4[%shift_right_logical3A_7, %and3A_8, %dma_wait3A_106] : memref<8x128x512xi32, #tpu.memory_space<hbm>> -> memref<1x1x512xi32, #tpu.memory_space<hbm>>
      %dma_wait3A_108 = tpu.memref_squeeze %dma_wait3A_107 : memref<1x1x512xi32, #tpu.memory_space<hbm>> -> memref<512xi32, #tpu.memory_space<hbm>>
      %dma_wait3A_109 = arith.constant 0 : i32
      %dma_wait3A_110 = tpu.memref_slice %arg4[%shift_right_logical3A_7, %and3A_8, %dma_wait3A_109] : memref<8x128x512xi32, #tpu.memory_space<hbm>> -> memref<1x1x512xi32, #tpu.memory_space<hbm>>
      %dma_wait3A_111 = tpu.memref_squeeze %dma_wait3A_110 : memref<1x1x512xi32, #tpu.memory_space<hbm>> -> memref<512xi32, #tpu.memory_space<hbm>>
      tpu.wait_dma2 semaphore(%arg19 : memref<!tpu.dma_semaphore, #tpu.memory_space<semaphore_mem>>) src(%dma_wait3A_111 : memref<512xi32, #tpu.memory_space<hbm>>) dst(%arg9 : memref<512xi32, #tpu.memory_space<vmem>>)
      %dma_wait3A_112 = arith.constant 0 : i32
      %dma_wait3A_113 = tpu.memref_slice %arg5[%shift_right_logical3A_7, %and3A_8, %dma_wait3A_112] : memref<8x128x512xf32, #tpu.memory_space<hbm>> -> memref<1x1x512xf32, #tpu.memory_space<hbm>>
      %dma_wait3A_114 = tpu.memref_squeeze %dma_wait3A_113 : memref<1x1x512xf32, #tpu.memory_space<hbm>> -> memref<512xf32, #tpu.memory_space<hbm>>
      %dma_wait3A_115 = arith.constant 0 : i32
      %dma_wait3A_116 = tpu.memref_slice %arg5[%shift_right_logical3A_7, %and3A_8, %dma_wait3A_115] : memref<8x128x512xf32, #tpu.memory_space<hbm>> -> memref<1x1x512xf32, #tpu.memory_space<hbm>>
      %dma_wait3A_117 = tpu.memref_squeeze %dma_wait3A_116 : memref<1x1x512xf32, #tpu.memory_space<hbm>> -> memref<512xf32, #tpu.memory_space<hbm>>
      tpu.wait_dma2 semaphore(%arg19 : memref<!tpu.dma_semaphore, #tpu.memory_space<semaphore_mem>>) src(%dma_wait3A_117 : memref<512xf32, #tpu.memory_space<hbm>>) dst(%arg10 : memref<512xf32, #tpu.memory_space<vmem>>)
      %mul3A_118 = arith.constant 2 : i32
      %mul3A_119 = arith.muli %mul3A_118, %scan3A_60 : i32
      %shift_right_logical3A_120 = arith.constant 7 : i32
      %shift_right_logical3A_121 = arith.shrui %add3A_63, %shift_right_logical3A_120 : i32
      %and3A_122 = arith.constant 127 : i32
      %and3A_123 = arith.andi %add3A_63, %and3A_122 : i32
      %ge3A = arith.constant 2 : i32
      %ge3A_124 = arith.cmpi sge, %mul3A_119, %ge3A : i32
      %convert_element_type3A = arith.extui %ge3A_124 : i1 to i32
      %cond3A = arith.constant 0 : i32
      %cond3A_125 = arith.cmpi ne, %convert_element_type3A, %cond3A : i32
      scf.if %cond3A_125 {
        %dma_wait3A_204 = arith.constant 0 : i32
        %dma_wait3A_205 = arith.constant 0 : i32
        %dma_wait3A_206 = arith.constant 0 : i32
        %dma_wait3A_207 = arith.constant 0 : i32
        %dma_wait3A_208 = tpu.memref_slice %arg6[%dma_wait3A_204, %dma_wait3A_206, %dma_wait3A_205, %dma_wait3A_207] : memref<8x26x128x128xf32, #tpu.memory_space<hbm>> -> memref<1x26x1x128xf32, #tpu.memory_space<hbm>>
        %dma_wait3A_209 = tpu.memref_squeeze %dma_wait3A_208 : memref<1x26x1x128xf32, #tpu.memory_space<hbm>> -> memref<26x128xf32, #tpu.memory_space<hbm>>
        %dma_wait3A_210 = arith.constant 0 : i32
        %dma_wait3A_211 = arith.constant 0 : i32
        %dma_wait3A_212 = tpu.memref_slice %arg6[%dma_wait3A_204, %dma_wait3A_210, %dma_wait3A_205, %dma_wait3A_211] : memref<8x26x128x128xf32, #tpu.memory_space<hbm>> -> memref<1x26x1x128xf32, #tpu.memory_space<hbm>>
        %dma_wait3A_213 = tpu.memref_squeeze %dma_wait3A_212 : memref<1x26x1x128xf32, #tpu.memory_space<hbm>> -> memref<26x128xf32, #tpu.memory_space<hbm>>
        tpu.wait_dma2 semaphore(%arg21 : memref<!tpu.dma_semaphore, #tpu.memory_space<semaphore_mem>>) src(%arg11 : memref<26x128xf32, #tpu.memory_space<vmem>>) dst(%dma_wait3A_213 : memref<26x128xf32, #tpu.memory_space<hbm>>)
      } else {
      }
      %parallel_loop3A = arith.constant 0 : i32
      %parallel_loop3A_126 = arith.constant 208 : i32
      %parallel_loop3A_127 = arith.constant 1 : i32
      scf.for %parallel_loop3A_204 = %parallel_loop3A to %parallel_loop3A_126 step %parallel_loop3A_127  : i32 {
        %parallel_loop3A_205 = arith.constant 3 : i32
        %parallel_loop3A_206 = arith.shrui %parallel_loop3A_204, %parallel_loop3A_205 : i32
        %parallel_loop3A_207 = arith.constant 7 : i32
        %parallel_loop3A_208 = arith.andi %parallel_loop3A_204, %parallel_loop3A_207 : i32
        %parallel_loop3A_209 = arith.constant 16 : i32
        %parallel_loop3A_210 = arith.muli %parallel_loop3A_208, %parallel_loop3A_209 : i32
        %parallel_loop3A_211 = arith.index_cast %parallel_loop3A_206 : i32 to index
        %parallel_loop3A_212 = arith.index_cast %parallel_loop3A_210 : i32 to index
        %parallel_loop3A_213 = tpu.vector_load %arg11[%parallel_loop3A_211, %parallel_loop3A_212] {strides = array<i32>} : memref<26x128xf32, #tpu.memory_space<vmem>>, vector<16xf32>,
        tpu.vector_store %arg11[%parallel_loop3A_211, %parallel_loop3A_212], %broadcast_in_dim3A_4 {strides = array<i32>} : memref<26x128xf32, #tpu.memory_space<vmem>>, vector<16xf32>,
        %parallel_loop3A_214 = arith.index_cast %parallel_loop3A_206 : i32 to index
        %parallel_loop3A_215 = arith.index_cast %parallel_loop3A_210 : i32 to index
        %parallel_loop3A_216 = tpu.vector_load %arg12[%parallel_loop3A_214, %parallel_loop3A_215] {strides = array<i32>} : memref<26x128xf32, #tpu.memory_space<vmem>>, vector<16xf32>,
        tpu.vector_store %arg12[%parallel_loop3A_214, %parallel_loop3A_215], %broadcast_in_dim3A_4 {strides = array<i32>} : memref<26x128xf32, #tpu.memory_space<vmem>>, vector<16xf32>,
      } {sc.loop_unroll_factor = 4 : i64, sc.parallel_access}
      %parallel_loop3A_128 = arith.constant 0 : i32
      %parallel_loop3A_129 = arith.constant 32 : i32
      %parallel_loop3A_130 = arith.constant 1 : i32
      scf.for %parallel_loop3A_204 = %parallel_loop3A_128 to %parallel_loop3A_129 step %parallel_loop3A_130  : i32 {
        %parallel_loop3A_205 = arith.constant 16 : i32
        %parallel_loop3A_206 = arith.muli %parallel_loop3A_204, %parallel_loop3A_205 : i32
        %parallel_loop3A_207 = arith.index_cast %parallel_loop3A_206 : i32 to index
        %parallel_loop3A_208 = tpu.vector_load %arg8[%parallel_loop3A_207] {strides = array<i32>} : memref<512xi32, #tpu.memory_space<vmem>>, vector<16xi32>,
        %parallel_loop3A_209 = arith.constant 16 : i32
        %parallel_loop3A_210 = arith.muli %parallel_loop3A_204, %parallel_loop3A_209 : i32
        %parallel_loop3A_211 = arith.index_cast %parallel_loop3A_210 : i32 to index
        %parallel_loop3A_212 = tpu.vector_load %arg9[%parallel_loop3A_211] {strides = array<i32>} : memref<512xi32, #tpu.memory_space<vmem>>, vector<16xi32>,
        %parallel_loop3A_213 = arith.constant 16 : i32
        %parallel_loop3A_214 = arith.muli %parallel_loop3A_204, %parallel_loop3A_213 : i32
        %parallel_loop3A_215 = arith.index_cast %parallel_loop3A_214 : i32 to index
        %parallel_loop3A_216 = tpu.vector_load %arg10[%parallel_loop3A_215] {strides = array<i32>} : memref<512xf32, #tpu.memory_space<vmem>>, vector<16xf32>,
        %parallel_loop3A_217 = arith.constant 400 : i32
        %parallel_loop3A_218 = arith.muli %parallel_loop3A_204, %parallel_loop3A_217 : i32
        %parallel_loop3A_219 = vector.broadcast %parallel_loop3A_218 : i32 to vector<16xi32>
        %parallel_loop3A_220 = arith.addi %mul3A_3, %parallel_loop3A_219 : vector<16xi32>
        %parallel_loop3A_221 = arith.constant 0 : i32
        %parallel_loop3A_222 = vector.broadcast %parallel_loop3A_221 : i32 to vector<16xi32>
        %parallel_loop3A_223 = arith.constant 0 : i32
        %parallel_loop3A_224 = vector.broadcast %parallel_loop3A_223 : i32 to vector<16xi32>
        %parallel_loop3A_225 = arith.addi %parallel_loop3A_220, %parallel_loop3A_224 : vector<16xi32>
        %parallel_loop3A_226 = tpu.vector_load_idx %arg7[%parallel_loop3A_225] : memref<12800xf32, #tpu.memory_space<vmem>>[vector<16xi32>], vector<16xf32>,
        %parallel_loop3A_227 = arith.mulf %parallel_loop3A_226, %parallel_loop3A_216 : vector<16xf32>
        tpu.vector_store_idx %arg11[%parallel_loop3A_222, %parallel_loop3A_208], %parallel_loop3A_227 {add = true} : memref<26x128xf32, #tpu.memory_space<vmem>>[vector<16xi32>, vector<16xi32>], vector<16xf32>,
        tpu.vector_store_idx %arg12[%parallel_loop3A_222, %parallel_loop3A_212], %parallel_loop3A_227 {add = true} : memref<26x128xf32, #tpu.memory_space<vmem>>[vector<16xi32>, vector<16xi32>], vector<16xf32>,
        %parallel_loop3A_228 = arith.constant 1 : i32
        %parallel_loop3A_229 = vector.broadcast %parallel_loop3A_228 : i32 to vector<16xi32>
        %parallel_loop3A_230 = arith.constant 1 : i32
        %parallel_loop3A_231 = vector.broadcast %parallel_loop3A_230 : i32 to vector<16xi32>
        %parallel_loop3A_232 = arith.addi %parallel_loop3A_220, %parallel_loop3A_231 : vector<16xi32>
        %parallel_loop3A_233 = tpu.vector_load_idx %arg7[%parallel_loop3A_232] : memref<12800xf32, #tpu.memory_space<vmem>>[vector<16xi32>], vector<16xf32>,
        %parallel_loop3A_234 = arith.mulf %parallel_loop3A_233, %parallel_loop3A_216 : vector<16xf32>
        tpu.vector_store_idx %arg11[%parallel_loop3A_229, %parallel_loop3A_208], %parallel_loop3A_234 {add = true} : memref<26x128xf32, #tpu.memory_space<vmem>>[vector<16xi32>, vector<16xi32>], vector<16xf32>,
        tpu.vector_store_idx %arg12[%parallel_loop3A_229, %parallel_loop3A_212], %parallel_loop3A_234 {add = true} : memref<26x128xf32, #tpu.memory_space<vmem>>[vector<16xi32>, vector<16xi32>], vector<16xf32>,
        %parallel_loop3A_235 = arith.constant 2 : i32
        %parallel_loop3A_236 = vector.broadcast %parallel_loop3A_235 : i32 to vector<16xi32>
        %parallel_loop3A_237 = arith.constant 2 : i32
        %parallel_loop3A_238 = vector.broadcast %parallel_loop3A_237 : i32 to vector<16xi32>
        %parallel_loop3A_239 = arith.addi %parallel_loop3A_220, %parallel_loop3A_238 : vector<16xi32>
        %parallel_loop3A_240 = tpu.vector_load_idx %arg7[%parallel_loop3A_239] : memref<12800xf32, #tpu.memory_space<vmem>>[vector<16xi32>], vector<16xf32>,
        %parallel_loop3A_241 = arith.mulf %parallel_loop3A_240, %parallel_loop3A_216 : vector<16xf32>
        tpu.vector_store_idx %arg11[%parallel_loop3A_236, %parallel_loop3A_208], %parallel_loop3A_241 {add = true} : memref<26x128xf32, #tpu.memory_space<vmem>>[vector<16xi32>, vector<16xi32>], vector<16xf32>,
        tpu.vector_store_idx %arg12[%parallel_loop3A_236, %parallel_loop3A_212], %parallel_loop3A_241 {add = true} : memref<26x128xf32, #tpu.memory_space<vmem>>[vector<16xi32>, vector<16xi32>], vector<16xf32>,
        %parallel_loop3A_242 = arith.constant 3 : i32
        %parallel_loop3A_243 = vector.broadcast %parallel_loop3A_242 : i32 to vector<16xi32>
        %parallel_loop3A_244 = arith.constant 3 : i32
        %parallel_loop3A_245 = vector.broadcast %parallel_loop3A_244 : i32 to vector<16xi32>
        %parallel_loop3A_246 = arith.addi %parallel_loop3A_220, %parallel_loop3A_245 : vector<16xi32>
        %parallel_loop3A_247 = tpu.vector_load_idx %arg7[%parallel_loop3A_246] : memref<12800xf32, #tpu.memory_space<vmem>>[vector<16xi32>], vector<16xf32>,
        %parallel_loop3A_248 = arith.mulf %parallel_loop3A_247, %parallel_loop3A_216 : vector<16xf32>
        tpu.vector_store_idx %arg11[%parallel_loop3A_243, %parallel_loop3A_208], %parallel_loop3A_248 {add = true} : memref<26x128xf32, #tpu.memory_space<vmem>>[vector<16xi32>, vector<16xi32>], vector<16xf32>,
        tpu.vector_store_idx %arg12[%parallel_loop3A_243, %parallel_loop3A_212], %parallel_loop3A_248 {add = true} : memref<26x128xf32, #tpu.memory_space<vmem>>[vector<16xi32>, vector<16xi32>], vector<16xf32>,
        %parallel_loop3A_249 = arith.constant 4 : i32
        %parallel_loop3A_250 = vector.broadcast %parallel_loop3A_249 : i32 to vector<16xi32>
        %parallel_loop3A_251 = arith.constant 4 : i32
        %parallel_loop3A_252 = vector.broadcast %parallel_loop3A_251 : i32 to vector<16xi32>
        %parallel_loop3A_253 = arith.addi %parallel_loop3A_220, %parallel_loop3A_252 : vector<16xi32>
        %parallel_loop3A_254 = tpu.vector_load_idx %arg7[%parallel_loop3A_253] : memref<12800xf32, #tpu.memory_space<vmem>>[vector<16xi32>], vector<16xf32>,
        %parallel_loop3A_255 = arith.mulf %parallel_loop3A_254, %parallel_loop3A_216 : vector<16xf32>
        tpu.vector_store_idx %arg11[%parallel_loop3A_250, %parallel_loop3A_208], %parallel_loop3A_255 {add = true} : memref<26x128xf32, #tpu.memory_space<vmem>>[vector<16xi32>, vector<16xi32>], vector<16xf32>,
        tpu.vector_store_idx %arg12[%parallel_loop3A_250, %parallel_loop3A_212], %parallel_loop3A_255 {add = true} : memref<26x128xf32, #tpu.memory_space<vmem>>[vector<16xi32>, vector<16xi32>], vector<16xf32>,
        %parallel_loop3A_256 = arith.constant 5 : i32
        %parallel_loop3A_257 = vector.broadcast %parallel_loop3A_256 : i32 to vector<16xi32>
        %parallel_loop3A_258 = arith.constant 5 : i32
        %parallel_loop3A_259 = vector.broadcast %parallel_loop3A_258 : i32 to vector<16xi32>
        %parallel_loop3A_260 = arith.addi %parallel_loop3A_220, %parallel_loop3A_259 : vector<16xi32>
        %parallel_loop3A_261 = tpu.vector_load_idx %arg7[%parallel_loop3A_260] : memref<12800xf32, #tpu.memory_space<vmem>>[vector<16xi32>], vector<16xf32>,
        %parallel_loop3A_262 = arith.mulf %parallel_loop3A_261, %parallel_loop3A_216 : vector<16xf32>
        tpu.vector_store_idx %arg11[%parallel_loop3A_257, %parallel_loop3A_208], %parallel_loop3A_262 {add = true} : memref<26x128xf32, #tpu.memory_space<vmem>>[vector<16xi32>, vector<16xi32>], vector<16xf32>,
        tpu.vector_store_idx %arg12[%parallel_loop3A_257, %parallel_loop3A_212], %parallel_loop3A_262 {add = true} : memref<26x128xf32, #tpu.memory_space<vmem>>[vector<16xi32>, vector<16xi32>], vector<16xf32>,
        %parallel_loop3A_263 = arith.constant 6 : i32
        %parallel_loop3A_264 = vector.broadcast %parallel_loop3A_263 : i32 to vector<16xi32>
        %parallel_loop3A_265 = arith.constant 6 : i32
        %parallel_loop3A_266 = vector.broadcast %parallel_loop3A_265 : i32 to vector<16xi32>
        %parallel_loop3A_267 = arith.addi %parallel_loop3A_220, %parallel_loop3A_266 : vector<16xi32>
        %parallel_loop3A_268 = tpu.vector_load_idx %arg7[%parallel_loop3A_267] : memref<12800xf32, #tpu.memory_space<vmem>>[vector<16xi32>], vector<16xf32>,
        %parallel_loop3A_269 = arith.mulf %parallel_loop3A_268, %parallel_loop3A_216 : vector<16xf32>
        tpu.vector_store_idx %arg11[%parallel_loop3A_264, %parallel_loop3A_208], %parallel_loop3A_269 {add = true} : memref<26x128xf32, #tpu.memory_space<vmem>>[vector<16xi32>, vector<16xi32>], vector<16xf32>,
        tpu.vector_store_idx %arg12[%parallel_loop3A_264, %parallel_loop3A_212], %parallel_loop3A_269 {add = true} : memref<26x128xf32, #tpu.memory_space<vmem>>[vector<16xi32>, vector<16xi32>], vector<16xf32>,
        %parallel_loop3A_270 = arith.constant 7 : i32
        %parallel_loop3A_271 = vector.broadcast %parallel_loop3A_270 : i32 to vector<16xi32>
        %parallel_loop3A_272 = arith.constant 7 : i32
        %parallel_loop3A_273 = vector.broadcast %parallel_loop3A_272 : i32 to vector<16xi32>
        %parallel_loop3A_274 = arith.addi %parallel_loop3A_220, %parallel_loop3A_273 : vector<16xi32>
        %parallel_loop3A_275 = tpu.vector_load_idx %arg7[%parallel_loop3A_274] : memref<12800xf32, #tpu.memory_space<vmem>>[vector<16xi32>], vector<16xf32>,
        %parallel_loop3A_276 = arith.mulf %parallel_loop3A_275, %parallel_loop3A_216 : vector<16xf32>
        tpu.vector_store_idx %arg11[%parallel_loop3A_271, %parallel_loop3A_208], %parallel_loop3A_276 {add = true} : memref<26x128xf32, #tpu.memory_space<vmem>>[vector<16xi32>, vector<16xi32>], vector<16xf32>,
        tpu.vector_store_idx %arg12[%parallel_loop3A_271, %parallel_loop3A_212], %parallel_loop3A_276 {add = true} : memref<26x128xf32, #tpu.memory_space<vmem>>[vector<16xi32>, vector<16xi32>], vector<16xf32>,
        %parallel_loop3A_277 = arith.constant 8 : i32
        %parallel_loop3A_278 = vector.broadcast %parallel_loop3A_277 : i32 to vector<16xi32>
        %parallel_loop3A_279 = arith.constant 8 : i32
        %parallel_loop3A_280 = vector.broadcast %parallel_loop3A_279 : i32 to vector<16xi32>
        %parallel_loop3A_281 = arith.addi %parallel_loop3A_220, %parallel_loop3A_280 : vector<16xi32>
        %parallel_loop3A_282 = tpu.vector_load_idx %arg7[%parallel_loop3A_281] : memref<12800xf32, #tpu.memory_space<vmem>>[vector<16xi32>], vector<16xf32>,
        %parallel_loop3A_283 = arith.mulf %parallel_loop3A_282, %parallel_loop3A_216 : vector<16xf32>
        tpu.vector_store_idx %arg11[%parallel_loop3A_278, %parallel_loop3A_208], %parallel_loop3A_283 {add = true} : memref<26x128xf32, #tpu.memory_space<vmem>>[vector<16xi32>, vector<16xi32>], vector<16xf32>,
        tpu.vector_store_idx %arg12[%parallel_loop3A_278, %parallel_loop3A_212], %parallel_loop3A_283 {add = true} : memref<26x128xf32, #tpu.memory_space<vmem>>[vector<16xi32>, vector<16xi32>], vector<16xf32>,
        %parallel_loop3A_284 = arith.constant 9 : i32
        %parallel_loop3A_285 = vector.broadcast %parallel_loop3A_284 : i32 to vector<16xi32>
        %parallel_loop3A_286 = arith.constant 9 : i32
        %parallel_loop3A_287 = vector.broadcast %parallel_loop3A_286 : i32 to vector<16xi32>
        %parallel_loop3A_288 = arith.addi %parallel_loop3A_220, %parallel_loop3A_287 : vector<16xi32>
        %parallel_loop3A_289 = tpu.vector_load_idx %arg7[%parallel_loop3A_288] : memref<12800xf32, #tpu.memory_space<vmem>>[vector<16xi32>], vector<16xf32>,
        %parallel_loop3A_290 = arith.mulf %parallel_loop3A_289, %parallel_loop3A_216 : vector<16xf32>
        tpu.vector_store_idx %arg11[%parallel_loop3A_285, %parallel_loop3A_208], %parallel_loop3A_290 {add = true} : memref<26x128xf32, #tpu.memory_space<vmem>>[vector<16xi32>, vector<16xi32>], vector<16xf32>,
        tpu.vector_store_idx %arg12[%parallel_loop3A_285, %parallel_loop3A_212], %parallel_loop3A_290 {add = true} : memref<26x128xf32, #tpu.memory_space<vmem>>[vector<16xi32>, vector<16xi32>], vector<16xf32>,
        %parallel_loop3A_291 = arith.constant 10 : i32
        %parallel_loop3A_292 = vector.broadcast %parallel_loop3A_291 : i32 to vector<16xi32>
        %parallel_loop3A_293 = arith.constant 10 : i32
        %parallel_loop3A_294 = vector.broadcast %parallel_loop3A_293 : i32 to vector<16xi32>
        %parallel_loop3A_295 = arith.addi %parallel_loop3A_220, %parallel_loop3A_294 : vector<16xi32>
        %parallel_loop3A_296 = tpu.vector_load_idx %arg7[%parallel_loop3A_295] : memref<12800xf32, #tpu.memory_space<vmem>>[vector<16xi32>], vector<16xf32>,
        %parallel_loop3A_297 = arith.mulf %parallel_loop3A_296, %parallel_loop3A_216 : vector<16xf32>
        tpu.vector_store_idx %arg11[%parallel_loop3A_292, %parallel_loop3A_208], %parallel_loop3A_297 {add = true} : memref<26x128xf32, #tpu.memory_space<vmem>>[vector<16xi32>, vector<16xi32>], vector<16xf32>,
        tpu.vector_store_idx %arg12[%parallel_loop3A_292, %parallel_loop3A_212], %parallel_loop3A_297 {add = true} : memref<26x128xf32, #tpu.memory_space<vmem>>[vector<16xi32>, vector<16xi32>], vector<16xf32>,
        %parallel_loop3A_298 = arith.constant 11 : i32
        %parallel_loop3A_299 = vector.broadcast %parallel_loop3A_298 : i32 to vector<16xi32>
        %parallel_loop3A_300 = arith.constant 11 : i32
        %parallel_loop3A_301 = vector.broadcast %parallel_loop3A_300 : i32 to vector<16xi32>
        %parallel_loop3A_302 = arith.addi %parallel_loop3A_220, %parallel_loop3A_301 : vector<16xi32>
        %parallel_loop3A_303 = tpu.vector_load_idx %arg7[%parallel_loop3A_302] : memref<12800xf32, #tpu.memory_space<vmem>>[vector<16xi32>], vector<16xf32>,
        %parallel_loop3A_304 = arith.mulf %parallel_loop3A_303, %parallel_loop3A_216 : vector<16xf32>
        tpu.vector_store_idx %arg11[%parallel_loop3A_299, %parallel_loop3A_208], %parallel_loop3A_304 {add = true} : memref<26x128xf32, #tpu.memory_space<vmem>>[vector<16xi32>, vector<16xi32>], vector<16xf32>,
        tpu.vector_store_idx %arg12[%parallel_loop3A_299, %parallel_loop3A_212], %parallel_loop3A_304 {add = true} : memref<26x128xf32, #tpu.memory_space<vmem>>[vector<16xi32>, vector<16xi32>], vector<16xf32>,
        %parallel_loop3A_305 = arith.constant 12 : i32
        %parallel_loop3A_306 = vector.broadcast %parallel_loop3A_305 : i32 to vector<16xi32>
        %parallel_loop3A_307 = arith.constant 12 : i32
        %parallel_loop3A_308 = vector.broadcast %parallel_loop3A_307 : i32 to vector<16xi32>
        %parallel_loop3A_309 = arith.addi %parallel_loop3A_220, %parallel_loop3A_308 : vector<16xi32>
        %parallel_loop3A_310 = tpu.vector_load_idx %arg7[%parallel_loop3A_309] : memref<12800xf32, #tpu.memory_space<vmem>>[vector<16xi32>], vector<16xf32>,
        %parallel_loop3A_311 = arith.mulf %parallel_loop3A_310, %parallel_loop3A_216 : vector<16xf32>
        tpu.vector_store_idx %arg11[%parallel_loop3A_306, %parallel_loop3A_208], %parallel_loop3A_311 {add = true} : memref<26x128xf32, #tpu.memory_space<vmem>>[vector<16xi32>, vector<16xi32>], vector<16xf32>,
        tpu.vector_store_idx %arg12[%parallel_loop3A_306, %parallel_loop3A_212], %parallel_loop3A_311 {add = true} : memref<26x128xf32, #tpu.memory_space<vmem>>[vector<16xi32>, vector<16xi32>], vector<16xf32>,
        %parallel_loop3A_312 = arith.constant 13 : i32
        %parallel_loop3A_313 = vector.broadcast %parallel_loop3A_312 : i32 to vector<16xi32>
        %parallel_loop3A_314 = arith.constant 13 : i32
        %parallel_loop3A_315 = vector.broadcast %parallel_loop3A_314 : i32 to vector<16xi32>
        %parallel_loop3A_316 = arith.addi %parallel_loop3A_220, %parallel_loop3A_315 : vector<16xi32>
        %parallel_loop3A_317 = tpu.vector_load_idx %arg7[%parallel_loop3A_316] : memref<12800xf32, #tpu.memory_space<vmem>>[vector<16xi32>], vector<16xf32>,
        %parallel_loop3A_318 = arith.mulf %parallel_loop3A_317, %parallel_loop3A_216 : vector<16xf32>
        tpu.vector_store_idx %arg11[%parallel_loop3A_313, %parallel_loop3A_208], %parallel_loop3A_318 {add = true} : memref<26x128xf32, #tpu.memory_space<vmem>>[vector<16xi32>, vector<16xi32>], vector<16xf32>,
        tpu.vector_store_idx %arg12[%parallel_loop3A_313, %parallel_loop3A_212], %parallel_loop3A_318 {add = true} : memref<26x128xf32, #tpu.memory_space<vmem>>[vector<16xi32>, vector<16xi32>], vector<16xf32>,
        %parallel_loop3A_319 = arith.constant 14 : i32
        %parallel_loop3A_320 = vector.broadcast %parallel_loop3A_319 : i32 to vector<16xi32>
        %parallel_loop3A_321 = arith.constant 14 : i32
        %parallel_loop3A_322 = vector.broadcast %parallel_loop3A_321 : i32 to vector<16xi32>
        %parallel_loop3A_323 = arith.addi %parallel_loop3A_220, %parallel_loop3A_322 : vector<16xi32>
        %parallel_loop3A_324 = tpu.vector_load_idx %arg7[%parallel_loop3A_323] : memref<12800xf32, #tpu.memory_space<vmem>>[vector<16xi32>], vector<16xf32>,
        %parallel_loop3A_325 = arith.mulf %parallel_loop3A_324, %parallel_loop3A_216 : vector<16xf32>
        tpu.vector_store_idx %arg11[%parallel_loop3A_320, %parallel_loop3A_208], %parallel_loop3A_325 {add = true} : memref<26x128xf32, #tpu.memory_space<vmem>>[vector<16xi32>, vector<16xi32>], vector<16xf32>,
        tpu.vector_store_idx %arg12[%parallel_loop3A_320, %parallel_loop3A_212], %parallel_loop3A_325 {add = true} : memref<26x128xf32, #tpu.memory_space<vmem>>[vector<16xi32>, vector<16xi32>], vector<16xf32>,
        %parallel_loop3A_326 = arith.constant 15 : i32
        %parallel_loop3A_327 = vector.broadcast %parallel_loop3A_326 : i32 to vector<16xi32>
        %parallel_loop3A_328 = arith.constant 15 : i32
        %parallel_loop3A_329 = vector.broadcast %parallel_loop3A_328 : i32 to vector<16xi32>
        %parallel_loop3A_330 = arith.addi %parallel_loop3A_220, %parallel_loop3A_329 : vector<16xi32>
        %parallel_loop3A_331 = tpu.vector_load_idx %arg7[%parallel_loop3A_330] : memref<12800xf32, #tpu.memory_space<vmem>>[vector<16xi32>], vector<16xf32>,
        %parallel_loop3A_332 = arith.mulf %parallel_loop3A_331, %parallel_loop3A_216 : vector<16xf32>
        tpu.vector_store_idx %arg11[%parallel_loop3A_327, %parallel_loop3A_208], %parallel_loop3A_332 {add = true} : memref<26x128xf32, #tpu.memory_space<vmem>>[vector<16xi32>, vector<16xi32>], vector<16xf32>,
        tpu.vector_store_idx %arg12[%parallel_loop3A_327, %parallel_loop3A_212], %parallel_loop3A_332 {add = true} : memref<26x128xf32, #tpu.memory_space<vmem>>[vector<16xi32>, vector<16xi32>], vector<16xf32>,
        %parallel_loop3A_333 = arith.constant 16 : i32
        %parallel_loop3A_334 = vector.broadcast %parallel_loop3A_333 : i32 to vector<16xi32>
        %parallel_loop3A_335 = arith.constant 16 : i32
        %parallel_loop3A_336 = vector.broadcast %parallel_loop3A_335 : i32 to vector<16xi32>
        %parallel_loop3A_337 = arith.addi %parallel_loop3A_220, %parallel_loop3A_336 : vector<16xi32>
        %parallel_loop3A_338 = tpu.vector_load_idx %arg7[%parallel_loop3A_337] : memref<12800xf32, #tpu.memory_space<vmem>>[vector<16xi32>], vector<16xf32>,
        %parallel_loop3A_339 = arith.mulf %parallel_loop3A_338, %parallel_loop3A_216 : vector<16xf32>
        tpu.vector_store_idx %arg11[%parallel_loop3A_334, %parallel_loop3A_208], %parallel_loop3A_339 {add = true} : memref<26x128xf32, #tpu.memory_space<vmem>>[vector<16xi32>, vector<16xi32>], vector<16xf32>,
        tpu.vector_store_idx %arg12[%parallel_loop3A_334, %parallel_loop3A_212], %parallel_loop3A_339 {add = true} : memref<26x128xf32, #tpu.memory_space<vmem>>[vector<16xi32>, vector<16xi32>], vector<16xf32>,
        %parallel_loop3A_340 = arith.constant 17 : i32
        %parallel_loop3A_341 = vector.broadcast %parallel_loop3A_340 : i32 to vector<16xi32>
        %parallel_loop3A_342 = arith.constant 17 : i32
        %parallel_loop3A_343 = vector.broadcast %parallel_loop3A_342 : i32 to vector<16xi32>
        %parallel_loop3A_344 = arith.addi %parallel_loop3A_220, %parallel_loop3A_343 : vector<16xi32>
        %parallel_loop3A_345 = tpu.vector_load_idx %arg7[%parallel_loop3A_344] : memref<12800xf32, #tpu.memory_space<vmem>>[vector<16xi32>], vector<16xf32>,
        %parallel_loop3A_346 = arith.mulf %parallel_loop3A_345, %parallel_loop3A_216 : vector<16xf32>
        tpu.vector_store_idx %arg11[%parallel_loop3A_341, %parallel_loop3A_208], %parallel_loop3A_346 {add = true} : memref<26x128xf32, #tpu.memory_space<vmem>>[vector<16xi32>, vector<16xi32>], vector<16xf32>,
        tpu.vector_store_idx %arg12[%parallel_loop3A_341, %parallel_loop3A_212], %parallel_loop3A_346 {add = true} : memref<26x128xf32, #tpu.memory_space<vmem>>[vector<16xi32>, vector<16xi32>], vector<16xf32>,
        %parallel_loop3A_347 = arith.constant 18 : i32
        %parallel_loop3A_348 = vector.broadcast %parallel_loop3A_347 : i32 to vector<16xi32>
        %parallel_loop3A_349 = arith.constant 18 : i32
        %parallel_loop3A_350 = vector.broadcast %parallel_loop3A_349 : i32 to vector<16xi32>
        %parallel_loop3A_351 = arith.addi %parallel_loop3A_220, %parallel_loop3A_350 : vector<16xi32>
        %parallel_loop3A_352 = tpu.vector_load_idx %arg7[%parallel_loop3A_351] : memref<12800xf32, #tpu.memory_space<vmem>>[vector<16xi32>], vector<16xf32>,
        %parallel_loop3A_353 = arith.mulf %parallel_loop3A_352, %parallel_loop3A_216 : vector<16xf32>
        tpu.vector_store_idx %arg11[%parallel_loop3A_348, %parallel_loop3A_208], %parallel_loop3A_353 {add = true} : memref<26x128xf32, #tpu.memory_space<vmem>>[vector<16xi32>, vector<16xi32>], vector<16xf32>,
        tpu.vector_store_idx %arg12[%parallel_loop3A_348, %parallel_loop3A_212], %parallel_loop3A_353 {add = true} : memref<26x128xf32, #tpu.memory_space<vmem>>[vector<16xi32>, vector<16xi32>], vector<16xf32>,
        %parallel_loop3A_354 = arith.constant 19 : i32
        %parallel_loop3A_355 = vector.broadcast %parallel_loop3A_354 : i32 to vector<16xi32>
        %parallel_loop3A_356 = arith.constant 19 : i32
        %parallel_loop3A_357 = vector.broadcast %parallel_loop3A_356 : i32 to vector<16xi32>
        %parallel_loop3A_358 = arith.addi %parallel_loop3A_220, %parallel_loop3A_357 : vector<16xi32>
        %parallel_loop3A_359 = tpu.vector_load_idx %arg7[%parallel_loop3A_358] : memref<12800xf32, #tpu.memory_space<vmem>>[vector<16xi32>], vector<16xf32>,
        %parallel_loop3A_360 = arith.mulf %parallel_loop3A_359, %parallel_loop3A_216 : vector<16xf32>
        tpu.vector_store_idx %arg11[%parallel_loop3A_355, %parallel_loop3A_208], %parallel_loop3A_360 {add = true} : memref<26x128xf32, #tpu.memory_space<vmem>>[vector<16xi32>, vector<16xi32>], vector<16xf32>,
        tpu.vector_store_idx %arg12[%parallel_loop3A_355, %parallel_loop3A_212], %parallel_loop3A_360 {add = true} : memref<26x128xf32, #tpu.memory_space<vmem>>[vector<16xi32>, vector<16xi32>], vector<16xf32>,
        %parallel_loop3A_361 = arith.constant 20 : i32
        %parallel_loop3A_362 = vector.broadcast %parallel_loop3A_361 : i32 to vector<16xi32>
        %parallel_loop3A_363 = arith.constant 20 : i32
        %parallel_loop3A_364 = vector.broadcast %parallel_loop3A_363 : i32 to vector<16xi32>
        %parallel_loop3A_365 = arith.addi %parallel_loop3A_220, %parallel_loop3A_364 : vector<16xi32>
        %parallel_loop3A_366 = tpu.vector_load_idx %arg7[%parallel_loop3A_365] : memref<12800xf32, #tpu.memory_space<vmem>>[vector<16xi32>], vector<16xf32>,
        %parallel_loop3A_367 = arith.mulf %parallel_loop3A_366, %parallel_loop3A_216 : vector<16xf32>
        tpu.vector_store_idx %arg11[%parallel_loop3A_362, %parallel_loop3A_208], %parallel_loop3A_367 {add = true} : memref<26x128xf32, #tpu.memory_space<vmem>>[vector<16xi32>, vector<16xi32>], vector<16xf32>,
        tpu.vector_store_idx %arg12[%parallel_loop3A_362, %parallel_loop3A_212], %parallel_loop3A_367 {add = true} : memref<26x128xf32, #tpu.memory_space<vmem>>[vector<16xi32>, vector<16xi32>], vector<16xf32>,
        %parallel_loop3A_368 = arith.constant 21 : i32
        %parallel_loop3A_369 = vector.broadcast %parallel_loop3A_368 : i32 to vector<16xi32>
        %parallel_loop3A_370 = arith.constant 21 : i32
        %parallel_loop3A_371 = vector.broadcast %parallel_loop3A_370 : i32 to vector<16xi32>
        %parallel_loop3A_372 = arith.addi %parallel_loop3A_220, %parallel_loop3A_371 : vector<16xi32>
        %parallel_loop3A_373 = tpu.vector_load_idx %arg7[%parallel_loop3A_372] : memref<12800xf32, #tpu.memory_space<vmem>>[vector<16xi32>], vector<16xf32>,
        %parallel_loop3A_374 = arith.mulf %parallel_loop3A_373, %parallel_loop3A_216 : vector<16xf32>
        tpu.vector_store_idx %arg11[%parallel_loop3A_369, %parallel_loop3A_208], %parallel_loop3A_374 {add = true} : memref<26x128xf32, #tpu.memory_space<vmem>>[vector<16xi32>, vector<16xi32>], vector<16xf32>,
        tpu.vector_store_idx %arg12[%parallel_loop3A_369, %parallel_loop3A_212], %parallel_loop3A_374 {add = true} : memref<26x128xf32, #tpu.memory_space<vmem>>[vector<16xi32>, vector<16xi32>], vector<16xf32>,
        %parallel_loop3A_375 = arith.constant 22 : i32
        %parallel_loop3A_376 = vector.broadcast %parallel_loop3A_375 : i32 to vector<16xi32>
        %parallel_loop3A_377 = arith.constant 22 : i32
        %parallel_loop3A_378 = vector.broadcast %parallel_loop3A_377 : i32 to vector<16xi32>
        %parallel_loop3A_379 = arith.addi %parallel_loop3A_220, %parallel_loop3A_378 : vector<16xi32>
        %parallel_loop3A_380 = tpu.vector_load_idx %arg7[%parallel_loop3A_379] : memref<12800xf32, #tpu.memory_space<vmem>>[vector<16xi32>], vector<16xf32>,
        %parallel_loop3A_381 = arith.mulf %parallel_loop3A_380, %parallel_loop3A_216 : vector<16xf32>
        tpu.vector_store_idx %arg11[%parallel_loop3A_376, %parallel_loop3A_208], %parallel_loop3A_381 {add = true} : memref<26x128xf32, #tpu.memory_space<vmem>>[vector<16xi32>, vector<16xi32>], vector<16xf32>,
        tpu.vector_store_idx %arg12[%parallel_loop3A_376, %parallel_loop3A_212], %parallel_loop3A_381 {add = true} : memref<26x128xf32, #tpu.memory_space<vmem>>[vector<16xi32>, vector<16xi32>], vector<16xf32>,
        %parallel_loop3A_382 = arith.constant 23 : i32
        %parallel_loop3A_383 = vector.broadcast %parallel_loop3A_382 : i32 to vector<16xi32>
        %parallel_loop3A_384 = arith.constant 23 : i32
        %parallel_loop3A_385 = vector.broadcast %parallel_loop3A_384 : i32 to vector<16xi32>
        %parallel_loop3A_386 = arith.addi %parallel_loop3A_220, %parallel_loop3A_385 : vector<16xi32>
        %parallel_loop3A_387 = tpu.vector_load_idx %arg7[%parallel_loop3A_386] : memref<12800xf32, #tpu.memory_space<vmem>>[vector<16xi32>], vector<16xf32>,
        %parallel_loop3A_388 = arith.mulf %parallel_loop3A_387, %parallel_loop3A_216 : vector<16xf32>
        tpu.vector_store_idx %arg11[%parallel_loop3A_383, %parallel_loop3A_208], %parallel_loop3A_388 {add = true} : memref<26x128xf32, #tpu.memory_space<vmem>>[vector<16xi32>, vector<16xi32>], vector<16xf32>,
        tpu.vector_store_idx %arg12[%parallel_loop3A_383, %parallel_loop3A_212], %parallel_loop3A_388 {add = true} : memref<26x128xf32, #tpu.memory_space<vmem>>[vector<16xi32>, vector<16xi32>], vector<16xf32>,
        %parallel_loop3A_389 = arith.constant 24 : i32
        %parallel_loop3A_390 = vector.broadcast %parallel_loop3A_389 : i32 to vector<16xi32>
        %parallel_loop3A_391 = arith.constant 24 : i32
        %parallel_loop3A_392 = vector.broadcast %parallel_loop3A_391 : i32 to vector<16xi32>
        %parallel_loop3A_393 = arith.addi %parallel_loop3A_220, %parallel_loop3A_392 : vector<16xi32>
        %parallel_loop3A_394 = tpu.vector_load_idx %arg7[%parallel_loop3A_393] : memref<12800xf32, #tpu.memory_space<vmem>>[vector<16xi32>], vector<16xf32>,
        %parallel_loop3A_395 = arith.mulf %parallel_loop3A_394, %parallel_loop3A_216 : vector<16xf32>
        tpu.vector_store_idx %arg11[%parallel_loop3A_390, %parallel_loop3A_208], %parallel_loop3A_395 {add = true} : memref<26x128xf32, #tpu.memory_space<vmem>>[vector<16xi32>, vector<16xi32>], vector<16xf32>,
        tpu.vector_store_idx %arg12[%parallel_loop3A_390, %parallel_loop3A_212], %parallel_loop3A_395 {add = true} : memref<26x128xf32, #tpu.memory_space<vmem>>[vector<16xi32>, vector<16xi32>], vector<16xf32>,
        %parallel_loop3A_396 = arith.constant 25 : i32
        %parallel_loop3A_397 = vector.broadcast %parallel_loop3A_396 : i32 to vector<16xi32>
        tpu.vector_store_idx %arg11[%parallel_loop3A_397, %parallel_loop3A_208], %parallel_loop3A_216 {add = true} : memref<26x128xf32, #tpu.memory_space<vmem>>[vector<16xi32>, vector<16xi32>], vector<16xf32>,
        tpu.vector_store_idx %arg12[%parallel_loop3A_397, %parallel_loop3A_212], %parallel_loop3A_216 {add = true} : memref<26x128xf32, #tpu.memory_space<vmem>>[vector<16xi32>, vector<16xi32>], vector<16xf32>,
      } {sc.loop_unroll_factor = 2 : i64, sc.parallel_access}
      %parallel_loop3A_131 = arith.constant 0 : i32
      %parallel_loop3A_132 = arith.constant 208 : i32
      %parallel_loop3A_133 = arith.constant 1 : i32
      scf.for %parallel_loop3A_204 = %parallel_loop3A_131 to %parallel_loop3A_132 step %parallel_loop3A_133  : i32 {
        %parallel_loop3A_205 = arith.constant 3 : i32
        %parallel_loop3A_206 = arith.shrui %parallel_loop3A_204, %parallel_loop3A_205 : i32
        %parallel_loop3A_207 = arith.constant 7 : i32
        %parallel_loop3A_208 = arith.andi %parallel_loop3A_204, %parallel_loop3A_207 : i32
        %parallel_loop3A_209 = arith.constant 16 : i32
        %parallel_loop3A_210 = arith.muli %parallel_loop3A_208, %parallel_loop3A_209 : i32
        %parallel_loop3A_211 = arith.index_cast %parallel_loop3A_206 : i32 to index
        %parallel_loop3A_212 = arith.index_cast %parallel_loop3A_210 : i32 to index
        %parallel_loop3A_213 = tpu.vector_load %arg11[%parallel_loop3A_211, %parallel_loop3A_212] {strides = array<i32>} : memref<26x128xf32, #tpu.memory_space<vmem>>, vector<16xf32>,
        %parallel_loop3A_214 = arith.index_cast %parallel_loop3A_206 : i32 to index
        %parallel_loop3A_215 = arith.index_cast %parallel_loop3A_210 : i32 to index
        %parallel_loop3A_216 = tpu.vector_load %arg12[%parallel_loop3A_214, %parallel_loop3A_215] {strides = array<i32>} : memref<26x128xf32, #tpu.memory_space<vmem>>, vector<16xf32>,
        %parallel_loop3A_217 = arith.addf %parallel_loop3A_213, %parallel_loop3A_216 : vector<16xf32>
        %parallel_loop3A_218 = arith.index_cast %parallel_loop3A_206 : i32 to index
        %parallel_loop3A_219 = arith.index_cast %parallel_loop3A_210 : i32 to index
        %parallel_loop3A_220 = tpu.vector_load %arg11[%parallel_loop3A_218, %parallel_loop3A_219] {strides = array<i32>} : memref<26x128xf32, #tpu.memory_space<vmem>>, vector<16xf32>,
        tpu.vector_store %arg11[%parallel_loop3A_218, %parallel_loop3A_219], %parallel_loop3A_217 {strides = array<i32>} : memref<26x128xf32, #tpu.memory_space<vmem>>, vector<16xf32>,
      } {sc.loop_unroll_factor = 4 : i64, sc.parallel_access}
      %dma_start3A_134 = arith.constant 0 : i32
      %dma_start3A_135 = arith.constant 0 : i32
      %dma_start3A_136 = tpu.memref_slice %arg6[%shift_right_logical3A_121, %dma_start3A_134, %and3A_123, %dma_start3A_135] : memref<8x26x128x128xf32, #tpu.memory_space<hbm>> -> memref<1x26x1x128xf32, #tpu.memory_space<hbm>>
      %dma_start3A_137 = tpu.memref_squeeze %dma_start3A_136 : memref<1x26x1x128xf32, #tpu.memory_space<hbm>> -> memref<26x128xf32, #tpu.memory_space<hbm>>
      %dma_start3A_138 = arith.constant 0 : i32
      %dma_start3A_139 = arith.constant 0 : i32
      %dma_start3A_140 = tpu.memref_slice %arg6[%shift_right_logical3A_121, %dma_start3A_138, %and3A_123, %dma_start3A_139] : memref<8x26x128x128xf32, #tpu.memory_space<hbm>> -> memref<1x26x1x128xf32, #tpu.memory_space<hbm>>
      %dma_start3A_141 = tpu.memref_squeeze %dma_start3A_140 : memref<1x26x1x128xf32, #tpu.memory_space<hbm>> -> memref<26x128xf32, #tpu.memory_space<hbm>>
      tpu.enqueue_dma source(%arg11 : memref<26x128xf32, #tpu.memory_space<vmem>>) target(%dma_start3A_141 : memref<26x128xf32, #tpu.memory_space<hbm>>) target_semaphore(%arg21 : memref<!tpu.dma_semaphore, #tpu.memory_space<semaphore_mem>>)
      %add3A_142 = arith.constant 1 : i32
      %add3A_143 = arith.addi %scan3A_60, %add3A_142 : i32
      %lt3A = arith.constant 16 : i32
      %lt3A_144 = arith.cmpi slt, %add3A_143, %lt3A : i32
      %convert_element_type3A_145 = arith.extui %lt3A_144 : i1 to i32
      %cond3A_146 = arith.constant 0 : i32
      %cond3A_147 = arith.cmpi ne, %convert_element_type3A_145, %cond3A_146 : i32
      scf.if %cond3A_147 {
        %add3A_204 = arith.constant 2 : i32
        %add3A_205 = arith.addi %add3A_63, %add3A_204 : i32
        %shift_right_logical3A_206 = arith.constant 7 : i32
        %shift_right_logical3A_207 = arith.shrui %add3A_205, %shift_right_logical3A_206 : i32
        %and3A_208 = arith.constant 127 : i32
        %and3A_209 = arith.andi %add3A_205, %and3A_208 : i32
        %dma_start3A_210 = arith.constant 0 : i32
        %dma_start3A_211 = tpu.memref_slice %arg2[%add3A_205, %dma_start3A_210] : memref<1024x12800xf32, #tpu.memory_space<hbm>> -> memref<1x12800xf32, #tpu.memory_space<hbm>>
        %dma_start3A_212 = tpu.memref_squeeze %dma_start3A_211 : memref<1x12800xf32, #tpu.memory_space<hbm>> -> memref<12800xf32, #tpu.memory_space<hbm>>
        %dma_start3A_213 = arith.constant 0 : i32
        %dma_start3A_214 = tpu.memref_slice %arg2[%add3A_205, %dma_start3A_213] : memref<1024x12800xf32, #tpu.memory_space<hbm>> -> memref<1x12800xf32, #tpu.memory_space<hbm>>
        %dma_start3A_215 = tpu.memref_squeeze %dma_start3A_214 : memref<1x12800xf32, #tpu.memory_space<hbm>> -> memref<12800xf32, #tpu.memory_space<hbm>>
        tpu.enqueue_dma source(%dma_start3A_215 : memref<12800xf32, #tpu.memory_space<hbm>>) target(%arg7 : memref<12800xf32, #tpu.memory_space<vmem>>) target_semaphore(%arg19 : memref<!tpu.dma_semaphore, #tpu.memory_space<semaphore_mem>>)
        %dma_start3A_216 = arith.constant 0 : i32
        %dma_start3A_217 = tpu.memref_slice %arg3[%shift_right_logical3A_207, %and3A_209, %dma_start3A_216] : memref<8x128x512xi32, #tpu.memory_space<hbm>> -> memref<1x1x512xi32, #tpu.memory_space<hbm>>
        %dma_start3A_218 = tpu.memref_squeeze %dma_start3A_217 : memref<1x1x512xi32, #tpu.memory_space<hbm>> -> memref<512xi32, #tpu.memory_space<hbm>>
        %dma_start3A_219 = arith.constant 0 : i32
        %dma_start3A_220 = tpu.memref_slice %arg3[%shift_right_logical3A_207, %and3A_209, %dma_start3A_219] : memref<8x128x512xi32, #tpu.memory_space<hbm>> -> memref<1x1x512xi32, #tpu.memory_space<hbm>>
        %dma_start3A_221 = tpu.memref_squeeze %dma_start3A_220 : memref<1x1x512xi32, #tpu.memory_space<hbm>> -> memref<512xi32, #tpu.memory_space<hbm>>
        tpu.enqueue_dma source(%dma_start3A_221 : memref<512xi32, #tpu.memory_space<hbm>>) target(%arg8 : memref<512xi32, #tpu.memory_space<vmem>>) target_semaphore(%arg19 : memref<!tpu.dma_semaphore, #tpu.memory_space<semaphore_mem>>)
        %dma_start3A_222 = arith.constant 0 : i32
        %dma_start3A_223 = tpu.memref_slice %arg4[%shift_right_logical3A_207, %and3A_209, %dma_start3A_222] : memref<8x128x512xi32, #tpu.memory_space<hbm>> -> memref<1x1x512xi32, #tpu.memory_space<hbm>>
        %dma_start3A_224 = tpu.memref_squeeze %dma_start3A_223 : memref<1x1x512xi32, #tpu.memory_space<hbm>> -> memref<512xi32, #tpu.memory_space<hbm>>
        %dma_start3A_225 = arith.constant 0 : i32
        %dma_start3A_226 = tpu.memref_slice %arg4[%shift_right_logical3A_207, %and3A_209, %dma_start3A_225] : memref<8x128x512xi32, #tpu.memory_space<hbm>> -> memref<1x1x512xi32, #tpu.memory_space<hbm>>
        %dma_start3A_227 = tpu.memref_squeeze %dma_start3A_226 : memref<1x1x512xi32, #tpu.memory_space<hbm>> -> memref<512xi32, #tpu.memory_space<hbm>>
        tpu.enqueue_dma source(%dma_start3A_227 : memref<512xi32, #tpu.memory_space<hbm>>) target(%arg9 : memref<512xi32, #tpu.memory_space<vmem>>) target_semaphore(%arg19 : memref<!tpu.dma_semaphore, #tpu.memory_space<semaphore_mem>>)
        %dma_start3A_228 = arith.constant 0 : i32
        %dma_start3A_229 = tpu.memref_slice %arg5[%shift_right_logical3A_207, %and3A_209, %dma_start3A_228] : memref<8x128x512xf32, #tpu.memory_space<hbm>> -> memref<1x1x512xf32, #tpu.memory_space<hbm>>
        %dma_start3A_230 = tpu.memref_squeeze %dma_start3A_229 : memref<1x1x512xf32, #tpu.memory_space<hbm>> -> memref<512xf32, #tpu.memory_space<hbm>>
        %dma_start3A_231 = arith.constant 0 : i32
        %dma_start3A_232 = tpu.memref_slice %arg5[%shift_right_logical3A_207, %and3A_209, %dma_start3A_231] : memref<8x128x512xf32, #tpu.memory_space<hbm>> -> memref<1x1x512xf32, #tpu.memory_space<hbm>>
        %dma_start3A_233 = tpu.memref_squeeze %dma_start3A_232 : memref<1x1x512xf32, #tpu.memory_space<hbm>> -> memref<512xf32, #tpu.memory_space<hbm>>
        tpu.enqueue_dma source(%dma_start3A_233 : memref<512xf32, #tpu.memory_space<hbm>>) target(%arg10 : memref<512xf32, #tpu.memory_space<vmem>>) target_semaphore(%arg19 : memref<!tpu.dma_semaphore, #tpu.memory_space<semaphore_mem>>)
      } else {
      }
      %dma_wait3A_148 = arith.constant 0 : i32
      %dma_wait3A_149 = tpu.memref_slice %arg2[%mul3A_6, %dma_wait3A_148] : memref<1024x12800xf32, #tpu.memory_space<hbm>> -> memref<1x12800xf32, #tpu.memory_space<hbm>>
      %dma_wait3A_150 = tpu.memref_squeeze %dma_wait3A_149 : memref<1x12800xf32, #tpu.memory_space<hbm>> -> memref<12800xf32, #tpu.memory_space<hbm>>
      %dma_wait3A_151 = arith.constant 0 : i32
      %dma_wait3A_152 = tpu.memref_slice %arg2[%mul3A_6, %dma_wait3A_151] : memref<1024x12800xf32, #tpu.memory_space<hbm>> -> memref<1x12800xf32, #tpu.memory_space<hbm>>
      %dma_wait3A_153 = tpu.memref_squeeze %dma_wait3A_152 : memref<1x12800xf32, #tpu.memory_space<hbm>> -> memref<12800xf32, #tpu.memory_space<hbm>>
      tpu.wait_dma2 semaphore(%arg20 : memref<!tpu.dma_semaphore, #tpu.memory_space<semaphore_mem>>) src(%dma_wait3A_153 : memref<12800xf32, #tpu.memory_space<hbm>>) dst(%arg13 : memref<12800xf32, #tpu.memory_space<vmem>>)
      %dma_wait3A_154 = arith.constant 0 : i32
      %dma_wait3A_155 = tpu.memref_slice %arg3[%shift_right_logical3A_7, %and3A_8, %dma_wait3A_154] : memref<8x128x512xi32, #tpu.memory_space<hbm>> -> memref<1x1x512xi32, #tpu.memory_space<hbm>>
      %dma_wait3A_156 = tpu.memref_squeeze %dma_wait3A_155 : memref<1x1x512xi32, #tpu.memory_space<hbm>> -> memref<512xi32, #tpu.memory_space<hbm>>
      %dma_wait3A_157 = arith.constant 0 : i32
      %dma_wait3A_158 = tpu.memref_slice %arg3[%shift_right_logical3A_7, %and3A_8, %dma_wait3A_157] : memref<8x128x512xi32, #tpu.memory_space<hbm>> -> memref<1x1x512xi32, #tpu.memory_space<hbm>>
      %dma_wait3A_159 = tpu.memref_squeeze %dma_wait3A_158 : memref<1x1x512xi32, #tpu.memory_space<hbm>> -> memref<512xi32, #tpu.memory_space<hbm>>
      tpu.wait_dma2 semaphore(%arg20 : memref<!tpu.dma_semaphore, #tpu.memory_space<semaphore_mem>>) src(%dma_wait3A_159 : memref<512xi32, #tpu.memory_space<hbm>>) dst(%arg14 : memref<512xi32, #tpu.memory_space<vmem>>)
      %dma_wait3A_160 = arith.constant 0 : i32
      %dma_wait3A_161 = tpu.memref_slice %arg4[%shift_right_logical3A_7, %and3A_8, %dma_wait3A_160] : memref<8x128x512xi32, #tpu.memory_space<hbm>> -> memref<1x1x512xi32, #tpu.memory_space<hbm>>
      %dma_wait3A_162 = tpu.memref_squeeze %dma_wait3A_161 : memref<1x1x512xi32, #tpu.memory_space<hbm>> -> memref<512xi32, #tpu.memory_space<hbm>>
      %dma_wait3A_163 = arith.constant 0 : i32
      %dma_wait3A_164 = tpu.memref_slice %arg4[%shift_right_logical3A_7, %and3A_8, %dma_wait3A_163] : memref<8x128x512xi32, #tpu.memory_space<hbm>> -> memref<1x1x512xi32, #tpu.memory_space<hbm>>
      %dma_wait3A_165 = tpu.memref_squeeze %dma_wait3A_164 : memref<1x1x512xi32, #tpu.memory_space<hbm>> -> memref<512xi32, #tpu.memory_space<hbm>>
      tpu.wait_dma2 semaphore(%arg20 : memref<!tpu.dma_semaphore, #tpu.memory_space<semaphore_mem>>) src(%dma_wait3A_165 : memref<512xi32, #tpu.memory_space<hbm>>) dst(%arg15 : memref<512xi32, #tpu.memory_space<vmem>>)
      %dma_wait3A_166 = arith.constant 0 : i32
      %dma_wait3A_167 = tpu.memref_slice %arg5[%shift_right_logical3A_7, %and3A_8, %dma_wait3A_166] : memref<8x128x512xf32, #tpu.memory_space<hbm>> -> memref<1x1x512xf32, #tpu.memory_space<hbm>>
      %dma_wait3A_168 = tpu.memref_squeeze %dma_wait3A_167 : memref<1x1x512xf32, #tpu.memory_space<hbm>> -> memref<512xf32, #tpu.memory_space<hbm>>
      %dma_wait3A_169 = arith.constant 0 : i32
      %dma_wait3A_170 = tpu.memref_slice %arg5[%shift_right_logical3A_7, %and3A_8, %dma_wait3A_169] : memref<8x128x512xf32, #tpu.memory_space<hbm>> -> memref<1x1x512xf32, #tpu.memory_space<hbm>>
      %dma_wait3A_171 = tpu.memref_squeeze %dma_wait3A_170 : memref<1x1x512xf32, #tpu.memory_space<hbm>> -> memref<512xf32, #tpu.memory_space<hbm>>
      tpu.wait_dma2 semaphore(%arg20 : memref<!tpu.dma_semaphore, #tpu.memory_space<semaphore_mem>>) src(%dma_wait3A_171 : memref<512xf32, #tpu.memory_space<hbm>>) dst(%arg16 : memref<512xf32, #tpu.memory_space<vmem>>)
      %add3A_172 = arith.constant 1 : i32
      %add3A_173 = arith.addi %add3A_63, %add3A_172 : i32
      %mul3A_174 = arith.constant 2 : i32
      %mul3A_175 = arith.muli %mul3A_174, %scan3A_60 : i32
      %add3A_176 = arith.constant 1 : i32
      %add3A_177 = arith.addi %mul3A_175, %add3A_176 : i32
      %shift_right_logical3A_178 = arith.constant 7 : i32
      %shift_right_logical3A_179 = arith.shrui %add3A_173, %shift_right_logical3A_178 : i32
      %and3A_180 = arith.constant 127 : i32
      %and3A_181 = arith.andi %add3A_173, %and3A_180 : i32
      %ge3A_182 = arith.constant 2 : i32
      %ge3A_183 = arith.cmpi sge, %add3A_177, %ge3A_182 : i32
      %convert_element_type3A_184 = arith.extui %ge3A_183 : i1 to i32
      %cond3A_185 = arith.constant 0 : i32
      %cond3A_186 = arith.cmpi ne, %convert_element_type3A_184, %cond3A_185 : i32
      scf.if %cond3A_186 {
        %dma_wait3A_204 = arith.constant 0 : i32
        %dma_wait3A_205 = arith.constant 0 : i32
        %dma_wait3A_206 = arith.constant 0 : i32
        %dma_wait3A_207 = arith.constant 0 : i32
        %dma_wait3A_208 = tpu.memref_slice %arg6[%dma_wait3A_204, %dma_wait3A_206, %dma_wait3A_205, %dma_wait3A_207] : memref<8x26x128x128xf32, #tpu.memory_space<hbm>> -> memref<1x26x1x128xf32, #tpu.memory_space<hbm>>
        %dma_wait3A_209 = tpu.memref_squeeze %dma_wait3A_208 : memref<1x26x1x128xf32, #tpu.memory_space<hbm>> -> memref<26x128xf32, #tpu.memory_space<hbm>>
        %dma_wait3A_210 = arith.constant 0 : i32
        %dma_wait3A_211 = arith.constant 0 : i32
        %dma_wait3A_212 = tpu.memref_slice %arg6[%dma_wait3A_204, %dma_wait3A_210, %dma_wait3A_205, %dma_wait3A_211] : memref<8x26x128x128xf32, #tpu.memory_space<hbm>> -> memref<1x26x1x128xf32, #tpu.memory_space<hbm>>
        %dma_wait3A_213 = tpu.memref_squeeze %dma_wait3A_212 : memref<1x26x1x128xf32, #tpu.memory_space<hbm>> -> memref<26x128xf32, #tpu.memory_space<hbm>>
        tpu.wait_dma2 semaphore(%arg22 : memref<!tpu.dma_semaphore, #tpu.memory_space<semaphore_mem>>) src(%arg17 : memref<26x128xf32, #tpu.memory_space<vmem>>) dst(%dma_wait3A_213 : memref<26x128xf32, #tpu.memory_space<hbm>>)
      } else {
      }
      %parallel_loop3A_187 = arith.constant 0 : i32
      %parallel_loop3A_188 = arith.constant 208 : i32
      %parallel_loop3A_189 = arith.constant 1 : i32
      scf.for %parallel_loop3A_204 = %parallel_loop3A_187 to %parallel_loop3A_188 step %parallel_loop3A_189  : i32 {
        %parallel_loop3A_205 = arith.constant 3 : i32
        %parallel_loop3A_206 = arith.shrui %parallel_loop3A_204, %parallel_loop3A_205 : i32
        %parallel_loop3A_207 = arith.constant 7 : i32
        %parallel_loop3A_208 = arith.andi %parallel_loop3A_204, %parallel_loop3A_207 : i32
        %parallel_loop3A_209 = arith.constant 16 : i32
        %parallel_loop3A_210 = arith.muli %parallel_loop3A_208, %parallel_loop3A_209 : i32
        %parallel_loop3A_211 = arith.index_cast %parallel_loop3A_206 : i32 to index
        %parallel_loop3A_212 = arith.index_cast %parallel_loop3A_210 : i32 to index
        %parallel_loop3A_213 = tpu.vector_load %arg17[%parallel_loop3A_211, %parallel_loop3A_212] {strides = array<i32>} : memref<26x128xf32, #tpu.memory_space<vmem>>, vector<16xf32>,
        tpu.vector_store %arg17[%parallel_loop3A_211, %parallel_loop3A_212], %broadcast_in_dim3A_4 {strides = array<i32>} : memref<26x128xf32, #tpu.memory_space<vmem>>, vector<16xf32>,
        %parallel_loop3A_214 = arith.index_cast %parallel_loop3A_206 : i32 to index
        %parallel_loop3A_215 = arith.index_cast %parallel_loop3A_210 : i32 to index
        %parallel_loop3A_216 = tpu.vector_load %arg18[%parallel_loop3A_214, %parallel_loop3A_215] {strides = array<i32>} : memref<26x128xf32, #tpu.memory_space<vmem>>, vector<16xf32>,
        tpu.vector_store %arg18[%parallel_loop3A_214, %parallel_loop3A_215], %broadcast_in_dim3A_4 {strides = array<i32>} : memref<26x128xf32, #tpu.memory_space<vmem>>, vector<16xf32>,
      } {sc.loop_unroll_factor = 4 : i64, sc.parallel_access}
      %parallel_loop3A_190 = arith.constant 0 : i32
      %parallel_loop3A_191 = arith.constant 32 : i32
      %parallel_loop3A_192 = arith.constant 1 : i32
      scf.for %parallel_loop3A_204 = %parallel_loop3A_190 to %parallel_loop3A_191 step %parallel_loop3A_192  : i32 {
        %parallel_loop3A_205 = arith.constant 16 : i32
        %parallel_loop3A_206 = arith.muli %parallel_loop3A_204, %parallel_loop3A_205 : i32
        %parallel_loop3A_207 = arith.index_cast %parallel_loop3A_206 : i32 to index
        %parallel_loop3A_208 = tpu.vector_load %arg14[%parallel_loop3A_207] {strides = array<i32>} : memref<512xi32, #tpu.memory_space<vmem>>, vector<16xi32>,
        %parallel_loop3A_209 = arith.constant 16 : i32
        %parallel_loop3A_210 = arith.muli %parallel_loop3A_204, %parallel_loop3A_209 : i32
        %parallel_loop3A_211 = arith.index_cast %parallel_loop3A_210 : i32 to index
        %parallel_loop3A_212 = tpu.vector_load %arg15[%parallel_loop3A_211] {strides = array<i32>} : memref<512xi32, #tpu.memory_space<vmem>>, vector<16xi32>,
        %parallel_loop3A_213 = arith.constant 16 : i32
        %parallel_loop3A_214 = arith.muli %parallel_loop3A_204, %parallel_loop3A_213 : i32
        %parallel_loop3A_215 = arith.index_cast %parallel_loop3A_214 : i32 to index
        %parallel_loop3A_216 = tpu.vector_load %arg16[%parallel_loop3A_215] {strides = array<i32>} : memref<512xf32, #tpu.memory_space<vmem>>, vector<16xf32>,
        %parallel_loop3A_217 = arith.constant 400 : i32
        %parallel_loop3A_218 = arith.muli %parallel_loop3A_204, %parallel_loop3A_217 : i32
        %parallel_loop3A_219 = vector.broadcast %parallel_loop3A_218 : i32 to vector<16xi32>
        %parallel_loop3A_220 = arith.addi %mul3A_3, %parallel_loop3A_219 : vector<16xi32>
        %parallel_loop3A_221 = arith.constant 0 : i32
        %parallel_loop3A_222 = vector.broadcast %parallel_loop3A_221 : i32 to vector<16xi32>
        %parallel_loop3A_223 = arith.constant 0 : i32
        %parallel_loop3A_224 = vector.broadcast %parallel_loop3A_223 : i32 to vector<16xi32>
        %parallel_loop3A_225 = arith.addi %parallel_loop3A_220, %parallel_loop3A_224 : vector<16xi32>
        %parallel_loop3A_226 = tpu.vector_load_idx %arg13[%parallel_loop3A_225] : memref<12800xf32, #tpu.memory_space<vmem>>[vector<16xi32>], vector<16xf32>,
        %parallel_loop3A_227 = arith.mulf %parallel_loop3A_226, %parallel_loop3A_216 : vector<16xf32>
        tpu.vector_store_idx %arg17[%parallel_loop3A_222, %parallel_loop3A_208], %parallel_loop3A_227 {add = true} : memref<26x128xf32, #tpu.memory_space<vmem>>[vector<16xi32>, vector<16xi32>], vector<16xf32>,
        tpu.vector_store_idx %arg18[%parallel_loop3A_222, %parallel_loop3A_212], %parallel_loop3A_227 {add = true} : memref<26x128xf32, #tpu.memory_space<vmem>>[vector<16xi32>, vector<16xi32>], vector<16xf32>,
        %parallel_loop3A_228 = arith.constant 1 : i32
        %parallel_loop3A_229 = vector.broadcast %parallel_loop3A_228 : i32 to vector<16xi32>
        %parallel_loop3A_230 = arith.constant 1 : i32
        %parallel_loop3A_231 = vector.broadcast %parallel_loop3A_230 : i32 to vector<16xi32>
        %parallel_loop3A_232 = arith.addi %parallel_loop3A_220, %parallel_loop3A_231 : vector<16xi32>
        %parallel_loop3A_233 = tpu.vector_load_idx %arg13[%parallel_loop3A_232] : memref<12800xf32, #tpu.memory_space<vmem>>[vector<16xi32>], vector<16xf32>,
        %parallel_loop3A_234 = arith.mulf %parallel_loop3A_233, %parallel_loop3A_216 : vector<16xf32>
        tpu.vector_store_idx %arg17[%parallel_loop3A_229, %parallel_loop3A_208], %parallel_loop3A_234 {add = true} : memref<26x128xf32, #tpu.memory_space<vmem>>[vector<16xi32>, vector<16xi32>], vector<16xf32>,
        tpu.vector_store_idx %arg18[%parallel_loop3A_229, %parallel_loop3A_212], %parallel_loop3A_234 {add = true} : memref<26x128xf32, #tpu.memory_space<vmem>>[vector<16xi32>, vector<16xi32>], vector<16xf32>,
        %parallel_loop3A_235 = arith.constant 2 : i32
        %parallel_loop3A_236 = vector.broadcast %parallel_loop3A_235 : i32 to vector<16xi32>
        %parallel_loop3A_237 = arith.constant 2 : i32
        %parallel_loop3A_238 = vector.broadcast %parallel_loop3A_237 : i32 to vector<16xi32>
        %parallel_loop3A_239 = arith.addi %parallel_loop3A_220, %parallel_loop3A_238 : vector<16xi32>
        %parallel_loop3A_240 = tpu.vector_load_idx %arg13[%parallel_loop3A_239] : memref<12800xf32, #tpu.memory_space<vmem>>[vector<16xi32>], vector<16xf32>,
        %parallel_loop3A_241 = arith.mulf %parallel_loop3A_240, %parallel_loop3A_216 : vector<16xf32>
        tpu.vector_store_idx %arg17[%parallel_loop3A_236, %parallel_loop3A_208], %parallel_loop3A_241 {add = true} : memref<26x128xf32, #tpu.memory_space<vmem>>[vector<16xi32>, vector<16xi32>], vector<16xf32>,
        tpu.vector_store_idx %arg18[%parallel_loop3A_236, %parallel_loop3A_212], %parallel_loop3A_241 {add = true} : memref<26x128xf32, #tpu.memory_space<vmem>>[vector<16xi32>, vector<16xi32>], vector<16xf32>,
        %parallel_loop3A_242 = arith.constant 3 : i32
        %parallel_loop3A_243 = vector.broadcast %parallel_loop3A_242 : i32 to vector<16xi32>
        %parallel_loop3A_244 = arith.constant 3 : i32
        %parallel_loop3A_245 = vector.broadcast %parallel_loop3A_244 : i32 to vector<16xi32>
        %parallel_loop3A_246 = arith.addi %parallel_loop3A_220, %parallel_loop3A_245 : vector<16xi32>
        %parallel_loop3A_247 = tpu.vector_load_idx %arg13[%parallel_loop3A_246] : memref<12800xf32, #tpu.memory_space<vmem>>[vector<16xi32>], vector<16xf32>,
        %parallel_loop3A_248 = arith.mulf %parallel_loop3A_247, %parallel_loop3A_216 : vector<16xf32>
        tpu.vector_store_idx %arg17[%parallel_loop3A_243, %parallel_loop3A_208], %parallel_loop3A_248 {add = true} : memref<26x128xf32, #tpu.memory_space<vmem>>[vector<16xi32>, vector<16xi32>], vector<16xf32>,
        tpu.vector_store_idx %arg18[%parallel_loop3A_243, %parallel_loop3A_212], %parallel_loop3A_248 {add = true} : memref<26x128xf32, #tpu.memory_space<vmem>>[vector<16xi32>, vector<16xi32>], vector<16xf32>,
        %parallel_loop3A_249 = arith.constant 4 : i32
        %parallel_loop3A_250 = vector.broadcast %parallel_loop3A_249 : i32 to vector<16xi32>
        %parallel_loop3A_251 = arith.constant 4 : i32
        %parallel_loop3A_252 = vector.broadcast %parallel_loop3A_251 : i32 to vector<16xi32>
        %parallel_loop3A_253 = arith.addi %parallel_loop3A_220, %parallel_loop3A_252 : vector<16xi32>
        %parallel_loop3A_254 = tpu.vector_load_idx %arg13[%parallel_loop3A_253] : memref<12800xf32, #tpu.memory_space<vmem>>[vector<16xi32>], vector<16xf32>,
        %parallel_loop3A_255 = arith.mulf %parallel_loop3A_254, %parallel_loop3A_216 : vector<16xf32>
        tpu.vector_store_idx %arg17[%parallel_loop3A_250, %parallel_loop3A_208], %parallel_loop3A_255 {add = true} : memref<26x128xf32, #tpu.memory_space<vmem>>[vector<16xi32>, vector<16xi32>], vector<16xf32>,
        tpu.vector_store_idx %arg18[%parallel_loop3A_250, %parallel_loop3A_212], %parallel_loop3A_255 {add = true} : memref<26x128xf32, #tpu.memory_space<vmem>>[vector<16xi32>, vector<16xi32>], vector<16xf32>,
        %parallel_loop3A_256 = arith.constant 5 : i32
        %parallel_loop3A_257 = vector.broadcast %parallel_loop3A_256 : i32 to vector<16xi32>
        %parallel_loop3A_258 = arith.constant 5 : i32
        %parallel_loop3A_259 = vector.broadcast %parallel_loop3A_258 : i32 to vector<16xi32>
        %parallel_loop3A_260 = arith.addi %parallel_loop3A_220, %parallel_loop3A_259 : vector<16xi32>
        %parallel_loop3A_261 = tpu.vector_load_idx %arg13[%parallel_loop3A_260] : memref<12800xf32, #tpu.memory_space<vmem>>[vector<16xi32>], vector<16xf32>,
        %parallel_loop3A_262 = arith.mulf %parallel_loop3A_261, %parallel_loop3A_216 : vector<16xf32>
        tpu.vector_store_idx %arg17[%parallel_loop3A_257, %parallel_loop3A_208], %parallel_loop3A_262 {add = true} : memref<26x128xf32, #tpu.memory_space<vmem>>[vector<16xi32>, vector<16xi32>], vector<16xf32>,
        tpu.vector_store_idx %arg18[%parallel_loop3A_257, %parallel_loop3A_212], %parallel_loop3A_262 {add = true} : memref<26x128xf32, #tpu.memory_space<vmem>>[vector<16xi32>, vector<16xi32>], vector<16xf32>,
        %parallel_loop3A_263 = arith.constant 6 : i32
        %parallel_loop3A_264 = vector.broadcast %parallel_loop3A_263 : i32 to vector<16xi32>
        %parallel_loop3A_265 = arith.constant 6 : i32
        %parallel_loop3A_266 = vector.broadcast %parallel_loop3A_265 : i32 to vector<16xi32>
        %parallel_loop3A_267 = arith.addi %parallel_loop3A_220, %parallel_loop3A_266 : vector<16xi32>
        %parallel_loop3A_268 = tpu.vector_load_idx %arg13[%parallel_loop3A_267] : memref<12800xf32, #tpu.memory_space<vmem>>[vector<16xi32>], vector<16xf32>,
        %parallel_loop3A_269 = arith.mulf %parallel_loop3A_268, %parallel_loop3A_216 : vector<16xf32>
        tpu.vector_store_idx %arg17[%parallel_loop3A_264, %parallel_loop3A_208], %parallel_loop3A_269 {add = true} : memref<26x128xf32, #tpu.memory_space<vmem>>[vector<16xi32>, vector<16xi32>], vector<16xf32>,
        tpu.vector_store_idx %arg18[%parallel_loop3A_264, %parallel_loop3A_212], %parallel_loop3A_269 {add = true} : memref<26x128xf32, #tpu.memory_space<vmem>>[vector<16xi32>, vector<16xi32>], vector<16xf32>,
        %parallel_loop3A_270 = arith.constant 7 : i32
        %parallel_loop3A_271 = vector.broadcast %parallel_loop3A_270 : i32 to vector<16xi32>
        %parallel_loop3A_272 = arith.constant 7 : i32
        %parallel_loop3A_273 = vector.broadcast %parallel_loop3A_272 : i32 to vector<16xi32>
        %parallel_loop3A_274 = arith.addi %parallel_loop3A_220, %parallel_loop3A_273 : vector<16xi32>
        %parallel_loop3A_275 = tpu.vector_load_idx %arg13[%parallel_loop3A_274] : memref<12800xf32, #tpu.memory_space<vmem>>[vector<16xi32>], vector<16xf32>,
        %parallel_loop3A_276 = arith.mulf %parallel_loop3A_275, %parallel_loop3A_216 : vector<16xf32>
        tpu.vector_store_idx %arg17[%parallel_loop3A_271, %parallel_loop3A_208], %parallel_loop3A_276 {add = true} : memref<26x128xf32, #tpu.memory_space<vmem>>[vector<16xi32>, vector<16xi32>], vector<16xf32>,
        tpu.vector_store_idx %arg18[%parallel_loop3A_271, %parallel_loop3A_212], %parallel_loop3A_276 {add = true} : memref<26x128xf32, #tpu.memory_space<vmem>>[vector<16xi32>, vector<16xi32>], vector<16xf32>,
        %parallel_loop3A_277 = arith.constant 8 : i32
        %parallel_loop3A_278 = vector.broadcast %parallel_loop3A_277 : i32 to vector<16xi32>
        %parallel_loop3A_279 = arith.constant 8 : i32
        %parallel_loop3A_280 = vector.broadcast %parallel_loop3A_279 : i32 to vector<16xi32>
        %parallel_loop3A_281 = arith.addi %parallel_loop3A_220, %parallel_loop3A_280 : vector<16xi32>
        %parallel_loop3A_282 = tpu.vector_load_idx %arg13[%parallel_loop3A_281] : memref<12800xf32, #tpu.memory_space<vmem>>[vector<16xi32>], vector<16xf32>,
        %parallel_loop3A_283 = arith.mulf %parallel_loop3A_282, %parallel_loop3A_216 : vector<16xf32>
        tpu.vector_store_idx %arg17[%parallel_loop3A_278, %parallel_loop3A_208], %parallel_loop3A_283 {add = true} : memref<26x128xf32, #tpu.memory_space<vmem>>[vector<16xi32>, vector<16xi32>], vector<16xf32>,
        tpu.vector_store_idx %arg18[%parallel_loop3A_278, %parallel_loop3A_212], %parallel_loop3A_283 {add = true} : memref<26x128xf32, #tpu.memory_space<vmem>>[vector<16xi32>, vector<16xi32>], vector<16xf32>,
        %parallel_loop3A_284 = arith.constant 9 : i32
        %parallel_loop3A_285 = vector.broadcast %parallel_loop3A_284 : i32 to vector<16xi32>
        %parallel_loop3A_286 = arith.constant 9 : i32
        %parallel_loop3A_287 = vector.broadcast %parallel_loop3A_286 : i32 to vector<16xi32>
        %parallel_loop3A_288 = arith.addi %parallel_loop3A_220, %parallel_loop3A_287 : vector<16xi32>
        %parallel_loop3A_289 = tpu.vector_load_idx %arg13[%parallel_loop3A_288] : memref<12800xf32, #tpu.memory_space<vmem>>[vector<16xi32>], vector<16xf32>,
        %parallel_loop3A_290 = arith.mulf %parallel_loop3A_289, %parallel_loop3A_216 : vector<16xf32>
        tpu.vector_store_idx %arg17[%parallel_loop3A_285, %parallel_loop3A_208], %parallel_loop3A_290 {add = true} : memref<26x128xf32, #tpu.memory_space<vmem>>[vector<16xi32>, vector<16xi32>], vector<16xf32>,
        tpu.vector_store_idx %arg18[%parallel_loop3A_285, %parallel_loop3A_212], %parallel_loop3A_290 {add = true} : memref<26x128xf32, #tpu.memory_space<vmem>>[vector<16xi32>, vector<16xi32>], vector<16xf32>,
        %parallel_loop3A_291 = arith.constant 10 : i32
        %parallel_loop3A_292 = vector.broadcast %parallel_loop3A_291 : i32 to vector<16xi32>
        %parallel_loop3A_293 = arith.constant 10 : i32
        %parallel_loop3A_294 = vector.broadcast %parallel_loop3A_293 : i32 to vector<16xi32>
        %parallel_loop3A_295 = arith.addi %parallel_loop3A_220, %parallel_loop3A_294 : vector<16xi32>
        %parallel_loop3A_296 = tpu.vector_load_idx %arg13[%parallel_loop3A_295] : memref<12800xf32, #tpu.memory_space<vmem>>[vector<16xi32>], vector<16xf32>,
        %parallel_loop3A_297 = arith.mulf %parallel_loop3A_296, %parallel_loop3A_216 : vector<16xf32>
        tpu.vector_store_idx %arg17[%parallel_loop3A_292, %parallel_loop3A_208], %parallel_loop3A_297 {add = true} : memref<26x128xf32, #tpu.memory_space<vmem>>[vector<16xi32>, vector<16xi32>], vector<16xf32>,
        tpu.vector_store_idx %arg18[%parallel_loop3A_292, %parallel_loop3A_212], %parallel_loop3A_297 {add = true} : memref<26x128xf32, #tpu.memory_space<vmem>>[vector<16xi32>, vector<16xi32>], vector<16xf32>,
        %parallel_loop3A_298 = arith.constant 11 : i32
        %parallel_loop3A_299 = vector.broadcast %parallel_loop3A_298 : i32 to vector<16xi32>
        %parallel_loop3A_300 = arith.constant 11 : i32
        %parallel_loop3A_301 = vector.broadcast %parallel_loop3A_300 : i32 to vector<16xi32>
        %parallel_loop3A_302 = arith.addi %parallel_loop3A_220, %parallel_loop3A_301 : vector<16xi32>
        %parallel_loop3A_303 = tpu.vector_load_idx %arg13[%parallel_loop3A_302] : memref<12800xf32, #tpu.memory_space<vmem>>[vector<16xi32>], vector<16xf32>,
        %parallel_loop3A_304 = arith.mulf %parallel_loop3A_303, %parallel_loop3A_216 : vector<16xf32>
        tpu.vector_store_idx %arg17[%parallel_loop3A_299, %parallel_loop3A_208], %parallel_loop3A_304 {add = true} : memref<26x128xf32, #tpu.memory_space<vmem>>[vector<16xi32>, vector<16xi32>], vector<16xf32>,
        tpu.vector_store_idx %arg18[%parallel_loop3A_299, %parallel_loop3A_212], %parallel_loop3A_304 {add = true} : memref<26x128xf32, #tpu.memory_space<vmem>>[vector<16xi32>, vector<16xi32>], vector<16xf32>,
        %parallel_loop3A_305 = arith.constant 12 : i32
        %parallel_loop3A_306 = vector.broadcast %parallel_loop3A_305 : i32 to vector<16xi32>
        %parallel_loop3A_307 = arith.constant 12 : i32
        %parallel_loop3A_308 = vector.broadcast %parallel_loop3A_307 : i32 to vector<16xi32>
        %parallel_loop3A_309 = arith.addi %parallel_loop3A_220, %parallel_loop3A_308 : vector<16xi32>
        %parallel_loop3A_310 = tpu.vector_load_idx %arg13[%parallel_loop3A_309] : memref<12800xf32, #tpu.memory_space<vmem>>[vector<16xi32>], vector<16xf32>,
        %parallel_loop3A_311 = arith.mulf %parallel_loop3A_310, %parallel_loop3A_216 : vector<16xf32>
        tpu.vector_store_idx %arg17[%parallel_loop3A_306, %parallel_loop3A_208], %parallel_loop3A_311 {add = true} : memref<26x128xf32, #tpu.memory_space<vmem>>[vector<16xi32>, vector<16xi32>], vector<16xf32>,
        tpu.vector_store_idx %arg18[%parallel_loop3A_306, %parallel_loop3A_212], %parallel_loop3A_311 {add = true} : memref<26x128xf32, #tpu.memory_space<vmem>>[vector<16xi32>, vector<16xi32>], vector<16xf32>,
        %parallel_loop3A_312 = arith.constant 13 : i32
        %parallel_loop3A_313 = vector.broadcast %parallel_loop3A_312 : i32 to vector<16xi32>
        %parallel_loop3A_314 = arith.constant 13 : i32
        %parallel_loop3A_315 = vector.broadcast %parallel_loop3A_314 : i32 to vector<16xi32>
        %parallel_loop3A_316 = arith.addi %parallel_loop3A_220, %parallel_loop3A_315 : vector<16xi32>
        %parallel_loop3A_317 = tpu.vector_load_idx %arg13[%parallel_loop3A_316] : memref<12800xf32, #tpu.memory_space<vmem>>[vector<16xi32>], vector<16xf32>,
        %parallel_loop3A_318 = arith.mulf %parallel_loop3A_317, %parallel_loop3A_216 : vector<16xf32>
        tpu.vector_store_idx %arg17[%parallel_loop3A_313, %parallel_loop3A_208], %parallel_loop3A_318 {add = true} : memref<26x128xf32, #tpu.memory_space<vmem>>[vector<16xi32>, vector<16xi32>], vector<16xf32>,
        tpu.vector_store_idx %arg18[%parallel_loop3A_313, %parallel_loop3A_212], %parallel_loop3A_318 {add = true} : memref<26x128xf32, #tpu.memory_space<vmem>>[vector<16xi32>, vector<16xi32>], vector<16xf32>,
        %parallel_loop3A_319 = arith.constant 14 : i32
        %parallel_loop3A_320 = vector.broadcast %parallel_loop3A_319 : i32 to vector<16xi32>
        %parallel_loop3A_321 = arith.constant 14 : i32
        %parallel_loop3A_322 = vector.broadcast %parallel_loop3A_321 : i32 to vector<16xi32>
        %parallel_loop3A_323 = arith.addi %parallel_loop3A_220, %parallel_loop3A_322 : vector<16xi32>
        %parallel_loop3A_324 = tpu.vector_load_idx %arg13[%parallel_loop3A_323] : memref<12800xf32, #tpu.memory_space<vmem>>[vector<16xi32>], vector<16xf32>,
        %parallel_loop3A_325 = arith.mulf %parallel_loop3A_324, %parallel_loop3A_216 : vector<16xf32>
        tpu.vector_store_idx %arg17[%parallel_loop3A_320, %parallel_loop3A_208], %parallel_loop3A_325 {add = true} : memref<26x128xf32, #tpu.memory_space<vmem>>[vector<16xi32>, vector<16xi32>], vector<16xf32>,
        tpu.vector_store_idx %arg18[%parallel_loop3A_320, %parallel_loop3A_212], %parallel_loop3A_325 {add = true} : memref<26x128xf32, #tpu.memory_space<vmem>>[vector<16xi32>, vector<16xi32>], vector<16xf32>,
        %parallel_loop3A_326 = arith.constant 15 : i32
        %parallel_loop3A_327 = vector.broadcast %parallel_loop3A_326 : i32 to vector<16xi32>
        %parallel_loop3A_328 = arith.constant 15 : i32
        %parallel_loop3A_329 = vector.broadcast %parallel_loop3A_328 : i32 to vector<16xi32>
        %parallel_loop3A_330 = arith.addi %parallel_loop3A_220, %parallel_loop3A_329 : vector<16xi32>
        %parallel_loop3A_331 = tpu.vector_load_idx %arg13[%parallel_loop3A_330] : memref<12800xf32, #tpu.memory_space<vmem>>[vector<16xi32>], vector<16xf32>,
        %parallel_loop3A_332 = arith.mulf %parallel_loop3A_331, %parallel_loop3A_216 : vector<16xf32>
        tpu.vector_store_idx %arg17[%parallel_loop3A_327, %parallel_loop3A_208], %parallel_loop3A_332 {add = true} : memref<26x128xf32, #tpu.memory_space<vmem>>[vector<16xi32>, vector<16xi32>], vector<16xf32>,
        tpu.vector_store_idx %arg18[%parallel_loop3A_327, %parallel_loop3A_212], %parallel_loop3A_332 {add = true} : memref<26x128xf32, #tpu.memory_space<vmem>>[vector<16xi32>, vector<16xi32>], vector<16xf32>,
        %parallel_loop3A_333 = arith.constant 16 : i32
        %parallel_loop3A_334 = vector.broadcast %parallel_loop3A_333 : i32 to vector<16xi32>
        %parallel_loop3A_335 = arith.constant 16 : i32
        %parallel_loop3A_336 = vector.broadcast %parallel_loop3A_335 : i32 to vector<16xi32>
        %parallel_loop3A_337 = arith.addi %parallel_loop3A_220, %parallel_loop3A_336 : vector<16xi32>
        %parallel_loop3A_338 = tpu.vector_load_idx %arg13[%parallel_loop3A_337] : memref<12800xf32, #tpu.memory_space<vmem>>[vector<16xi32>], vector<16xf32>,
        %parallel_loop3A_339 = arith.mulf %parallel_loop3A_338, %parallel_loop3A_216 : vector<16xf32>
        tpu.vector_store_idx %arg17[%parallel_loop3A_334, %parallel_loop3A_208], %parallel_loop3A_339 {add = true} : memref<26x128xf32, #tpu.memory_space<vmem>>[vector<16xi32>, vector<16xi32>], vector<16xf32>,
        tpu.vector_store_idx %arg18[%parallel_loop3A_334, %parallel_loop3A_212], %parallel_loop3A_339 {add = true} : memref<26x128xf32, #tpu.memory_space<vmem>>[vector<16xi32>, vector<16xi32>], vector<16xf32>,
        %parallel_loop3A_340 = arith.constant 17 : i32
        %parallel_loop3A_341 = vector.broadcast %parallel_loop3A_340 : i32 to vector<16xi32>
        %parallel_loop3A_342 = arith.constant 17 : i32
        %parallel_loop3A_343 = vector.broadcast %parallel_loop3A_342 : i32 to vector<16xi32>
        %parallel_loop3A_344 = arith.addi %parallel_loop3A_220, %parallel_loop3A_343 : vector<16xi32>
        %parallel_loop3A_345 = tpu.vector_load_idx %arg13[%parallel_loop3A_344] : memref<12800xf32, #tpu.memory_space<vmem>>[vector<16xi32>], vector<16xf32>,
        %parallel_loop3A_346 = arith.mulf %parallel_loop3A_345, %parallel_loop3A_216 : vector<16xf32>
        tpu.vector_store_idx %arg17[%parallel_loop3A_341, %parallel_loop3A_208], %parallel_loop3A_346 {add = true} : memref<26x128xf32, #tpu.memory_space<vmem>>[vector<16xi32>, vector<16xi32>], vector<16xf32>,
        tpu.vector_store_idx %arg18[%parallel_loop3A_341, %parallel_loop3A_212], %parallel_loop3A_346 {add = true} : memref<26x128xf32, #tpu.memory_space<vmem>>[vector<16xi32>, vector<16xi32>], vector<16xf32>,
        %parallel_loop3A_347 = arith.constant 18 : i32
        %parallel_loop3A_348 = vector.broadcast %parallel_loop3A_347 : i32 to vector<16xi32>
        %parallel_loop3A_349 = arith.constant 18 : i32
        %parallel_loop3A_350 = vector.broadcast %parallel_loop3A_349 : i32 to vector<16xi32>
        %parallel_loop3A_351 = arith.addi %parallel_loop3A_220, %parallel_loop3A_350 : vector<16xi32>
        %parallel_loop3A_352 = tpu.vector_load_idx %arg13[%parallel_loop3A_351] : memref<12800xf32, #tpu.memory_space<vmem>>[vector<16xi32>], vector<16xf32>,
        %parallel_loop3A_353 = arith.mulf %parallel_loop3A_352, %parallel_loop3A_216 : vector<16xf32>
        tpu.vector_store_idx %arg17[%parallel_loop3A_348, %parallel_loop3A_208], %parallel_loop3A_353 {add = true} : memref<26x128xf32, #tpu.memory_space<vmem>>[vector<16xi32>, vector<16xi32>], vector<16xf32>,
        tpu.vector_store_idx %arg18[%parallel_loop3A_348, %parallel_loop3A_212], %parallel_loop3A_353 {add = true} : memref<26x128xf32, #tpu.memory_space<vmem>>[vector<16xi32>, vector<16xi32>], vector<16xf32>,
        %parallel_loop3A_354 = arith.constant 19 : i32
        %parallel_loop3A_355 = vector.broadcast %parallel_loop3A_354 : i32 to vector<16xi32>
        %parallel_loop3A_356 = arith.constant 19 : i32
        %parallel_loop3A_357 = vector.broadcast %parallel_loop3A_356 : i32 to vector<16xi32>
        %parallel_loop3A_358 = arith.addi %parallel_loop3A_220, %parallel_loop3A_357 : vector<16xi32>
        %parallel_loop3A_359 = tpu.vector_load_idx %arg13[%parallel_loop3A_358] : memref<12800xf32, #tpu.memory_space<vmem>>[vector<16xi32>], vector<16xf32>,
        %parallel_loop3A_360 = arith.mulf %parallel_loop3A_359, %parallel_loop3A_216 : vector<16xf32>
        tpu.vector_store_idx %arg17[%parallel_loop3A_355, %parallel_loop3A_208], %parallel_loop3A_360 {add = true} : memref<26x128xf32, #tpu.memory_space<vmem>>[vector<16xi32>, vector<16xi32>], vector<16xf32>,
        tpu.vector_store_idx %arg18[%parallel_loop3A_355, %parallel_loop3A_212], %parallel_loop3A_360 {add = true} : memref<26x128xf32, #tpu.memory_space<vmem>>[vector<16xi32>, vector<16xi32>], vector<16xf32>,
        %parallel_loop3A_361 = arith.constant 20 : i32
        %parallel_loop3A_362 = vector.broadcast %parallel_loop3A_361 : i32 to vector<16xi32>
        %parallel_loop3A_363 = arith.constant 20 : i32
        %parallel_loop3A_364 = vector.broadcast %parallel_loop3A_363 : i32 to vector<16xi32>
        %parallel_loop3A_365 = arith.addi %parallel_loop3A_220, %parallel_loop3A_364 : vector<16xi32>
        %parallel_loop3A_366 = tpu.vector_load_idx %arg13[%parallel_loop3A_365] : memref<12800xf32, #tpu.memory_space<vmem>>[vector<16xi32>], vector<16xf32>,
        %parallel_loop3A_367 = arith.mulf %parallel_loop3A_366, %parallel_loop3A_216 : vector<16xf32>
        tpu.vector_store_idx %arg17[%parallel_loop3A_362, %parallel_loop3A_208], %parallel_loop3A_367 {add = true} : memref<26x128xf32, #tpu.memory_space<vmem>>[vector<16xi32>, vector<16xi32>], vector<16xf32>,
        tpu.vector_store_idx %arg18[%parallel_loop3A_362, %parallel_loop3A_212], %parallel_loop3A_367 {add = true} : memref<26x128xf32, #tpu.memory_space<vmem>>[vector<16xi32>, vector<16xi32>], vector<16xf32>,
        %parallel_loop3A_368 = arith.constant 21 : i32
        %parallel_loop3A_369 = vector.broadcast %parallel_loop3A_368 : i32 to vector<16xi32>
        %parallel_loop3A_370 = arith.constant 21 : i32
        %parallel_loop3A_371 = vector.broadcast %parallel_loop3A_370 : i32 to vector<16xi32>
        %parallel_loop3A_372 = arith.addi %parallel_loop3A_220, %parallel_loop3A_371 : vector<16xi32>
        %parallel_loop3A_373 = tpu.vector_load_idx %arg13[%parallel_loop3A_372] : memref<12800xf32, #tpu.memory_space<vmem>>[vector<16xi32>], vector<16xf32>,
        %parallel_loop3A_374 = arith.mulf %parallel_loop3A_373, %parallel_loop3A_216 : vector<16xf32>
        tpu.vector_store_idx %arg17[%parallel_loop3A_369, %parallel_loop3A_208], %parallel_loop3A_374 {add = true} : memref<26x128xf32, #tpu.memory_space<vmem>>[vector<16xi32>, vector<16xi32>], vector<16xf32>,
        tpu.vector_store_idx %arg18[%parallel_loop3A_369, %parallel_loop3A_212], %parallel_loop3A_374 {add = true} : memref<26x128xf32, #tpu.memory_space<vmem>>[vector<16xi32>, vector<16xi32>], vector<16xf32>,
        %parallel_loop3A_375 = arith.constant 22 : i32
        %parallel_loop3A_376 = vector.broadcast %parallel_loop3A_375 : i32 to vector<16xi32>
        %parallel_loop3A_377 = arith.constant 22 : i32
        %parallel_loop3A_378 = vector.broadcast %parallel_loop3A_377 : i32 to vector<16xi32>
        %parallel_loop3A_379 = arith.addi %parallel_loop3A_220, %parallel_loop3A_378 : vector<16xi32>
        %parallel_loop3A_380 = tpu.vector_load_idx %arg13[%parallel_loop3A_379] : memref<12800xf32, #tpu.memory_space<vmem>>[vector<16xi32>], vector<16xf32>,
        %parallel_loop3A_381 = arith.mulf %parallel_loop3A_380, %parallel_loop3A_216 : vector<16xf32>
        tpu.vector_store_idx %arg17[%parallel_loop3A_376, %parallel_loop3A_208], %parallel_loop3A_381 {add = true} : memref<26x128xf32, #tpu.memory_space<vmem>>[vector<16xi32>, vector<16xi32>], vector<16xf32>,
        tpu.vector_store_idx %arg18[%parallel_loop3A_376, %parallel_loop3A_212], %parallel_loop3A_381 {add = true} : memref<26x128xf32, #tpu.memory_space<vmem>>[vector<16xi32>, vector<16xi32>], vector<16xf32>,
        %parallel_loop3A_382 = arith.constant 23 : i32
        %parallel_loop3A_383 = vector.broadcast %parallel_loop3A_382 : i32 to vector<16xi32>
        %parallel_loop3A_384 = arith.constant 23 : i32
        %parallel_loop3A_385 = vector.broadcast %parallel_loop3A_384 : i32 to vector<16xi32>
        %parallel_loop3A_386 = arith.addi %parallel_loop3A_220, %parallel_loop3A_385 : vector<16xi32>
        %parallel_loop3A_387 = tpu.vector_load_idx %arg13[%parallel_loop3A_386] : memref<12800xf32, #tpu.memory_space<vmem>>[vector<16xi32>], vector<16xf32>,
        %parallel_loop3A_388 = arith.mulf %parallel_loop3A_387, %parallel_loop3A_216 : vector<16xf32>
        tpu.vector_store_idx %arg17[%parallel_loop3A_383, %parallel_loop3A_208], %parallel_loop3A_388 {add = true} : memref<26x128xf32, #tpu.memory_space<vmem>>[vector<16xi32>, vector<16xi32>], vector<16xf32>,
        tpu.vector_store_idx %arg18[%parallel_loop3A_383, %parallel_loop3A_212], %parallel_loop3A_388 {add = true} : memref<26x128xf32, #tpu.memory_space<vmem>>[vector<16xi32>, vector<16xi32>], vector<16xf32>,
        %parallel_loop3A_389 = arith.constant 24 : i32
        %parallel_loop3A_390 = vector.broadcast %parallel_loop3A_389 : i32 to vector<16xi32>
        %parallel_loop3A_391 = arith.constant 24 : i32
        %parallel_loop3A_392 = vector.broadcast %parallel_loop3A_391 : i32 to vector<16xi32>
        %parallel_loop3A_393 = arith.addi %parallel_loop3A_220, %parallel_loop3A_392 : vector<16xi32>
        %parallel_loop3A_394 = tpu.vector_load_idx %arg13[%parallel_loop3A_393] : memref<12800xf32, #tpu.memory_space<vmem>>[vector<16xi32>], vector<16xf32>,
        %parallel_loop3A_395 = arith.mulf %parallel_loop3A_394, %parallel_loop3A_216 : vector<16xf32>
        tpu.vector_store_idx %arg17[%parallel_loop3A_390, %parallel_loop3A_208], %parallel_loop3A_395 {add = true} : memref<26x128xf32, #tpu.memory_space<vmem>>[vector<16xi32>, vector<16xi32>], vector<16xf32>,
        tpu.vector_store_idx %arg18[%parallel_loop3A_390, %parallel_loop3A_212], %parallel_loop3A_395 {add = true} : memref<26x128xf32, #tpu.memory_space<vmem>>[vector<16xi32>, vector<16xi32>], vector<16xf32>,
        %parallel_loop3A_396 = arith.constant 25 : i32
        %parallel_loop3A_397 = vector.broadcast %parallel_loop3A_396 : i32 to vector<16xi32>
        tpu.vector_store_idx %arg17[%parallel_loop3A_397, %parallel_loop3A_208], %parallel_loop3A_216 {add = true} : memref<26x128xf32, #tpu.memory_space<vmem>>[vector<16xi32>, vector<16xi32>], vector<16xf32>,
        tpu.vector_store_idx %arg18[%parallel_loop3A_397, %parallel_loop3A_212], %parallel_loop3A_216 {add = true} : memref<26x128xf32, #tpu.memory_space<vmem>>[vector<16xi32>, vector<16xi32>], vector<16xf32>,
      } {sc.loop_unroll_factor = 2 : i64, sc.parallel_access}
      %parallel_loop3A_193 = arith.constant 0 : i32
      %parallel_loop3A_194 = arith.constant 208 : i32
      %parallel_loop3A_195 = arith.constant 1 : i32
      scf.for %parallel_loop3A_204 = %parallel_loop3A_193 to %parallel_loop3A_194 step %parallel_loop3A_195  : i32 {
        %parallel_loop3A_205 = arith.constant 3 : i32
        %parallel_loop3A_206 = arith.shrui %parallel_loop3A_204, %parallel_loop3A_205 : i32
        %parallel_loop3A_207 = arith.constant 7 : i32
        %parallel_loop3A_208 = arith.andi %parallel_loop3A_204, %parallel_loop3A_207 : i32
        %parallel_loop3A_209 = arith.constant 16 : i32
        %parallel_loop3A_210 = arith.muli %parallel_loop3A_208, %parallel_loop3A_209 : i32
        %parallel_loop3A_211 = arith.index_cast %parallel_loop3A_206 : i32 to index
        %parallel_loop3A_212 = arith.index_cast %parallel_loop3A_210 : i32 to index
        %parallel_loop3A_213 = tpu.vector_load %arg17[%parallel_loop3A_211, %parallel_loop3A_212] {strides = array<i32>} : memref<26x128xf32, #tpu.memory_space<vmem>>, vector<16xf32>,
        %parallel_loop3A_214 = arith.index_cast %parallel_loop3A_206 : i32 to index
        %parallel_loop3A_215 = arith.index_cast %parallel_loop3A_210 : i32 to index
        %parallel_loop3A_216 = tpu.vector_load %arg18[%parallel_loop3A_214, %parallel_loop3A_215] {strides = array<i32>} : memref<26x128xf32, #tpu.memory_space<vmem>>, vector<16xf32>,
        %parallel_loop3A_217 = arith.addf %parallel_loop3A_213, %parallel_loop3A_216 : vector<16xf32>
        %parallel_loop3A_218 = arith.index_cast %parallel_loop3A_206 : i32 to index
        %parallel_loop3A_219 = arith.index_cast %parallel_loop3A_210 : i32 to index
        %parallel_loop3A_220 = tpu.vector_load %arg17[%parallel_loop3A_218, %parallel_loop3A_219] {strides = array<i32>} : memref<26x128xf32, #tpu.memory_space<vmem>>, vector<16xf32>,
        tpu.vector_store %arg17[%parallel_loop3A_218, %parallel_loop3A_219], %parallel_loop3A_217 {strides = array<i32>} : memref<26x128xf32, #tpu.memory_space<vmem>>, vector<16xf32>,
      } {sc.loop_unroll_factor = 4 : i64, sc.parallel_access}
      %dma_start3A_196 = arith.constant 0 : i32
      %dma_start3A_197 = arith.constant 0 : i32
      %dma_start3A_198 = tpu.memref_slice %arg6[%shift_right_logical3A_179, %dma_start3A_196, %and3A_181, %dma_start3A_197] : memref<8x26x128x128xf32, #tpu.memory_space<hbm>> -> memref<1x26x1x128xf32, #tpu.memory_space<hbm>>
      %dma_start3A_199 = tpu.memref_squeeze %dma_start3A_198 : memref<1x26x1x128xf32, #tpu.memory_space<hbm>> -> memref<26x128xf32, #tpu.memory_space<hbm>>
      %dma_start3A_200 = arith.constant 0 : i32
      %dma_start3A_201 = arith.constant 0 : i32
      %dma_start3A_202 = tpu.memref_slice %arg6[%shift_right_logical3A_179, %dma_start3A_200, %and3A_181, %dma_start3A_201] : memref<8x26x128x128xf32, #tpu.memory_space<hbm>> -> memref<1x26x1x128xf32, #tpu.memory_space<hbm>>
      %dma_start3A_203 = tpu.memref_squeeze %dma_start3A_202 : memref<1x26x1x128xf32, #tpu.memory_space<hbm>> -> memref<26x128xf32, #tpu.memory_space<hbm>>
      tpu.enqueue_dma source(%arg17 : memref<26x128xf32, #tpu.memory_space<vmem>>) target(%dma_start3A_203 : memref<26x128xf32, #tpu.memory_space<hbm>>) target_semaphore(%arg22 : memref<!tpu.dma_semaphore, #tpu.memory_space<semaphore_mem>>)
    }
    %scan3A_40 = arith.constant 16 : i32
    %dma_wait3A = arith.constant 0 : i32
    %dma_wait3A_41 = arith.constant 0 : i32
    %dma_wait3A_42 = arith.constant 0 : i32
    %dma_wait3A_43 = arith.constant 0 : i32
    %dma_wait3A_44 = tpu.memref_slice %arg6[%dma_wait3A, %dma_wait3A_42, %dma_wait3A_41, %dma_wait3A_43] : memref<8x26x128x128xf32, #tpu.memory_space<hbm>> -> memref<1x26x1x128xf32, #tpu.memory_space<hbm>>
    %dma_wait3A_45 = tpu.memref_squeeze %dma_wait3A_44 : memref<1x26x1x128xf32, #tpu.memory_space<hbm>> -> memref<26x128xf32, #tpu.memory_space<hbm>>
    %dma_wait3A_46 = arith.constant 0 : i32
    %dma_wait3A_47 = arith.constant 0 : i32
    %dma_wait3A_48 = tpu.memref_slice %arg6[%dma_wait3A, %dma_wait3A_46, %dma_wait3A_41, %dma_wait3A_47] : memref<8x26x128x128xf32, #tpu.memory_space<hbm>> -> memref<1x26x1x128xf32, #tpu.memory_space<hbm>>
    %dma_wait3A_49 = tpu.memref_squeeze %dma_wait3A_48 : memref<1x26x1x128xf32, #tpu.memory_space<hbm>> -> memref<26x128xf32, #tpu.memory_space<hbm>>
    tpu.wait_dma2 semaphore(%arg21 : memref<!tpu.dma_semaphore, #tpu.memory_space<semaphore_mem>>) src(%arg11 : memref<26x128xf32, #tpu.memory_space<vmem>>) dst(%dma_wait3A_49 : memref<26x128xf32, #tpu.memory_space<hbm>>)
    %dma_wait3A_50 = arith.constant 0 : i32
    %dma_wait3A_51 = arith.constant 0 : i32
    %dma_wait3A_52 = arith.constant 0 : i32
    %dma_wait3A_53 = arith.constant 0 : i32
    %dma_wait3A_54 = tpu.memref_slice %arg6[%dma_wait3A_50, %dma_wait3A_52, %dma_wait3A_51, %dma_wait3A_53] : memref<8x26x128x128xf32, #tpu.memory_space<hbm>> -> memref<1x26x1x128xf32, #tpu.memory_space<hbm>>
    %dma_wait3A_55 = tpu.memref_squeeze %dma_wait3A_54 : memref<1x26x1x128xf32, #tpu.memory_space<hbm>> -> memref<26x128xf32, #tpu.memory_space<hbm>>
    %dma_wait3A_56 = arith.constant 0 : i32
    %dma_wait3A_57 = arith.constant 0 : i32
    %dma_wait3A_58 = tpu.memref_slice %arg6[%dma_wait3A_50, %dma_wait3A_56, %dma_wait3A_51, %dma_wait3A_57] : memref<8x26x128x128xf32, #tpu.memory_space<hbm>> -> memref<1x26x1x128xf32, #tpu.memory_space<hbm>>
    %dma_wait3A_59 = tpu.memref_squeeze %dma_wait3A_58 : memref<1x26x1x128xf32, #tpu.memory_space<hbm>> -> memref<26x128xf32, #tpu.memory_space<hbm>>
    tpu.wait_dma2 semaphore(%arg22 : memref<!tpu.dma_semaphore, #tpu.memory_space<semaphore_mem>>) src(%arg17 : memref<26x128xf32, #tpu.memory_space<vmem>>) dst(%dma_wait3A_59 : memref<26x128xf32, #tpu.memory_space<hbm>>)
    return
  }
}

</mosaic_0001>

<sc_bundles>
// kernel: _sc_hist.3.cloned.1.call-start
scs
__scs_entry_jumppad:
0x0: {  	(pc) =	sbr.rel $0x88, $3  }
0x1: {  	(tag) =	ssettag $0x0;
	lr =	simm.s32 $0x1  }
0x2: {  	[smem:$0x3F9D] =	sst lr;
	_ =	strace $0xD0000000  }
0x3: {  	_ = 	snop  }
0x4: {  	_ = 	snop  }
0x5: {  	_ = 	snop  }
0x6: {  	_ = 	snop  }
0x7: {  	_ = 	snop  }
__scs_overlays_trampoline_lowered:
0x8: {  	[smem:$0x3FAC] =	sst s0  }
0x9: {  	[smem:$0x3FAD] =	sst s1  }
0xa: {  	[smem:$0x3FAE] =	sst s2  }
0xb: {  	[smem:$0x3FAF] =	sst s3  }
0xc: {  	[smem:$0x3FB0] =	sst s4  }
0xd: {  	[smem:$0x3FB1] =	sst s5  }
0xe: {  	[smem:$0x3FB2] =	sst s6  }
0xf: {  	[smem:$0x3FB3] =	sst s7  }
0x10: {  	[smem:$0x3FB4] =	sst s8  }
0x11: {  	[smem:$0x3FB5] =	sst s9;
	s0 =	simm.s32 @!p0 $0x0  }
0x12: {  	s1 =	sld [smem:$0x3F9B];
	s0 =	simm.s32 @p0 $0x1  }
0x13: {  	[smem:$0x3FB6] =	sst s0;
	s0 =	simm.s32 @!p1 $0x0  }
0x14: {  	s2 =	sld [smem:$0x3F9A];
	s0 =	simm.s32 @p1 $0x1  }
0x15: {  	[smem:$0x3FB7] =	sst s0;
	s0 =	simm.s32 @!p2 $0x0  }
0x16: {  	s3 =	sld [smem:$0x3FDB];
	s0 =	simm.s32 @p2 $0x1  }
0x17: {  	s4 =	simm.s32 $0x1BF5;
	[smem:$0x3FB9] =	sst s0  }
0x18: {  	s0 =	sld [smem:$0x3F9C];
	_ =	swait.ge [sflag:s4], $0x0  }
0x19: {  	s7 =	sld [smem:$0x3F9D]  }
0x1a: {  	s8 =	sadd.s32 $0xFFFFE003, lr  }
0x1b: {  	s9 =	sadd.s32 $0xFFFFFEF7, lr;
	s5 =	simm.s32 $0xFFFFFFFF;
	p2 =	slt.u32 s8, $0xFFFFF086  }
0x1c: {  	p1 =	slt.u32 s9, $0xF7A;
	s5 =	simm.s32 @!p2 $0x0  }
0x1d: {  	s5 =	simm.s32 @p1 $0x1;
	p0 =	seq.s32 s7, s2  }
0x1e: {  	s7 =	smul.u32 @!p0 $0xF7A, s2;
	p2 =	seq.s32 @!p0 s5, $0x0  }
0x1f: {  	s9 =	smul.u32 $0xF7A, s1;
	s8 =	simm.s32 @!p0 $0x1BF5;
	p2 =	por !p2, p0  }
0x20: {  	[sflag:s8] =	ssyncset.s32 @!p0 $0xFFFFF086;
	s6 =	sadd.s32 @!p0 s3, s7;
	s7 =	simm.s32 @!p0 $0x108  }
0x21: {  	s3 =	sadd.s32 s3, s9;
	s6 =	sadd.s32 @!p0 $0x88, s6;
	s7 =	simm.s32 @p2 $0x1082  }
0x22: {  	[simem:s7], [sflag:s8] =	dma.local @!p0 [hbm:s6], $0xF7A  }
0x23: {  	s9 =	sor.u32 $0xD0000000, s2;
	s6 =	simm.s32 $0x108;
	_ =	swait.ge @!p0 [sflag:s8], $0x0  }
0x24: {  	s3 =	sadd.s32 $0x88, s3;
	s6 =	simm.s32 @!p1 $0x1082;
	[sflag:s4] =	ssyncset.s32 $0xFFFFF086  }
0x25: {  	[simem:s6], [sflag:s4] =	dma.local [hbm:s3], $0xF7A  }
0x26: {  	[smem:$0x3F9D] =	sst s1;
	(tag) =	ssettag s2;
	_ =	strace s9  }
0x27: {  	s1 =	sld [smem:$0x3FAD]  }
0x28: {  	s2 =	sld [smem:$0x3FAE]  }
0x29: {  	s4 =	sld [smem:$0x3FB0]  }
0x2a: {  	p0 =	seq.s32 s5, $0x0;
	s5 =	sld [smem:$0x3FB1]  }
0x2b: {  	s6 =	sld [smem:$0x3FB2]  }
0x2c: {  	s7 =	sld [smem:$0x3FB3]  }
0x2d: {  	s3 =	simm.s32 $0x108;
	s8 =	sld [smem:$0x3FB4]  }
0x2e: {  	s3 =	simm.s32 @!p0 $0x1082;
	s9 =	sld [smem:$0x3FB5]  }
0x2f: {  	lr =	sadd.s32 s0, s3;
	s0 =	sld [smem:$0x3FAC]  }
0x30: {  	s3 =	sld [smem:$0x3FAF]  }
0x31: {  	[smem:$0x3FB8] =	sst s10  }
0x32: {  	s10 =	sld [smem:$0x3FB6];
	_ =	sdelay $0x3  }
0x33: {  	p0 =	seq.s32 s10, $0x1;
	s10 =	sld [smem:$0x3FB8];
	_ =	sdelay $0x3  }
0x34: {  	[smem:$0x3FB8] =	sst s10  }
0x35: {  	s10 =	sld [smem:$0x3FB7];
	_ =	sdelay $0x3  }
0x36: {  	p1 =	seq.s32 s10, $0x1;
	s10 =	sld [smem:$0x3FB8];
	_ =	sdelay $0x3  }
0x37: {  	[smem:$0x3FB8] =	sst s10  }
0x38: {  	s10 =	sld [smem:$0x3FB9]  }
0x39: {  	_ = 	snop;
	(pc) =	sbr.ind lr, $3  }
0x3a: {  	_ = 	snop  }
0x3b: {  	_ = 	snop  }
0x3c: {  	p2 =	seq.s32 s10, $0x1;
	s10 =	sld [smem:$0x3FB8]  }
0x3d: {  	_ =	shalt  }
0x3e: {  	_ =	shalt  }
0x3f: {  	_ =	shalt  }
0x40: {  	_ =	shalt  }
0x41: {  	_ =	shalt  }
0x42: {  	_ =	shalt  }
0x43: {  	_ =	shalt  }
0x44: {  	_ =	shalt  }
0x45: {  	_ =	shalt  }
0x46: {  	_ =	shalt  }
0x47: {  	_ =	shalt  }
0x48: {  	_ =	shalt  }
0x49: {  	_ =	shalt  }
0x4a: {  	_ =	shalt  }
0x4b: {  	_ =	shalt  }
0x4c: {  	_ =	shalt  }
0x4d: {  	_ =	shalt  }
0x4e: {  	_ =	shalt  }
0x4f: {  	_ =	shalt  }
0x50: {  	_ =	shalt  }
0x51: {  	_ =	shalt  }
0x52: {  	_ =	shalt  }
0x53: {  	_ =	shalt  }
0x54: {  	_ =	shalt  }
0x55: {  	_ =	shalt  }
0x56: {  	_ =	shalt  }
0x57: {  	_ =	shalt  }
0x58: {  	_ =	shalt  }
0x59: {  	_ =	shalt  }
0x5a: {  	_ =	shalt  }
0x5b: {  	_ =	shalt  }
0x5c: {  	_ =	shalt  }
0x5d: {  	_ =	shalt  }
0x5e: {  	_ =	shalt  }
0x5f: {  	_ =	shalt  }
0x60: {  	_ =	shalt  }
0x61: {  	_ =	shalt  }
0x62: {  	_ =	shalt  }
0x63: {  	_ =	shalt  }
0x64: {  	_ =	shalt  }
0x65: {  	_ =	shalt  }
0x66: {  	_ =	shalt  }
0x67: {  	_ =	shalt  }
0x68: {  	_ =	shalt  }
0x69: {  	_ =	shalt  }
0x6a: {  	_ =	shalt  }
0x6b: {  	_ =	shalt  }
0x6c: {  	_ =	shalt  }
0x6d: {  	_ =	shalt  }
0x6e: {  	_ =	shalt  }
0x6f: {  	_ =	shalt  }
0x70: {  	_ =	shalt  }
0x71: {  	_ =	shalt  }
0x72: {  	_ =	shalt  }
0x73: {  	_ =	shalt  }
0x74: {  	_ =	shalt  }
0x75: {  	_ =	shalt  }
0x76: {  	_ =	shalt  }
0x77: {  	_ =	shalt  }
0x78: {  	_ =	shalt  }
0x79: {  	_ =	shalt  }
0x7a: {  	_ =	shalt  }
0x7b: {  	_ =	shalt  }
0x7c: {  	_ =	shalt  }
0x7d: {  	_ =	shalt  }
0x7e: {  	_ =	shalt  }
0x7f: {  	_ =	shalt  }
0x80: {  	_ =	shalt  }
0x81: {  	_ =	shalt  }
0x82: {  	_ =	shalt  }
0x83: {  	_ =	shalt  }
0x84: {  	_ =	shalt  }
0x85: {  	_ =	shalt  }
0x86: {  	_ =	shalt  }
0x87: {  	_ =	shalt  }
.Lfunc_end0:
.L_simem_size_0:
called_computation_lowered:
.L_overlay_start_0:
0x88: {  	s2 =	sld [smem:$0x3FD9]  }
0x89: {  	s3 =	sld [smem:$0x3FFE];
	_ =	sdelay $0x1  }
0x8a: {  	s1 =	srdreg.scid  }
0x8b: {  	s0 =	sand.u32 $0x1, s1  }
0x8c: {  	s18 =	sshll.u32 s0, $0xA;
	s2 =	sadd.s32 s3, s2  }
0x8d: {  	s2 =	sadd.s32 s2, s18  }
0x8e: {  	[smem:$0x3FC4] =	sst s2  }
0x8f: {  	_ = 	snop  }
0x90: {  	s2 =	sld [smem:$0x3FC9]  }
0x91: {  	s19 =	sld [smem:$0x3FC8]  }
0x92: {  	s4 =	sld [smem:$0x3FC7]  }
0x93: {  	s5 =	sld [smem:$0x3FC6]  }
0x94: {  	s6 =	sld [smem:$0x3FD0];
	(tm) =	ssettm $0x1  }
0x95: {  	s7 =	sld [smem:$0x3FFB];
	_ =	sdelay $0x3  }
0x96: {  	_ =	strace s7  }
0x97: {  	s7 =	sld [smem:$0x3FFC];
	_ =	sdelay $0x3  }
0x98: {  	_ =	strace s7  }
0x99: {  	s7 =	sld [smem:$0x3FFD];
	_ =	sdelay $0x3  }
0x9a: {  	_ =	strace s7  }
0x9b: {  	_ =	strace $0x8FFFFFFF  }
0x9c: {  	s20 =	sld [smem:$0x3FDB];
	_ =	sdelay $0x1  }
0x9d: {  	s8 =	simm.s32 $_scs_section_size  }
0x9e: {  	s9 =	simm.s32 $_size__tile_overlayer_lowered;
	s10 =	simm.s32 $_tile_overlayer_lowered  }
0x9f: {  	s23 =	simm.s32 $0x1BFF;
	s22 =	sshll.u32 s10, $0x1;
	s7 =	sadd.s32 s8, s20  }
0xa0: {  	s11 =	simm.s32 $0x0;
	s21 =	sshll.u32 s9, $0x1;
	s9 =	sadd.s32 s22, s7  }
0xa1: {  	[timem:s11], [sflag:s23] =	dma.local [hbm:s9], s21  }
0xa2: {  	_ =	swait.ge [sflag:s23], s21  }
0xa3: {  	s8 =	ssub.s32 $0x0, s21;
	[sflag:s23] =	ssyncset.done $0x0  }
0xa4: {  	[sflag:s23] =	ssyncadd.s32 s8;
	_ =	sdelay $0x1  }
0xa5: {  	s24 =	simm.s32 $0x1B8B  }
0xa6: {  	_ =	swait.ge [sflag:s24], $0x1  }
0xa7: {  	[sflag:s24] =	ssyncset.done $0x0  }
0xa8: {  	s25 =	simm.s32 $0x1B8E;
	[sflag:s24] =	ssyncadd.s32 $0xFFFFFFFF  }
0xa9: {  	s26 =	simm.s32 $execute0_lowered;
	[smem:$0x3FD2] =	sst s25  }
0xaa: {  	s8 =	sshll.u32 s26, $0x1;
	_ =	strace $0x80000046;
	[dreg:$0x1] =	wrdreg $0xFFFFFFFF  }
0xab: {  	s28 =	simm.s32 $_size_execute0_lowered;
	s7 =	sadd.s32 s7, s8;
	[dreg:$0x0] =	wrdreg $0x0  }
0xac: {  	s8 =	sshll.u32 s28, $0x1;
	[dreg:$0x2] =	wrdreg s7  }
0xad: {  	[dreg:$0x3] =	wrdreg s8  }
0xae: {  	[dreg:$0x4] =	wrdreg $0xC0  }
0xaf: {  	_ =	task [dreg:s11], $0x5FFFF  }
0xb0: {  	[dreg:$0x1] =	wrdreg $0xFFFFFFFF  }
0xb1: {  	[dreg:$0x0] =	wrdreg $0x60  }
0xb2: {  	[dreg:$0x2] =	wrdreg s2  }
0xb3: {  	[dreg:$0x3] =	wrdreg s19  }
0xb4: {  	[dreg:$0x4] =	wrdreg s4  }
0xb5: {  	[dreg:$0x5] =	wrdreg s5  }
0xb6: {  	[dreg:$0x6] =	wrdreg s6  }
0xb7: {  	[dreg:$0x7] =	wrdreg $0x9  }
0xb8: {  	_ =	task.clear_ibuf [dreg:s11], $0x8FFFF;
	_ =	strace $0x90000046  }
0xb9: {  	s29 =	simm.s32 $0x9;
	_ =	strace $0x80000048  }
0xba: {  	_ =	swait.ge [sflag:s29], $0x1  }
0xbb: {  	[sflag:s29] =	ssyncadd.s32 $0xFFFFFFFF  }
0xbc: {  	_ =	strace $0x90000048  }
0xbd: {  	_ =	sfence  }
0xbe: {  	s30 =	sld [smem:$0x0];
	_ =	sdelay $0x2  }
0xbf: {  	s31 =	sshll.u32 s1, $0xD;
	s1 =	sshrl.u32 s1, $0x2  }
0xc0: {  	s3 =	sand.u32 $0x4000, s31;
	s1 =	sadd.s32 s1, s30  }
0xc1: {  	s0 =	sor.u32 s3, s0;
	s1 =	sshll.u32 s1, $0x11  }
0xc2: {  	s0 =	sor.u32 s1, s0  }
0xc3: {  	s0 =	sadd.s32 $0x8F2B, s0  }
0xc4: {  	[sflag:s0] =	ssyncadd.remote.s32 $0x1  }
0xc5: {  	_ =	sfence.sel $0xFFFF  }
0xc6: {  	[dreg:$0x0] =	wrdreg $0xFFFFFFFF;
	(pc) =	sbr.abs _section_cstart, $3  }
0xc7: {  	[dreg:$0x1] =	wrdreg $0xFFFFFFFF  }
0xc8: {  	_ =	task.clear_ibuf [dreg:s11], $0x2FFFF;
	_ =	strace $0x9FFFFFFF  }
0xc9: {  	(tm) =	ssettm $0x7FFFFFFF  }
tec
execute0_lowered:
.L_overlay_start_1:
0x0: {  	(tag) =	ssettag $0x1  }
0x1: {  	s23 =	rddreg [dreg:$0x0]  }
0x2: {  	s24 =	rddreg [dreg:$0x1];
	v0 =	vlaneseq.u32  }
0x3: {  	s3 =	rddreg [dreg:$0x2];
	s8 =	simm.s32 $0x0;
	v20 =	vmul.u32 $0x19, v0  }
0x4: {  	[smem:$0x7FF] =	sst s8  }
0x5: {  	s9 =	rddreg [dreg:$0x3];
	_ =	strace $0x80000047;
	v22 =	vadd.s32 $0x1, v20;
	[tilespmem:$0x1FE70] =	vst v20  }
0x6: {  	v34 =	vadd.s32 $0x2, v20;
	[tilespmem:$0x1FE80] =	vst v22  }
0x7: {  	v46 =	vadd.s32 $0x3, v20;
	[tilespmem:$0x1FE90] =	vst v34  }
0x8: {  	v17 =	vadd.s32 $0x4, v20;
	[tilespmem:$0x1FEA0] =	vst v46  }
0x9: {  	v60 =	vadd.s32 $0x5, v20;
	[tilespmem:$0x1FEB0] =	vst v17  }
0xa: {  	v55 =	vadd.s32 $0x6, v20;
	[tilespmem:$0x1FEC0] =	vst v60  }
0xb: {  	v51 =	vadd.s32 $0x7, v20;
	[tilespmem:$0x1FED0] =	vst v55  }
0xc: {  	v48 =	vadd.s32 $0x8, v20;
	[tilespmem:$0x1FEE0] =	vst v51  }
0xd: {  	v44 =	vadd.s32 $0x9, v20;
	[tilespmem:$0x1FEF0] =	vst v48  }
0xe: {  	v37 =	vadd.s32 $0xA, v20;
	[tilespmem:$0x1FF00] =	vst v44  }
0xf: {  	v39 =	vadd.s32 $0xB, v20;
	[tilespmem:$0x1FF10] =	vst v37  }
0x10: {  	v23 =	vadd.s32 $0xC, v20;
	[tilespmem:$0x1FF20] =	vst v39  }
0x11: {  	s0 =	srdreg.scid;
	s2 =	stileid.u32;
	v36 =	vadd.s32 $0xD, v20;
	[tilespmem:$0x1FF30] =	vst v23  }
0x12: {  	s16 =	simm.s32 $0x80;
	s17 =	simm.s32 $0x400;
	s28 =	simm.s32 $0x4800;
	v24 =	vadd.s32 $0xE, v20;
	[tilespmem:$0x1FF40] =	vst v36  }
0x13: {  	s29 =	simm.s32 $0x4000;
	s30 =	simm.s32 $0x2;
	s31 =	simm.s32 $0x9000;
	v25 =	vadd.s32 $0xF, v20;
	[tilespmem:$0x1FF50] =	vst v24  }
0x14: {  	s0 =	sand.u32 $0x1, s0;
	s1 =	sshll.u32 s2, $0x6;
	s22 =	sshrl.u32 s2, $0x1;
	v41 =	vadd.s32 $0x10, v20;
	[tilespmem:$0x1FF60] =	vst v25  }
0x15: {  	s5 =	smov.u32 s3;
	s6 =	smov.u32 s9;
	s4 =	sshll.u32 s0, $0x5;
	v42 =	vadd.s32 $0x11, v20;
	[tilespmem:$0x1FF70] =	vst v41  }
0x16: {  	s2 =	simm.s32 $0x0;
	s0 =	ssub.s32 $0x2, s0;
	s7 =	sor.u32 s4, s1;
	v45 =	vadd.s32 $0x12, v20;
	[tilespmem:$0x1FF80] =	vst v42  }
0x17: {  	s13 =	sshll.u32 s22, $0x10;
	s14 =	smul.u32 $0x68000, s22;
	v61 =	vadd.s32 $0x13, v20;
	s20 =	sshll.u32 s7, $0x6;
	[tilespmem:$0x1FF90] =	vst v45  }
0x18: {  	s19 =	sshrl.u32 s0, $0x1;
	v62 =	vadd.s32 $0x15, v20;
	s1 =	sshrl.u32 s7, $0x3;
	[tilespmem:$0x1FFA0] =	vst v61;
	s21 =	sadd.s32 s24, s20  }
0x19: {  	v56 =	vadd.s32 $0x16, v20;
	s0 =	ssub.s32 s0, s19;
	[tilespmem:$0x1FFB0] =	vst v62;
	s25 =	sadd.s32 s3, s20;
	[dreg:$0x7] =	wrdreg s21  }
0x1a: {  	v52 =	vadd.s32 $0x17, v20;
	[tilespmem:$0x1FFC0] =	vst v56;
	s1 =	smul.u32 $0x3200, s1;
	s26 =	sadd.s32 s9, s20;
	[dreg:$0x8] =	wrdreg s25  }
0x1b: {  	s4 =	simm.s32 $0xA000;
	v49 =	vadd.s32 $0x18, v20;
	[tilespmem:$0x1FFD0] =	vst v52;
	s0 =	smax.u32 s0, $0x1;
	[dreg:$0x9] =	wrdreg s26  }
0x1c: {  	v19 =	vadd.s32 $0x14, v20;
	[tilespmem:$0x1FFE0] =	vst v49;
	[dreg:$0xa] =	wrdreg s0;
	s21 =	simm.s32 $0x5800;
	s1 =	sadd.s32 s23, s1  }
0x1d: {  	v1 =	vimm.f32 $0.0e+00;
	[tilespmem:$0x1FFF0] =	vst v19;
	s25 =	simm.s32 $0x1;
	s26 =	simm.s32 $0x3800;
	[dreg:$0x6] =	wrdreg s1  }
.LBB2_1:
0x1e: {  	[dreg:$0xb] =	wrdreg s2  }
0x1f: {  	s0 =	rddreg [dreg:$0x6]  }
0x20: {  	[tilespmem:s8], [sflag:$0x1] =	stream.strided.gather [hbm4b:s0+s16], $0x3200, s17, s16, $0x38;
	[tilespmem:$0xB000] =	vst v63  }
0x21: {  	s15 =	rddreg [dreg:$0x7];
	s1 =	simm.s32 $0x3200  }
0x22: {  	[tilespmem:s1], [sflag:$0x1] =	stream.strided.gather [hbm4b:s15+s16], $0x200, s17, s16, $0x38;
	[tilespmem:$0xB000] =	vst v63  }
0x23: {  	s18 =	rddreg [dreg:$0x8];
	s19 =	simm.s32 $0x3400  }
0x24: {  	[tilespmem:s19], [sflag:$0x1] =	stream.strided.gather [hbm4b:s18+s16], $0x200, s17, s16, $0x38;
	[tilespmem:$0xB000] =	vst v63  }
0x25: {  	s20 =	rddreg [dreg:$0x9];
	s22 =	simm.s32 $0x3600;
	s10 =	simm.s32 $0x0  }
0x26: {  	[tilespmem:s22], [sflag:$0x1] =	stream.strided.gather [hbm4b:s20+s16], $0x200, s17, s16, $0x38;
	[tilespmem:$0xB000] =	vst v63  }
.LBB2_2:
0x27: {  	s0 =	sshll.u32 s10, $0x1  }
0x28: {  	s11 =	sadd.s32 s7, s0  }
0x29: {  	s1 =	sshll.u32 s10, $0x8;
	s0 =	sshrl.u32 s11, $0x3  }
0x2a: {  	s12 =	sand.u32 $0x300, s1;
	s9 =	smul.u32 $0x19000, s0  }
0x2b: {  	s20 =	sor.u32 $0x80, s12  }
0x2c: {  	s18 =	sor.u32 s20, s9;
	s9 =	sand.u32 $0xF, s0  }
0x2d: {  	s1 =	sshrl.u32 s18, $0x3;
	s0 =	sshll.u32 s9, $0xC  }
0x2e: {  	s1 =	sadd.s32 s23, s1;
	s0 =	sor.u32 s13, s0  }
0x2f: {  	[tilespmem:s21], [sflag:$0x2] =	stream.strided.gather [hbm4b:s1+s16], $0x3200, s17, s16, $0x38;
	[tilespmem:$0xB000] =	vst v63  }
0x30: {  	s0 =	sor.u32 s20, s0  }
0x31: {  	s0 =	sshrl.u32 s0, $0x3  }
0x32: {  	s15 =	simm.s32 $0x8A00;
	s19 =	sadd.s32 s24, s0  }
0x33: {  	[tilespmem:s15], [sflag:$0x2] =	stream.strided.gather [hbm4b:s19+s16], $0x200, s17, s16, $0x38;
	[tilespmem:$0xB000] =	vst v63  }
0x34: {  	s2 =	smov.u32 s23;
	s23 =	simm.s32 $0x8C00;
	s22 =	sadd.s32 s5, s0  }
0x35: {  	[tilespmem:s23], [sflag:$0x2] =	stream.strided.gather [hbm4b:s22+s16], $0x200, s17, s16, $0x38;
	[tilespmem:$0xB000] =	vst v63  }
0x36: {  	s3 =	smov.u32 s24;
	s0 =	sadd.s32 s6, s0;
	s24 =	simm.s32 $0x8E00  }
0x37: {  	[tilespmem:s24], [sflag:$0x2] =	stream.strided.gather [hbm4b:s0+s16], $0x200, s17, s16, $0x38;
	[tilespmem:$0xB000] =	vst v63  }
0x38: {  	_ =	swait.ge [sflag:s25], $0x3200  }
0x39: {  	[sflag:s25] =	ssyncset.done $0x0  }
0x3a: {  	[sflag:s25] =	ssyncadd.s32 $0xFFFFCE00  }
0x3b: {  	_ =	swait.ge [sflag:s25], $0x200  }
0x3c: {  	[sflag:s25] =	ssyncset.done $0x0  }
0x3d: {  	[sflag:s25] =	ssyncadd.s32 $0xFFFFFE00  }
0x3e: {  	_ =	swait.ge [sflag:s25], $0x200  }
0x3f: {  	[sflag:s25] =	ssyncset.done $0x0  }
0x40: {  	[sflag:s25] =	ssyncadd.s32 $0xFFFFFE00  }
0x41: {  	_ =	swait.ge [sflag:s25], $0x200  }
0x42: {  	p0 =	seq.s32 s10, $0x0;
	[sflag:s25] =	ssyncset.done $0x0  }
0x43: {  	s0 =	simm.s32 @!p0 $0x3;
	[sflag:s25] =	ssyncadd.s32 $0xFFFFFE00  }
0x44: {  	_ =	swait.ge @!p0 [sflag:s0], $0xD00  }
0x45: {  	[sflag:s0] =	ssyncset.done @!p0 $0x0  }
0x46: {  	s1 =	simm.s32 $0x3820;
	[sflag:s0] =	ssyncadd.s32 @!p0 $0xFFFFF300  }
0x47: {  	[tilespmem:s1+$0xFFFFFFF0] =	vst v1  }
0x48: {  	[tilespmem:s1+$0xFFFFFFE0] =	vst v1  }
0x49: {  	[tilespmem:s1+$0x0] =	vst v1  }
0x4a: {  	s15 =	simm.s32 $0x4820;
	[tilespmem:s1+$0x10] =	vst v1  }
0x4b: {  	[tilespmem:s15+$0xFFFFFFE0] =	vst v1  }
0x4c: {  	s18 =	simm.s32 $0x3210;
	s19 =	simm.s32 $0x3410;
	[tilespmem:s15+$0x10] =	vst v1  }
0x4d: {  	s23 =	simm.s32 $0x0;
	s22 =	simm.s32 $0x190;
	s0 =	simm.s32 $0x3610;
	[tilespmem:s15+$0x0] =	vst v1  }
.LBB2_3:
0x4e: {  	s23 =	sadd.s32 $0x4, s23;
	[tilespmem:s15+$0xFFFFFFF0] =	vst v1;
	s1 =	sadd.s32 $0x40, s1;
	s15 =	sadd.s32 $0x40, s15  }
0x4f: {  	[tilespmem:s1+$0xFFFFFFF0] =	vst v1;
	p1 =	slt.u32 s23, $0xCC  }
0x50: {  	[tilespmem:s1+$0xFFFFFFE0] =	vst v1  }
.Ltmp0:
0x51: {  	[tilespmem:s15+$0xFFFFFFE0] =	vst v1;
	(pc) =	sbr.rel @p1 .LBB2_3-.Ltmp0, $4  }
0x52: {  	[tilespmem:s1+$0x0] =	vst v1  }
0x53: {  	[tilespmem:s1+$0x10] =	vst v1  }
0x54: {  	[tilespmem:s15+$0x10] =	vst v1  }
0x55: {  	[tilespmem:s15+$0x0] =	vst v1  }
0x56: {  	s1 =	simm.s32 $0x0  }
0x57: {  	v0 =	vadd.s32 s1, v20  }
0x58: {  	[tilespmem:s15+$0xFFFFFFF0] =	vst v1  }
0x59: {  	v4 =	vld [tilespmem:s0+$0xFFFFFFF0]  }
0x5a: {  	v6 =	vld [tilespmem:s18+$0xFFFFFFF0]  }
0x5b: {  	v1 =	vadd.s32 s22, v20;
	v5 =	vld [tilespmem:s19+$0xFFFFFFF0]  }
0x5c: {  	v0 =	vld.idx.msk [tilespmem:v0+s8+$0x0], $0xffff  }
0x5d: {  	v21 =	vld [tilespmem:s0+$0x0]  }
0x5e: {  	v32 =	vld [tilespmem:s18+$0x0]  }
0x5f: {  	v33 =	vld [tilespmem:s19+$0x0]  }
0x60: {  	v2 =	vadd.s32 s1, v22;
	v1 =	vld.idx.msk [tilespmem:v1+s8+$0x0], $0xffff  }
0x61: {  	v0 =	vmul.f32 v0, v4;
	_ =	sdelay $0x1  }
0x62: {  	[tilespmem:v6+s26+$0x0] =	vst.idx.add.f32.msk $0xffff, v0  }
0x63: {  	v3 =	vadd.s32 s22, v22;
	[tilespmem:v5+s28+$0x0] =	vst.idx.add.f32.msk $0xffff, v0  }
0x64: {  	v0 =	vmul.f32 v1, v21;
	v1 =	vld.idx.msk [tilespmem:v2+s8+$0x0], $0xffff;
	_ =	sdelay $0x1  }
0x65: {  	v2 =	vadd.s32 $0x80, v6;
	[tilespmem:v32+s26+$0x0] =	vst.idx.add.f32.msk $0xffff, v0  }
0x66: {  	[tilespmem:v33+s28+$0x0] =	vst.idx.add.f32.msk $0xffff, v0;
	v0 =	vadd.s32 $0x80, v5  }
0x67: {  	v7 =	vadd.s32 s1, v34;
	v3 =	vld.idx.msk [tilespmem:v3+s8+$0x0], $0xffff  }
0x68: {  	v1 =	vmul.f32 v1, v4  }
0x69: {  	v8 =	vadd.s32 $0x80, v32  }
0x6a: {  	v9 =	vadd.s32 $0x80, v33;
	[tilespmem:v2+s26+$0x0] =	vst.idx.add.f32.msk $0xffff, v1  }
0x6b: {  	v10 =	vadd.s32 s22, v34;
	[tilespmem:v0+s28+$0x0] =	vst.idx.add.f32.msk $0xffff, v1  }
0x6c: {  	v0 =	vmul.f32 v3, v21;
	v1 =	vld.idx.msk [tilespmem:v7+s8+$0x0], $0xffff;
	_ =	sdelay $0x1  }
0x6d: {  	v2 =	vadd.s32 $0x100, v6;
	[tilespmem:v8+s26+$0x0] =	vst.idx.add.f32.msk $0xffff, v0  }
0x6e: {  	[tilespmem:v9+s28+$0x0] =	vst.idx.add.f32.msk $0xffff, v0;
	v0 =	vadd.s32 $0x100, v5  }
0x6f: {  	v7 =	vadd.s32 s1, v46;
	v3 =	vld.idx.msk [tilespmem:v10+s8+$0x0], $0xffff  }
0x70: {  	v1 =	vmul.f32 v1, v4  }
0x71: {  	v8 =	vadd.s32 $0x100, v32  }
0x72: {  	v9 =	vadd.s32 $0x100, v33;
	[tilespmem:v2+s26+$0x0] =	vst.idx.add.f32.msk $0xffff, v1  }
0x73: {  	v10 =	vadd.s32 s22, v46;
	[tilespmem:v0+s28+$0x0] =	vst.idx.add.f32.msk $0xffff, v1  }
0x74: {  	v0 =	vmul.f32 v3, v21;
	v1 =	vld.idx.msk [tilespmem:v7+s8+$0x0], $0xffff;
	_ =	sdelay $0x1  }
0x75: {  	v2 =	vadd.s32 $0x180, v6;
	[tilespmem:v8+s26+$0x0] =	vst.idx.add.f32.msk $0xffff, v0  }
0x76: {  	[tilespmem:v9+s28+$0x0] =	vst.idx.add.f32.msk $0xffff, v0;
	v0 =	vadd.s32 $0x180, v5  }
0x77: {  	v7 =	vadd.s32 s1, v17;
	v3 =	vld.idx.msk [tilespmem:v10+s8+$0x0], $0xffff  }
0x78: {  	v1 =	vmul.f32 v1, v4  }
0x79: {  	v8 =	vadd.s32 $0x180, v32  }
0x7a: {  	v9 =	vadd.s32 $0x180, v33;
	[tilespmem:v2+s26+$0x0] =	vst.idx.add.f32.msk $0xffff, v1  }
0x7b: {  	v10 =	vadd.s32 s22, v17;
	[tilespmem:v0+s28+$0x0] =	vst.idx.add.f32.msk $0xffff, v1  }
0x7c: {  	v0 =	vmul.f32 v3, v21;
	v1 =	vld.idx.msk [tilespmem:v7+s8+$0x0], $0xffff;
	_ =	sdelay $0x1  }
0x7d: {  	v2 =	vadd.s32 $0x200, v6;
	[tilespmem:v8+s26+$0x0] =	vst.idx.add.f32.msk $0xffff, v0  }
0x7e: {  	[tilespmem:v9+s28+$0x0] =	vst.idx.add.f32.msk $0xffff, v0;
	v0 =	vadd.s32 $0x200, v5  }
0x7f: {  	v7 =	vadd.s32 s1, v60;
	v3 =	vld.idx.msk [tilespmem:v10+s8+$0x0], $0xffff  }
0x80: {  	v1 =	vmul.f32 v1, v4  }
0x81: {  	v8 =	vadd.s32 $0x200, v32  }
0x82: {  	v9 =	vadd.s32 $0x200, v33;
	[tilespmem:v2+s26+$0x0] =	vst.idx.add.f32.msk $0xffff, v1  }
0x83: {  	v10 =	vadd.s32 s22, v60;
	[tilespmem:v0+s28+$0x0] =	vst.idx.add.f32.msk $0xffff, v1  }
0x84: {  	v0 =	vmul.f32 v3, v21;
	v1 =	vld.idx.msk [tilespmem:v7+s8+$0x0], $0xffff;
	_ =	sdelay $0x1  }
0x85: {  	v2 =	vadd.s32 $0x280, v6;
	[tilespmem:v8+s26+$0x0] =	vst.idx.add.f32.msk $0xffff, v0  }
0x86: {  	[tilespmem:v9+s28+$0x0] =	vst.idx.add.f32.msk $0xffff, v0;
	v0 =	vadd.s32 $0x280, v5  }
0x87: {  	v7 =	vadd.s32 s1, v55;
	v3 =	vld.idx.msk [tilespmem:v10+s8+$0x0], $0xffff  }
0x88: {  	v1 =	vmul.f32 v1, v4  }
0x89: {  	v8 =	vadd.s32 $0x280, v32  }
0x8a: {  	v9 =	vadd.s32 $0x280, v33;
	[tilespmem:v2+s26+$0x0] =	vst.idx.add.f32.msk $0xffff, v1  }
0x8b: {  	v10 =	vadd.s32 s22, v55;
	[tilespmem:v0+s28+$0x0] =	vst.idx.add.f32.msk $0xffff, v1  }
0x8c: {  	v0 =	vmul.f32 v3, v21;
	v1 =	vld.idx.msk [tilespmem:v7+s8+$0x0], $0xffff;
	_ =	sdelay $0x1  }
0x8d: {  	v2 =	vadd.s32 $0x300, v6;
	[tilespmem:v8+s26+$0x0] =	vst.idx.add.f32.msk $0xffff, v0  }
0x8e: {  	[tilespmem:v9+s28+$0x0] =	vst.idx.add.f32.msk $0xffff, v0;
	v0 =	vadd.s32 $0x300, v5  }
0x8f: {  	v7 =	vadd.s32 s1, v51;
	v3 =	vld.idx.msk [tilespmem:v10+s8+$0x0], $0xffff  }
0x90: {  	v1 =	vmul.f32 v1, v4  }
0x91: {  	v8 =	vadd.s32 $0x300, v32  }
0x92: {  	v9 =	vadd.s32 $0x300, v33;
	[tilespmem:v2+s26+$0x0] =	vst.idx.add.f32.msk $0xffff, v1  }
0x93: {  	v10 =	vadd.s32 s22, v51;
	[tilespmem:v0+s28+$0x0] =	vst.idx.add.f32.msk $0xffff, v1  }
0x94: {  	v0 =	vmul.f32 v3, v21;
	v1 =	vld.idx.msk [tilespmem:v7+s8+$0x0], $0xffff;
	_ =	sdelay $0x1  }
0x95: {  	v2 =	vadd.s32 $0x380, v6;
	[tilespmem:v8+s26+$0x0] =	vst.idx.add.f32.msk $0xffff, v0  }
0x96: {  	[tilespmem:v9+s28+$0x0] =	vst.idx.add.f32.msk $0xffff, v0;
	v0 =	vadd.s32 $0x380, v5  }
0x97: {  	v7 =	vadd.s32 s1, v48;
	v3 =	vld.idx.msk [tilespmem:v10+s8+$0x0], $0xffff  }
0x98: {  	v1 =	vmul.f32 v1, v4  }
0x99: {  	v8 =	vadd.s32 $0x380, v32  }
0x9a: {  	v9 =	vadd.s32 $0x380, v33;
	[tilespmem:v2+s26+$0x0] =	vst.idx.add.f32.msk $0xffff, v1  }
0x9b: {  	v10 =	vadd.s32 s22, v48;
	[tilespmem:v0+s28+$0x0] =	vst.idx.add.f32.msk $0xffff, v1  }
0x9c: {  	v0 =	vmul.f32 v3, v21;
	v1 =	vld.idx.msk [tilespmem:v7+s8+$0x0], $0xffff;
	_ =	sdelay $0x1  }
0x9d: {  	v2 =	vadd.s32 $0x400, v6;
	[tilespmem:v8+s26+$0x0] =	vst.idx.add.f32.msk $0xffff, v0  }
0x9e: {  	[tilespmem:v9+s28+$0x0] =	vst.idx.add.f32.msk $0xffff, v0;
	v0 =	vadd.s32 $0x400, v5  }
0x9f: {  	v7 =	vadd.s32 s1, v44;
	v3 =	vld.idx.msk [tilespmem:v10+s8+$0x0], $0xffff  }
0xa0: {  	v1 =	vmul.f32 v1, v4  }
0xa1: {  	v8 =	vadd.s32 $0x400, v32  }
0xa2: {  	v9 =	vadd.s32 $0x400, v33;
	[tilespmem:v2+s26+$0x0] =	vst.idx.add.f32.msk $0xffff, v1  }
0xa3: {  	v10 =	vadd.s32 s22, v44;
	[tilespmem:v0+s28+$0x0] =	vst.idx.add.f32.msk $0xffff, v1  }
0xa4: {  	v0 =	vmul.f32 v3, v21;
	v1 =	vld.idx.msk [tilespmem:v7+s8+$0x0], $0xffff;
	_ =	sdelay $0x1  }
0xa5: {  	v2 =	vadd.s32 $0x480, v6;
	[tilespmem:v8+s26+$0x0] =	vst.idx.add.f32.msk $0xffff, v0  }
0xa6: {  	[tilespmem:v9+s28+$0x0] =	vst.idx.add.f32.msk $0xffff, v0;
	v0 =	vadd.s32 $0x480, v5  }
0xa7: {  	v7 =	vadd.s32 s1, v37;
	v3 =	vld.idx.msk [tilespmem:v10+s8+$0x0], $0xffff  }
0xa8: {  	v1 =	vmul.f32 v1, v4  }
0xa9: {  	v8 =	vadd.s32 $0x480, v32  }
0xaa: {  	v9 =	vadd.s32 $0x480, v33;
	[tilespmem:v2+s26+$0x0] =	vst.idx.add.f32.msk $0xffff, v1  }
0xab: {  	v10 =	vadd.s32 s22, v37;
	[tilespmem:v0+s28+$0x0] =	vst.idx.add.f32.msk $0xffff, v1  }
0xac: {  	v0 =	vmul.f32 v3, v21;
	v1 =	vld.idx.msk [tilespmem:v7+s8+$0x0], $0xffff;
	_ =	sdelay $0x1  }
0xad: {  	v2 =	vadd.s32 $0x500, v6;
	[tilespmem:v8+s26+$0x0] =	vst.idx.add.f32.msk $0xffff, v0  }
0xae: {  	[tilespmem:v9+s28+$0x0] =	vst.idx.add.f32.msk $0xffff, v0;
	v0 =	vadd.s32 $0x500, v5  }
0xaf: {  	v7 =	vadd.s32 s1, v39;
	v3 =	vld.idx.msk [tilespmem:v10+s8+$0x0], $0xffff  }
0xb0: {  	v1 =	vmul.f32 v1, v4  }
0xb1: {  	v8 =	vadd.s32 $0x500, v32  }
0xb2: {  	v9 =	vadd.s32 $0x500, v33;
	[tilespmem:v2+s26+$0x0] =	vst.idx.add.f32.msk $0xffff, v1  }
0xb3: {  	v10 =	vadd.s32 s22, v39;
	[tilespmem:v0+s28+$0x0] =	vst.idx.add.f32.msk $0xffff, v1  }
0xb4: {  	v0 =	vmul.f32 v3, v21;
	v1 =	vld.idx.msk [tilespmem:v7+s8+$0x0], $0xffff;
	_ =	sdelay $0x1  }
0xb5: {  	v2 =	vadd.s32 $0x580, v6;
	[tilespmem:v8+s26+$0x0] =	vst.idx.add.f32.msk $0xffff, v0  }
0xb6: {  	[tilespmem:v9+s28+$0x0] =	vst.idx.add.f32.msk $0xffff, v0;
	v0 =	vadd.s32 $0x580, v5  }
0xb7: {  	v7 =	vadd.s32 s1, v23;
	v3 =	vld.idx.msk [tilespmem:v10+s8+$0x0], $0xffff  }
0xb8: {  	v1 =	vmul.f32 v1, v4  }
0xb9: {  	v8 =	vadd.s32 $0x580, v32  }
0xba: {  	v9 =	vadd.s32 $0x580, v33;
	[tilespmem:v2+s26+$0x0] =	vst.idx.add.f32.msk $0xffff, v1  }
0xbb: {  	v10 =	vadd.s32 s22, v23;
	[tilespmem:v0+s28+$0x0] =	vst.idx.add.f32.msk $0xffff, v1  }
0xbc: {  	v0 =	vmul.f32 v3, v21;
	v1 =	vld.idx.msk [tilespmem:v7+s8+$0x0], $0xffff;
	_ =	sdelay $0x1  }
0xbd: {  	v2 =	vadd.s32 $0x600, v6;
	[tilespmem:v8+s26+$0x0] =	vst.idx.add.f32.msk $0xffff, v0  }
0xbe: {  	[tilespmem:v9+s28+$0x0] =	vst.idx.add.f32.msk $0xffff, v0;
	v0 =	vadd.s32 $0x600, v5  }
0xbf: {  	v7 =	vadd.s32 s1, v36;
	v3 =	vld.idx.msk [tilespmem:v10+s8+$0x0], $0xffff  }
0xc0: {  	v1 =	vmul.f32 v1, v4  }
0xc1: {  	v8 =	vadd.s32 $0x600, v32  }
0xc2: {  	v9 =	vadd.s32 $0x600, v33;
	[tilespmem:v2+s26+$0x0] =	vst.idx.add.f32.msk $0xffff, v1  }
0xc3: {  	v10 =	vadd.s32 s22, v36;
	[tilespmem:v0+s28+$0x0] =	vst.idx.add.f32.msk $0xffff, v1  }
0xc4: {  	v0 =	vmul.f32 v3, v21;
	v1 =	vld.idx.msk [tilespmem:v7+s8+$0x0], $0xffff;
	_ =	sdelay $0x1  }
0xc5: {  	v2 =	vadd.s32 $0x680, v6;
	[tilespmem:v8+s26+$0x0] =	vst.idx.add.f32.msk $0xffff, v0  }
0xc6: {  	[tilespmem:v9+s28+$0x0] =	vst.idx.add.f32.msk $0xffff, v0;
	v0 =	vadd.s32 $0x680, v5  }
0xc7: {  	v7 =	vadd.s32 s1, v24;
	v3 =	vld.idx.msk [tilespmem:v10+s8+$0x0], $0xffff  }
0xc8: {  	v1 =	vmul.f32 v1, v4  }
0xc9: {  	v8 =	vadd.s32 $0x680, v32  }
0xca: {  	v9 =	vadd.s32 $0x680, v33;
	[tilespmem:v2+s26+$0x0] =	vst.idx.add.f32.msk $0xffff, v1  }
0xcb: {  	v10 =	vadd.s32 s22, v24;
	[tilespmem:v0+s28+$0x0] =	vst.idx.add.f32.msk $0xffff, v1  }
0xcc: {  	v0 =	vmul.f32 v3, v21;
	v1 =	vld.idx.msk [tilespmem:v7+s8+$0x0], $0xffff;
	_ =	sdelay $0x1  }
0xcd: {  	v2 =	vadd.s32 $0x700, v6;
	[tilespmem:v8+s26+$0x0] =	vst.idx.add.f32.msk $0xffff, v0  }
0xce: {  	[tilespmem:v9+s28+$0x0] =	vst.idx.add.f32.msk $0xffff, v0;
	v0 =	vadd.s32 $0x700, v5  }
0xcf: {  	s15 =	simm.s32 $0x3630;
	v7 =	vadd.s32 s1, v25;
	v3 =	vld.idx.msk [tilespmem:v10+s8+$0x0], $0xffff  }
0xd0: {  	s18 =	simm.s32 $0x3230;
	v27 =	vld [tilespmem:s15+$0x0];
	v1 =	vmul.f32 v1, v4  }
0xd1: {  	v35 =	vld [tilespmem:s18+$0x0];
	v8 =	vadd.s32 $0x700, v32  }
0xd2: {  	[tilespmem:v2+s26+$0x0] =	vst.idx.add.f32.msk $0xffff, v1  }
0xd3: {  	v9 =	vadd.s32 $0x700, v33;
	[tilespmem:v0+s28+$0x0] =	vst.idx.add.f32.msk $0xffff, v1  }
0xd4: {  	s24 =	simm.s32 $0x320;
	v0 =	vmul.f32 v3, v21;
	v1 =	vld.idx.msk [tilespmem:v7+s8+$0x0], $0xffff  }
0xd5: {  	v2 =	vld [tilespmem:s18+$0xFFFFFFF0];
	v7 =	vadd.s32 s24, v20  }
0xd6: {  	s23 =	simm.s32 $0x4B0;
	s19 =	simm.s32 $0x3430;
	[tilespmem:v8+s26+$0x0] =	vst.idx.add.f32.msk $0xffff, v0;
	v8 =	vadd.s32 $0x780, v6  }
0xd7: {  	v11 =	vadd.s32 s23, v20;
	v3 =	vld [tilespmem:s19+$0xFFFFFFF0]  }
0xd8: {  	[tilespmem:v9+s28+$0x0] =	vst.idx.add.f32.msk $0xffff, v0;
	v9 =	vadd.s32 $0x780, v5  }
0xd9: {  	v10 =	vadd.s32 s1, v41;
	v0 =	vld [tilespmem:s15+$0xFFFFFFF0];
	v1 =	vmul.f32 v1, v4  }
0xda: {  	v7 =	vld.idx.msk [tilespmem:v7+s8+$0x0], $0xffff  }
0xdb: {  	[tilespmem:v8+s26+$0x0] =	vst.idx.add.f32.msk $0xffff, v1  }
0xdc: {  	v8 =	vld.idx.msk [tilespmem:v11+s8+$0x0], $0xffff  }
0xdd: {  	[tilespmem:v9+s28+$0x0] =	vst.idx.add.f32.msk $0xffff, v1  }
0xde: {  	v9 =	vadd.s32 s24, v22;
	v1 =	vld.idx.msk [tilespmem:v10+s8+$0x0], $0xffff  }
0xdf: {  	v40 =	vld [tilespmem:s19+$0x0];
	s18 =	simm.s32 $0x3250;
	v7 =	vmul.f32 v7, v0  }
0xe0: {  	v29 =	vld [tilespmem:s18+$0xFFFFFFF0];
	v10 =	vadd.s32 $0x800, v6  }
0xe1: {  	v11 =	vadd.s32 $0x800, v5;
	[tilespmem:v2+s26+$0x0] =	vst.idx.add.f32.msk $0xffff, v7  }
0xe2: {  	v12 =	vadd.s32 s1, v42;
	v8 =	vmul.f32 v8, v27;
	[tilespmem:v3+s28+$0x0] =	vst.idx.add.f32.msk $0xffff, v7  }
0xe3: {  	v1 =	vmul.f32 v1, v4;
	v7 =	vld.idx.msk [tilespmem:v9+s8+$0x0], $0xffff  }
0xe4: {  	v9 =	vadd.s32 s23, v22;
	[tilespmem:v35+s26+$0x0] =	vst.idx.add.f32.msk $0xffff, v8  }
0xe5: {  	[tilespmem:v10+s26+$0x0] =	vst.idx.add.f32.msk $0xffff, v1;
	v10 =	vadd.s32 s22, v25  }
0xe6: {  	[tilespmem:v11+s28+$0x0] =	vst.idx.add.f32.msk $0xffff, v1;
	v1 =	vadd.s32 $0x80, v2  }
0xe7: {  	v11 =	vld.idx.msk [tilespmem:v12+s8+$0x0], $0xffff;
	v12 =	vadd.s32 $0x80, v3  }
0xe8: {  	v13 =	vadd.s32 s24, v34;
	[tilespmem:v40+s28+$0x0] =	vst.idx.add.f32.msk $0xffff, v8  }
0xe9: {  	v7 =	vmul.f32 v7, v0;
	v8 =	vld.idx.msk [tilespmem:v9+s8+$0x0], $0xffff;
	v9 =	vadd.s32 $0x880, v6  }
0xea: {  	v14 =	vadd.s32 $0x880, v5;
	v10 =	vld.idx.msk [tilespmem:v10+s8+$0x0], $0xffff  }
0xeb: {  	v15 =	vadd.s32 $0x80, v35;
	[tilespmem:v1+s26+$0x0] =	vst.idx.add.f32.msk $0xffff, v7  }
0xec: {  	v1 =	vadd.s32 s1, v45;
	[tilespmem:v12+s28+$0x0] =	vst.idx.add.f32.msk $0xffff, v7;
	v7 =	vmul.f32 v11, v4  }
0xed: {  	v11 =	vadd.s32 $0x80, v40;
	v12 =	vld.idx.msk [tilespmem:v13+s8+$0x0], $0xffff  }
0xee: {  	v13 =	vadd.s32 s23, v34;
	v8 =	vmul.f32 v8, v27;
	[tilespmem:v9+s26+$0x0] =	vst.idx.add.f32.msk $0xffff, v7  }
0xef: {  	v9 =	vadd.s32 $0x780, v32;
	[tilespmem:v14+s28+$0x0] =	vst.idx.add.f32.msk $0xffff, v7  }
0xf0: {  	v7 =	vadd.s32 $0x100, v2;
	[tilespmem:v15+s26+$0x0] =	vst.idx.add.f32.msk $0xffff, v8  }
0xf1: {  	v14 =	vadd.s32 $0x100, v3;
	v1 =	vld.idx.msk [tilespmem:v1+s8+$0x0], $0xffff  }
0xf2: {  	v10 =	vmul.f32 v10, v21;
	v15 =	vadd.s32 s24, v46;
	[tilespmem:v11+s28+$0x0] =	vst.idx.add.f32.msk $0xffff, v8  }
0xf3: {  	v8 =	vmul.f32 v12, v0;
	v11 =	vld.idx.msk [tilespmem:v13+s8+$0x0], $0xffff;
	v12 =	vadd.s32 $0x900, v6  }
0xf4: {  	v13 =	vadd.s32 $0x900, v5;
	[tilespmem:v9+s26+$0x0] =	vst.idx.add.f32.msk $0xffff, v10  }
0xf5: {  	[tilespmem:v7+s26+$0x0] =	vst.idx.add.f32.msk $0xffff, v8;
	v7 =	vadd.s32 s1, v61  }
0xf6: {  	v9 =	vadd.s32 $0x100, v35;
	[tilespmem:v14+s28+$0x0] =	vst.idx.add.f32.msk $0xffff, v8;
	v1 =	vmul.f32 v1, v4  }
0xf7: {  	v8 =	vadd.s32 $0x100, v40;
	v14 =	vld.idx.msk [tilespmem:v15+s8+$0x0], $0xffff  }
0xf8: {  	v15 =	vadd.s32 s23, v46;
	[tilespmem:v12+s26+$0x0] =	vst.idx.add.f32.msk $0xffff, v1  }
0xf9: {  	v12 =	vadd.s32 $0x780, v33;
	v11 =	vmul.f32 v11, v27;
	[tilespmem:v13+s28+$0x0] =	vst.idx.add.f32.msk $0xffff, v1  }
0xfa: {  	v1 =	vadd.s32 $0x180, v2;
	v7 =	vld.idx.msk [tilespmem:v7+s8+$0x0], $0xffff  }
0xfb: {  	v13 =	vadd.s32 $0x180, v3;
	[tilespmem:v9+s26+$0x0] =	vst.idx.add.f32.msk $0xffff, v11  }
0xfc: {  	v9 =	vadd.s32 s24, v17;
	[tilespmem:v8+s28+$0x0] =	vst.idx.add.f32.msk $0xffff, v11  }
0xfd: {  	v8 =	vmul.f32 v14, v0;
	v11 =	vld.idx.msk [tilespmem:v15+s8+$0x0], $0xffff;
	v14 =	vadd.s32 $0x980, v6  }
0xfe: {  	v15 =	vadd.s32 $0x980, v5;
	[tilespmem:v12+s28+$0x0] =	vst.idx.add.f32.msk $0xffff, v10  }
0xff: {  	[tilespmem:v1+s26+$0x0] =	vst.idx.add.f32.msk $0xffff, v8;
	v1 =	vadd.s32 s1, v19  }
0x100: {  	v10 =	vadd.s32 $0x180, v35;
	[tilespmem:v13+s28+$0x0] =	vst.idx.add.f32.msk $0xffff, v8;
	v7 =	vmul.f32 v7, v4  }
0x101: {  	v8 =	vadd.s32 $0x180, v40;
	v9 =	vld.idx.msk [tilespmem:v9+s8+$0x0], $0xffff  }
0x102: {  	v13 =	vadd.s32 s22, v41;
	[tilespmem:v14+s26+$0x0] =	vst.idx.add.f32.msk $0xffff, v7  }
0x103: {  	v12 =	vadd.s32 s23, v17;
	v11 =	vmul.f32 v11, v27;
	[tilespmem:v15+s28+$0x0] =	vst.idx.add.f32.msk $0xffff, v7  }
0x104: {  	v7 =	vadd.s32 $0x200, v2;
	v1 =	vld.idx.msk [tilespmem:v1+s8+$0x0], $0xffff  }
0x105: {  	v14 =	vadd.s32 $0x200, v3;
	[tilespmem:v10+s26+$0x0] =	vst.idx.add.f32.msk $0xffff, v11  }
0x106: {  	v10 =	vadd.s32 s24, v60;
	[tilespmem:v8+s28+$0x0] =	vst.idx.add.f32.msk $0xffff, v11  }
0x107: {  	v11 =	vadd.s32 $0xA00, v6;
	v13 =	vld.idx.msk [tilespmem:v13+s8+$0x0], $0xffff;
	v8 =	vmul.f32 v9, v0  }
0x108: {  	v9 =	vld.idx.msk [tilespmem:v12+s8+$0x0], $0xffff;
	v12 =	vadd.s32 $0xA00, v5  }
0x109: {  	[tilespmem:v7+s26+$0x0] =	vst.idx.add.f32.msk $0xffff, v8;
	v7 =	vadd.s32 s1, v62  }
0x10a: {  	v15 =	vadd.s32 $0x200, v35;
	[tilespmem:v14+s28+$0x0] =	vst.idx.add.f32.msk $0xffff, v8;
	v1 =	vmul.f32 v1, v4  }
0x10b: {  	v8 =	vadd.s32 $0x200, v40;
	v10 =	vld.idx.msk [tilespmem:v10+s8+$0x0], $0xffff  }
0x10c: {  	v14 =	vadd.s32 s23, v60;
	[tilespmem:v11+s26+$0x0] =	vst.idx.add.f32.msk $0xffff, v1  }
0x10d: {  	v11 =	vadd.s32 $0x800, v32;
	v9 =	vmul.f32 v9, v27;
	[tilespmem:v12+s28+$0x0] =	vst.idx.add.f32.msk $0xffff, v1  }
0x10e: {  	v1 =	vadd.s32 $0x280, v2;
	v7 =	vld.idx.msk [tilespmem:v7+s8+$0x0], $0xffff  }
0x10f: {  	v12 =	vadd.s32 $0x280, v3;
	[tilespmem:v15+s26+$0x0] =	vst.idx.add.f32.msk $0xffff, v9  }
0x110: {  	v13 =	vmul.f32 v13, v21;
	v15 =	vadd.s32 s24, v55;
	[tilespmem:v8+s28+$0x0] =	vst.idx.add.f32.msk $0xffff, v9  }
0x111: {  	v8 =	vmul.f32 v10, v0;
	v9 =	vld.idx.msk [tilespmem:v14+s8+$0x0], $0xffff;
	v10 =	vadd.s32 $0xA80, v6  }
0x112: {  	v14 =	vadd.s32 $0xA80, v5;
	[tilespmem:v11+s26+$0x0] =	vst.idx.add.f32.msk $0xffff, v13  }
0x113: {  	[tilespmem:v1+s26+$0x0] =	vst.idx.add.f32.msk $0xffff, v8;
	v1 =	vadd.s32 s1, v56  }
0x114: {  	v11 =	vadd.s32 $0x280, v35;
	[tilespmem:v12+s28+$0x0] =	vst.idx.add.f32.msk $0xffff, v8;
	v7 =	vmul.f32 v7, v4  }
0x115: {  	v8 =	vadd.s32 $0x280, v40;
	v12 =	vld.idx.msk [tilespmem:v15+s8+$0x0], $0xffff  }
0x116: {  	v15 =	vadd.s32 s23, v55;
	[tilespmem:v10+s26+$0x0] =	vst.idx.add.f32.msk $0xffff, v7  }
0x117: {  	v10 =	vadd.s32 $0x800, v33;
	v9 =	vmul.f32 v9, v27;
	[tilespmem:v14+s28+$0x0] =	vst.idx.add.f32.msk $0xffff, v7  }
0x118: {  	v7 =	vadd.s32 $0x300, v2;
	v1 =	vld.idx.msk [tilespmem:v1+s8+$0x0], $0xffff  }
0x119: {  	v14 =	vadd.s32 $0x300, v3;
	[tilespmem:v11+s26+$0x0] =	vst.idx.add.f32.msk $0xffff, v9  }
0x11a: {  	v11 =	vadd.s32 s24, v51;
	[tilespmem:v8+s28+$0x0] =	vst.idx.add.f32.msk $0xffff, v9  }
0x11b: {  	v8 =	vmul.f32 v12, v0;
	v9 =	vld.idx.msk [tilespmem:v15+s8+$0x0], $0xffff;
	v12 =	vadd.s32 $0xB00, v6  }
0x11c: {  	v15 =	vadd.s32 $0xB00, v5;
	[tilespmem:v10+s28+$0x0] =	vst.idx.add.f32.msk $0xffff, v13  }
0x11d: {  	[tilespmem:v7+s26+$0x0] =	vst.idx.add.f32.msk $0xffff, v8;
	v7 =	vadd.s32 s1, v52  }
0x11e: {  	v10 =	vadd.s32 $0x300, v35;
	[tilespmem:v14+s28+$0x0] =	vst.idx.add.f32.msk $0xffff, v8;
	v1 =	vmul.f32 v1, v4  }
0x11f: {  	v8 =	vadd.s32 $0x300, v40;
	v11 =	vld.idx.msk [tilespmem:v11+s8+$0x0], $0xffff  }
0x120: {  	v13 =	vadd.s32 s23, v51;
	[tilespmem:v12+s26+$0x0] =	vst.idx.add.f32.msk $0xffff, v1  }
0x121: {  	v12 =	vadd.s32 s22, v42;
	v9 =	vmul.f32 v9, v27;
	[tilespmem:v15+s28+$0x0] =	vst.idx.add.f32.msk $0xffff, v1  }
0x122: {  	v1 =	vadd.s32 $0x380, v2;
	v7 =	vld.idx.msk [tilespmem:v7+s8+$0x0], $0xffff  }
0x123: {  	v14 =	vadd.s32 $0x380, v3;
	[tilespmem:v10+s26+$0x0] =	vst.idx.add.f32.msk $0xffff, v9  }
0x124: {  	v10 =	vadd.s32 s24, v48;
	[tilespmem:v8+s28+$0x0] =	vst.idx.add.f32.msk $0xffff, v9  }
0x125: {  	v8 =	vmul.f32 v11, v0;
	v9 =	vld.idx.msk [tilespmem:v13+s8+$0x0], $0xffff;
	v11 =	vadd.s32 $0xB80, v6  }
0x126: {  	v13 =	vadd.s32 $0xB80, v5;
	v12 =	vld.idx.msk [tilespmem:v12+s8+$0x0], $0xffff  }
0x127: {  	[tilespmem:v1+s26+$0x0] =	vst.idx.add.f32.msk $0xffff, v8;
	v1 =	vadd.s32 s1, v49  }
0x128: {  	v15 =	vadd.s32 $0x380, v35;
	[tilespmem:v14+s28+$0x0] =	vst.idx.add.f32.msk $0xffff, v8;
	v7 =	vmul.f32 v7, v4  }
0x129: {  	v8 =	vadd.s32 $0x380, v40;
	v10 =	vld.idx.msk [tilespmem:v10+s8+$0x0], $0xffff  }
0x12a: {  	v14 =	vadd.s32 s23, v48;
	[tilespmem:v11+s26+$0x0] =	vst.idx.add.f32.msk $0xffff, v7  }
0x12b: {  	v11 =	vadd.s32 $0x880, v32;
	v9 =	vmul.f32 v9, v27;
	[tilespmem:v13+s28+$0x0] =	vst.idx.add.f32.msk $0xffff, v7  }
0x12c: {  	v7 =	vadd.s32 $0x400, v2;
	v1 =	vld.idx.msk [tilespmem:v1+s8+$0x0], $0xffff  }
0x12d: {  	v13 =	vadd.s32 $0x400, v3;
	[tilespmem:v15+s26+$0x0] =	vst.idx.add.f32.msk $0xffff, v9  }
0x12e: {  	v12 =	vmul.f32 v12, v21;
	v15 =	vadd.s32 s24, v44;
	[tilespmem:v8+s28+$0x0] =	vst.idx.add.f32.msk $0xffff, v9  }
0x12f: {  	v8 =	vmul.f32 v10, v0;
	v9 =	vld.idx.msk [tilespmem:v14+s8+$0x0], $0xffff;
	v10 =	vadd.s32 $0xC00, v6  }
0x130: {  	v14 =	vadd.s32 $0xC00, v5;
	[tilespmem:v11+s26+$0x0] =	vst.idx.add.f32.msk $0xffff, v12  }
0x131: {  	v6 =	vadd.s32 $0xC80, v6;
	[tilespmem:v7+s26+$0x0] =	vst.idx.add.f32.msk $0xffff, v8  }
0x132: {  	v7 =	vadd.s32 $0x400, v35;
	[tilespmem:v13+s28+$0x0] =	vst.idx.add.f32.msk $0xffff, v8;
	v1 =	vmul.f32 v1, v4  }
0x133: {  	v8 =	vadd.s32 $0x400, v40;
	v11 =	vld.idx.msk [tilespmem:v15+s8+$0x0], $0xffff  }
0x134: {  	v13 =	vadd.s32 s23, v44;
	[tilespmem:v10+s26+$0x0] =	vst.idx.add.f32.msk $0xffff, v1  }
0x135: {  	v5 =	vadd.s32 $0xC80, v5;
	v9 =	vmul.f32 v9, v27;
	[tilespmem:v14+s28+$0x0] =	vst.idx.add.f32.msk $0xffff, v1  }
0x136: {  	v1 =	vadd.s32 $0x880, v33;
	[tilespmem:v6+s26+$0x0] =	vst.idx.add.f32.msk $0xffff, v4  }
0x137: {  	v6 =	vadd.s32 s22, v45;
	[tilespmem:v7+s26+$0x0] =	vst.idx.add.f32.msk $0xffff, v9  }
0x138: {  	v7 =	vadd.s32 $0x480, v2;
	[tilespmem:v8+s28+$0x0] =	vst.idx.add.f32.msk $0xffff, v9  }
0x139: {  	v8 =	vadd.s32 $0x480, v3;
	v9 =	vld.idx.msk [tilespmem:v13+s8+$0x0], $0xffff  }
0x13a: {  	[tilespmem:v5+s28+$0x0] =	vst.idx.add.f32.msk $0xffff, v4;
	v4 =	vadd.s32 s24, v37  }
0x13b: {  	v5 =	vadd.s32 $0x480, v35;
	[tilespmem:v1+s28+$0x0] =	vst.idx.add.f32.msk $0xffff, v12;
	v1 =	vmul.f32 v11, v0  }
0x13c: {  	v10 =	vadd.s32 $0x480, v40;
	v6 =	vld.idx.msk [tilespmem:v6+s8+$0x0], $0xffff  }
0x13d: {  	v11 =	vadd.s32 s23, v37;
	[tilespmem:v7+s26+$0x0] =	vst.idx.add.f32.msk $0xffff, v1  }
0x13e: {  	v7 =	vadd.s32 $0x900, v32;
	[tilespmem:v8+s28+$0x0] =	vst.idx.add.f32.msk $0xffff, v1;
	v1 =	vmul.f32 v9, v27  }
0x13f: {  	v8 =	vadd.s32 $0x900, v33;
	v4 =	vld.idx.msk [tilespmem:v4+s8+$0x0], $0xffff  }
0x140: {  	v9 =	vadd.s32 s22, v61;
	[tilespmem:v5+s26+$0x0] =	vst.idx.add.f32.msk $0xffff, v1  }
0x141: {  	v5 =	vmul.f32 v6, v21;
	v6 =	vadd.s32 $0x500, v2;
	[tilespmem:v10+s28+$0x0] =	vst.idx.add.f32.msk $0xffff, v1  }
0x142: {  	v1 =	vadd.s32 $0x500, v3;
	v10 =	vld.idx.msk [tilespmem:v11+s8+$0x0], $0xffff  }
0x143: {  	v11 =	vadd.s32 s24, v39;
	[tilespmem:v7+s26+$0x0] =	vst.idx.add.f32.msk $0xffff, v5  }
0x144: {  	v7 =	vadd.s32 $0x500, v35;
	v4 =	vmul.f32 v4, v0;
	[tilespmem:v8+s28+$0x0] =	vst.idx.add.f32.msk $0xffff, v5  }
0x145: {  	v5 =	vadd.s32 $0x500, v40;
	v8 =	vld.idx.msk [tilespmem:v9+s8+$0x0], $0xffff  }
0x146: {  	v9 =	vadd.s32 s23, v39;
	[tilespmem:v6+s26+$0x0] =	vst.idx.add.f32.msk $0xffff, v4  }
0x147: {  	v6 =	vadd.s32 $0x980, v32;
	[tilespmem:v1+s28+$0x0] =	vst.idx.add.f32.msk $0xffff, v4;
	v1 =	vmul.f32 v10, v27  }
0x148: {  	v4 =	vadd.s32 $0x980, v33;
	v10 =	vld.idx.msk [tilespmem:v11+s8+$0x0], $0xffff  }
0x149: {  	v11 =	vadd.s32 s22, v19;
	[tilespmem:v7+s26+$0x0] =	vst.idx.add.f32.msk $0xffff, v1  }
0x14a: {  	v7 =	vadd.s32 $0x580, v2;
	[tilespmem:v5+s28+$0x0] =	vst.idx.add.f32.msk $0xffff, v1;
	v1 =	vmul.f32 v8, v21  }
0x14b: {  	v5 =	vadd.s32 $0x580, v3;
	v8 =	vld.idx.msk [tilespmem:v9+s8+$0x0], $0xffff  }
0x14c: {  	v9 =	vadd.s32 s24, v23;
	[tilespmem:v6+s26+$0x0] =	vst.idx.add.f32.msk $0xffff, v1  }
0x14d: {  	v6 =	vadd.s32 $0x580, v35;
	v10 =	vmul.f32 v10, v0;
	[tilespmem:v4+s28+$0x0] =	vst.idx.add.f32.msk $0xffff, v1  }
0x14e: {  	v1 =	vadd.s32 $0x580, v40;
	v4 =	vld.idx.msk [tilespmem:v11+s8+$0x0], $0xffff  }
0x14f: {  	v11 =	vadd.s32 s23, v23;
	[tilespmem:v7+s26+$0x0] =	vst.idx.add.f32.msk $0xffff, v10  }
0x150: {  	v7 =	vadd.s32 $0xA00, v32;
	[tilespmem:v5+s28+$0x0] =	vst.idx.add.f32.msk $0xffff, v10;
	v5 =	vmul.f32 v8, v27  }
0x151: {  	v8 =	vadd.s32 $0xA00, v33;
	v9 =	vld.idx.msk [tilespmem:v9+s8+$0x0], $0xffff  }
0x152: {  	v10 =	vadd.s32 s22, v62;
	[tilespmem:v6+s26+$0x0] =	vst.idx.add.f32.msk $0xffff, v5  }
0x153: {  	v6 =	vadd.s32 $0x600, v2;
	[tilespmem:v1+s28+$0x0] =	vst.idx.add.f32.msk $0xffff, v5;
	v1 =	vmul.f32 v4, v21  }
0x154: {  	v4 =	vadd.s32 $0x600, v3;
	v5 =	vld.idx.msk [tilespmem:v11+s8+$0x0], $0xffff  }
0x155: {  	v11 =	vadd.s32 s24, v36;
	[tilespmem:v7+s26+$0x0] =	vst.idx.add.f32.msk $0xffff, v1  }
0x156: {  	v7 =	vadd.s32 $0x600, v35;
	v9 =	vmul.f32 v9, v0;
	[tilespmem:v8+s28+$0x0] =	vst.idx.add.f32.msk $0xffff, v1  }
0x157: {  	v1 =	vadd.s32 $0x600, v40;
	v8 =	vld.idx.msk [tilespmem:v10+s8+$0x0], $0xffff  }
0x158: {  	v10 =	vadd.s32 s23, v36;
	[tilespmem:v6+s26+$0x0] =	vst.idx.add.f32.msk $0xffff, v9  }
0x159: {  	v6 =	vadd.s32 $0xA80, v32;
	[tilespmem:v4+s28+$0x0] =	vst.idx.add.f32.msk $0xffff, v9;
	v4 =	vmul.f32 v5, v27  }
0x15a: {  	v5 =	vadd.s32 $0xA80, v33;
	v9 =	vld.idx.msk [tilespmem:v11+s8+$0x0], $0xffff  }
0x15b: {  	v11 =	vadd.s32 s22, v56;
	[tilespmem:v7+s26+$0x0] =	vst.idx.add.f32.msk $0xffff, v4  }
0x15c: {  	v7 =	vadd.s32 $0x680, v2;
	[tilespmem:v1+s28+$0x0] =	vst.idx.add.f32.msk $0xffff, v4;
	v1 =	vmul.f32 v8, v21  }
0x15d: {  	v4 =	vadd.s32 $0x680, v3;
	v8 =	vld.idx.msk [tilespmem:v10+s8+$0x0], $0xffff  }
0x15e: {  	v10 =	vadd.s32 s24, v24;
	[tilespmem:v6+s26+$0x0] =	vst.idx.add.f32.msk $0xffff, v1  }
0x15f: {  	v9 =	vmul.f32 v9, v0;
	[tilespmem:v5+s28+$0x0] =	vst.idx.add.f32.msk $0xffff, v1  }
0x160: {  	v6 =	vadd.s32 $0x680, v35;
	v5 =	vld.idx.msk [tilespmem:v11+s8+$0x0], $0xffff  }
0x161: {  	v1 =	vadd.s32 $0x680, v40;
	[tilespmem:v7+s26+$0x0] =	vst.idx.add.f32.msk $0xffff, v9  }
0x162: {  	v11 =	vadd.s32 s23, v24;
	[tilespmem:v4+s28+$0x0] =	vst.idx.add.f32.msk $0xffff, v9  }
0x163: {  	s19 =	simm.s32 $0x3450;
	v7 =	vadd.s32 $0xB00, v32;
	v4 =	vmul.f32 v8, v27;
	v9 =	vld.idx.msk [tilespmem:v10+s8+$0x0], $0xffff  }
0x164: {  	v30 =	vld [tilespmem:s19+$0xFFFFFFF0];
	v8 =	vadd.s32 $0xB00, v33  }
0x165: {  	[tilespmem:v6+s26+$0x0] =	vst.idx.add.f32.msk $0xffff, v4;
	v6 =	vadd.s32 $0x700, v2  }
0x166: {  	[tilespmem:v1+s28+$0x0] =	vst.idx.add.f32.msk $0xffff, v4;
	v1 =	vmul.f32 v5, v21;
	v4 =	vadd.s32 $0x700, v3  }
0x167: {  	v5 =	vld.idx.msk [tilespmem:v11+s8+$0x0], $0xffff;
	v11 =	vadd.s32 s24, v25  }
0x168: {  	[tilespmem:v7+s26+$0x0] =	vst.idx.add.f32.msk $0xffff, v1;
	v9 =	vmul.f32 v9, v0  }
0x169: {  	v7 =	vadd.s32 $0x700, v35;
	[tilespmem:v8+s28+$0x0] =	vst.idx.add.f32.msk $0xffff, v1  }
0x16a: {  	v8 =	vadd.s32 $0x700, v40;
	[tilespmem:v6+s26+$0x0] =	vst.idx.add.f32.msk $0xffff, v9  }
0x16b: {  	[tilespmem:v4+s28+$0x0] =	vst.idx.add.f32.msk $0xffff, v9  }
0x16c: {  	s15 =	simm.s32 $0x640;
	s1 =	simm.s32 $0x3650;
	v10 =	vadd.s32 s22, v52;
	v4 =	vmul.f32 v5, v27;
	v5 =	vld.idx.msk [tilespmem:v11+s8+$0x0], $0xffff  }
0x16d: {  	v28 =	vld [tilespmem:s1+$0xFFFFFFF0];
	v6 =	vadd.s32 s15, v20  }
0x16e: {  	[tilespmem:v7+s26+$0x0] =	vst.idx.add.f32.msk $0xffff, v4;
	v7 =	vadd.s32 $0x780, v2  }
0x16f: {  	[tilespmem:v8+s28+$0x0] =	vst.idx.add.f32.msk $0xffff, v4;
	v4 =	vadd.s32 $0x780, v3  }
0x170: {  	v31 =	vld [tilespmem:s1+$0x0];
	v8 =	vadd.s32 s24, v41  }
0x171: {  	s0 =	simm.s32 $0x7D0;
	v1 =	vld.idx.msk [tilespmem:v10+s8+$0x0], $0xffff;
	v5 =	vmul.f32 v5, v0  }
0x172: {  	v9 =	vadd.s32 s0, v20;
	v6 =	vld.idx.msk [tilespmem:v6+s8+$0x0], $0xffff  }
0x173: {  	[tilespmem:v7+s26+$0x0] =	vst.idx.add.f32.msk $0xffff, v5  }
0x174: {  	[tilespmem:v4+s28+$0x0] =	vst.idx.add.f32.msk $0xffff, v5  }
0x175: {  	v4 =	vld.idx.msk [tilespmem:v8+s8+$0x0], $0xffff  }
0x176: {  	v7 =	vadd.s32 s15, v22;
	v8 =	vld [tilespmem:s18+$0x0]  }
0x177: {  	v10 =	vadd.s32 $0x800, v2;
	v5 =	vld.idx.msk [tilespmem:v9+s8+$0x0], $0xffff;
	v6 =	vmul.f32 v6, v28  }
0x178: {  	v11 =	vadd.s32 $0x800, v3;
	v9 =	vld [tilespmem:s19+$0x0]  }
0x179: {  	[tilespmem:v29+s26+$0x0] =	vst.idx.add.f32.msk $0xffff, v6  }
0x17a: {  	v12 =	vadd.s32 s24, v42;
	[tilespmem:v30+s28+$0x0] =	vst.idx.add.f32.msk $0xffff, v6;
	v4 =	vmul.f32 v4, v0  }
0x17b: {  	v6 =	vld.idx.msk [tilespmem:v7+s8+$0x0], $0xffff  }
0x17c: {  	v7 =	vadd.s32 s0, v22;
	v5 =	vmul.f32 v5, v31;
	[tilespmem:v10+s26+$0x0] =	vst.idx.add.f32.msk $0xffff, v4  }
0x17d: {  	v10 =	vadd.s32 s23, v25;
	[tilespmem:v11+s28+$0x0] =	vst.idx.add.f32.msk $0xffff, v4  }
0x17e: {  	v4 =	vadd.s32 $0x80, v29;
	[tilespmem:v8+s26+$0x0] =	vst.idx.add.f32.msk $0xffff, v5  }
0x17f: {  	v11 =	vld.idx.msk [tilespmem:v12+s8+$0x0], $0xffff;
	v12 =	vadd.s32 $0x80, v30  }
0x180: {  	v13 =	vadd.s32 s15, v34;
	[tilespmem:v9+s28+$0x0] =	vst.idx.add.f32.msk $0xffff, v5  }
0x181: {  	v5 =	vmul.f32 v6, v28;
	v6 =	vld.idx.msk [tilespmem:v7+s8+$0x0], $0xffff;
	v7 =	vadd.s32 $0x880, v2  }
0x182: {  	v14 =	vadd.s32 $0x880, v3;
	v10 =	vld.idx.msk [tilespmem:v10+s8+$0x0], $0xffff  }
0x183: {  	v15 =	vadd.s32 $0x80, v8;
	[tilespmem:v4+s26+$0x0] =	vst.idx.add.f32.msk $0xffff, v5  }
0x184: {  	v4 =	vadd.s32 s24, v45;
	[tilespmem:v12+s28+$0x0] =	vst.idx.add.f32.msk $0xffff, v5;
	v5 =	vmul.f32 v11, v0  }
0x185: {  	v11 =	vadd.s32 $0x80, v9;
	v12 =	vld.idx.msk [tilespmem:v13+s8+$0x0], $0xffff  }
0x186: {  	v13 =	vadd.s32 s0, v34;
	v6 =	vmul.f32 v6, v31;
	[tilespmem:v7+s26+$0x0] =	vst.idx.add.f32.msk $0xffff, v5  }
0x187: {  	v7 =	vadd.s32 $0x780, v35;
	[tilespmem:v14+s28+$0x0] =	vst.idx.add.f32.msk $0xffff, v5  }
0x188: {  	v5 =	vadd.s32 $0x100, v29;
	[tilespmem:v15+s26+$0x0] =	vst.idx.add.f32.msk $0xffff, v6  }
0x189: {  	v14 =	vadd.s32 $0x100, v30;
	v4 =	vld.idx.msk [tilespmem:v4+s8+$0x0], $0xffff  }
0x18a: {  	v10 =	vmul.f32 v10, v27;
	v15 =	vadd.s32 s15, v46;
	[tilespmem:v11+s28+$0x0] =	vst.idx.add.f32.msk $0xffff, v6  }
0x18b: {  	v6 =	vmul.f32 v12, v28;
	v11 =	vld.idx.msk [tilespmem:v13+s8+$0x0], $0xffff;
	v12 =	vadd.s32 $0x900, v2  }
0x18c: {  	v13 =	vadd.s32 $0x900, v3;
	[tilespmem:v7+s26+$0x0] =	vst.idx.add.f32.msk $0xffff, v10  }
0x18d: {  	[tilespmem:v5+s26+$0x0] =	vst.idx.add.f32.msk $0xffff, v6;
	v5 =	vadd.s32 s24, v61  }
0x18e: {  	v7 =	vadd.s32 $0x100, v8;
	[tilespmem:v14+s28+$0x0] =	vst.idx.add.f32.msk $0xffff, v6;
	v4 =	vmul.f32 v4, v0  }
0x18f: {  	v6 =	vadd.s32 $0x100, v9;
	v14 =	vld.idx.msk [tilespmem:v15+s8+$0x0], $0xffff  }
0x190: {  	v15 =	vadd.s32 s0, v46;
	[tilespmem:v12+s26+$0x0] =	vst.idx.add.f32.msk $0xffff, v4  }
0x191: {  	v12 =	vadd.s32 $0x780, v40;
	v11 =	vmul.f32 v11, v31;
	[tilespmem:v13+s28+$0x0] =	vst.idx.add.f32.msk $0xffff, v4  }
0x192: {  	v4 =	vadd.s32 $0x180, v29;
	v5 =	vld.idx.msk [tilespmem:v5+s8+$0x0], $0xffff  }
0x193: {  	v13 =	vadd.s32 $0x180, v30;
	[tilespmem:v7+s26+$0x0] =	vst.idx.add.f32.msk $0xffff, v11  }
0x194: {  	v7 =	vadd.s32 s15, v17;
	[tilespmem:v6+s28+$0x0] =	vst.idx.add.f32.msk $0xffff, v11  }
0x195: {  	v6 =	vmul.f32 v14, v28;
	v11 =	vld.idx.msk [tilespmem:v15+s8+$0x0], $0xffff;
	v14 =	vadd.s32 $0x980, v2  }
0x196: {  	v15 =	vadd.s32 $0x980, v3;
	[tilespmem:v12+s28+$0x0] =	vst.idx.add.f32.msk $0xffff, v10  }
0x197: {  	[tilespmem:v4+s26+$0x0] =	vst.idx.add.f32.msk $0xffff, v6;
	v4 =	vadd.s32 s24, v19  }
0x198: {  	v10 =	vadd.s32 $0x180, v8;
	[tilespmem:v13+s28+$0x0] =	vst.idx.add.f32.msk $0xffff, v6;
	v5 =	vmul.f32 v5, v0  }
0x199: {  	v6 =	vadd.s32 $0x180, v9;
	v7 =	vld.idx.msk [tilespmem:v7+s8+$0x0], $0xffff  }
0x19a: {  	v13 =	vadd.s32 s23, v41;
	[tilespmem:v14+s26+$0x0] =	vst.idx.add.f32.msk $0xffff, v5  }
0x19b: {  	v12 =	vadd.s32 s0, v17;
	v11 =	vmul.f32 v11, v31;
	[tilespmem:v15+s28+$0x0] =	vst.idx.add.f32.msk $0xffff, v5  }
0x19c: {  	v5 =	vadd.s32 $0x200, v29;
	v4 =	vld.idx.msk [tilespmem:v4+s8+$0x0], $0xffff  }
0x19d: {  	v14 =	vadd.s32 $0x200, v30;
	[tilespmem:v10+s26+$0x0] =	vst.idx.add.f32.msk $0xffff, v11  }
0x19e: {  	v10 =	vadd.s32 s15, v60;
	[tilespmem:v6+s28+$0x0] =	vst.idx.add.f32.msk $0xffff, v11  }
0x19f: {  	v11 =	vadd.s32 $0xA00, v2;
	v13 =	vld.idx.msk [tilespmem:v13+s8+$0x0], $0xffff;
	v6 =	vmul.f32 v7, v28  }
0x1a0: {  	v7 =	vld.idx.msk [tilespmem:v12+s8+$0x0], $0xffff;
	v12 =	vadd.s32 $0xA00, v3  }
0x1a1: {  	[tilespmem:v5+s26+$0x0] =	vst.idx.add.f32.msk $0xffff, v6;
	v5 =	vadd.s32 s24, v62  }
0x1a2: {  	v15 =	vadd.s32 $0x200, v8;
	[tilespmem:v14+s28+$0x0] =	vst.idx.add.f32.msk $0xffff, v6;
	v4 =	vmul.f32 v4, v0  }
0x1a3: {  	v6 =	vadd.s32 $0x200, v9;
	v10 =	vld.idx.msk [tilespmem:v10+s8+$0x0], $0xffff  }
0x1a4: {  	v14 =	vadd.s32 s0, v60;
	[tilespmem:v11+s26+$0x0] =	vst.idx.add.f32.msk $0xffff, v4  }
0x1a5: {  	v11 =	vadd.s32 $0x800, v35;
	v7 =	vmul.f32 v7, v31;
	[tilespmem:v12+s28+$0x0] =	vst.idx.add.f32.msk $0xffff, v4  }
0x1a6: {  	v4 =	vadd.s32 $0x280, v29;
	v5 =	vld.idx.msk [tilespmem:v5+s8+$0x0], $0xffff  }
0x1a7: {  	v12 =	vadd.s32 $0x280, v30;
	[tilespmem:v15+s26+$0x0] =	vst.idx.add.f32.msk $0xffff, v7  }
0x1a8: {  	v13 =	vmul.f32 v13, v27;
	v15 =	vadd.s32 s15, v55;
	[tilespmem:v6+s28+$0x0] =	vst.idx.add.f32.msk $0xffff, v7  }
0x1a9: {  	v6 =	vmul.f32 v10, v28;
	v7 =	vld.idx.msk [tilespmem:v14+s8+$0x0], $0xffff;
	v10 =	vadd.s32 $0xA80, v2  }
0x1aa: {  	v14 =	vadd.s32 $0xA80, v3;
	[tilespmem:v11+s26+$0x0] =	vst.idx.add.f32.msk $0xffff, v13  }
0x1ab: {  	[tilespmem:v4+s26+$0x0] =	vst.idx.add.f32.msk $0xffff, v6;
	v4 =	vadd.s32 s24, v56  }
0x1ac: {  	v11 =	vadd.s32 $0x280, v8;
	[tilespmem:v12+s28+$0x0] =	vst.idx.add.f32.msk $0xffff, v6;
	v5 =	vmul.f32 v5, v0  }
0x1ad: {  	v6 =	vadd.s32 $0x280, v9;
	v12 =	vld.idx.msk [tilespmem:v15+s8+$0x0], $0xffff  }
0x1ae: {  	v15 =	vadd.s32 s0, v55;
	[tilespmem:v10+s26+$0x0] =	vst.idx.add.f32.msk $0xffff, v5  }
0x1af: {  	v10 =	vadd.s32 $0x800, v40;
	v7 =	vmul.f32 v7, v31;
	[tilespmem:v14+s28+$0x0] =	vst.idx.add.f32.msk $0xffff, v5  }
0x1b0: {  	v5 =	vadd.s32 $0x300, v29;
	v4 =	vld.idx.msk [tilespmem:v4+s8+$0x0], $0xffff  }
0x1b1: {  	v14 =	vadd.s32 $0x300, v30;
	[tilespmem:v11+s26+$0x0] =	vst.idx.add.f32.msk $0xffff, v7  }
0x1b2: {  	v11 =	vadd.s32 s15, v51;
	[tilespmem:v6+s28+$0x0] =	vst.idx.add.f32.msk $0xffff, v7  }
0x1b3: {  	v6 =	vmul.f32 v12, v28;
	v7 =	vld.idx.msk [tilespmem:v15+s8+$0x0], $0xffff;
	v12 =	vadd.s32 $0xB00, v2  }
0x1b4: {  	v15 =	vadd.s32 $0xB00, v3;
	[tilespmem:v10+s28+$0x0] =	vst.idx.add.f32.msk $0xffff, v13  }
0x1b5: {  	[tilespmem:v5+s26+$0x0] =	vst.idx.add.f32.msk $0xffff, v6;
	v5 =	vadd.s32 s24, v52  }
0x1b6: {  	v10 =	vadd.s32 $0x300, v8;
	[tilespmem:v14+s28+$0x0] =	vst.idx.add.f32.msk $0xffff, v6;
	v4 =	vmul.f32 v4, v0  }
0x1b7: {  	v6 =	vadd.s32 $0x300, v9;
	v11 =	vld.idx.msk [tilespmem:v11+s8+$0x0], $0xffff  }
0x1b8: {  	v13 =	vadd.s32 s0, v51;
	[tilespmem:v12+s26+$0x0] =	vst.idx.add.f32.msk $0xffff, v4  }
0x1b9: {  	v12 =	vadd.s32 s23, v42;
	v7 =	vmul.f32 v7, v31;
	[tilespmem:v15+s28+$0x0] =	vst.idx.add.f32.msk $0xffff, v4  }
0x1ba: {  	v4 =	vadd.s32 $0x380, v29;
	v5 =	vld.idx.msk [tilespmem:v5+s8+$0x0], $0xffff  }
0x1bb: {  	v14 =	vadd.s32 $0x380, v30;
	[tilespmem:v10+s26+$0x0] =	vst.idx.add.f32.msk $0xffff, v7  }
0x1bc: {  	v10 =	vadd.s32 s15, v48;
	[tilespmem:v6+s28+$0x0] =	vst.idx.add.f32.msk $0xffff, v7  }
0x1bd: {  	v6 =	vmul.f32 v11, v28;
	v7 =	vld.idx.msk [tilespmem:v13+s8+$0x0], $0xffff;
	v11 =	vadd.s32 $0xB80, v2  }
0x1be: {  	v13 =	vadd.s32 $0xB80, v3;
	v12 =	vld.idx.msk [tilespmem:v12+s8+$0x0], $0xffff  }
0x1bf: {  	v15 =	vadd.s32 s24, v49;
	[tilespmem:v4+s26+$0x0] =	vst.idx.add.f32.msk $0xffff, v6  }
0x1c0: {  	v4 =	vadd.s32 $0x380, v8;
	[tilespmem:v14+s28+$0x0] =	vst.idx.add.f32.msk $0xffff, v6;
	v5 =	vmul.f32 v5, v0  }
0x1c1: {  	v6 =	vadd.s32 $0x380, v9;
	v10 =	vld.idx.msk [tilespmem:v10+s8+$0x0], $0xffff  }
0x1c2: {  	v14 =	vadd.s32 s0, v48;
	[tilespmem:v11+s26+$0x0] =	vst.idx.add.f32.msk $0xffff, v5  }
0x1c3: {  	v11 =	vadd.s32 $0x880, v35;
	v7 =	vmul.f32 v7, v31;
	[tilespmem:v13+s28+$0x0] =	vst.idx.add.f32.msk $0xffff, v5  }
0x1c4: {  	v5 =	vadd.s32 $0x400, v29;
	v13 =	vld.idx.msk [tilespmem:v15+s8+$0x0], $0xffff  }
0x1c5: {  	v15 =	vadd.s32 $0x400, v30;
	[tilespmem:v4+s26+$0x0] =	vst.idx.add.f32.msk $0xffff, v7  }
0x1c6: {  	v4 =	vmul.f32 v12, v27;
	v12 =	vadd.s32 s15, v44;
	[tilespmem:v6+s28+$0x0] =	vst.idx.add.f32.msk $0xffff, v7  }
0x1c7: {  	v6 =	vmul.f32 v10, v28;
	v7 =	vld.idx.msk [tilespmem:v14+s8+$0x0], $0xffff;
	v10 =	vadd.s32 $0xC00, v2  }
0x1c8: {  	v14 =	vadd.s32 $0xC00, v3;
	[tilespmem:v11+s26+$0x0] =	vst.idx.add.f32.msk $0xffff, v4  }
0x1c9: {  	v2 =	vadd.s32 $0xC80, v2;
	[tilespmem:v5+s26+$0x0] =	vst.idx.add.f32.msk $0xffff, v6  }
0x1ca: {  	v3 =	vadd.s32 $0xC80, v3;
	[tilespmem:v15+s28+$0x0] =	vst.idx.add.f32.msk $0xffff, v6;
	v5 =	vmul.f32 v13, v0  }
0x1cb: {  	v6 =	vadd.s32 $0x400, v8;
	v11 =	vld.idx.msk [tilespmem:v12+s8+$0x0], $0xffff  }
0x1cc: {  	v12 =	vadd.s32 $0x400, v9;
	[tilespmem:v10+s26+$0x0] =	vst.idx.add.f32.msk $0xffff, v5  }
0x1cd: {  	v10 =	vadd.s32 s0, v44;
	[tilespmem:v14+s28+$0x0] =	vst.idx.add.f32.msk $0xffff, v5  }
0x1ce: {  	v7 =	vmul.f32 v7, v31;
	v5 =	vadd.s32 $0x880, v40;
	[tilespmem:v2+s26+$0x0] =	vst.idx.add.f32.msk $0xffff, v0  }
0x1cf: {  	v2 =	vadd.s32 s23, v45;
	[tilespmem:v3+s28+$0x0] =	vst.idx.add.f32.msk $0xffff, v0  }
0x1d0: {  	v0 =	vadd.s32 $0xB80, v32;
	[tilespmem:v6+s26+$0x0] =	vst.idx.add.f32.msk $0xffff, v7  }
0x1d1: {  	v3 =	vadd.s32 $0x480, v29;
	[tilespmem:v12+s28+$0x0] =	vst.idx.add.f32.msk $0xffff, v7  }
0x1d2: {  	v6 =	vadd.s32 $0x480, v30;
	v7 =	vld.idx.msk [tilespmem:v10+s8+$0x0], $0xffff  }
0x1d3: {  	v1 =	vmul.f32 v1, v21;
	v10 =	vadd.s32 s15, v37;
	[tilespmem:v5+s28+$0x0] =	vst.idx.add.f32.msk $0xffff, v4  }
0x1d4: {  	v4 =	vadd.s32 $0xB80, v33;
	v5 =	vmul.f32 v11, v28;
	v2 =	vld.idx.msk [tilespmem:v2+s8+$0x0], $0xffff  }
0x1d5: {  	v11 =	vadd.s32 $0x480, v8;
	[tilespmem:v0+s26+$0x0] =	vst.idx.add.f32.msk $0xffff, v1  }
0x1d6: {  	v0 =	vadd.s32 $0x480, v9;
	[tilespmem:v3+s26+$0x0] =	vst.idx.add.f32.msk $0xffff, v5  }
0x1d7: {  	v3 =	vadd.s32 s0, v37;
	[tilespmem:v6+s28+$0x0] =	vst.idx.add.f32.msk $0xffff, v5  }
0x1d8: {  	v5 =	vadd.s32 $0x900, v35;
	v6 =	vld.idx.msk [tilespmem:v10+s8+$0x0], $0xffff;
	v7 =	vmul.f32 v7, v31  }
0x1d9: {  	v10 =	vadd.s32 $0x900, v40;
	[tilespmem:v4+s28+$0x0] =	vst.idx.add.f32.msk $0xffff, v1  }
0x1da: {  	v1 =	vadd.s32 s23, v61;
	[tilespmem:v11+s26+$0x0] =	vst.idx.add.f32.msk $0xffff, v7  }
0x1db: {  	v4 =	vadd.s32 $0x500, v29;
	v2 =	vmul.f32 v2, v27;
	[tilespmem:v0+s28+$0x0] =	vst.idx.add.f32.msk $0xffff, v7  }
0x1dc: {  	v0 =	vadd.s32 $0x500, v30;
	v3 =	vld.idx.msk [tilespmem:v3+s8+$0x0], $0xffff  }
0x1dd: {  	v7 =	vadd.s32 s15, v39;
	[tilespmem:v5+s26+$0x0] =	vst.idx.add.f32.msk $0xffff, v2  }
0x1de: {  	v5 =	vadd.s32 s22, v49;
	v6 =	vmul.f32 v6, v28;
	[tilespmem:v10+s28+$0x0] =	vst.idx.add.f32.msk $0xffff, v2  }
0x1df: {  	v2 =	vadd.s32 $0x500, v8;
	v1 =	vld.idx.msk [tilespmem:v1+s8+$0x0], $0xffff  }
0x1e0: {  	v10 =	vadd.s32 $0x500, v9;
	[tilespmem:v4+s26+$0x0] =	vst.idx.add.f32.msk $0xffff, v6  }
0x1e1: {  	v4 =	vadd.s32 s0, v39;
	[tilespmem:v0+s28+$0x0] =	vst.idx.add.f32.msk $0xffff, v6  }
0x1e2: {  	v0 =	vadd.s32 $0x980, v35;
	v6 =	vld.idx.msk [tilespmem:v7+s8+$0x0], $0xffff;
	v3 =	vmul.f32 v3, v31  }
0x1e3: {  	v7 =	vadd.s32 $0x980, v40;
	v5 =	vld.idx.msk [tilespmem:v5+s8+$0x0], $0xffff  }
0x1e4: {  	v11 =	vadd.s32 s23, v19;
	[tilespmem:v2+s26+$0x0] =	vst.idx.add.f32.msk $0xffff, v3  }
0x1e5: {  	v2 =	vadd.s32 $0x580, v29;
	v1 =	vmul.f32 v1, v27;
	[tilespmem:v10+s28+$0x0] =	vst.idx.add.f32.msk $0xffff, v3  }
0x1e6: {  	v3 =	vadd.s32 $0x580, v30;
	v4 =	vld.idx.msk [tilespmem:v4+s8+$0x0], $0xffff  }
0x1e7: {  	v10 =	vadd.s32 s15, v23;
	[tilespmem:v0+s26+$0x0] =	vst.idx.add.f32.msk $0xffff, v1  }
0x1e8: {  	v0 =	vadd.s32 $0xC00, v32;
	v6 =	vmul.f32 v6, v28;
	[tilespmem:v7+s28+$0x0] =	vst.idx.add.f32.msk $0xffff, v1  }
0x1e9: {  	v1 =	vadd.s32 $0x580, v8;
	v7 =	vld.idx.msk [tilespmem:v11+s8+$0x0], $0xffff  }
0x1ea: {  	v11 =	vadd.s32 $0x580, v9;
	[tilespmem:v2+s26+$0x0] =	vst.idx.add.f32.msk $0xffff, v6  }
0x1eb: {  	v5 =	vmul.f32 v5, v21;
	v2 =	vadd.s32 s0, v23;
	[tilespmem:v3+s28+$0x0] =	vst.idx.add.f32.msk $0xffff, v6  }
0x1ec: {  	v3 =	vadd.s32 $0xA00, v35;
	v6 =	vld.idx.msk [tilespmem:v10+s8+$0x0], $0xffff;
	v4 =	vmul.f32 v4, v31  }
0x1ed: {  	v10 =	vadd.s32 $0xA00, v40;
	[tilespmem:v0+s26+$0x0] =	vst.idx.add.f32.msk $0xffff, v5  }
0x1ee: {  	v0 =	vadd.s32 s23, v62;
	[tilespmem:v1+s26+$0x0] =	vst.idx.add.f32.msk $0xffff, v4  }
0x1ef: {  	v1 =	vadd.s32 $0x600, v29;
	[tilespmem:v11+s28+$0x0] =	vst.idx.add.f32.msk $0xffff, v4;
	v4 =	vmul.f32 v7, v27  }
0x1f0: {  	v7 =	vadd.s32 $0x600, v30;
	v2 =	vld.idx.msk [tilespmem:v2+s8+$0x0], $0xffff  }
0x1f1: {  	v11 =	vadd.s32 s15, v36;
	[tilespmem:v3+s26+$0x0] =	vst.idx.add.f32.msk $0xffff, v4  }
0x1f2: {  	v6 =	vmul.f32 v6, v28;
	[tilespmem:v10+s28+$0x0] =	vst.idx.add.f32.msk $0xffff, v4;
	v4 =	vadd.s32 $0x600, v8  }
0x1f3: {  	v10 =	vadd.s32 $0x600, v9;
	v0 =	vld.idx.msk [tilespmem:v0+s8+$0x0], $0xffff  }
0x1f4: {  	v3 =	vadd.s32 $0xC00, v33;
	[tilespmem:v1+s26+$0x0] =	vst.idx.add.f32.msk $0xffff, v6  }
0x1f5: {  	[tilespmem:v7+s28+$0x0] =	vst.idx.add.f32.msk $0xffff, v6;
	v7 =	vadd.s32 $0xA80, v35;
	v2 =	vmul.f32 v2, v31  }
0x1f6: {  	v12 =	vadd.s32 s0, v36;
	v11 =	vld.idx.msk [tilespmem:v11+s8+$0x0], $0xffff  }
0x1f7: {  	v14 =	vadd.s32 $0xA80, v40;
	[tilespmem:v4+s26+$0x0] =	vst.idx.add.f32.msk $0xffff, v2  }
0x1f8: {  	[tilespmem:v10+s28+$0x0] =	vst.idx.add.f32.msk $0xffff, v2;
	v2 =	vmul.f32 v0, v27  }
0x1f9: {  	[tilespmem:v3+s28+$0x0] =	vst.idx.add.f32.msk $0xffff, v5  }
0x1fa: {  	v6 =	vadd.s32 s23, v56;
	v0 =	vadd.s32 s0, v25;
	[tilespmem:v7+s26+$0x0] =	vst.idx.add.f32.msk $0xffff, v2  }
0x1fb: {  	v5 =	vld.idx.msk [tilespmem:v12+s8+$0x0], $0xffff;
	[tilespmem:$0x1FD30] =	vst v0  }
0x1fc: {  	v3 =	vadd.s32 $0x680, v29;
	v0 =	vadd.s32 s0, v41;
	[tilespmem:v14+s28+$0x0] =	vst.idx.add.f32.msk $0xffff, v2  }
0x1fd: {  	[tilespmem:$0x1FD40] =	vst v0;
	v0 =	vadd.s32 s0, v42  }
0x1fe: {  	v4 =	vadd.s32 $0x680, v30;
	[tilespmem:$0x1FD50] =	vst v0;
	v0 =	vadd.s32 s0, v45  }
0x1ff: {  	v10 =	vadd.s32 s15, v24;
	v7 =	vmul.f32 v11, v28;
	v14 =	vld.idx.msk [tilespmem:v6+s8+$0x0], $0xffff;
	[tilespmem:$0x1FD60] =	vst v0;
	v0 =	vadd.s32 s0, v61  }
0x200: {  	v1 =	vadd.s32 $0xC80, v32;
	[tilespmem:$0x1FD70] =	vst v0  }
0x201: {  	v2 =	vadd.s32 $0x680, v8;
	v0 =	vadd.s32 s0, v19;
	[tilespmem:v3+s26+$0x0] =	vst.idx.add.f32.msk $0xffff, v7  }
0x202: {  	v18 =	vadd.s32 $0x680, v9;
	[tilespmem:$0x1FD80] =	vst v0  }
0x203: {  	v0 =	vadd.s32 $0x780, v8;
	[tilespmem:v4+s28+$0x0] =	vst.idx.add.f32.msk $0xffff, v7  }
0x204: {  	v3 =	vmul.f32 v5, v31;
	v10 =	vld.idx.msk [tilespmem:v10+s8+$0x0], $0xffff;
	[tilespmem:$0x1FD90] =	vst v0  }
0x205: {  	[tilespmem:v1+s26+$0x0] =	vst.idx.add.f32.msk $0xffff, v21  }
0x206: {  	v17 =	vadd.s32 s0, v24;
	[tilespmem:v2+s26+$0x0] =	vst.idx.add.f32.msk $0xffff, v3  }
0x207: {  	v15 =	vadd.s32 $0xB00, v35;
	v0 =	vadd.s32 $0x880, v8;
	[tilespmem:v18+s28+$0x0] =	vst.idx.add.f32.msk $0xffff, v3  }
0x208: {  	[tilespmem:$0x1FDA0] =	vst v0;
	v0 =	vadd.s32 $0x880, v9  }
0x209: {  	[tilespmem:$0x1FDB0] =	vst v0;
	v0 =	vadd.s32 $0x900, v8  }
0x20a: {  	v14 =	vmul.f32 v14, v27;
	[tilespmem:$0x1FDC0] =	vst v0;
	v0 =	vadd.s32 $0x900, v9  }
0x20b: {  	v16 =	vadd.s32 $0xB00, v40;
	v17 =	vld.idx.msk [tilespmem:v17+s8+$0x0], $0xffff;
	[tilespmem:$0x1FDD0] =	vst v0  }
0x20c: {  	v0 =	vadd.s32 $0x980, v8;
	[tilespmem:v15+s26+$0x0] =	vst.idx.add.f32.msk $0xffff, v14  }
0x20d: {  	[tilespmem:$0x1FDE0] =	vst v0;
	v0 =	vadd.s32 $0x980, v9  }
0x20e: {  	[tilespmem:$0x1FDF0] =	vst v0;
	v0 =	vadd.s32 $0xA00, v8  }
0x20f: {  	v1 =	vadd.s32 $0x700, v29;
	[tilespmem:$0x1FE00] =	vst v0  }
0x210: {  	v26 =	vadd.s32 s23, v49;
	v59 =	vadd.s32 s0, v62;
	v0 =	vadd.s32 $0xA00, v9;
	[tilespmem:v16+s28+$0x0] =	vst.idx.add.f32.msk $0xffff, v14  }
0x211: {  	v54 =	vadd.s32 s0, v56;
	v53 =	vadd.s32 s0, v52;
	[tilespmem:$0x1FE10] =	vst v0;
	v0 =	vadd.s32 $0xA80, v8  }
0x212: {  	v18 =	vadd.s32 $0x700, v30;
	v10 =	vmul.f32 v10, v28;
	[tilespmem:$0x1FE20] =	vst v0;
	v0 =	vadd.s32 $0xA80, v9  }
0x213: {  	v43 =	vadd.s32 $0xC80, v33;
	v47 =	vadd.s32 $0xB80, v35;
	v50 =	vadd.s32 $0xB80, v40;
	[tilespmem:$0x1FE30] =	vst v0  }
0x214: {  	v38 =	vadd.s32 $0xC80, v35;
	v13 =	vadd.s32 s23, v52;
	v0 =	vadd.s32 $0xB00, v8;
	[tilespmem:v1+s26+$0x0] =	vst.idx.add.f32.msk $0xffff, v10  }
0x215: {  	v57 =	vadd.s32 $0xC00, v9;
	v19 =	vadd.s32 s15, v25;
	[tilespmem:$0x1FE40] =	vst v0;
	v0 =	vadd.s32 $0xB00, v9  }
0x216: {  	v63 =	vadd.s32 $0xB80, v8;
	v58 =	vadd.s32 $0xC80, v8;
	v33 =	vadd.s32 $0xC00, v40;
	[tilespmem:$0x1FE50] =	vst v0  }
0x217: {  	v32 =	vadd.s32 $0xC00, v35;
	v35 =	vadd.s32 $0xC80, v40;
	v0 =	vadd.s32 $0xB80, v9;
	[tilespmem:v18+s28+$0x0] =	vst.idx.add.f32.msk $0xffff, v10  }
0x218: {  	v40 =	vadd.s32 s0, v49;
	v12 =	vadd.s32 $0x700, v8;
	v11 =	vadd.s32 $0x700, v9;
	[tilespmem:$0x1FE60] =	vst v0  }
0x219: {  	v5 =	vadd.s32 $0x800, v9;
	v7 =	vadd.s32 $0x780, v9;
	v4 =	vadd.s32 $0x800, v8;
	v1 =	vld.idx.msk [tilespmem:v13+s8+$0x0], $0xffff  }
0x21a: {  	s22 =	simm.s32 $0x4;
	s23 =	simm.s32 $0xAF0;
	v18 =	vadd.s32 $0xC00, v8;
	v8 =	vadd.s32 $0xC80, v9;
	v10 =	vmul.f32 v17, v31;
	v13 =	vld.idx.msk [tilespmem:v19+s8+$0x0], $0xffff  }
.LBB2_5:
0x21b: {  	[tilespmem:$0x1FBE0] =	vst v59  }
0x21c: {  	[tilespmem:$0x1FAD0] =	vst v47;
	v2 =	vmov v8  }
0x21d: {  	[tilespmem:$0x1FB70] =	vst v2;
	v2 =	vadd.s32 s23, v48  }
0x21e: {  	[tilespmem:$0x1FAA0] =	vst v2;
	v2 =	vadd.s32 s23, v44  }
0x21f: {  	[tilespmem:$0x1FAB0] =	vst v2  }
0x220: {  	v2 =	vadd.s32 s23, v37;
	[tilespmem:v43+s28+$0x0] =	vst.idx.add.f32.msk $0xffff, v21  }
0x221: {  	[tilespmem:$0x1FB00] =	vst v2  }
0x222: {  	s0 =	sadd.s32 $0xFFFFFE70, s23;
	v2 =	vadd.s32 s23, v39;
	[tilespmem:v12+s26+$0x0] =	vst.idx.add.f32.msk $0xffff, v10  }
0x223: {  	v17 =	vadd.s32 s0, v20;
	[tilespmem:$0x1FB60] =	vst v2  }
0x224: {  	s18 =	sadd.s32 $0x20, s18;
	v2 =	vadd.s32 s23, v23;
	[tilespmem:v11+s28+$0x0] =	vst.idx.add.f32.msk $0xffff, v10  }
0x225: {  	s19 =	sadd.s32 $0x20, s19;
	v19 =	vld [tilespmem:s18+$0xFFFFFFF0];
	[tilespmem:$0x1FBD0] =	vst v2;
	v2 =	vadd.s32 s23, v36  }
0x226: {  	v8 =	vadd.s32 $0x780, v29;
	s1 =	sadd.s32 $0x20, s1;
	v14 =	vadd.s32 s23, v20;
	v20 =	vld [tilespmem:s19+$0xFFFFFFF0];
	[tilespmem:$0x1FC40] =	vst v2;
	v2 =	vadd.s32 s23, v24  }
0x227: {  	v10 =	vld [tilespmem:s1+$0xFFFFFFF0];
	v11 =	vadd.s32 $0x780, v30;
	[tilespmem:$0x1FCE0] =	vst v2;
	v2 =	vadd.s32 s23, v45  }
0x228: {  	v17 =	vld.idx.msk [tilespmem:v17+s8+$0x0], $0xffff;
	[tilespmem:$0x1FAC0] =	vst v2;
	v2 =	vadd.s32 s23, v61  }
0x229: {  	v13 =	vmul.f32 v13, v28;
	v12 =	vadd.s32 s15, v41;
	[tilespmem:$0x1FB10] =	vst v2;
	v2 =	vld [tilespmem:$0x1FFF0]  }
0x22a: {  	[tilespmem:$0x1FBA0] =	vst v18;
	v0 =	vmov v27;
	v27 =	vmov v31;
	v31 =	vld [tilespmem:s1+$0x0]  }
0x22b: {  	[tilespmem:v8+s26+$0x0] =	vst.idx.add.f32.msk $0xffff, v13  }
0x22c: {  	[tilespmem:v11+s28+$0x0] =	vst.idx.add.f32.msk $0xffff, v13  }
0x22d: {  	[tilespmem:$0x1FC70] =	vst v54;
	v3 =	vmov v35;
	v13 =	vmul.f32 v1, v0;
	v1 =	vld.idx.msk [tilespmem:v14+s8+$0x0], $0xffff  }
0x22e: {  	[tilespmem:$0x1FAF0] =	vst v3;
	v11 =	vld.idx.msk [tilespmem:v12+s8+$0x0], $0xffff;
	v14 =	vmul.f32 v17, v10;
	v3 =	vadd.s32 s23, v2  }
0x22f: {  	v54 =	vld [tilespmem:s18+$0x0];
	v12 =	vadd.s32 s0, v22;
	[tilespmem:$0x1FB80] =	vst v3  }
0x230: {  	v17 =	vadd.s32 $0x800, v29;
	v3 =	vadd.s32 s23, v62;
	[tilespmem:v19+s26+$0x0] =	vst.idx.add.f32.msk $0xffff, v14  }
0x231: {  	v18 =	vadd.s32 $0x800, v30;
	v8 =	vld [tilespmem:s19+$0x0];
	[tilespmem:$0x1FBF0] =	vst v3  }
0x232: {  	v3 =	vadd.s32 s23, v56;
	[tilespmem:v20+s28+$0x0] =	vst.idx.add.f32.msk $0xffff, v14  }
0x233: {  	v11 =	vmul.f32 v11, v28;
	[tilespmem:$0x1FC80] =	vst v3;
	v3 =	vadd.s32 s23, v52  }
0x234: {  	v12 =	vld.idx.msk [tilespmem:v12+s8+$0x0], $0xffff;
	[tilespmem:$0x1FD20] =	vst v3  }
0x235: {  	v24 =	vadd.s32 s15, v42;
	[tilespmem:v17+s26+$0x0] =	vst.idx.add.f32.msk $0xffff, v11  }
0x236: {  	v15 =	vadd.s32 s23, v22;
	v1 =	vmul.f32 v1, v31;
	v3 =	vadd.s32 s23, v49;
	[tilespmem:v18+s28+$0x0] =	vst.idx.add.f32.msk $0xffff, v11  }
0x237: {  	[tilespmem:$0x1FB40] =	vst v3;
	v11 =	vadd.s32 $0x80, v19;
	v3 =	vld [tilespmem:$0x1FD30]  }
0x238: {  	[tilespmem:v54+s26+$0x0] =	vst.idx.add.f32.msk $0xffff, v1  }
0x239: {  	v23 =	vadd.s32 s23, v25;
	v25 =	vadd.s32 $0x80, v20;
	[tilespmem:v8+s28+$0x0] =	vst.idx.add.f32.msk $0xffff, v1  }
0x23a: {  	[tilespmem:$0x1FC10] =	vst v57;
	v24 =	vld.idx.msk [tilespmem:v24+s8+$0x0], $0xffff;
	v1 =	vmul.f32 v12, v10  }
0x23b: {  	[tilespmem:$0x1FC00] =	vst v33;
	v16 =	vadd.s32 s23, v60;
	v60 =	vadd.s32 s0, v34;
	v12 =	vld.idx.msk [tilespmem:v15+s8+$0x0], $0xffff  }
0x23c: {  	v15 =	vadd.s32 $0x880, v29;
	[tilespmem:v11+s26+$0x0] =	vst.idx.add.f32.msk $0xffff, v1  }
0x23d: {  	[tilespmem:$0x1FC90] =	vst v38;
	v11 =	vld [tilespmem:$0x1FF90]  }
0x23e: {  	v61 =	vadd.s32 $0x880, v30;
	[tilespmem:v25+s28+$0x0] =	vst.idx.add.f32.msk $0xffff, v1;
	v1 =	vadd.s32 $0x500, v54  }
0x23f: {  	[tilespmem:$0x1FB50] =	vst v1;
	v1 =	vmul.f32 v24, v28;
	v43 =	vld.idx.msk [tilespmem:v3+s8+$0x0], $0xffff;
	v3 =	vmov v23  }
0x240: {  	v24 =	vld.idx.msk [tilespmem:v60+s8+$0x0], $0xffff;
	[tilespmem:$0x1FD30] =	vst v3  }
0x241: {  	v3 =	vadd.s32 $0x580, v54;
	[tilespmem:v15+s26+$0x0] =	vst.idx.add.f32.msk $0xffff, v1  }
0x242: {  	v62 =	vadd.s32 s15, v11;
	[tilespmem:$0x1FBB0] =	vst v3  }
0x243: {  	v3 =	vadd.s32 $0x580, v8;
	[tilespmem:v61+s28+$0x0] =	vst.idx.add.f32.msk $0xffff, v1  }
0x244: {  	v14 =	vadd.s32 $0x80, v54;
	[tilespmem:$0x1FBC0] =	vst v3;
	v3 =	vadd.s32 $0x600, v54  }
0x245: {  	v17 =	vadd.s32 $0x80, v8;
	[tilespmem:$0x1FC20] =	vst v3;
	v3 =	vadd.s32 $0x600, v8  }
0x246: {  	[tilespmem:$0x1FC30] =	vst v3;
	v3 =	vadd.s32 $0x680, v54  }
0x247: {  	v25 =	vadd.s32 $0x100, v19;
	v15 =	vmul.f32 v12, v31;
	[tilespmem:$0x1FCC0] =	vst v3;
	v3 =	vadd.s32 $0x680, v8;
	v45 =	vld.idx.msk [tilespmem:v62+s8+$0x0], $0xffff  }
0x248: {  	v36 =	vadd.s32 $0x100, v20;
	[tilespmem:$0x1FCD0] =	vst v3;
	v3 =	vld [tilespmem:$0x1FD90]  }
0x249: {  	[tilespmem:v14+s26+$0x0] =	vst.idx.add.f32.msk $0xffff, v15  }
0x24a: {  	v38 =	vadd.s32 s23, v55;
	v9 =	vadd.s32 s23, v34;
	[tilespmem:v17+s28+$0x0] =	vst.idx.add.f32.msk $0xffff, v15;
	v17 =	vmul.f32 v24, v10  }
0x24b: {  	[tilespmem:$0x1FB20] =	vst v26;
	v26 =	vadd.s32 s23, v51;
	v21 =	vadd.s32 s23, v46;
	v47 =	vadd.s32 s23, v41;
	v24 =	vld [tilespmem:$0x1FFA0]  }
0x24c: {  	v55 =	vadd.s32 $0x100, v54;
	v51 =	vadd.s32 $0x200, v54;
	v44 =	vadd.s32 $0x300, v54;
	[tilespmem:v25+s26+$0x0] =	vst.idx.add.f32.msk $0xffff, v17  }
0x24d: {  	v41 =	vadd.s32 $0x380, v54;
	[tilespmem:v36+s28+$0x0] =	vst.idx.add.f32.msk $0xffff, v17;
	v17 =	vmul.f32 v45, v28;
	v45 =	vadd.s32 $0xA80, v54  }
0x24e: {  	v57 =	vmul.f32 v43, v27;
	v43 =	vadd.s32 s0, v46;
	[tilespmem:$0x1FC50] =	vst v45;
	v45 =	vadd.s32 $0xA80, v8  }
0x24f: {  	v39 =	vadd.s32 $0x400, v54;
	v35 =	vadd.s32 $0x780, v54;
	v60 =	vadd.s32 $0x900, v29;
	v9 =	vld.idx.msk [tilespmem:v9+s8+$0x0], $0xffff;
	[tilespmem:$0x1FC60] =	vst v45  }
0x250: {  	v33 =	vadd.s32 $0x480, v54;
	v61 =	vadd.s32 $0x900, v30;
	v45 =	vadd.s32 $0xB00, v54;
	[tilespmem:v3+s26+$0x0] =	vst.idx.add.f32.msk $0xffff, v57;
	v3 =	vmovc v35  }
0x251: {  	v59 =	vadd.s32 $0x800, v54;
	v56 =	vadd.s32 $0x100, v8;
	v62 =	vadd.s32 s15, v24;
	[tilespmem:$0x1FCF0] =	vst v45  }
0x252: {  	v6 =	vmovc v5;
	v5 =	vmovc v4;
	v4 =	vld [tilespmem:$0x1FEB0];
	v52 =	vadd.s32 $0x180, v54;
	v49 =	vadd.s32 $0x280, v54;
	v45 =	vadd.s32 $0xB00, v8;
	[tilespmem:$0x1FD90] =	vst v3  }
0x253: {  	v12 =	vadd.s32 $0x700, v54;
	v14 =	vadd.s32 $0x900, v54;
	v46 =	vadd.s32 $0x880, v54;
	[tilespmem:$0x1FD00] =	vst v45;
	v3 =	vmovc v63;
	v63 =	vld.idx.msk [tilespmem:v43+s8+$0x0], $0xffff  }
0x254: {  	v24 =	vadd.s32 $0xA00, v54;
	v35 =	vadd.s32 $0x980, v54;
	v45 =	vadd.s32 $0xB80, v54;
	[tilespmem:v60+s26+$0x0] =	vst.idx.add.f32.msk $0xffff, v17  }
0x255: {  	v60 =	vmul.f32 v9, v31;
	v9 =	vadd.s32 $0xC00, v54;
	v54 =	vadd.s32 $0xC80, v54;
	[tilespmem:v61+s28+$0x0] =	vst.idx.add.f32.msk $0xffff, v17  }
0x256: {  	[tilespmem:$0x1FCB0] =	vst v54;
	v54 =	vld.idx.msk [tilespmem:v62+s8+$0x0], $0xffff  }
0x257: {  	v61 =	vadd.s32 $0x180, v19;
	[tilespmem:v55+s26+$0x0] =	vst.idx.add.f32.msk $0xffff, v60  }
0x258: {  	v62 =	vadd.s32 $0x180, v20;
	[tilespmem:v56+s28+$0x0] =	vst.idx.add.f32.msk $0xffff, v60  }
0x259: {  	v21 =	vld.idx.msk [tilespmem:v21+s8+$0x0], $0xffff  }
0x25a: {  	v55 =	vadd.s32 s0, v4;
	[tilespmem:v7+s28+$0x0] =	vst.idx.add.f32.msk $0xffff, v57;
	v56 =	vmul.f32 v63, v10  }
0x25b: {  	v60 =	vadd.s32 $0x980, v29;
	v57 =	vadd.s32 s15, v2;
	v2 =	vld [tilespmem:$0x1FD40]  }
0x25c: {  	[tilespmem:v61+s26+$0x0] =	vst.idx.add.f32.msk $0xffff, v56  }
0x25d: {  	v63 =	vadd.s32 $0x980, v30;
	[tilespmem:v62+s28+$0x0] =	vst.idx.add.f32.msk $0xffff, v56  }
0x25e: {  	v54 =	vmul.f32 v54, v28;
	v62 =	vld [tilespmem:$0x1FFB0]  }
0x25f: {  	v55 =	vld.idx.msk [tilespmem:v55+s8+$0x0], $0xffff  }
0x260: {  	v22 =	vadd.s32 $0x180, v8;
	[tilespmem:v60+s26+$0x0] =	vst.idx.add.f32.msk $0xffff, v54  }
0x261: {  	[tilespmem:$0x1FB90] =	vst v32;
	v32 =	vadd.s32 s23, v4;
	v60 =	vld [tilespmem:$0x1FEC0]  }
0x262: {  	v21 =	vmul.f32 v21, v31;
	[tilespmem:v63+s28+$0x0] =	vst.idx.add.f32.msk $0xffff, v54  }
0x263: {  	v56 =	vld.idx.msk [tilespmem:v57+s8+$0x0], $0xffff  }
0x264: {  	v63 =	vadd.s32 $0x200, v19;
	[tilespmem:v52+s26+$0x0] =	vst.idx.add.f32.msk $0xffff, v21  }
0x265: {  	v57 =	vadd.s32 $0x200, v20;
	[tilespmem:v22+s28+$0x0] =	vst.idx.add.f32.msk $0xffff, v21  }
0x266: {  	[tilespmem:$0x1FCA0] =	vst v58;
	v58 =	vadd.s32 $0x780, v8;
	v22 =	vld.idx.msk [tilespmem:v32+s8+$0x0], $0xffff;
	v52 =	vadd.s32 s0, v60  }
0x267: {  	v7 =	vmovc v58;
	v32 =	vadd.s32 $0xA00, v29;
	v58 =	vld.idx.msk [tilespmem:v2+s8+$0x0], $0xffff;
	v2 =	vmov v47;
	v21 =	vmul.f32 v55, v10  }
0x268: {  	v55 =	vadd.s32 $0xA00, v30;
	[tilespmem:$0x1FD40] =	vst v2;
	v2 =	vld [tilespmem:$0x1FD50]  }
0x269: {  	[tilespmem:v63+s26+$0x0] =	vst.idx.add.f32.msk $0xffff, v21  }
0x26a: {  	[tilespmem:v57+s28+$0x0] =	vst.idx.add.f32.msk $0xffff, v21;
	v21 =	vmul.f32 v56, v28  }
0x26b: {  	[tilespmem:$0x1FAE0] =	vst v50;
	v50 =	vadd.s32 $0x200, v8;
	v52 =	vld.idx.msk [tilespmem:v52+s8+$0x0], $0xffff  }
0x26c: {  	[tilespmem:v32+s26+$0x0] =	vst.idx.add.f32.msk $0xffff, v21  }
0x26d: {  	v22 =	vmul.f32 v22, v31;
	[tilespmem:v55+s28+$0x0] =	vst.idx.add.f32.msk $0xffff, v21  }
0x26e: {  	v63 =	vadd.s32 s15, v62;
	v55 =	vld [tilespmem:$0x1FED0]  }
0x26f: {  	[tilespmem:v51+s26+$0x0] =	vst.idx.add.f32.msk $0xffff, v22  }
0x270: {  	[tilespmem:v50+s28+$0x0] =	vst.idx.add.f32.msk $0xffff, v22  }
0x271: {  	v21 =	vadd.s32 $0x280, v19;
	v16 =	vld.idx.msk [tilespmem:v16+s8+$0x0], $0xffff  }
0x272: {  	v54 =	vadd.s32 $0x280, v20;
	v56 =	vld [tilespmem:$0x1FFC0]  }
0x273: {  	v47 =	vmul.f32 v58, v27;
	v32 =	vld.idx.msk [tilespmem:v63+s8+$0x0], $0xffff  }
0x274: {  	v51 =	vld [tilespmem:$0x1FEE0];
	v22 =	vmul.f32 v52, v10;
	v63 =	vadd.s32 s0, v55  }
0x275: {  	v57 =	vadd.s32 $0xA80, v29;
	[tilespmem:v5+s26+$0x0] =	vst.idx.add.f32.msk $0xffff, v47  }
0x276: {  	v48 =	vadd.s32 $0x280, v8;
	[tilespmem:v21+s26+$0x0] =	vst.idx.add.f32.msk $0xffff, v22;
	v16 =	vmul.f32 v16, v31  }
0x277: {  	v58 =	vadd.s32 $0xA80, v30;
	[tilespmem:v54+s28+$0x0] =	vst.idx.add.f32.msk $0xffff, v22  }
0x278: {  	v22 =	vmul.f32 v32, v28;
	[tilespmem:v49+s26+$0x0] =	vst.idx.add.f32.msk $0xffff, v16  }
0x279: {  	v63 =	vld.idx.msk [tilespmem:v63+s8+$0x0], $0xffff  }
0x27a: {  	[tilespmem:v57+s26+$0x0] =	vst.idx.add.f32.msk $0xffff, v22  }
0x27b: {  	v21 =	vadd.s32 s15, v56;
	[tilespmem:v48+s28+$0x0] =	vst.idx.add.f32.msk $0xffff, v16  }
0x27c: {  	[tilespmem:v58+s28+$0x0] =	vst.idx.add.f32.msk $0xffff, v22  }
0x27d: {  	v22 =	vadd.s32 $0x300, v19;
	v58 =	vld.idx.msk [tilespmem:v38+s8+$0x0], $0xffff  }
0x27e: {  	v52 =	vld [tilespmem:$0x1FFD0];
	v54 =	vadd.s32 $0x300, v20  }
0x27f: {  	v48 =	vld [tilespmem:$0x1FEF0]  }
0x280: {  	v57 =	vadd.s32 s0, v51;
	v21 =	vld.idx.msk [tilespmem:v21+s8+$0x0], $0xffff;
	v16 =	vmul.f32 v63, v10  }
0x281: {  	v18 =	vadd.s32 $0x300, v8;
	[tilespmem:v6+s28+$0x0] =	vst.idx.add.f32.msk $0xffff, v47  }
0x282: {  	v4 =	vmov v59;
	v59 =	vadd.s32 $0xB00, v29;
	v32 =	vmul.f32 v58, v31;
	[tilespmem:v22+s26+$0x0] =	vst.idx.add.f32.msk $0xffff, v16  }
0x283: {  	v63 =	vadd.s32 $0xB00, v30;
	[tilespmem:v54+s28+$0x0] =	vst.idx.add.f32.msk $0xffff, v16  }
0x284: {  	[tilespmem:v44+s26+$0x0] =	vst.idx.add.f32.msk $0xffff, v32  }
0x285: {  	v22 =	vadd.s32 s15, v52;
	v16 =	vmul.f32 v21, v28;
	v21 =	vld.idx.msk [tilespmem:v57+s8+$0x0], $0xffff  }
0x286: {  	[tilespmem:v18+s28+$0x0] =	vst.idx.add.f32.msk $0xffff, v32  }
0x287: {  	[tilespmem:v59+s26+$0x0] =	vst.idx.add.f32.msk $0xffff, v16  }
0x288: {  	[tilespmem:v63+s28+$0x0] =	vst.idx.add.f32.msk $0xffff, v16;
	v16 =	vadd.s32 $0x380, v19  }
0x289: {  	[tilespmem:$0x1FD10] =	vst v53;
	v53 =	vadd.s32 $0x800, v8;
	v50 =	vadd.s32 $0x380, v20;
	v47 =	vld.idx.msk [tilespmem:v2+s8+$0x0], $0xffff  }
0x28a: {  	v37 =	vadd.s32 s23, v42;
	v5 =	vmov v53;
	v53 =	vadd.s32 s0, v48;
	v22 =	vld.idx.msk [tilespmem:v22+s8+$0x0], $0xffff  }
0x28b: {  	v2 =	vmov v37;
	v18 =	vmul.f32 v21, v10;
	v21 =	vld.idx.msk [tilespmem:v26+s8+$0x0], $0xffff  }
0x28c: {  	[tilespmem:$0x1FD50] =	vst v2;
	v2 =	vld [tilespmem:$0x1FAA0];
	v26 =	vadd.s32 $0xB80, v29  }
0x28d: {  	[tilespmem:v16+s26+$0x0] =	vst.idx.add.f32.msk $0xffff, v18  }
0x28e: {  	v42 =	vadd.s32 $0x380, v8;
	[tilespmem:v50+s28+$0x0] =	vst.idx.add.f32.msk $0xffff, v18  }
0x28f: {  	v18 =	vmul.f32 v22, v28;
	v22 =	vld.idx.msk [tilespmem:v53+s8+$0x0], $0xffff  }
0x290: {  	v49 =	vld [tilespmem:$0x1FFE0];
	v21 =	vmul.f32 v21, v31  }
0x291: {  	v54 =	vadd.s32 $0xB80, v30;
	[tilespmem:v26+s26+$0x0] =	vst.idx.add.f32.msk $0xffff, v18  }
0x292: {  	[tilespmem:v41+s26+$0x0] =	vst.idx.add.f32.msk $0xffff, v21  }
0x293: {  	[tilespmem:v42+s28+$0x0] =	vst.idx.add.f32.msk $0xffff, v21  }
0x294: {  	v21 =	vmul.f32 v22, v10;
	v22 =	vld.idx.msk [tilespmem:v2+s8+$0x0], $0xffff  }
0x295: {  	v16 =	vadd.s32 s15, v49;
	v2 =	vld [tilespmem:$0x1FDA0]  }
0x296: {  	[tilespmem:v54+s28+$0x0] =	vst.idx.add.f32.msk $0xffff, v18;
	v18 =	vadd.s32 $0x400, v19  }
0x297: {  	v57 =	vadd.s32 $0x400, v20;
	_ =	sdelay $0x1  }
0x298: {  	v44 =	vld [tilespmem:$0x1FF00]  }
0x299: {  	[tilespmem:$0x1FB30] =	vst v40;
	v40 =	vadd.s32 $0x400, v8;
	v16 =	vld.idx.msk [tilespmem:v16+s8+$0x0], $0xffff  }
0x29a: {  	v26 =	vmul.f32 v47, v27;
	[tilespmem:v18+s26+$0x0] =	vst.idx.add.f32.msk $0xffff, v21  }
0x29b: {  	[tilespmem:v57+s28+$0x0] =	vst.idx.add.f32.msk $0xffff, v21;
	v21 =	vmul.f32 v22, v31  }
0x29c: {  	[tilespmem:v2+s26+$0x0] =	vst.idx.add.f32.msk $0xffff, v26  }
0x29d: {  	s15 =	smov.u32 s0;
	[tilespmem:v39+s26+$0x0] =	vst.idx.add.f32.msk $0xffff, v21  }
0x29e: {  	v58 =	vadd.s32 s15, v44;
	[tilespmem:v40+s28+$0x0] =	vst.idx.add.f32.msk $0xffff, v21  }
0x29f: {  	v59 =	vadd.s32 $0xC00, v29;
	v21 =	vmov v0;
	v0 =	vld [tilespmem:$0x1FAB0]  }
0x2a0: {  	v63 =	vadd.s32 $0xC00, v30  }
0x2a1: {  	v18 =	vadd.s32 $0xC80, v29  }
0x2a2: {  	v16 =	vmul.f32 v16, v28  }
0x2a3: {  	v29 =	vmov v19;
	v19 =	vadd.s32 $0xC80, v30;
	v30 =	vmov v20;
	v20 =	vld.idx.msk [tilespmem:v58+s8+$0x0], $0xffff  }
0x2a4: {  	[tilespmem:v59+s26+$0x0] =	vst.idx.add.f32.msk $0xffff, v16  }
0x2a5: {  	[tilespmem:v63+s28+$0x0] =	vst.idx.add.f32.msk $0xffff, v16  }
0x2a6: {  	[tilespmem:v18+s26+$0x0] =	vst.idx.add.f32.msk $0xffff, v28  }
0x2a7: {  	v18 =	vld.idx.msk [tilespmem:v0+s8+$0x0], $0xffff  }
0x2a8: {  	v0 =	vld [tilespmem:$0x1FDB0];
	_ =	sdelay $0x6  }
0x2a9: {  	v1 =	vadd.s32 $0x880, v8  }
0x2aa: {  	[tilespmem:v0+s28+$0x0] =	vst.idx.add.f32.msk $0xffff, v26;
	v0 =	vmov v1  }
0x2ab: {  	[tilespmem:$0x1FDB0] =	vst v0;
	v0 =	vld [tilespmem:$0x1FD60];
	_ =	sdelay $0x1  }
0x2ac: {  	v2 =	vmov v46  }
0x2ad: {  	[tilespmem:$0x1FDA0] =	vst v2;
	v2 =	vld [tilespmem:$0x1FAC0];
	_ =	sdelay $0x3  }
0x2ae: {  	[tilespmem:v19+s28+$0x0] =	vst.idx.add.f32.msk $0xffff, v28;
	v28 =	vmov v10  }
0x2af: {  	v1 =	vmul.f32 v20, v28;
	v20 =	vld.idx.msk [tilespmem:v0+s8+$0x0], $0xffff;
	v0 =	vmov v2  }
0x2b0: {  	[tilespmem:$0x1FD60] =	vst v0;
	v0 =	vld [tilespmem:$0x1FAD0];
	_ =	sdelay $0x7  }
0x2b1: {  	[tilespmem:v0+s26+$0x0] =	vst.idx.add.f32.msk $0xffff, v13  }
0x2b2: {  	v0 =	vld [tilespmem:$0x1FAE0];
	_ =	sdelay $0x7  }
0x2b3: {  	[tilespmem:v0+s28+$0x0] =	vst.idx.add.f32.msk $0xffff, v13  }
0x2b4: {  	v0 =	vld [tilespmem:$0x1FE60];
	_ =	sdelay $0x3  }
0x2b5: {  	v43 =	vadd.s32 $0xB80, v8  }
0x2b6: {  	v10 =	vadd.s32 $0x480, v29;
	v50 =	vmov v0;
	v0 =	vmov v43  }
0x2b7: {  	[tilespmem:$0x1FE60] =	vst v0;
	v0 =	vld [tilespmem:$0x1FB00];
	_ =	sdelay $0x1  }
0x2b8: {  	v34 =	vadd.s32 $0x480, v8;
	_ =	sdelay $0x1  }
0x2b9: {  	[tilespmem:v10+s26+$0x0] =	vst.idx.add.f32.msk $0xffff, v1;
	v10 =	vmul.f32 v18, v31;
	_ =	sdelay $0x1  }
0x2ba: {  	[tilespmem:v33+s26+$0x0] =	vst.idx.add.f32.msk $0xffff, v10  }
0x2bb: {  	[tilespmem:v34+s28+$0x0] =	vst.idx.add.f32.msk $0xffff, v10  }
0x2bc: {  	v18 =	vld.idx.msk [tilespmem:v0+s8+$0x0], $0xffff  }
0x2bd: {  	v0 =	vld [tilespmem:$0x1FDC0];
	_ =	sdelay $0x5  }
0x2be: {  	v13 =	vmul.f32 v20, v27;
	_ =	sdelay $0x1  }
0x2bf: {  	[tilespmem:v0+s26+$0x0] =	vst.idx.add.f32.msk $0xffff, v13;
	v0 =	vmov v14  }
0x2c0: {  	[tilespmem:$0x1FDC0] =	vst v0;
	v0 =	vld [tilespmem:$0x1FDD0];
	_ =	sdelay $0x6  }
0x2c1: {  	v15 =	vadd.s32 $0x900, v8  }
0x2c2: {  	[tilespmem:v0+s28+$0x0] =	vst.idx.add.f32.msk $0xffff, v13;
	v0 =	vmov v15  }
0x2c3: {  	[tilespmem:$0x1FDD0] =	vst v0;
	v0 =	vld [tilespmem:$0x1FD70];
	_ =	sdelay $0x2  }
0x2c4: {  	v2 =	vld [tilespmem:$0x1FB10];
	_ =	sdelay $0x4  }
0x2c5: {  	v13 =	vld.idx.msk [tilespmem:v0+s8+$0x0], $0xffff;
	v0 =	vmov v2  }
0x2c6: {  	[tilespmem:$0x1FD70] =	vst v0;
	v0 =	vld [tilespmem:$0x1FB20];
	_ =	sdelay $0x6  }
0x2c7: {  	v37 =	vld [tilespmem:$0x1FF10]  }
0x2c8: {  	v14 =	vld.idx.msk [tilespmem:v0+s8+$0x0], $0xffff  }
0x2c9: {  	v0 =	vld [tilespmem:$0x1FB30];
	_ =	sdelay $0x1  }
0x2ca: {  	v16 =	vadd.s32 $0x480, v30  }
0x2cb: {  	v19 =	vadd.s32 s15, v37;
	_ =	sdelay $0x1  }
0x2cc: {  	v26 =	vmov v0;
	v0 =	vld [tilespmem:$0x1FB40];
	_ =	sdelay $0x1  }
0x2cd: {  	[tilespmem:v16+s28+$0x0] =	vst.idx.add.f32.msk $0xffff, v1  }
0x2ce: {  	v1 =	vld.idx.msk [tilespmem:v19+s8+$0x0], $0xffff;
	_ =	sdelay $0x1  }
0x2cf: {  	v16 =	vadd.s32 $0x500, v29;
	v40 =	vmov v0;
	v0 =	vld [tilespmem:$0x1FB50]  }
0x2d0: {  	v10 =	vadd.s32 $0x500, v30;
	_ =	sdelay $0x1  }
0x2d1: {  	v1 =	vmul.f32 v1, v28;
	_ =	sdelay $0x1  }
0x2d2: {  	[tilespmem:v16+s26+$0x0] =	vst.idx.add.f32.msk $0xffff, v1  }
0x2d3: {  	[tilespmem:v10+s28+$0x0] =	vst.idx.add.f32.msk $0xffff, v1;
	v10 =	vmul.f32 v18, v31;
	_ =	sdelay $0x1  }
0x2d4: {  	[tilespmem:v0+s26+$0x0] =	vst.idx.add.f32.msk $0xffff, v10  }
0x2d5: {  	v0 =	vld [tilespmem:$0x1FB60];
	_ =	sdelay $0x1  }
0x2d6: {  	v23 =	vadd.s32 $0x500, v8;
	_ =	sdelay $0x4  }
0x2d7: {  	[tilespmem:v23+s28+$0x0] =	vst.idx.add.f32.msk $0xffff, v10  }
0x2d8: {  	v16 =	vld.idx.msk [tilespmem:v0+s8+$0x0], $0xffff  }
0x2d9: {  	v0 =	vld [tilespmem:$0x1FDE0];
	_ =	sdelay $0x5  }
0x2da: {  	v10 =	vmul.f32 v13, v27;
	_ =	sdelay $0x1  }
0x2db: {  	[tilespmem:v0+s26+$0x0] =	vst.idx.add.f32.msk $0xffff, v10;
	v0 =	vmov v35  }
0x2dc: {  	[tilespmem:$0x1FDE0] =	vst v0;
	v0 =	vld [tilespmem:$0x1FDF0];
	_ =	sdelay $0x6  }
0x2dd: {  	v36 =	vadd.s32 $0x980, v8  }
0x2de: {  	[tilespmem:v0+s28+$0x0] =	vst.idx.add.f32.msk $0xffff, v10;
	v0 =	vmov v36  }
0x2df: {  	[tilespmem:$0x1FDF0] =	vst v0;
	v0 =	vld [tilespmem:$0x1FD80];
	_ =	sdelay $0x2  }
0x2e0: {  	v2 =	vld [tilespmem:$0x1FB80];
	_ =	sdelay $0x4  }
0x2e1: {  	v10 =	vld.idx.msk [tilespmem:v0+s8+$0x0], $0xffff;
	v0 =	vmov v2  }
0x2e2: {  	[tilespmem:$0x1FD80] =	vst v0;
	v0 =	vld [tilespmem:$0x1FB90];
	_ =	sdelay $0x1  }
0x2e3: {  	v39 =	vld [tilespmem:$0x1FF20];
	_ =	sdelay $0x3  }
0x2e4: {  	v14 =	vmul.f32 v14, v21  }
0x2e5: {  	v19 =	vadd.s32 s15, v39  }
0x2e6: {  	[tilespmem:v0+s26+$0x0] =	vst.idx.add.f32.msk $0xffff, v14  }
0x2e7: {  	v0 =	vld [tilespmem:$0x1FBA0];
	_ =	sdelay $0x2  }
0x2e8: {  	v1 =	vld.idx.msk [tilespmem:v19+s8+$0x0], $0xffff;
	_ =	sdelay $0x1  }
0x2e9: {  	v15 =	vadd.s32 $0x580, v29;
	v32 =	vmov v0;
	v0 =	vld [tilespmem:$0x1FBB0]  }
0x2ea: {  	v13 =	vadd.s32 $0x580, v30;
	_ =	sdelay $0x1  }
0x2eb: {  	v1 =	vmul.f32 v1, v28;
	_ =	sdelay $0x1  }
0x2ec: {  	[tilespmem:v15+s26+$0x0] =	vst.idx.add.f32.msk $0xffff, v1  }
0x2ed: {  	[tilespmem:v13+s28+$0x0] =	vst.idx.add.f32.msk $0xffff, v1;
	v13 =	vmul.f32 v16, v31;
	_ =	sdelay $0x1  }
0x2ee: {  	[tilespmem:v0+s26+$0x0] =	vst.idx.add.f32.msk $0xffff, v13  }
0x2ef: {  	v0 =	vld [tilespmem:$0x1FBC0];
	_ =	sdelay $0x7  }
0x2f0: {  	[tilespmem:v0+s28+$0x0] =	vst.idx.add.f32.msk $0xffff, v13  }
0x2f1: {  	v0 =	vld [tilespmem:$0x1FBD0];
	_ =	sdelay $0x7  }
0x2f2: {  	v15 =	vld.idx.msk [tilespmem:v0+s8+$0x0], $0xffff  }
0x2f3: {  	v0 =	vld [tilespmem:$0x1FE00];
	_ =	sdelay $0x5  }
0x2f4: {  	v10 =	vmul.f32 v10, v27;
	_ =	sdelay $0x1  }
0x2f5: {  	[tilespmem:v0+s26+$0x0] =	vst.idx.add.f32.msk $0xffff, v10;
	v0 =	vmov v24  }
0x2f6: {  	[tilespmem:$0x1FE00] =	vst v0;
	v0 =	vld [tilespmem:$0x1FE10];
	_ =	sdelay $0x6  }
0x2f7: {  	v25 =	vadd.s32 $0xA00, v8  }
0x2f8: {  	[tilespmem:v0+s28+$0x0] =	vst.idx.add.f32.msk $0xffff, v10;
	v0 =	vmov v25  }
0x2f9: {  	[tilespmem:$0x1FE10] =	vst v0;
	v0 =	vld [tilespmem:$0x1FBE0];
	_ =	sdelay $0x7  }
0x2fa: {  	v10 =	vld.idx.msk [tilespmem:v0+s8+$0x0], $0xffff  }
0x2fb: {  	v0 =	vld [tilespmem:$0x1FBF0];
	_ =	sdelay $0x4  }
0x2fc: {  	v59 =	vmov v0;
	v0 =	vld [tilespmem:$0x1FC00];
	_ =	sdelay $0x2  }
0x2fd: {  	v23 =	vld [tilespmem:$0x1FF30];
	_ =	sdelay $0x4  }
0x2fe: {  	v18 =	vadd.s32 s15, v23;
	[tilespmem:v0+s28+$0x0] =	vst.idx.add.f32.msk $0xffff, v14  }
0x2ff: {  	v0 =	vld [tilespmem:$0x1FC10];
	_ =	sdelay $0x3  }
0x300: {  	v1 =	vld.idx.msk [tilespmem:v18+s8+$0x0], $0xffff  }
0x301: {  	v33 =	vmov v0;
	v0 =	vld [tilespmem:$0x1FC20]  }
0x302: {  	v18 =	vmov v9;
	v9 =	vadd.s32 $0x600, v29;
	_ =	sdelay $0x2  }
0x303: {  	v1 =	vmul.f32 v1, v28;
	_ =	sdelay $0x1  }
0x304: {  	[tilespmem:v9+s26+$0x0] =	vst.idx.add.f32.msk $0xffff, v1;
	v9 =	vmul.f32 v15, v31;
	_ =	sdelay $0x1  }
0x305: {  	[tilespmem:v0+s26+$0x0] =	vst.idx.add.f32.msk $0xffff, v9  }
0x306: {  	v0 =	vld [tilespmem:$0x1FC30];
	_ =	sdelay $0x7  }
0x307: {  	[tilespmem:v0+s28+$0x0] =	vst.idx.add.f32.msk $0xffff, v9  }
0x308: {  	v0 =	vld [tilespmem:$0x1FC40];
	_ =	sdelay $0x7  }
0x309: {  	v14 =	vld.idx.msk [tilespmem:v0+s8+$0x0], $0xffff  }
0x30a: {  	v0 =	vld [tilespmem:$0x1FE20];
	_ =	sdelay $0x2  }
0x30b: {  	v2 =	vld [tilespmem:$0x1FC50];
	_ =	sdelay $0x2  }
0x30c: {  	v9 =	vmul.f32 v10, v27;
	_ =	sdelay $0x1  }
0x30d: {  	[tilespmem:v0+s26+$0x0] =	vst.idx.add.f32.msk $0xffff, v9;
	v0 =	vmov v2  }
0x30e: {  	[tilespmem:$0x1FE20] =	vst v0;
	v0 =	vld [tilespmem:$0x1FE30];
	_ =	sdelay $0x2  }
0x30f: {  	v2 =	vld [tilespmem:$0x1FC60];
	_ =	sdelay $0x4  }
0x310: {  	[tilespmem:v0+s28+$0x0] =	vst.idx.add.f32.msk $0xffff, v9;
	v0 =	vmov v2  }
0x311: {  	[tilespmem:$0x1FE30] =	vst v0;
	v0 =	vld [tilespmem:$0x1FC70];
	_ =	sdelay $0x7  }
0x312: {  	v9 =	vld.idx.msk [tilespmem:v0+s8+$0x0], $0xffff  }
0x313: {  	v0 =	vld [tilespmem:$0x1FC80];
	_ =	sdelay $0x4  }
0x314: {  	v54 =	vmov v0;
	v0 =	vld [tilespmem:$0x1FC90];
	_ =	sdelay $0x6  }
0x315: {  	v36 =	vld [tilespmem:$0x1FF40]  }
0x316: {  	[tilespmem:v0+s26+$0x0] =	vst.idx.add.f32.msk $0xffff, v21  }
0x317: {  	v0 =	vld [tilespmem:$0x1FCA0];
	_ =	sdelay $0x1  }
0x318: {  	v13 =	vadd.s32 $0x600, v30  }
0x319: {  	v16 =	vadd.s32 s15, v36;
	_ =	sdelay $0x1  }
0x31a: {  	v38 =	vmov v0;
	v0 =	vld [tilespmem:$0x1FCB0];
	_ =	sdelay $0x1  }
0x31b: {  	[tilespmem:v13+s28+$0x0] =	vst.idx.add.f32.msk $0xffff, v1  }
0x31c: {  	v1 =	vld.idx.msk [tilespmem:v16+s8+$0x0], $0xffff;
	_ =	sdelay $0x1  }
0x31d: {  	v13 =	vadd.s32 $0x680, v29;
	v58 =	vmov v0;
	v0 =	vld [tilespmem:$0x1FCC0]  }
0x31e: {  	v10 =	vadd.s32 $0x680, v30;
	_ =	sdelay $0x1  }
0x31f: {  	v1 =	vmul.f32 v1, v28;
	_ =	sdelay $0x1  }
0x320: {  	[tilespmem:v13+s26+$0x0] =	vst.idx.add.f32.msk $0xffff, v1  }
0x321: {  	[tilespmem:v10+s28+$0x0] =	vst.idx.add.f32.msk $0xffff, v1;
	v10 =	vmul.f32 v14, v31;
	_ =	sdelay $0x1  }
0x322: {  	[tilespmem:v0+s26+$0x0] =	vst.idx.add.f32.msk $0xffff, v10  }
0x323: {  	v0 =	vld [tilespmem:$0x1FCD0];
	_ =	sdelay $0x7  }
0x324: {  	[tilespmem:v0+s28+$0x0] =	vst.idx.add.f32.msk $0xffff, v10  }
0x325: {  	v0 =	vld [tilespmem:$0x1FCE0];
	_ =	sdelay $0x5  }
0x326: {  	v24 =	vld [tilespmem:$0x1FF50];
	_ =	sdelay $0x1  }
0x327: {  	v14 =	vld.idx.msk [tilespmem:v0+s8+$0x0], $0xffff  }
0x328: {  	v0 =	vld [tilespmem:$0x1FE40];
	_ =	sdelay $0x1  }
0x329: {  	v15 =	vadd.s32 s15, v24  }
0x32a: {  	v2 =	vld [tilespmem:$0x1FCF0];
	_ =	sdelay $0x2  }
0x32b: {  	v9 =	vmul.f32 v9, v27  }
0x32c: {  	v1 =	vld.idx.msk [tilespmem:v15+s8+$0x0], $0xffff  }
0x32d: {  	[tilespmem:v0+s26+$0x0] =	vst.idx.add.f32.msk $0xffff, v9;
	v0 =	vmov v2  }
0x32e: {  	[tilespmem:$0x1FE40] =	vst v0;
	v0 =	vld [tilespmem:$0x1FE50];
	_ =	sdelay $0x2  }
0x32f: {  	v16 =	vmul.f32 v1, v28;
	v1 =	vld [tilespmem:$0x1FD00];
	_ =	sdelay $0x2  }
0x330: {  	v61 =	vld [tilespmem:$0x1FFA0]  }
0x331: {  	v41 =	vld [tilespmem:$0x1FF70]  }
0x332: {  	[tilespmem:v0+s28+$0x0] =	vst.idx.add.f32.msk $0xffff, v9;
	v0 =	vmov v1  }
0x333: {  	[tilespmem:$0x1FE50] =	vst v0;
	v0 =	vld [tilespmem:$0x1FD10]  }
0x334: {  	v42 =	vld [tilespmem:$0x1FF80]  }
0x335: {  	v22 =	vld [tilespmem:$0x1FE80]  }
0x336: {  	v63 =	vmov v45;
	v45 =	vld [tilespmem:$0x1FF90]  }
0x337: {  	v25 =	vld [tilespmem:$0x1FF60]  }
0x338: {  	v46 =	vld [tilespmem:$0x1FEA0]  }
0x339: {  	v20 =	vld [tilespmem:$0x1FE70]  }
0x33a: {  	v34 =	vld [tilespmem:$0x1FE90];
	v13 =	vadd.s32 $0x700, v29  }
0x33b: {  	s22 =	sadd.s32 $0x2, s22;
	v10 =	vadd.s32 $0x700, v30;
	v1 =	vld.idx.msk [tilespmem:v0+s8+$0x0], $0xffff  }
0x33c: {  	p1 =	slt.u32 s22, $0x1E;
	v15 =	vadd.s32 s15, v25;
	v0 =	vld [tilespmem:$0x1FD20]  }
.Ltmp1:
0x33d: {  	v43 =	vld [tilespmem:$0x1FAF0];
	(pc) =	sbr.rel @p1 .LBB2_5-.Ltmp1, $4  }
0x33e: {  	v35 =	vld [tilespmem:$0x1FB70]  }
0x33f: {  	[tilespmem:v13+s26+$0x0] =	vst.idx.add.f32.msk $0xffff, v16  }
0x340: {  	v11 =	vadd.s32 $0x700, v8;
	v17 =	vadd.s32 $0xC00, v8;
	[tilespmem:v10+s28+$0x0] =	vst.idx.add.f32.msk $0xffff, v16  }
0x341: {  	s23 =	sadd.s32 $0x320, s23;
	v8 =	vadd.s32 $0xC80, v8;
	v47 =	vmovc v3;
	v57 =	vmovc v17;
	v13 =	vld.idx.msk [tilespmem:v15+s8+$0x0], $0xffff;
	v10 =	vmul.f32 v14, v31;
	v53 =	vmov v0  }
0x342: {  	_ = 	snop  }
0x343: {  	v9 =	vadd.s32 $0x780, v29  }
0x344: {  	v14 =	vadd.s32 $0x780, v30  }
0x345: {  	v15 =	vadd.s32 s15, v41  }
0x346: {  	v13 =	vmul.f32 v13, v28  }
0x347: {  	[tilespmem:v12+s26+$0x0] =	vst.idx.add.f32.msk $0xffff, v10  }
0x348: {  	[tilespmem:v9+s26+$0x0] =	vst.idx.add.f32.msk $0xffff, v13  }
0x349: {  	[tilespmem:v14+s28+$0x0] =	vst.idx.add.f32.msk $0xffff, v13  }
0x34a: {  	v9 =	vld.idx.msk [tilespmem:v15+s8+$0x0], $0xffff  }
0x34b: {  	[tilespmem:v11+s28+$0x0] =	vst.idx.add.f32.msk $0xffff, v10  }
0x34c: {  	v13 =	vadd.s32 $0x800, v29;
	v0 =	vld [tilespmem:$0x1FD30]  }
0x34d: {  	v12 =	vadd.s32 $0x800, v30;
	_ =	sdelay $0x1  }
0x34e: {  	v9 =	vmul.f32 v9, v28;
	_ =	sdelay $0x1  }
0x34f: {  	[tilespmem:v13+s26+$0x0] =	vst.idx.add.f32.msk $0xffff, v9  }
0x350: {  	[tilespmem:v12+s28+$0x0] =	vst.idx.add.f32.msk $0xffff, v9  }
0x351: {  	v2 =	vld [tilespmem:$0x1FD90]  }
0x352: {  	v0 =	vld.idx.msk [tilespmem:v0+s8+$0x0], $0xffff;
	_ =	sdelay $0x4  }
0x353: {  	v0 =	vmul.f32 v0, v31;
	_ =	sdelay $0x1  }
0x354: {  	[tilespmem:v2+s26+$0x0] =	vst.idx.add.f32.msk $0xffff, v0  }
0x355: {  	v15 =	vadd.s32 s15, v42;
	[tilespmem:v7+s28+$0x0] =	vst.idx.add.f32.msk $0xffff, v0  }
0x356: {  	v2 =	vld [tilespmem:$0x1FD40];
	_ =	sdelay $0x3  }
0x357: {  	v9 =	vld.idx.msk [tilespmem:v15+s8+$0x0], $0xffff;
	_ =	sdelay $0x1  }
0x358: {  	v13 =	vadd.s32 $0x880, v29  }
0x359: {  	v14 =	vadd.s32 $0x880, v30  }
0x35a: {  	v6 =	vadd.s32 s15, v45;
	v7 =	vld.idx.msk [tilespmem:v2+s8+$0x0], $0xffff  }
0x35b: {  	v0 =	vmul.f32 v9, v28;
	_ =	sdelay $0x1  }
0x35c: {  	[tilespmem:v13+s26+$0x0] =	vst.idx.add.f32.msk $0xffff, v0  }
0x35d: {  	[tilespmem:v14+s28+$0x0] =	vst.idx.add.f32.msk $0xffff, v0  }
0x35e: {  	v0 =	vld.idx.msk [tilespmem:v6+s8+$0x0], $0xffff;
	v6 =	vmul.f32 v7, v31;
	_ =	sdelay $0x1  }
0x35f: {  	[tilespmem:v4+s26+$0x0] =	vst.idx.add.f32.msk $0xffff, v6  }
0x360: {  	[tilespmem:v5+s28+$0x0] =	vst.idx.add.f32.msk $0xffff, v6  }
0x361: {  	v2 =	vld [tilespmem:$0x1FD50]  }
0x362: {  	v7 =	vadd.s32 $0x900, v29  }
0x363: {  	v15 =	vadd.s32 $0x900, v30;
	_ =	sdelay $0x1  }
0x364: {  	v0 =	vmul.f32 v0, v28;
	_ =	sdelay $0x1  }
0x365: {  	[tilespmem:v7+s26+$0x0] =	vst.idx.add.f32.msk $0xffff, v0  }
0x366: {  	[tilespmem:v15+s28+$0x0] =	vst.idx.add.f32.msk $0xffff, v0  }
0x367: {  	v5 =	vld.idx.msk [tilespmem:v2+s8+$0x0], $0xffff  }
0x368: {  	v2 =	vld [tilespmem:$0x1FDA0]  }
0x369: {  	v4 =	vadd.s32 s15, v61;
	_ =	sdelay $0x4  }
0x36a: {  	v0 =	vld.idx.msk [tilespmem:v4+s8+$0x0], $0xffff;
	v4 =	vmul.f32 v5, v31;
	_ =	sdelay $0x1  }
0x36b: {  	[tilespmem:v2+s26+$0x0] =	vst.idx.add.f32.msk $0xffff, v4  }
0x36c: {  	v2 =	vld [tilespmem:$0x1FDB0];
	_ =	sdelay $0x6  }
0x36d: {  	v19 =	vld [tilespmem:$0x1FFF0]  }
0x36e: {  	[tilespmem:v2+s28+$0x0] =	vst.idx.add.f32.msk $0xffff, v4  }
0x36f: {  	v5 =	vadd.s32 $0x980, v29;
	v2 =	vld [tilespmem:$0x1FD60]  }
0x370: {  	v6 =	vadd.s32 $0x980, v30;
	_ =	sdelay $0x1  }
0x371: {  	v0 =	vmul.f32 v0, v28;
	_ =	sdelay $0x1  }
0x372: {  	[tilespmem:v5+s26+$0x0] =	vst.idx.add.f32.msk $0xffff, v0  }
0x373: {  	[tilespmem:v6+s28+$0x0] =	vst.idx.add.f32.msk $0xffff, v0  }
0x374: {  	v5 =	vld [tilespmem:$0x1FDC0]  }
0x375: {  	v2 =	vld.idx.msk [tilespmem:v2+s8+$0x0], $0xffff;
	_ =	sdelay $0x4  }
0x376: {  	v2 =	vmul.f32 v2, v31;
	_ =	sdelay $0x1  }
0x377: {  	[tilespmem:v5+s26+$0x0] =	vst.idx.add.f32.msk $0xffff, v2  }
0x378: {  	v6 =	vld [tilespmem:$0x1FDD0]  }
0x379: {  	v3 =	vadd.s32 s15, v19;
	_ =	sdelay $0x4  }
0x37a: {  	v0 =	vld.idx.msk [tilespmem:v3+s8+$0x0], $0xffff;
	_ =	sdelay $0x1  }
0x37b: {  	v3 =	vadd.s32 $0xA00, v29;
	[tilespmem:v6+s28+$0x0] =	vst.idx.add.f32.msk $0xffff, v2  }
0x37c: {  	v4 =	vadd.s32 $0xA00, v30;
	v2 =	vld [tilespmem:$0x1FD70]  }
0x37d: {  	v5 =	vadd.s32 s15, v62  }
0x37e: {  	v0 =	vmul.f32 v0, v28;
	_ =	sdelay $0x1  }
0x37f: {  	[tilespmem:v3+s26+$0x0] =	vst.idx.add.f32.msk $0xffff, v0  }
0x380: {  	[tilespmem:v4+s28+$0x0] =	vst.idx.add.f32.msk $0xffff, v0  }
0x381: {  	v0 =	vld.idx.msk [tilespmem:v5+s8+$0x0], $0xffff  }
0x382: {  	v5 =	vld [tilespmem:$0x1FDE0]  }
0x383: {  	v2 =	vld.idx.msk [tilespmem:v2+s8+$0x0], $0xffff;
	_ =	sdelay $0x4  }
0x384: {  	v2 =	vmul.f32 v2, v31;
	_ =	sdelay $0x1  }
0x385: {  	[tilespmem:v5+s26+$0x0] =	vst.idx.add.f32.msk $0xffff, v2  }
0x386: {  	v6 =	vld [tilespmem:$0x1FDF0];
	_ =	sdelay $0x7  }
0x387: {  	v3 =	vadd.s32 $0xA80, v29;
	[tilespmem:v6+s28+$0x0] =	vst.idx.add.f32.msk $0xffff, v2  }
0x388: {  	v4 =	vadd.s32 $0xA80, v30;
	v2 =	vld [tilespmem:$0x1FD80]  }
0x389: {  	v5 =	vadd.s32 s15, v56  }
0x38a: {  	v0 =	vmul.f32 v0, v28;
	_ =	sdelay $0x1  }
0x38b: {  	[tilespmem:v3+s26+$0x0] =	vst.idx.add.f32.msk $0xffff, v0  }
0x38c: {  	[tilespmem:v4+s28+$0x0] =	vst.idx.add.f32.msk $0xffff, v0  }
0x38d: {  	v0 =	vld.idx.msk [tilespmem:v5+s8+$0x0], $0xffff  }
0x38e: {  	v5 =	vld [tilespmem:$0x1FE00]  }
0x38f: {  	v2 =	vld.idx.msk [tilespmem:v2+s8+$0x0], $0xffff;
	_ =	sdelay $0x4  }
0x390: {  	v2 =	vmul.f32 v2, v31;
	_ =	sdelay $0x1  }
0x391: {  	[tilespmem:v5+s26+$0x0] =	vst.idx.add.f32.msk $0xffff, v2  }
0x392: {  	v3 =	vadd.s32 $0xB00, v29;
	v6 =	vld [tilespmem:$0x1FE10]  }
0x393: {  	v4 =	vadd.s32 $0xB00, v30  }
0x394: {  	v5 =	vadd.s32 s15, v52  }
0x395: {  	v0 =	vmul.f32 v0, v28;
	_ =	sdelay $0x1  }
0x396: {  	[tilespmem:v3+s26+$0x0] =	vst.idx.add.f32.msk $0xffff, v0  }
0x397: {  	[tilespmem:v4+s28+$0x0] =	vst.idx.add.f32.msk $0xffff, v0  }
0x398: {  	v0 =	vld.idx.msk [tilespmem:v5+s8+$0x0], $0xffff  }
0x399: {  	[tilespmem:v6+s28+$0x0] =	vst.idx.add.f32.msk $0xffff, v2  }
0x39a: {  	v5 =	vld [tilespmem:$0x1FE20]  }
0x39b: {  	v2 =	vld.idx.msk [tilespmem:v59+s8+$0x0], $0xffff;
	_ =	sdelay $0x4  }
0x39c: {  	v2 =	vmul.f32 v2, v31;
	_ =	sdelay $0x1  }
0x39d: {  	[tilespmem:v5+s26+$0x0] =	vst.idx.add.f32.msk $0xffff, v2  }
0x39e: {  	v6 =	vld [tilespmem:$0x1FE30]  }
0x39f: {  	v3 =	vadd.s32 $0xB80, v29  }
0x3a0: {  	v4 =	vadd.s32 $0xB80, v30;
	_ =	sdelay $0x1  }
0x3a1: {  	v0 =	vmul.f32 v0, v28;
	_ =	sdelay $0x1  }
0x3a2: {  	[tilespmem:v3+s26+$0x0] =	vst.idx.add.f32.msk $0xffff, v0  }
0x3a3: {  	[tilespmem:v4+s28+$0x0] =	vst.idx.add.f32.msk $0xffff, v0  }
0x3a4: {  	[tilespmem:v6+s28+$0x0] =	vst.idx.add.f32.msk $0xffff, v2  }
0x3a5: {  	v4 =	vld [tilespmem:$0x1FE40]  }
0x3a6: {  	v2 =	vld.idx.msk [tilespmem:v54+s8+$0x0], $0xffff;
	_ =	sdelay $0x4  }
0x3a7: {  	v2 =	vmul.f32 v2, v31;
	_ =	sdelay $0x1  }
0x3a8: {  	[tilespmem:v4+s26+$0x0] =	vst.idx.add.f32.msk $0xffff, v2  }
0x3a9: {  	v5 =	vadd.s32 s15, v49;
	v4 =	vld [tilespmem:$0x1FE50];
	_ =	sdelay $0x4  }
0x3aa: {  	v0 =	vld.idx.msk [tilespmem:v5+s8+$0x0], $0xffff;
	_ =	sdelay $0x1  }
0x3ab: {  	v3 =	vadd.s32 $0xC00, v29  }
0x3ac: {  	[tilespmem:v4+s28+$0x0] =	vst.idx.add.f32.msk $0xffff, v2  }
0x3ad: {  	v2 =	vld.idx.msk [tilespmem:v53+s8+$0x0], $0xffff  }
0x3ae: {  	v0 =	vmul.f32 v0, v28;
	v4 =	vadd.s32 $0xC00, v30  }
0x3af: {  	v1 =	vmul.f32 v1, v27;
	[tilespmem:v43+s28+$0x0] =	vst.idx.add.f32.msk $0xffff, v21  }
0x3b0: {  	[tilespmem:v3+s26+$0x0] =	vst.idx.add.f32.msk $0xffff, v0  }
0x3b1: {  	[tilespmem:v47+s26+$0x0] =	vst.idx.add.f32.msk $0xffff, v1  }
0x3b2: {  	[tilespmem:v50+s28+$0x0] =	vst.idx.add.f32.msk $0xffff, v1;
	v2 =	vmul.f32 v2, v31  }
0x3b3: {  	[tilespmem:v4+s28+$0x0] =	vst.idx.add.f32.msk $0xffff, v0  }
0x3b4: {  	[tilespmem:v63+s26+$0x0] =	vst.idx.add.f32.msk $0xffff, v2  }
0x3b5: {  	v0 =	vld [tilespmem:$0x1FE60];
	_ =	sdelay $0x4  }
0x3b6: {  	v1 =	vadd.s32 $0xC80, v29;
	v3 =	vld.idx.msk [tilespmem:v26+s8+$0x0], $0xffff  }
0x3b7: {  	v5 =	vadd.s32 $0xC80, v30;
	_ =	sdelay $0x1  }
0x3b8: {  	[tilespmem:v0+s28+$0x0] =	vst.idx.add.f32.msk $0xffff, v2  }
0x3b9: {  	v0 =	vld.idx.msk [tilespmem:v40+s8+$0x0], $0xffff  }
0x3ba: {  	[tilespmem:v1+s26+$0x0] =	vst.idx.add.f32.msk $0xffff, v28;
	v1 =	vmul.f32 v3, v27  }
0x3bb: {  	[tilespmem:v5+s28+$0x0] =	vst.idx.add.f32.msk $0xffff, v28  }
0x3bc: {  	[tilespmem:v32+s26+$0x0] =	vst.idx.add.f32.msk $0xffff, v1  }
0x3bd: {  	[tilespmem:v33+s28+$0x0] =	vst.idx.add.f32.msk $0xffff, v1  }
0x3be: {  	[tilespmem:v38+s26+$0x0] =	vst.idx.add.f32.msk $0xffff, v27;
	v0 =	vmul.f32 v0, v31  }
0x3bf: {  	[tilespmem:v35+s28+$0x0] =	vst.idx.add.f32.msk $0xffff, v27  }
0x3c0: {  	[tilespmem:v18+s26+$0x0] =	vst.idx.add.f32.msk $0xffff, v0  }
0x3c1: {  	[tilespmem:v57+s28+$0x0] =	vst.idx.add.f32.msk $0xffff, v0  }
0x3c2: {  	[tilespmem:v58+s26+$0x0] =	vst.idx.add.f32.msk $0xffff, v31  }
0x3c3: {  	s0 =	simm.s32 $0x3820;
	[tilespmem:v8+s28+$0x0] =	vst.idx.add.f32.msk $0xffff, v31  }
0x3c4: {  	s1 =	simm.s32 $0x4820;
	v5 =	vld [tilespmem:s0+$0x10]  }
0x3c5: {  	v6 =	vld [tilespmem:s1+$0x10]  }
0x3c6: {  	p1 =	por $0x1, $0x1;
	v1 =	vld [tilespmem:s1+$0xFFFFFFE0]  }
.Ltmp2:
0x3c7: {  	v2 =	vld [tilespmem:s0+$0xFFFFFFF0];
	(pc) =	sbr.rel @!p1 .LBB2_8-.Ltmp2, $4  }
0x3c8: {  	v4 =	vld [tilespmem:s1+$0xFFFFFFF0]  }
0x3c9: {  	v0 =	vld [tilespmem:s0+$0x0]  }
0x3ca: {  	v3 =	vld [tilespmem:s1+$0x0];
	v6 =	vadd.f32 v6, v5  }
0x3cb: {  	s18 =	simm.s32 $0x3860;
	s24 =	smov.u32 s3;
	s15 =	simm.s32 $0x0;
	v5 =	vld [tilespmem:s0+$0xFFFFFFE0]  }
.LBB2_7:
0x3cc: {  	v7 =	vld [tilespmem:s18+$0x10];
	[tilespmem:s0+$0x10] =	vst v6;
	s1 =	sadd.s32 $0x40, s1  }
0x3cd: {  	s15 =	sadd.s32 $0x4, s15;
	v6 =	vld [tilespmem:s1+$0x10];
	v4 =	vadd.f32 v4, v2  }
0x3ce: {  	p1 =	slt.u32 s15, $0xCC;
	v8 =	vld [tilespmem:s1+$0xFFFFFFE0]  }
.Ltmp3:
0x3cf: {  	v2 =	vld [tilespmem:s18+$0xFFFFFFF0];
	[tilespmem:s0+$0xFFFFFFF0] =	vst v4;
	v3 =	vadd.f32 v3, v0;
	(pc) =	sbr.rel @p1 .LBB2_7-.Ltmp3, $4  }
0x3d0: {  	v4 =	vld [tilespmem:s1+$0xFFFFFFF0];
	v9 =	vadd.f32 v1, v5  }
0x3d1: {  	v0 =	vld [tilespmem:s18+$0x0];
	[tilespmem:s0+$0x0] =	vst v3  }
0x3d2: {  	v3 =	vld [tilespmem:s1+$0x0];
	v6 =	vadd.f32 v6, v7;
	[tilespmem:s0+$0xFFFFFFE0] =	vst v9;
	s0 =	smov.u32 s18  }
0x3d3: {  	s18 =	sadd.s32 $0x40, s18;
	v5 =	vld [tilespmem:s0+$0xFFFFFFE0];
	v1 =	vmov v8  }
.LBB2_8:
0x3d4: {  	_ = 	snop  }
0x3d5: {  	s1 =	sshll.u32 s11, $0x7  }
0x3d6: {  	v2 =	vadd.f32 v4, v2;
	s1 =	sand.u32 $0x3C00, s1  }
0x3d7: {  	[tilespmem:s0+$0x10] =	vst v6;
	s1 =	sor.u32 s1, s12;
	v0 =	vadd.f32 v3, v0  }
0x3d8: {  	[tilespmem:s0+$0xFFFFFFF0] =	vst v2;
	s1 =	sor.u32 s14, s1;
	v1 =	vadd.f32 v1, v5  }
0x3d9: {  	s23 =	rddreg [dreg:$0x4];
	s1 =	sshrl.u32 s1, $0x3;
	[tilespmem:s0+$0x0] =	vst v0  }
0x3da: {  	p1 =	seq.s32 s10, $0xF;
	[tilespmem:s0+$0xFFFFFFE0] =	vst v1;
	s0 =	sadd.s32 s23, s1  }
0x3db: {  	[hbm4b:s0+s16] =	stream.strided.scatter [tilespmem:s26], [sflag:$0x3], $0xD00, s29, s16, $0x38;
	[tilespmem:$0xB000] =	vst v63  }
0x3dc: {  	s0 =	sadd.s32 @!p1 $0x2, s11  }
0x3dd: {  	s1 =	sshrl.u32 @!p1 s0, $0x3  }
0x3de: {  	s11 =	sshll.u32 @!p1 s0, $0x7;
	s1 =	smul.u32 @!p1 $0x19000, s1  }
0x3df: {  	s11 =	sand.u32 @!p1 $0x300, s11  }
0x3e0: {  	s1 =	sor.u32 @!p1 s11, s1  }
0x3e1: {  	s15 =	simm.s32 @!p1 $0x0;
	s1 =	sshrl.u32 @!p1 s1, $0x3  }
0x3e2: {  	s12 =	simm.s32 @!p1 $0x400;
	s11 =	simm.s32 @!p1 $0x80;
	s1 =	sadd.s32 @!p1 s2, s1  }
0x3e3: {  	[tilespmem:s15], [sflag:$0x1] =	stream.strided.gather @!p1 [hbm4b:s1+s11], $0x3200, s12, s11, $0x38;
	[tilespmem:$0xB000] =	vst v63  }
0x3e4: {  	s1 =	sshll.u32 @!p1 s0, $0x6;
	s0 =	sshll.u32 @!p1 s0, $0x4  }
0x3e5: {  	s1 =	sand.u32 @!p1 $0xFFFFE00, s1;
	s0 =	sand.u32 @!p1 $0x60, s0  }
0x3e6: {  	s0 =	sor.u32 @!p1 s0, s1  }
0x3e7: {  	s15 =	simm.s32 @!p1 $0x3200;
	s1 =	sadd.s32 @!p1 s24, s0  }
0x3e8: {  	[tilespmem:s15], [sflag:$0x1] =	stream.strided.gather @!p1 [hbm4b:s1+s11], $0x200, s12, s11, $0x38;
	[tilespmem:$0xB000] =	vst v63  }
0x3e9: {  	s1 =	sadd.s32 @!p1 s5, s0;
	s15 =	simm.s32 @!p1 $0x3400  }
0x3ea: {  	[tilespmem:s15], [sflag:$0x1] =	stream.strided.gather @!p1 [hbm4b:s1+s11], $0x200, s12, s11, $0x38;
	[tilespmem:$0xB000] =	vst v63  }
0x3eb: {  	s0 =	sadd.s32 @!p1 s6, s0;
	s1 =	simm.s32 @!p1 $0x3600  }
0x3ec: {  	[tilespmem:s1], [sflag:$0x1] =	stream.strided.gather @!p1 [hbm4b:s0+s11], $0x200, s12, s11, $0x38;
	[tilespmem:$0xB000] =	vst v63  }
0x3ed: {  	_ =	swait.ge [sflag:s30], $0x3200  }
0x3ee: {  	[sflag:s30] =	ssyncset.done $0x0  }
0x3ef: {  	[sflag:s30] =	ssyncadd.s32 $0xFFFFCE00  }
0x3f0: {  	_ =	swait.ge [sflag:s30], $0x200  }
0x3f1: {  	[sflag:s30] =	ssyncset.done $0x0  }
0x3f2: {  	[sflag:s30] =	ssyncadd.s32 $0xFFFFFE00  }
0x3f3: {  	_ =	swait.ge [sflag:s30], $0x200  }
0x3f4: {  	[sflag:s30] =	ssyncset.done $0x0  }
0x3f5: {  	[sflag:s30] =	ssyncadd.s32 $0xFFFFFE00  }
0x3f6: {  	_ =	swait.ge [sflag:s30], $0x200  }
0x3f7: {  	[sflag:s30] =	ssyncset.done $0x0  }
0x3f8: {  	s0 =	simm.s32 @!p0 $0x4;
	[sflag:s30] =	ssyncadd.s32 $0xFFFFFE00  }
0x3f9: {  	_ =	swait.ge @!p0 [sflag:s0], $0xD00  }
0x3fa: {  	[sflag:s0] =	ssyncset.done @!p0 $0x0  }
0x3fb: {  	v1 =	vimm.f32 $0.0e+00;
	s1 =	simm.s32 $0x9020;
	[sflag:s0] =	ssyncadd.s32 @!p0 $0xFFFFF300  }
0x3fc: {  	[tilespmem:s1+$0xFFFFFFF0] =	vst v1  }
0x3fd: {  	[tilespmem:s1+$0xFFFFFFE0] =	vst v1  }
0x3fe: {  	[tilespmem:s1+$0x0] =	vst v1  }
0x3ff: {  	s0 =	simm.s32 $0xA020;
	[tilespmem:s1+$0x10] =	vst v1  }
0x400: {  	[tilespmem:s0+$0xFFFFFFE0] =	vst v1  }
0x401: {  	[tilespmem:s0+$0x10] =	vst v1  }
0x402: {  	s10 =	sadd.s32 $0x1, s10;
	s19 =	simm.s32 $0x0;
	s23 =	smov.u32 s2;
	[tilespmem:s0+$0x0] =	vst v1  }
0x403: {  	s15 =	simm.s32 $0x8C10;
	s11 =	simm.s32 $0x8E10;
	s12 =	simm.s32 $0x8A10;
	v17 =	vld [tilespmem:$0x1FEB0]  }
.LBB2_9:
0x404: {  	s19 =	sadd.s32 $0x4, s19;
	[tilespmem:s0+$0xFFFFFFF0] =	vst v1;
	s1 =	sadd.s32 $0x40, s1;
	s0 =	sadd.s32 $0x40, s0  }
0x405: {  	[tilespmem:s1+$0xFFFFFFF0] =	vst v1;
	p0 =	slt.u32 s19, $0xCC  }
0x406: {  	[tilespmem:s1+$0xFFFFFFE0] =	vst v1  }
.Ltmp4:
0x407: {  	[tilespmem:s0+$0xFFFFFFE0] =	vst v1;
	(pc) =	sbr.rel @p0 .LBB2_9-.Ltmp4, $4  }
0x408: {  	[tilespmem:s1+$0x0] =	vst v1  }
0x409: {  	[tilespmem:s1+$0x10] =	vst v1  }
0x40a: {  	s18 =	simm.s32 $0x190;
	[tilespmem:s0+$0x10] =	vst v1  }
0x40b: {  	[tilespmem:s0+$0x0] =	vst v1  }
0x40c: {  	s1 =	simm.s32 $0x0  }
0x40d: {  	v0 =	vadd.s32 s1, v20  }
0x40e: {  	[tilespmem:s0+$0xFFFFFFF0] =	vst v1  }
0x40f: {  	v4 =	vld [tilespmem:s11+$0xFFFFFFF0]  }
0x410: {  	v6 =	vld [tilespmem:s12+$0xFFFFFFF0]  }
0x411: {  	v1 =	vadd.s32 s18, v20;
	v5 =	vld [tilespmem:s15+$0xFFFFFFF0]  }
0x412: {  	v0 =	vld.idx.msk [tilespmem:v0+s21+$0x0], $0xffff  }
0x413: {  	v21 =	vld [tilespmem:s11+$0x0]  }
0x414: {  	v32 =	vld [tilespmem:s12+$0x0]  }
0x415: {  	v33 =	vld [tilespmem:s15+$0x0]  }
0x416: {  	v2 =	vadd.s32 s1, v22;
	v1 =	vld.idx.msk [tilespmem:v1+s21+$0x0], $0xffff  }
0x417: {  	v0 =	vmul.f32 v0, v4;
	_ =	sdelay $0x1  }
0x418: {  	[tilespmem:v6+s31+$0x0] =	vst.idx.add.f32.msk $0xffff, v0  }
0x419: {  	v3 =	vadd.s32 s18, v22;
	[tilespmem:v5+s4+$0x0] =	vst.idx.add.f32.msk $0xffff, v0  }
0x41a: {  	v0 =	vmul.f32 v1, v21;
	v1 =	vld.idx.msk [tilespmem:v2+s21+$0x0], $0xffff;
	_ =	sdelay $0x1  }
0x41b: {  	v2 =	vadd.s32 $0x80, v6;
	[tilespmem:v32+s31+$0x0] =	vst.idx.add.f32.msk $0xffff, v0  }
0x41c: {  	[tilespmem:v33+s4+$0x0] =	vst.idx.add.f32.msk $0xffff, v0;
	v0 =	vadd.s32 $0x80, v5  }
0x41d: {  	v7 =	vadd.s32 s1, v34;
	v3 =	vld.idx.msk [tilespmem:v3+s21+$0x0], $0xffff  }
0x41e: {  	v1 =	vmul.f32 v1, v4  }
0x41f: {  	v8 =	vadd.s32 $0x80, v32  }
0x420: {  	v9 =	vadd.s32 $0x80, v33;
	[tilespmem:v2+s31+$0x0] =	vst.idx.add.f32.msk $0xffff, v1  }
0x421: {  	v10 =	vadd.s32 s18, v34;
	[tilespmem:v0+s4+$0x0] =	vst.idx.add.f32.msk $0xffff, v1  }
0x422: {  	v0 =	vmul.f32 v3, v21;
	v1 =	vld.idx.msk [tilespmem:v7+s21+$0x0], $0xffff;
	_ =	sdelay $0x1  }
0x423: {  	v2 =	vadd.s32 $0x100, v6;
	[tilespmem:v8+s31+$0x0] =	vst.idx.add.f32.msk $0xffff, v0  }
0x424: {  	[tilespmem:v9+s4+$0x0] =	vst.idx.add.f32.msk $0xffff, v0;
	v0 =	vadd.s32 $0x100, v5  }
0x425: {  	v7 =	vadd.s32 s1, v46;
	v3 =	vld.idx.msk [tilespmem:v10+s21+$0x0], $0xffff  }
0x426: {  	v1 =	vmul.f32 v1, v4  }
0x427: {  	v8 =	vadd.s32 $0x100, v32  }
0x428: {  	v9 =	vadd.s32 $0x100, v33;
	[tilespmem:v2+s31+$0x0] =	vst.idx.add.f32.msk $0xffff, v1  }
0x429: {  	v10 =	vadd.s32 s18, v46;
	[tilespmem:v0+s4+$0x0] =	vst.idx.add.f32.msk $0xffff, v1  }
0x42a: {  	v0 =	vmul.f32 v3, v21;
	v1 =	vld.idx.msk [tilespmem:v7+s21+$0x0], $0xffff;
	_ =	sdelay $0x1  }
0x42b: {  	v2 =	vadd.s32 $0x180, v6;
	[tilespmem:v8+s31+$0x0] =	vst.idx.add.f32.msk $0xffff, v0  }
0x42c: {  	[tilespmem:v9+s4+$0x0] =	vst.idx.add.f32.msk $0xffff, v0;
	v0 =	vadd.s32 $0x180, v5  }
0x42d: {  	v7 =	vadd.s32 s1, v17;
	v3 =	vld.idx.msk [tilespmem:v10+s21+$0x0], $0xffff  }
0x42e: {  	v1 =	vmul.f32 v1, v4  }
0x42f: {  	v8 =	vadd.s32 $0x180, v32  }
0x430: {  	v9 =	vadd.s32 $0x180, v33;
	[tilespmem:v2+s31+$0x0] =	vst.idx.add.f32.msk $0xffff, v1  }
0x431: {  	v10 =	vadd.s32 s18, v17;
	[tilespmem:v0+s4+$0x0] =	vst.idx.add.f32.msk $0xffff, v1  }
0x432: {  	v0 =	vmul.f32 v3, v21;
	v1 =	vld.idx.msk [tilespmem:v7+s21+$0x0], $0xffff;
	_ =	sdelay $0x1  }
0x433: {  	v2 =	vadd.s32 $0x200, v6;
	[tilespmem:v8+s31+$0x0] =	vst.idx.add.f32.msk $0xffff, v0  }
0x434: {  	[tilespmem:v9+s4+$0x0] =	vst.idx.add.f32.msk $0xffff, v0;
	v0 =	vadd.s32 $0x200, v5  }
0x435: {  	v7 =	vadd.s32 s1, v60;
	v3 =	vld.idx.msk [tilespmem:v10+s21+$0x0], $0xffff  }
0x436: {  	v1 =	vmul.f32 v1, v4  }
0x437: {  	v8 =	vadd.s32 $0x200, v32  }
0x438: {  	v9 =	vadd.s32 $0x200, v33;
	[tilespmem:v2+s31+$0x0] =	vst.idx.add.f32.msk $0xffff, v1  }
0x439: {  	v10 =	vadd.s32 s18, v60;
	[tilespmem:v0+s4+$0x0] =	vst.idx.add.f32.msk $0xffff, v1  }
0x43a: {  	v0 =	vmul.f32 v3, v21;
	v1 =	vld.idx.msk [tilespmem:v7+s21+$0x0], $0xffff;
	_ =	sdelay $0x1  }
0x43b: {  	v2 =	vadd.s32 $0x280, v6;
	[tilespmem:v8+s31+$0x0] =	vst.idx.add.f32.msk $0xffff, v0  }
0x43c: {  	[tilespmem:v9+s4+$0x0] =	vst.idx.add.f32.msk $0xffff, v0;
	v0 =	vadd.s32 $0x280, v5  }
0x43d: {  	v7 =	vadd.s32 s1, v55;
	v3 =	vld.idx.msk [tilespmem:v10+s21+$0x0], $0xffff  }
0x43e: {  	v1 =	vmul.f32 v1, v4  }
0x43f: {  	v8 =	vadd.s32 $0x280, v32  }
0x440: {  	v9 =	vadd.s32 $0x280, v33;
	[tilespmem:v2+s31+$0x0] =	vst.idx.add.f32.msk $0xffff, v1  }
0x441: {  	v10 =	vadd.s32 s18, v55;
	[tilespmem:v0+s4+$0x0] =	vst.idx.add.f32.msk $0xffff, v1  }
0x442: {  	v0 =	vmul.f32 v3, v21;
	v1 =	vld.idx.msk [tilespmem:v7+s21+$0x0], $0xffff;
	_ =	sdelay $0x1  }
0x443: {  	v2 =	vadd.s32 $0x300, v6;
	[tilespmem:v8+s31+$0x0] =	vst.idx.add.f32.msk $0xffff, v0  }
0x444: {  	[tilespmem:v9+s4+$0x0] =	vst.idx.add.f32.msk $0xffff, v0;
	v0 =	vadd.s32 $0x300, v5  }
0x445: {  	v7 =	vadd.s32 s1, v51;
	v3 =	vld.idx.msk [tilespmem:v10+s21+$0x0], $0xffff  }
0x446: {  	v1 =	vmul.f32 v1, v4  }
0x447: {  	v8 =	vadd.s32 $0x300, v32  }
0x448: {  	v9 =	vadd.s32 $0x300, v33;
	[tilespmem:v2+s31+$0x0] =	vst.idx.add.f32.msk $0xffff, v1  }
0x449: {  	v10 =	vadd.s32 s18, v51;
	[tilespmem:v0+s4+$0x0] =	vst.idx.add.f32.msk $0xffff, v1  }
0x44a: {  	v0 =	vmul.f32 v3, v21;
	v1 =	vld.idx.msk [tilespmem:v7+s21+$0x0], $0xffff;
	_ =	sdelay $0x1  }
0x44b: {  	v2 =	vadd.s32 $0x380, v6;
	[tilespmem:v8+s31+$0x0] =	vst.idx.add.f32.msk $0xffff, v0  }
0x44c: {  	[tilespmem:v9+s4+$0x0] =	vst.idx.add.f32.msk $0xffff, v0;
	v0 =	vadd.s32 $0x380, v5  }
0x44d: {  	v7 =	vadd.s32 s1, v48;
	v3 =	vld.idx.msk [tilespmem:v10+s21+$0x0], $0xffff  }
0x44e: {  	v1 =	vmul.f32 v1, v4  }
0x44f: {  	v8 =	vadd.s32 $0x380, v32  }
0x450: {  	v9 =	vadd.s32 $0x380, v33;
	[tilespmem:v2+s31+$0x0] =	vst.idx.add.f32.msk $0xffff, v1  }
0x451: {  	v10 =	vadd.s32 s18, v48;
	[tilespmem:v0+s4+$0x0] =	vst.idx.add.f32.msk $0xffff, v1  }
0x452: {  	v0 =	vmul.f32 v3, v21;
	v1 =	vld.idx.msk [tilespmem:v7+s21+$0x0], $0xffff;
	_ =	sdelay $0x1  }
0x453: {  	v2 =	vadd.s32 $0x400, v6;
	[tilespmem:v8+s31+$0x0] =	vst.idx.add.f32.msk $0xffff, v0  }
0x454: {  	[tilespmem:v9+s4+$0x0] =	vst.idx.add.f32.msk $0xffff, v0;
	v0 =	vadd.s32 $0x400, v5  }
0x455: {  	v7 =	vadd.s32 s1, v44;
	v3 =	vld.idx.msk [tilespmem:v10+s21+$0x0], $0xffff  }
0x456: {  	v1 =	vmul.f32 v1, v4  }
0x457: {  	v8 =	vadd.s32 $0x400, v32  }
0x458: {  	v9 =	vadd.s32 $0x400, v33;
	[tilespmem:v2+s31+$0x0] =	vst.idx.add.f32.msk $0xffff, v1  }
0x459: {  	v10 =	vadd.s32 s18, v44;
	[tilespmem:v0+s4+$0x0] =	vst.idx.add.f32.msk $0xffff, v1  }
0x45a: {  	v0 =	vmul.f32 v3, v21;
	v1 =	vld.idx.msk [tilespmem:v7+s21+$0x0], $0xffff;
	_ =	sdelay $0x1  }
0x45b: {  	v2 =	vadd.s32 $0x480, v6;
	[tilespmem:v8+s31+$0x0] =	vst.idx.add.f32.msk $0xffff, v0  }
0x45c: {  	[tilespmem:v9+s4+$0x0] =	vst.idx.add.f32.msk $0xffff, v0;
	v0 =	vadd.s32 $0x480, v5  }
0x45d: {  	v7 =	vadd.s32 s1, v37;
	v3 =	vld.idx.msk [tilespmem:v10+s21+$0x0], $0xffff  }
0x45e: {  	v1 =	vmul.f32 v1, v4  }
0x45f: {  	v8 =	vadd.s32 $0x480, v32  }
0x460: {  	v9 =	vadd.s32 $0x480, v33;
	[tilespmem:v2+s31+$0x0] =	vst.idx.add.f32.msk $0xffff, v1  }
0x461: {  	v10 =	vadd.s32 s18, v37;
	[tilespmem:v0+s4+$0x0] =	vst.idx.add.f32.msk $0xffff, v1  }
0x462: {  	v0 =	vmul.f32 v3, v21;
	v1 =	vld.idx.msk [tilespmem:v7+s21+$0x0], $0xffff;
	_ =	sdelay $0x1  }
0x463: {  	v2 =	vadd.s32 $0x500, v6;
	[tilespmem:v8+s31+$0x0] =	vst.idx.add.f32.msk $0xffff, v0  }
0x464: {  	[tilespmem:v9+s4+$0x0] =	vst.idx.add.f32.msk $0xffff, v0;
	v0 =	vadd.s32 $0x500, v5  }
0x465: {  	v7 =	vadd.s32 s1, v39;
	v3 =	vld.idx.msk [tilespmem:v10+s21+$0x0], $0xffff  }
0x466: {  	v1 =	vmul.f32 v1, v4  }
0x467: {  	v8 =	vadd.s32 $0x500, v32  }
0x468: {  	v9 =	vadd.s32 $0x500, v33;
	[tilespmem:v2+s31+$0x0] =	vst.idx.add.f32.msk $0xffff, v1  }
0x469: {  	v10 =	vadd.s32 s18, v39;
	[tilespmem:v0+s4+$0x0] =	vst.idx.add.f32.msk $0xffff, v1  }
0x46a: {  	v0 =	vmul.f32 v3, v21;
	v1 =	vld.idx.msk [tilespmem:v7+s21+$0x0], $0xffff;
	_ =	sdelay $0x1  }
0x46b: {  	v2 =	vadd.s32 $0x580, v6;
	[tilespmem:v8+s31+$0x0] =	vst.idx.add.f32.msk $0xffff, v0  }
0x46c: {  	[tilespmem:v9+s4+$0x0] =	vst.idx.add.f32.msk $0xffff, v0;
	v0 =	vadd.s32 $0x580, v5  }
0x46d: {  	v7 =	vadd.s32 s1, v23;
	v3 =	vld.idx.msk [tilespmem:v10+s21+$0x0], $0xffff  }
0x46e: {  	v1 =	vmul.f32 v1, v4  }
0x46f: {  	v8 =	vadd.s32 $0x580, v32  }
0x470: {  	v9 =	vadd.s32 $0x580, v33;
	[tilespmem:v2+s31+$0x0] =	vst.idx.add.f32.msk $0xffff, v1  }
0x471: {  	v10 =	vadd.s32 s18, v23;
	[tilespmem:v0+s4+$0x0] =	vst.idx.add.f32.msk $0xffff, v1  }
0x472: {  	v0 =	vmul.f32 v3, v21;
	v1 =	vld.idx.msk [tilespmem:v7+s21+$0x0], $0xffff;
	_ =	sdelay $0x1  }
0x473: {  	v2 =	vadd.s32 $0x600, v6;
	[tilespmem:v8+s31+$0x0] =	vst.idx.add.f32.msk $0xffff, v0  }
0x474: {  	[tilespmem:v9+s4+$0x0] =	vst.idx.add.f32.msk $0xffff, v0;
	v0 =	vadd.s32 $0x600, v5  }
0x475: {  	v7 =	vadd.s32 s1, v36;
	v3 =	vld.idx.msk [tilespmem:v10+s21+$0x0], $0xffff  }
0x476: {  	v1 =	vmul.f32 v1, v4  }
0x477: {  	v8 =	vadd.s32 $0x600, v32  }
0x478: {  	v9 =	vadd.s32 $0x600, v33;
	[tilespmem:v2+s31+$0x0] =	vst.idx.add.f32.msk $0xffff, v1  }
0x479: {  	v10 =	vadd.s32 s18, v36;
	[tilespmem:v0+s4+$0x0] =	vst.idx.add.f32.msk $0xffff, v1  }
0x47a: {  	v0 =	vmul.f32 v3, v21;
	v1 =	vld.idx.msk [tilespmem:v7+s21+$0x0], $0xffff;
	_ =	sdelay $0x1  }
0x47b: {  	v2 =	vadd.s32 $0x680, v6;
	[tilespmem:v8+s31+$0x0] =	vst.idx.add.f32.msk $0xffff, v0  }
0x47c: {  	[tilespmem:v9+s4+$0x0] =	vst.idx.add.f32.msk $0xffff, v0;
	v0 =	vadd.s32 $0x680, v5  }
0x47d: {  	v7 =	vadd.s32 s1, v24;
	v3 =	vld.idx.msk [tilespmem:v10+s21+$0x0], $0xffff  }
0x47e: {  	v1 =	vmul.f32 v1, v4  }
0x47f: {  	v8 =	vadd.s32 $0x680, v32  }
0x480: {  	v9 =	vadd.s32 $0x680, v33;
	[tilespmem:v2+s31+$0x0] =	vst.idx.add.f32.msk $0xffff, v1  }
0x481: {  	v10 =	vadd.s32 s18, v24;
	[tilespmem:v0+s4+$0x0] =	vst.idx.add.f32.msk $0xffff, v1  }
0x482: {  	v0 =	vmul.f32 v3, v21;
	v1 =	vld.idx.msk [tilespmem:v7+s21+$0x0], $0xffff;
	_ =	sdelay $0x1  }
0x483: {  	v2 =	vadd.s32 $0x700, v6;
	[tilespmem:v8+s31+$0x0] =	vst.idx.add.f32.msk $0xffff, v0  }
0x484: {  	[tilespmem:v9+s4+$0x0] =	vst.idx.add.f32.msk $0xffff, v0;
	v0 =	vadd.s32 $0x700, v5  }
0x485: {  	s12 =	simm.s32 $0x8E30;
	v7 =	vadd.s32 s1, v25;
	v3 =	vld.idx.msk [tilespmem:v10+s21+$0x0], $0xffff  }
0x486: {  	s15 =	simm.s32 $0x8A30;
	v27 =	vld [tilespmem:s12+$0x0];
	v1 =	vmul.f32 v1, v4  }
0x487: {  	v35 =	vld [tilespmem:s15+$0x0];
	v8 =	vadd.s32 $0x700, v32  }
0x488: {  	[tilespmem:v2+s31+$0x0] =	vst.idx.add.f32.msk $0xffff, v1  }
0x489: {  	v9 =	vadd.s32 $0x700, v33;
	[tilespmem:v0+s4+$0x0] =	vst.idx.add.f32.msk $0xffff, v1  }
0x48a: {  	s22 =	simm.s32 $0x320;
	v0 =	vmul.f32 v3, v21;
	v1 =	vld.idx.msk [tilespmem:v7+s21+$0x0], $0xffff  }
0x48b: {  	v2 =	vld [tilespmem:s15+$0xFFFFFFF0];
	v7 =	vadd.s32 s22, v20  }
0x48c: {  	s19 =	simm.s32 $0x4B0;
	s2 =	simm.s32 $0x8C30;
	[tilespmem:v8+s31+$0x0] =	vst.idx.add.f32.msk $0xffff, v0;
	v8 =	vadd.s32 $0x780, v6  }
0x48d: {  	v11 =	vadd.s32 s19, v20;
	v3 =	vld [tilespmem:s2+$0xFFFFFFF0]  }
0x48e: {  	[tilespmem:v9+s4+$0x0] =	vst.idx.add.f32.msk $0xffff, v0;
	v9 =	vadd.s32 $0x780, v5  }
0x48f: {  	v10 =	vadd.s32 s1, v41;
	v0 =	vld [tilespmem:s12+$0xFFFFFFF0];
	v1 =	vmul.f32 v1, v4  }
0x490: {  	v7 =	vld.idx.msk [tilespmem:v7+s21+$0x0], $0xffff  }
0x491: {  	[tilespmem:v8+s31+$0x0] =	vst.idx.add.f32.msk $0xffff, v1  }
0x492: {  	v8 =	vld.idx.msk [tilespmem:v11+s21+$0x0], $0xffff  }
0x493: {  	[tilespmem:v9+s4+$0x0] =	vst.idx.add.f32.msk $0xffff, v1  }
0x494: {  	v9 =	vadd.s32 s22, v22;
	v1 =	vld.idx.msk [tilespmem:v10+s21+$0x0], $0xffff  }
0x495: {  	v40 =	vld [tilespmem:s2+$0x0];
	s15 =	simm.s32 $0x8C50;
	v7 =	vmul.f32 v7, v0  }
0x496: {  	v30 =	vld [tilespmem:s15+$0xFFFFFFF0];
	v10 =	vadd.s32 $0x800, v6  }
0x497: {  	v11 =	vadd.s32 $0x800, v5;
	[tilespmem:v2+s31+$0x0] =	vst.idx.add.f32.msk $0xffff, v7  }
0x498: {  	v12 =	vadd.s32 s1, v42;
	v8 =	vmul.f32 v8, v27;
	[tilespmem:v3+s4+$0x0] =	vst.idx.add.f32.msk $0xffff, v7  }
0x499: {  	v1 =	vmul.f32 v1, v4;
	v7 =	vld.idx.msk [tilespmem:v9+s21+$0x0], $0xffff  }
0x49a: {  	v9 =	vadd.s32 s19, v22;
	[tilespmem:v35+s31+$0x0] =	vst.idx.add.f32.msk $0xffff, v8  }
0x49b: {  	[tilespmem:v10+s31+$0x0] =	vst.idx.add.f32.msk $0xffff, v1;
	v10 =	vadd.s32 s18, v25  }
0x49c: {  	[tilespmem:v11+s4+$0x0] =	vst.idx.add.f32.msk $0xffff, v1;
	v1 =	vadd.s32 $0x80, v2  }
0x49d: {  	v11 =	vld.idx.msk [tilespmem:v12+s21+$0x0], $0xffff;
	v12 =	vadd.s32 $0x80, v3  }
0x49e: {  	v13 =	vadd.s32 s22, v34;
	[tilespmem:v40+s4+$0x0] =	vst.idx.add.f32.msk $0xffff, v8  }
0x49f: {  	v7 =	vmul.f32 v7, v0;
	v8 =	vld.idx.msk [tilespmem:v9+s21+$0x0], $0xffff;
	v9 =	vadd.s32 $0x880, v6  }
0x4a0: {  	v14 =	vadd.s32 $0x880, v5;
	v10 =	vld.idx.msk [tilespmem:v10+s21+$0x0], $0xffff  }
0x4a1: {  	v15 =	vadd.s32 $0x80, v35;
	[tilespmem:v1+s31+$0x0] =	vst.idx.add.f32.msk $0xffff, v7  }
0x4a2: {  	v1 =	vadd.s32 s1, v45;
	[tilespmem:v12+s4+$0x0] =	vst.idx.add.f32.msk $0xffff, v7;
	v7 =	vmul.f32 v11, v4  }
0x4a3: {  	v11 =	vadd.s32 $0x80, v40;
	v12 =	vld.idx.msk [tilespmem:v13+s21+$0x0], $0xffff  }
0x4a4: {  	v13 =	vadd.s32 s19, v34;
	v8 =	vmul.f32 v8, v27;
	[tilespmem:v9+s31+$0x0] =	vst.idx.add.f32.msk $0xffff, v7  }
0x4a5: {  	v9 =	vadd.s32 $0x780, v32;
	[tilespmem:v14+s4+$0x0] =	vst.idx.add.f32.msk $0xffff, v7  }
0x4a6: {  	v7 =	vadd.s32 $0x100, v2;
	[tilespmem:v15+s31+$0x0] =	vst.idx.add.f32.msk $0xffff, v8  }
0x4a7: {  	v14 =	vadd.s32 $0x100, v3;
	v1 =	vld.idx.msk [tilespmem:v1+s21+$0x0], $0xffff  }
0x4a8: {  	v10 =	vmul.f32 v10, v21;
	v15 =	vadd.s32 s22, v46;
	[tilespmem:v11+s4+$0x0] =	vst.idx.add.f32.msk $0xffff, v8  }
0x4a9: {  	v8 =	vmul.f32 v12, v0;
	v11 =	vld.idx.msk [tilespmem:v13+s21+$0x0], $0xffff;
	v12 =	vadd.s32 $0x900, v6  }
0x4aa: {  	v13 =	vadd.s32 $0x900, v5;
	[tilespmem:v9+s31+$0x0] =	vst.idx.add.f32.msk $0xffff, v10  }
0x4ab: {  	[tilespmem:v7+s31+$0x0] =	vst.idx.add.f32.msk $0xffff, v8;
	v7 =	vadd.s32 s1, v61  }
0x4ac: {  	v9 =	vadd.s32 $0x100, v35;
	[tilespmem:v14+s4+$0x0] =	vst.idx.add.f32.msk $0xffff, v8;
	v1 =	vmul.f32 v1, v4  }
0x4ad: {  	v8 =	vadd.s32 $0x100, v40;
	v14 =	vld.idx.msk [tilespmem:v15+s21+$0x0], $0xffff  }
0x4ae: {  	v15 =	vadd.s32 s19, v46;
	[tilespmem:v12+s31+$0x0] =	vst.idx.add.f32.msk $0xffff, v1  }
0x4af: {  	v12 =	vadd.s32 $0x780, v33;
	v11 =	vmul.f32 v11, v27;
	[tilespmem:v13+s4+$0x0] =	vst.idx.add.f32.msk $0xffff, v1  }
0x4b0: {  	v1 =	vadd.s32 $0x180, v2;
	v7 =	vld.idx.msk [tilespmem:v7+s21+$0x0], $0xffff  }
0x4b1: {  	v13 =	vadd.s32 $0x180, v3;
	[tilespmem:v9+s31+$0x0] =	vst.idx.add.f32.msk $0xffff, v11  }
0x4b2: {  	v9 =	vadd.s32 s22, v17;
	[tilespmem:v8+s4+$0x0] =	vst.idx.add.f32.msk $0xffff, v11  }
0x4b3: {  	v8 =	vmul.f32 v14, v0;
	v11 =	vld.idx.msk [tilespmem:v15+s21+$0x0], $0xffff;
	v14 =	vadd.s32 $0x980, v6  }
0x4b4: {  	v15 =	vadd.s32 $0x980, v5;
	[tilespmem:v12+s4+$0x0] =	vst.idx.add.f32.msk $0xffff, v10  }
0x4b5: {  	[tilespmem:v1+s31+$0x0] =	vst.idx.add.f32.msk $0xffff, v8;
	v1 =	vadd.s32 s1, v19  }
0x4b6: {  	v10 =	vadd.s32 $0x180, v35;
	[tilespmem:v13+s4+$0x0] =	vst.idx.add.f32.msk $0xffff, v8;
	v7 =	vmul.f32 v7, v4  }
0x4b7: {  	v8 =	vadd.s32 $0x180, v40;
	v9 =	vld.idx.msk [tilespmem:v9+s21+$0x0], $0xffff  }
0x4b8: {  	v13 =	vadd.s32 s18, v41;
	[tilespmem:v14+s31+$0x0] =	vst.idx.add.f32.msk $0xffff, v7  }
0x4b9: {  	v12 =	vadd.s32 s19, v17;
	v11 =	vmul.f32 v11, v27;
	[tilespmem:v15+s4+$0x0] =	vst.idx.add.f32.msk $0xffff, v7  }
0x4ba: {  	v7 =	vadd.s32 $0x200, v2;
	v1 =	vld.idx.msk [tilespmem:v1+s21+$0x0], $0xffff  }
0x4bb: {  	v14 =	vadd.s32 $0x200, v3;
	[tilespmem:v10+s31+$0x0] =	vst.idx.add.f32.msk $0xffff, v11  }
0x4bc: {  	v10 =	vadd.s32 s22, v60;
	[tilespmem:v8+s4+$0x0] =	vst.idx.add.f32.msk $0xffff, v11  }
0x4bd: {  	v11 =	vadd.s32 $0xA00, v6;
	v13 =	vld.idx.msk [tilespmem:v13+s21+$0x0], $0xffff;
	v8 =	vmul.f32 v9, v0  }
0x4be: {  	v9 =	vld.idx.msk [tilespmem:v12+s21+$0x0], $0xffff;
	v12 =	vadd.s32 $0xA00, v5  }
0x4bf: {  	[tilespmem:v7+s31+$0x0] =	vst.idx.add.f32.msk $0xffff, v8;
	v7 =	vadd.s32 s1, v62  }
0x4c0: {  	v15 =	vadd.s32 $0x200, v35;
	[tilespmem:v14+s4+$0x0] =	vst.idx.add.f32.msk $0xffff, v8;
	v1 =	vmul.f32 v1, v4  }
0x4c1: {  	v8 =	vadd.s32 $0x200, v40;
	v10 =	vld.idx.msk [tilespmem:v10+s21+$0x0], $0xffff  }
0x4c2: {  	v14 =	vadd.s32 s19, v60;
	[tilespmem:v11+s31+$0x0] =	vst.idx.add.f32.msk $0xffff, v1  }
0x4c3: {  	v11 =	vadd.s32 $0x800, v32;
	v9 =	vmul.f32 v9, v27;
	[tilespmem:v12+s4+$0x0] =	vst.idx.add.f32.msk $0xffff, v1  }
0x4c4: {  	v1 =	vadd.s32 $0x280, v2;
	v7 =	vld.idx.msk [tilespmem:v7+s21+$0x0], $0xffff  }
0x4c5: {  	v12 =	vadd.s32 $0x280, v3;
	[tilespmem:v15+s31+$0x0] =	vst.idx.add.f32.msk $0xffff, v9  }
0x4c6: {  	v13 =	vmul.f32 v13, v21;
	v15 =	vadd.s32 s22, v55;
	[tilespmem:v8+s4+$0x0] =	vst.idx.add.f32.msk $0xffff, v9  }
0x4c7: {  	v8 =	vmul.f32 v10, v0;
	v9 =	vld.idx.msk [tilespmem:v14+s21+$0x0], $0xffff;
	v10 =	vadd.s32 $0xA80, v6  }
0x4c8: {  	v14 =	vadd.s32 $0xA80, v5;
	[tilespmem:v11+s31+$0x0] =	vst.idx.add.f32.msk $0xffff, v13  }
0x4c9: {  	[tilespmem:v1+s31+$0x0] =	vst.idx.add.f32.msk $0xffff, v8;
	v1 =	vadd.s32 s1, v56  }
0x4ca: {  	v11 =	vadd.s32 $0x280, v35;
	[tilespmem:v12+s4+$0x0] =	vst.idx.add.f32.msk $0xffff, v8;
	v7 =	vmul.f32 v7, v4  }
0x4cb: {  	v8 =	vadd.s32 $0x280, v40;
	v12 =	vld.idx.msk [tilespmem:v15+s21+$0x0], $0xffff  }
0x4cc: {  	v15 =	vadd.s32 s19, v55;
	[tilespmem:v10+s31+$0x0] =	vst.idx.add.f32.msk $0xffff, v7  }
0x4cd: {  	v10 =	vadd.s32 $0x800, v33;
	v9 =	vmul.f32 v9, v27;
	[tilespmem:v14+s4+$0x0] =	vst.idx.add.f32.msk $0xffff, v7  }
0x4ce: {  	v7 =	vadd.s32 $0x300, v2;
	v1 =	vld.idx.msk [tilespmem:v1+s21+$0x0], $0xffff  }
0x4cf: {  	v14 =	vadd.s32 $0x300, v3;
	[tilespmem:v11+s31+$0x0] =	vst.idx.add.f32.msk $0xffff, v9  }
0x4d0: {  	v11 =	vadd.s32 s22, v51;
	[tilespmem:v8+s4+$0x0] =	vst.idx.add.f32.msk $0xffff, v9  }
0x4d1: {  	v8 =	vmul.f32 v12, v0;
	v9 =	vld.idx.msk [tilespmem:v15+s21+$0x0], $0xffff;
	v12 =	vadd.s32 $0xB00, v6  }
0x4d2: {  	v15 =	vadd.s32 $0xB00, v5;
	[tilespmem:v10+s4+$0x0] =	vst.idx.add.f32.msk $0xffff, v13  }
0x4d3: {  	[tilespmem:v7+s31+$0x0] =	vst.idx.add.f32.msk $0xffff, v8;
	v7 =	vadd.s32 s1, v52  }
0x4d4: {  	v10 =	vadd.s32 $0x300, v35;
	[tilespmem:v14+s4+$0x0] =	vst.idx.add.f32.msk $0xffff, v8;
	v1 =	vmul.f32 v1, v4  }
0x4d5: {  	v8 =	vadd.s32 $0x300, v40;
	v11 =	vld.idx.msk [tilespmem:v11+s21+$0x0], $0xffff  }
0x4d6: {  	v13 =	vadd.s32 s19, v51;
	[tilespmem:v12+s31+$0x0] =	vst.idx.add.f32.msk $0xffff, v1  }
0x4d7: {  	v12 =	vadd.s32 s18, v42;
	v9 =	vmul.f32 v9, v27;
	[tilespmem:v15+s4+$0x0] =	vst.idx.add.f32.msk $0xffff, v1  }
0x4d8: {  	v1 =	vadd.s32 $0x380, v2;
	v7 =	vld.idx.msk [tilespmem:v7+s21+$0x0], $0xffff  }
0x4d9: {  	v14 =	vadd.s32 $0x380, v3;
	[tilespmem:v10+s31+$0x0] =	vst.idx.add.f32.msk $0xffff, v9  }
0x4da: {  	v10 =	vadd.s32 s22, v48;
	[tilespmem:v8+s4+$0x0] =	vst.idx.add.f32.msk $0xffff, v9  }
0x4db: {  	v8 =	vmul.f32 v11, v0;
	v9 =	vld.idx.msk [tilespmem:v13+s21+$0x0], $0xffff;
	v11 =	vadd.s32 $0xB80, v6  }
0x4dc: {  	v13 =	vadd.s32 $0xB80, v5;
	v12 =	vld.idx.msk [tilespmem:v12+s21+$0x0], $0xffff  }
0x4dd: {  	[tilespmem:v1+s31+$0x0] =	vst.idx.add.f32.msk $0xffff, v8;
	v1 =	vadd.s32 s1, v49  }
0x4de: {  	v15 =	vadd.s32 $0x380, v35;
	[tilespmem:v14+s4+$0x0] =	vst.idx.add.f32.msk $0xffff, v8;
	v7 =	vmul.f32 v7, v4  }
0x4df: {  	v8 =	vadd.s32 $0x380, v40;
	v10 =	vld.idx.msk [tilespmem:v10+s21+$0x0], $0xffff  }
0x4e0: {  	v14 =	vadd.s32 s19, v48;
	[tilespmem:v11+s31+$0x0] =	vst.idx.add.f32.msk $0xffff, v7  }
0x4e1: {  	v11 =	vadd.s32 $0x880, v32;
	v9 =	vmul.f32 v9, v27;
	[tilespmem:v13+s4+$0x0] =	vst.idx.add.f32.msk $0xffff, v7  }
0x4e2: {  	v7 =	vadd.s32 $0x400, v2;
	v1 =	vld.idx.msk [tilespmem:v1+s21+$0x0], $0xffff  }
0x4e3: {  	v13 =	vadd.s32 $0x400, v3;
	[tilespmem:v15+s31+$0x0] =	vst.idx.add.f32.msk $0xffff, v9  }
0x4e4: {  	v12 =	vmul.f32 v12, v21;
	v15 =	vadd.s32 s22, v44;
	[tilespmem:v8+s4+$0x0] =	vst.idx.add.f32.msk $0xffff, v9  }
0x4e5: {  	v8 =	vmul.f32 v10, v0;
	v9 =	vld.idx.msk [tilespmem:v14+s21+$0x0], $0xffff;
	v10 =	vadd.s32 $0xC00, v6  }
0x4e6: {  	v14 =	vadd.s32 $0xC00, v5;
	[tilespmem:v11+s31+$0x0] =	vst.idx.add.f32.msk $0xffff, v12  }
0x4e7: {  	v6 =	vadd.s32 $0xC80, v6;
	[tilespmem:v7+s31+$0x0] =	vst.idx.add.f32.msk $0xffff, v8  }
0x4e8: {  	v7 =	vadd.s32 $0x400, v35;
	[tilespmem:v13+s4+$0x0] =	vst.idx.add.f32.msk $0xffff, v8;
	v1 =	vmul.f32 v1, v4  }
0x4e9: {  	v8 =	vadd.s32 $0x400, v40;
	v11 =	vld.idx.msk [tilespmem:v15+s21+$0x0], $0xffff  }
0x4ea: {  	v13 =	vadd.s32 s19, v44;
	[tilespmem:v10+s31+$0x0] =	vst.idx.add.f32.msk $0xffff, v1  }
0x4eb: {  	v5 =	vadd.s32 $0xC80, v5;
	v9 =	vmul.f32 v9, v27;
	[tilespmem:v14+s4+$0x0] =	vst.idx.add.f32.msk $0xffff, v1  }
0x4ec: {  	v1 =	vadd.s32 $0x880, v33;
	[tilespmem:v6+s31+$0x0] =	vst.idx.add.f32.msk $0xffff, v4  }
0x4ed: {  	v6 =	vadd.s32 s18, v45;
	[tilespmem:v7+s31+$0x0] =	vst.idx.add.f32.msk $0xffff, v9  }
0x4ee: {  	v7 =	vadd.s32 $0x480, v2;
	[tilespmem:v8+s4+$0x0] =	vst.idx.add.f32.msk $0xffff, v9  }
0x4ef: {  	v8 =	vadd.s32 $0x480, v3;
	v9 =	vld.idx.msk [tilespmem:v13+s21+$0x0], $0xffff  }
0x4f0: {  	[tilespmem:v5+s4+$0x0] =	vst.idx.add.f32.msk $0xffff, v4;
	v4 =	vadd.s32 s22, v37  }
0x4f1: {  	v5 =	vadd.s32 $0x480, v35;
	[tilespmem:v1+s4+$0x0] =	vst.idx.add.f32.msk $0xffff, v12;
	v1 =	vmul.f32 v11, v0  }
0x4f2: {  	v10 =	vadd.s32 $0x480, v40;
	v6 =	vld.idx.msk [tilespmem:v6+s21+$0x0], $0xffff  }
0x4f3: {  	v11 =	vadd.s32 s19, v37;
	[tilespmem:v7+s31+$0x0] =	vst.idx.add.f32.msk $0xffff, v1  }
0x4f4: {  	v7 =	vadd.s32 $0x900, v32;
	[tilespmem:v8+s4+$0x0] =	vst.idx.add.f32.msk $0xffff, v1;
	v1 =	vmul.f32 v9, v27  }
0x4f5: {  	v8 =	vadd.s32 $0x900, v33;
	v4 =	vld.idx.msk [tilespmem:v4+s21+$0x0], $0xffff  }
0x4f6: {  	v9 =	vadd.s32 s18, v61;
	[tilespmem:v5+s31+$0x0] =	vst.idx.add.f32.msk $0xffff, v1  }
0x4f7: {  	v5 =	vmul.f32 v6, v21;
	v6 =	vadd.s32 $0x500, v2;
	[tilespmem:v10+s4+$0x0] =	vst.idx.add.f32.msk $0xffff, v1  }
0x4f8: {  	v1 =	vadd.s32 $0x500, v3;
	v10 =	vld.idx.msk [tilespmem:v11+s21+$0x0], $0xffff  }
0x4f9: {  	v11 =	vadd.s32 s22, v39;
	[tilespmem:v7+s31+$0x0] =	vst.idx.add.f32.msk $0xffff, v5  }
0x4fa: {  	v7 =	vadd.s32 $0x500, v35;
	v4 =	vmul.f32 v4, v0;
	[tilespmem:v8+s4+$0x0] =	vst.idx.add.f32.msk $0xffff, v5  }
0x4fb: {  	v5 =	vadd.s32 $0x500, v40;
	v8 =	vld.idx.msk [tilespmem:v9+s21+$0x0], $0xffff  }
0x4fc: {  	v9 =	vadd.s32 s19, v39;
	[tilespmem:v6+s31+$0x0] =	vst.idx.add.f32.msk $0xffff, v4  }
0x4fd: {  	v6 =	vadd.s32 $0x980, v32;
	[tilespmem:v1+s4+$0x0] =	vst.idx.add.f32.msk $0xffff, v4;
	v1 =	vmul.f32 v10, v27  }
0x4fe: {  	v4 =	vadd.s32 $0x980, v33;
	v10 =	vld.idx.msk [tilespmem:v11+s21+$0x0], $0xffff  }
0x4ff: {  	v11 =	vadd.s32 s18, v19;
	[tilespmem:v7+s31+$0x0] =	vst.idx.add.f32.msk $0xffff, v1  }
0x500: {  	v7 =	vadd.s32 $0x580, v2;
	[tilespmem:v5+s4+$0x0] =	vst.idx.add.f32.msk $0xffff, v1;
	v1 =	vmul.f32 v8, v21  }
0x501: {  	v5 =	vadd.s32 $0x580, v3;
	v8 =	vld.idx.msk [tilespmem:v9+s21+$0x0], $0xffff  }
0x502: {  	v9 =	vadd.s32 s22, v23;
	[tilespmem:v6+s31+$0x0] =	vst.idx.add.f32.msk $0xffff, v1  }
0x503: {  	v6 =	vadd.s32 $0x580, v35;
	v10 =	vmul.f32 v10, v0;
	[tilespmem:v4+s4+$0x0] =	vst.idx.add.f32.msk $0xffff, v1  }
0x504: {  	v1 =	vadd.s32 $0x580, v40;
	v4 =	vld.idx.msk [tilespmem:v11+s21+$0x0], $0xffff  }
0x505: {  	v11 =	vadd.s32 s19, v23;
	[tilespmem:v7+s31+$0x0] =	vst.idx.add.f32.msk $0xffff, v10  }
0x506: {  	v7 =	vadd.s32 $0xA00, v32;
	[tilespmem:v5+s4+$0x0] =	vst.idx.add.f32.msk $0xffff, v10;
	v5 =	vmul.f32 v8, v27  }
0x507: {  	v8 =	vadd.s32 $0xA00, v33;
	v9 =	vld.idx.msk [tilespmem:v9+s21+$0x0], $0xffff  }
0x508: {  	v10 =	vadd.s32 s18, v62;
	[tilespmem:v6+s31+$0x0] =	vst.idx.add.f32.msk $0xffff, v5  }
0x509: {  	v6 =	vadd.s32 $0x600, v2;
	[tilespmem:v1+s4+$0x0] =	vst.idx.add.f32.msk $0xffff, v5;
	v1 =	vmul.f32 v4, v21  }
0x50a: {  	v4 =	vadd.s32 $0x600, v3;
	v5 =	vld.idx.msk [tilespmem:v11+s21+$0x0], $0xffff  }
0x50b: {  	v11 =	vadd.s32 s22, v36;
	[tilespmem:v7+s31+$0x0] =	vst.idx.add.f32.msk $0xffff, v1  }
0x50c: {  	v7 =	vadd.s32 $0x600, v35;
	v9 =	vmul.f32 v9, v0;
	[tilespmem:v8+s4+$0x0] =	vst.idx.add.f32.msk $0xffff, v1  }
0x50d: {  	v1 =	vadd.s32 $0x600, v40;
	v8 =	vld.idx.msk [tilespmem:v10+s21+$0x0], $0xffff  }
0x50e: {  	v10 =	vadd.s32 s19, v36;
	[tilespmem:v6+s31+$0x0] =	vst.idx.add.f32.msk $0xffff, v9  }
0x50f: {  	v6 =	vadd.s32 $0xA80, v32;
	[tilespmem:v4+s4+$0x0] =	vst.idx.add.f32.msk $0xffff, v9;
	v4 =	vmul.f32 v5, v27  }
0x510: {  	v5 =	vadd.s32 $0xA80, v33;
	v9 =	vld.idx.msk [tilespmem:v11+s21+$0x0], $0xffff  }
0x511: {  	v11 =	vadd.s32 s18, v56;
	[tilespmem:v7+s31+$0x0] =	vst.idx.add.f32.msk $0xffff, v4  }
0x512: {  	v7 =	vadd.s32 $0x680, v2;
	[tilespmem:v1+s4+$0x0] =	vst.idx.add.f32.msk $0xffff, v4;
	v1 =	vmul.f32 v8, v21  }
0x513: {  	v4 =	vadd.s32 $0x680, v3;
	v8 =	vld.idx.msk [tilespmem:v10+s21+$0x0], $0xffff  }
0x514: {  	v10 =	vadd.s32 s22, v24;
	[tilespmem:v6+s31+$0x0] =	vst.idx.add.f32.msk $0xffff, v1  }
0x515: {  	v9 =	vmul.f32 v9, v0;
	[tilespmem:v5+s4+$0x0] =	vst.idx.add.f32.msk $0xffff, v1  }
0x516: {  	v6 =	vadd.s32 $0x680, v35;
	v5 =	vld.idx.msk [tilespmem:v11+s21+$0x0], $0xffff  }
0x517: {  	v1 =	vadd.s32 $0x680, v40;
	[tilespmem:v7+s31+$0x0] =	vst.idx.add.f32.msk $0xffff, v9  }
0x518: {  	v11 =	vadd.s32 s19, v24;
	[tilespmem:v4+s4+$0x0] =	vst.idx.add.f32.msk $0xffff, v9  }
0x519: {  	s12 =	simm.s32 $0x8A50;
	v7 =	vadd.s32 $0xB00, v32;
	v4 =	vmul.f32 v8, v27;
	v9 =	vld.idx.msk [tilespmem:v10+s21+$0x0], $0xffff  }
0x51a: {  	v29 =	vld [tilespmem:s12+$0xFFFFFFF0];
	v8 =	vadd.s32 $0xB00, v33  }
0x51b: {  	[tilespmem:v6+s31+$0x0] =	vst.idx.add.f32.msk $0xffff, v4;
	v6 =	vadd.s32 $0x700, v2  }
0x51c: {  	[tilespmem:v1+s4+$0x0] =	vst.idx.add.f32.msk $0xffff, v4;
	v1 =	vmul.f32 v5, v21;
	v4 =	vadd.s32 $0x700, v3  }
0x51d: {  	v5 =	vld.idx.msk [tilespmem:v11+s21+$0x0], $0xffff;
	v11 =	vadd.s32 s22, v25  }
0x51e: {  	[tilespmem:v7+s31+$0x0] =	vst.idx.add.f32.msk $0xffff, v1;
	v9 =	vmul.f32 v9, v0  }
0x51f: {  	v7 =	vadd.s32 $0x700, v35;
	[tilespmem:v8+s4+$0x0] =	vst.idx.add.f32.msk $0xffff, v1  }
0x520: {  	v8 =	vadd.s32 $0x700, v40;
	[tilespmem:v6+s31+$0x0] =	vst.idx.add.f32.msk $0xffff, v9  }
0x521: {  	[tilespmem:v4+s4+$0x0] =	vst.idx.add.f32.msk $0xffff, v9  }
0x522: {  	s11 =	simm.s32 $0x640;
	s1 =	simm.s32 $0x8E50;
	v10 =	vadd.s32 s18, v52;
	v4 =	vmul.f32 v5, v27;
	v5 =	vld.idx.msk [tilespmem:v11+s21+$0x0], $0xffff  }
0x523: {  	v28 =	vld [tilespmem:s1+$0xFFFFFFF0];
	v6 =	vadd.s32 s11, v20  }
0x524: {  	[tilespmem:v7+s31+$0x0] =	vst.idx.add.f32.msk $0xffff, v4;
	v7 =	vadd.s32 $0x780, v2  }
0x525: {  	[tilespmem:v8+s4+$0x0] =	vst.idx.add.f32.msk $0xffff, v4;
	v4 =	vadd.s32 $0x780, v3  }
0x526: {  	v31 =	vld [tilespmem:s1+$0x0];
	v8 =	vadd.s32 s22, v41  }
0x527: {  	s3 =	simm.s32 $0x7D0;
	v1 =	vld.idx.msk [tilespmem:v10+s21+$0x0], $0xffff;
	v5 =	vmul.f32 v5, v0  }
0x528: {  	v9 =	vadd.s32 s3, v20;
	v6 =	vld.idx.msk [tilespmem:v6+s21+$0x0], $0xffff  }
0x529: {  	[tilespmem:v7+s31+$0x0] =	vst.idx.add.f32.msk $0xffff, v5  }
0x52a: {  	[tilespmem:v4+s4+$0x0] =	vst.idx.add.f32.msk $0xffff, v5  }
0x52b: {  	v4 =	vld.idx.msk [tilespmem:v8+s21+$0x0], $0xffff  }
0x52c: {  	v7 =	vadd.s32 s11, v22;
	v8 =	vld [tilespmem:s12+$0x0]  }
0x52d: {  	v10 =	vadd.s32 $0x800, v2;
	v5 =	vld.idx.msk [tilespmem:v9+s21+$0x0], $0xffff;
	v6 =	vmul.f32 v6, v28  }
0x52e: {  	v11 =	vadd.s32 $0x800, v3;
	v9 =	vld [tilespmem:s15+$0x0]  }
0x52f: {  	[tilespmem:v29+s31+$0x0] =	vst.idx.add.f32.msk $0xffff, v6  }
0x530: {  	v12 =	vadd.s32 s22, v42;
	[tilespmem:v30+s4+$0x0] =	vst.idx.add.f32.msk $0xffff, v6;
	v4 =	vmul.f32 v4, v0  }
0x531: {  	v6 =	vld.idx.msk [tilespmem:v7+s21+$0x0], $0xffff  }
0x532: {  	v7 =	vadd.s32 s3, v22;
	v5 =	vmul.f32 v5, v31;
	[tilespmem:v10+s31+$0x0] =	vst.idx.add.f32.msk $0xffff, v4  }
0x533: {  	v10 =	vadd.s32 s19, v25;
	[tilespmem:v11+s4+$0x0] =	vst.idx.add.f32.msk $0xffff, v4  }
0x534: {  	v4 =	vadd.s32 $0x80, v29;
	[tilespmem:v8+s31+$0x0] =	vst.idx.add.f32.msk $0xffff, v5  }
0x535: {  	v11 =	vld.idx.msk [tilespmem:v12+s21+$0x0], $0xffff;
	v12 =	vadd.s32 $0x80, v30  }
0x536: {  	v13 =	vadd.s32 s11, v34;
	[tilespmem:v9+s4+$0x0] =	vst.idx.add.f32.msk $0xffff, v5  }
0x537: {  	v5 =	vmul.f32 v6, v28;
	v6 =	vld.idx.msk [tilespmem:v7+s21+$0x0], $0xffff;
	v7 =	vadd.s32 $0x880, v2  }
0x538: {  	v14 =	vadd.s32 $0x880, v3;
	v10 =	vld.idx.msk [tilespmem:v10+s21+$0x0], $0xffff  }
0x539: {  	v15 =	vadd.s32 $0x80, v8;
	[tilespmem:v4+s31+$0x0] =	vst.idx.add.f32.msk $0xffff, v5  }
0x53a: {  	v4 =	vadd.s32 s22, v45;
	[tilespmem:v12+s4+$0x0] =	vst.idx.add.f32.msk $0xffff, v5;
	v5 =	vmul.f32 v11, v0  }
0x53b: {  	v11 =	vadd.s32 $0x80, v9;
	v12 =	vld.idx.msk [tilespmem:v13+s21+$0x0], $0xffff  }
0x53c: {  	v13 =	vadd.s32 s3, v34;
	v6 =	vmul.f32 v6, v31;
	[tilespmem:v7+s31+$0x0] =	vst.idx.add.f32.msk $0xffff, v5  }
0x53d: {  	v7 =	vadd.s32 $0x780, v35;
	[tilespmem:v14+s4+$0x0] =	vst.idx.add.f32.msk $0xffff, v5  }
0x53e: {  	v5 =	vadd.s32 $0x100, v29;
	[tilespmem:v15+s31+$0x0] =	vst.idx.add.f32.msk $0xffff, v6  }
0x53f: {  	v14 =	vadd.s32 $0x100, v30;
	v4 =	vld.idx.msk [tilespmem:v4+s21+$0x0], $0xffff  }
0x540: {  	v10 =	vmul.f32 v10, v27;
	v15 =	vadd.s32 s11, v46;
	[tilespmem:v11+s4+$0x0] =	vst.idx.add.f32.msk $0xffff, v6  }
0x541: {  	v6 =	vmul.f32 v12, v28;
	v11 =	vld.idx.msk [tilespmem:v13+s21+$0x0], $0xffff;
	v12 =	vadd.s32 $0x900, v2  }
0x542: {  	v13 =	vadd.s32 $0x900, v3;
	[tilespmem:v7+s31+$0x0] =	vst.idx.add.f32.msk $0xffff, v10  }
0x543: {  	[tilespmem:v5+s31+$0x0] =	vst.idx.add.f32.msk $0xffff, v6;
	v5 =	vadd.s32 s22, v61  }
0x544: {  	v7 =	vadd.s32 $0x100, v8;
	[tilespmem:v14+s4+$0x0] =	vst.idx.add.f32.msk $0xffff, v6;
	v4 =	vmul.f32 v4, v0  }
0x545: {  	v6 =	vadd.s32 $0x100, v9;
	v14 =	vld.idx.msk [tilespmem:v15+s21+$0x0], $0xffff  }
0x546: {  	v15 =	vadd.s32 s3, v46;
	[tilespmem:v12+s31+$0x0] =	vst.idx.add.f32.msk $0xffff, v4  }
0x547: {  	v12 =	vadd.s32 $0x780, v40;
	v11 =	vmul.f32 v11, v31;
	[tilespmem:v13+s4+$0x0] =	vst.idx.add.f32.msk $0xffff, v4  }
0x548: {  	v4 =	vadd.s32 $0x180, v29;
	v5 =	vld.idx.msk [tilespmem:v5+s21+$0x0], $0xffff  }
0x549: {  	v13 =	vadd.s32 $0x180, v30;
	[tilespmem:v7+s31+$0x0] =	vst.idx.add.f32.msk $0xffff, v11  }
0x54a: {  	v7 =	vadd.s32 s11, v17;
	[tilespmem:v6+s4+$0x0] =	vst.idx.add.f32.msk $0xffff, v11  }
0x54b: {  	v6 =	vmul.f32 v14, v28;
	v11 =	vld.idx.msk [tilespmem:v15+s21+$0x0], $0xffff;
	v14 =	vadd.s32 $0x980, v2  }
0x54c: {  	v15 =	vadd.s32 $0x980, v3;
	[tilespmem:v12+s4+$0x0] =	vst.idx.add.f32.msk $0xffff, v10  }
0x54d: {  	[tilespmem:v4+s31+$0x0] =	vst.idx.add.f32.msk $0xffff, v6;
	v4 =	vadd.s32 s22, v19  }
0x54e: {  	v10 =	vadd.s32 $0x180, v8;
	[tilespmem:v13+s4+$0x0] =	vst.idx.add.f32.msk $0xffff, v6;
	v5 =	vmul.f32 v5, v0  }
0x54f: {  	v6 =	vadd.s32 $0x180, v9;
	v7 =	vld.idx.msk [tilespmem:v7+s21+$0x0], $0xffff  }
0x550: {  	v13 =	vadd.s32 s19, v41;
	[tilespmem:v14+s31+$0x0] =	vst.idx.add.f32.msk $0xffff, v5  }
0x551: {  	v12 =	vadd.s32 s3, v17;
	v11 =	vmul.f32 v11, v31;
	[tilespmem:v15+s4+$0x0] =	vst.idx.add.f32.msk $0xffff, v5  }
0x552: {  	v5 =	vadd.s32 $0x200, v29;
	v4 =	vld.idx.msk [tilespmem:v4+s21+$0x0], $0xffff  }
0x553: {  	v14 =	vadd.s32 $0x200, v30;
	[tilespmem:v10+s31+$0x0] =	vst.idx.add.f32.msk $0xffff, v11  }
0x554: {  	v10 =	vadd.s32 s11, v60;
	[tilespmem:v6+s4+$0x0] =	vst.idx.add.f32.msk $0xffff, v11  }
0x555: {  	v11 =	vadd.s32 $0xA00, v2;
	v13 =	vld.idx.msk [tilespmem:v13+s21+$0x0], $0xffff;
	v6 =	vmul.f32 v7, v28  }
0x556: {  	v7 =	vld.idx.msk [tilespmem:v12+s21+$0x0], $0xffff;
	v12 =	vadd.s32 $0xA00, v3  }
0x557: {  	[tilespmem:v5+s31+$0x0] =	vst.idx.add.f32.msk $0xffff, v6;
	v5 =	vadd.s32 s22, v62  }
0x558: {  	v15 =	vadd.s32 $0x200, v8;
	[tilespmem:v14+s4+$0x0] =	vst.idx.add.f32.msk $0xffff, v6;
	v4 =	vmul.f32 v4, v0  }
0x559: {  	v6 =	vadd.s32 $0x200, v9;
	v10 =	vld.idx.msk [tilespmem:v10+s21+$0x0], $0xffff  }
0x55a: {  	v14 =	vadd.s32 s3, v60;
	[tilespmem:v11+s31+$0x0] =	vst.idx.add.f32.msk $0xffff, v4  }
0x55b: {  	v11 =	vadd.s32 $0x800, v35;
	v7 =	vmul.f32 v7, v31;
	[tilespmem:v12+s4+$0x0] =	vst.idx.add.f32.msk $0xffff, v4  }
0x55c: {  	v4 =	vadd.s32 $0x280, v29;
	v5 =	vld.idx.msk [tilespmem:v5+s21+$0x0], $0xffff  }
0x55d: {  	v12 =	vadd.s32 $0x280, v30;
	[tilespmem:v15+s31+$0x0] =	vst.idx.add.f32.msk $0xffff, v7  }
0x55e: {  	v13 =	vmul.f32 v13, v27;
	v15 =	vadd.s32 s11, v55;
	[tilespmem:v6+s4+$0x0] =	vst.idx.add.f32.msk $0xffff, v7  }
0x55f: {  	v6 =	vmul.f32 v10, v28;
	v7 =	vld.idx.msk [tilespmem:v14+s21+$0x0], $0xffff;
	v10 =	vadd.s32 $0xA80, v2  }
0x560: {  	v14 =	vadd.s32 $0xA80, v3;
	[tilespmem:v11+s31+$0x0] =	vst.idx.add.f32.msk $0xffff, v13  }
0x561: {  	[tilespmem:v4+s31+$0x0] =	vst.idx.add.f32.msk $0xffff, v6;
	v4 =	vadd.s32 s22, v56  }
0x562: {  	v11 =	vadd.s32 $0x280, v8;
	[tilespmem:v12+s4+$0x0] =	vst.idx.add.f32.msk $0xffff, v6;
	v5 =	vmul.f32 v5, v0  }
0x563: {  	v6 =	vadd.s32 $0x280, v9;
	v12 =	vld.idx.msk [tilespmem:v15+s21+$0x0], $0xffff  }
0x564: {  	v15 =	vadd.s32 s3, v55;
	[tilespmem:v10+s31+$0x0] =	vst.idx.add.f32.msk $0xffff, v5  }
0x565: {  	v10 =	vadd.s32 $0x800, v40;
	v7 =	vmul.f32 v7, v31;
	[tilespmem:v14+s4+$0x0] =	vst.idx.add.f32.msk $0xffff, v5  }
0x566: {  	v5 =	vadd.s32 $0x300, v29;
	v4 =	vld.idx.msk [tilespmem:v4+s21+$0x0], $0xffff  }
0x567: {  	v14 =	vadd.s32 $0x300, v30;
	[tilespmem:v11+s31+$0x0] =	vst.idx.add.f32.msk $0xffff, v7  }
0x568: {  	v11 =	vadd.s32 s11, v51;
	[tilespmem:v6+s4+$0x0] =	vst.idx.add.f32.msk $0xffff, v7  }
0x569: {  	v6 =	vmul.f32 v12, v28;
	v7 =	vld.idx.msk [tilespmem:v15+s21+$0x0], $0xffff;
	v12 =	vadd.s32 $0xB00, v2  }
0x56a: {  	v15 =	vadd.s32 $0xB00, v3;
	[tilespmem:v10+s4+$0x0] =	vst.idx.add.f32.msk $0xffff, v13  }
0x56b: {  	[tilespmem:v5+s31+$0x0] =	vst.idx.add.f32.msk $0xffff, v6;
	v5 =	vadd.s32 s22, v52  }
0x56c: {  	v10 =	vadd.s32 $0x300, v8;
	[tilespmem:v14+s4+$0x0] =	vst.idx.add.f32.msk $0xffff, v6;
	v4 =	vmul.f32 v4, v0  }
0x56d: {  	v6 =	vadd.s32 $0x300, v9;
	v11 =	vld.idx.msk [tilespmem:v11+s21+$0x0], $0xffff  }
0x56e: {  	v13 =	vadd.s32 s3, v51;
	[tilespmem:v12+s31+$0x0] =	vst.idx.add.f32.msk $0xffff, v4  }
0x56f: {  	v12 =	vadd.s32 s19, v42;
	v7 =	vmul.f32 v7, v31;
	[tilespmem:v15+s4+$0x0] =	vst.idx.add.f32.msk $0xffff, v4  }
0x570: {  	v4 =	vadd.s32 $0x380, v29;
	v5 =	vld.idx.msk [tilespmem:v5+s21+$0x0], $0xffff  }
0x571: {  	v14 =	vadd.s32 $0x380, v30;
	[tilespmem:v10+s31+$0x0] =	vst.idx.add.f32.msk $0xffff, v7  }
0x572: {  	v10 =	vadd.s32 s11, v48;
	[tilespmem:v6+s4+$0x0] =	vst.idx.add.f32.msk $0xffff, v7  }
0x573: {  	v6 =	vmul.f32 v11, v28;
	v7 =	vld.idx.msk [tilespmem:v13+s21+$0x0], $0xffff;
	v11 =	vadd.s32 $0xB80, v2  }
0x574: {  	v13 =	vadd.s32 $0xB80, v3;
	v12 =	vld.idx.msk [tilespmem:v12+s21+$0x0], $0xffff  }
0x575: {  	v15 =	vadd.s32 s22, v49;
	[tilespmem:v4+s31+$0x0] =	vst.idx.add.f32.msk $0xffff, v6  }
0x576: {  	v4 =	vadd.s32 $0x380, v8;
	[tilespmem:v14+s4+$0x0] =	vst.idx.add.f32.msk $0xffff, v6;
	v5 =	vmul.f32 v5, v0  }
0x577: {  	v6 =	vadd.s32 $0x380, v9;
	v10 =	vld.idx.msk [tilespmem:v10+s21+$0x0], $0xffff  }
0x578: {  	v14 =	vadd.s32 s3, v48;
	[tilespmem:v11+s31+$0x0] =	vst.idx.add.f32.msk $0xffff, v5  }
0x579: {  	v11 =	vadd.s32 $0x880, v35;
	v7 =	vmul.f32 v7, v31;
	[tilespmem:v13+s4+$0x0] =	vst.idx.add.f32.msk $0xffff, v5  }
0x57a: {  	v5 =	vadd.s32 $0x400, v29;
	v13 =	vld.idx.msk [tilespmem:v15+s21+$0x0], $0xffff  }
0x57b: {  	v15 =	vadd.s32 $0x400, v30;
	[tilespmem:v4+s31+$0x0] =	vst.idx.add.f32.msk $0xffff, v7  }
0x57c: {  	v4 =	vmul.f32 v12, v27;
	v12 =	vadd.s32 s11, v44;
	[tilespmem:v6+s4+$0x0] =	vst.idx.add.f32.msk $0xffff, v7  }
0x57d: {  	v6 =	vmul.f32 v10, v28;
	v7 =	vld.idx.msk [tilespmem:v14+s21+$0x0], $0xffff;
	v10 =	vadd.s32 $0xC00, v2  }
0x57e: {  	v14 =	vadd.s32 $0xC00, v3;
	[tilespmem:v11+s31+$0x0] =	vst.idx.add.f32.msk $0xffff, v4  }
0x57f: {  	v2 =	vadd.s32 $0xC80, v2;
	[tilespmem:v5+s31+$0x0] =	vst.idx.add.f32.msk $0xffff, v6  }
0x580: {  	v3 =	vadd.s32 $0xC80, v3;
	[tilespmem:v15+s4+$0x0] =	vst.idx.add.f32.msk $0xffff, v6;
	v5 =	vmul.f32 v13, v0  }
0x581: {  	v6 =	vadd.s32 $0x400, v8;
	v11 =	vld.idx.msk [tilespmem:v12+s21+$0x0], $0xffff  }
0x582: {  	v12 =	vadd.s32 $0x400, v9;
	[tilespmem:v10+s31+$0x0] =	vst.idx.add.f32.msk $0xffff, v5  }
0x583: {  	v10 =	vadd.s32 s3, v44;
	[tilespmem:v14+s4+$0x0] =	vst.idx.add.f32.msk $0xffff, v5  }
0x584: {  	v7 =	vmul.f32 v7, v31;
	v5 =	vadd.s32 $0x880, v40;
	[tilespmem:v2+s31+$0x0] =	vst.idx.add.f32.msk $0xffff, v0  }
0x585: {  	v2 =	vadd.s32 s19, v45;
	[tilespmem:v3+s4+$0x0] =	vst.idx.add.f32.msk $0xffff, v0  }
0x586: {  	v0 =	vadd.s32 $0xB80, v32;
	[tilespmem:v6+s31+$0x0] =	vst.idx.add.f32.msk $0xffff, v7  }
0x587: {  	v3 =	vadd.s32 $0x480, v29;
	[tilespmem:v12+s4+$0x0] =	vst.idx.add.f32.msk $0xffff, v7  }
0x588: {  	v6 =	vadd.s32 $0x480, v30;
	v7 =	vld.idx.msk [tilespmem:v10+s21+$0x0], $0xffff  }
0x589: {  	v1 =	vmul.f32 v1, v21;
	v10 =	vadd.s32 s11, v37;
	[tilespmem:v5+s4+$0x0] =	vst.idx.add.f32.msk $0xffff, v4  }
0x58a: {  	v4 =	vadd.s32 $0xB80, v33;
	v5 =	vmul.f32 v11, v28;
	v2 =	vld.idx.msk [tilespmem:v2+s21+$0x0], $0xffff  }
0x58b: {  	v11 =	vadd.s32 $0x480, v8;
	[tilespmem:v0+s31+$0x0] =	vst.idx.add.f32.msk $0xffff, v1  }
0x58c: {  	v0 =	vadd.s32 $0x480, v9;
	[tilespmem:v3+s31+$0x0] =	vst.idx.add.f32.msk $0xffff, v5  }
0x58d: {  	v3 =	vadd.s32 s3, v37;
	[tilespmem:v6+s4+$0x0] =	vst.idx.add.f32.msk $0xffff, v5  }
0x58e: {  	v5 =	vadd.s32 $0x900, v35;
	v6 =	vld.idx.msk [tilespmem:v10+s21+$0x0], $0xffff;
	v7 =	vmul.f32 v7, v31  }
0x58f: {  	v10 =	vadd.s32 $0x900, v40;
	[tilespmem:v4+s4+$0x0] =	vst.idx.add.f32.msk $0xffff, v1  }
0x590: {  	v1 =	vadd.s32 s19, v61;
	[tilespmem:v11+s31+$0x0] =	vst.idx.add.f32.msk $0xffff, v7  }
0x591: {  	v4 =	vadd.s32 $0x500, v29;
	v2 =	vmul.f32 v2, v27;
	[tilespmem:v0+s4+$0x0] =	vst.idx.add.f32.msk $0xffff, v7  }
0x592: {  	v0 =	vadd.s32 $0x500, v30;
	v3 =	vld.idx.msk [tilespmem:v3+s21+$0x0], $0xffff  }
0x593: {  	v7 =	vadd.s32 s11, v39;
	[tilespmem:v5+s31+$0x0] =	vst.idx.add.f32.msk $0xffff, v2  }
0x594: {  	v5 =	vadd.s32 s18, v49;
	v6 =	vmul.f32 v6, v28;
	[tilespmem:v10+s4+$0x0] =	vst.idx.add.f32.msk $0xffff, v2  }
0x595: {  	v2 =	vadd.s32 $0x500, v8;
	v1 =	vld.idx.msk [tilespmem:v1+s21+$0x0], $0xffff  }
0x596: {  	v10 =	vadd.s32 $0x500, v9;
	[tilespmem:v4+s31+$0x0] =	vst.idx.add.f32.msk $0xffff, v6  }
0x597: {  	v4 =	vadd.s32 s3, v39;
	[tilespmem:v0+s4+$0x0] =	vst.idx.add.f32.msk $0xffff, v6  }
0x598: {  	v0 =	vadd.s32 $0x980, v35;
	v6 =	vld.idx.msk [tilespmem:v7+s21+$0x0], $0xffff;
	v3 =	vmul.f32 v3, v31  }
0x599: {  	v7 =	vadd.s32 $0x980, v40;
	v5 =	vld.idx.msk [tilespmem:v5+s21+$0x0], $0xffff  }
0x59a: {  	v11 =	vadd.s32 s19, v19;
	[tilespmem:v2+s31+$0x0] =	vst.idx.add.f32.msk $0xffff, v3  }
0x59b: {  	v2 =	vadd.s32 $0x580, v29;
	v1 =	vmul.f32 v1, v27;
	[tilespmem:v10+s4+$0x0] =	vst.idx.add.f32.msk $0xffff, v3  }
0x59c: {  	v3 =	vadd.s32 $0x580, v30;
	v4 =	vld.idx.msk [tilespmem:v4+s21+$0x0], $0xffff  }
0x59d: {  	v10 =	vadd.s32 s11, v23;
	[tilespmem:v0+s31+$0x0] =	vst.idx.add.f32.msk $0xffff, v1  }
0x59e: {  	v0 =	vadd.s32 $0xC00, v32;
	v6 =	vmul.f32 v6, v28;
	[tilespmem:v7+s4+$0x0] =	vst.idx.add.f32.msk $0xffff, v1  }
0x59f: {  	v1 =	vadd.s32 $0x580, v8;
	v7 =	vld.idx.msk [tilespmem:v11+s21+$0x0], $0xffff  }
0x5a0: {  	v11 =	vadd.s32 $0x580, v9;
	[tilespmem:v2+s31+$0x0] =	vst.idx.add.f32.msk $0xffff, v6  }
0x5a1: {  	v5 =	vmul.f32 v5, v21;
	v2 =	vadd.s32 s3, v23;
	[tilespmem:v3+s4+$0x0] =	vst.idx.add.f32.msk $0xffff, v6  }
0x5a2: {  	v3 =	vadd.s32 $0xA00, v35;
	v6 =	vld.idx.msk [tilespmem:v10+s21+$0x0], $0xffff;
	v4 =	vmul.f32 v4, v31  }
0x5a3: {  	v10 =	vadd.s32 $0xA00, v40;
	[tilespmem:v0+s31+$0x0] =	vst.idx.add.f32.msk $0xffff, v5  }
0x5a4: {  	v0 =	vadd.s32 s19, v62;
	[tilespmem:v1+s31+$0x0] =	vst.idx.add.f32.msk $0xffff, v4  }
0x5a5: {  	v1 =	vadd.s32 $0x600, v29;
	[tilespmem:v11+s4+$0x0] =	vst.idx.add.f32.msk $0xffff, v4;
	v4 =	vmul.f32 v7, v27  }
0x5a6: {  	v7 =	vadd.s32 $0x600, v30;
	v2 =	vld.idx.msk [tilespmem:v2+s21+$0x0], $0xffff  }
0x5a7: {  	v11 =	vadd.s32 s11, v36;
	[tilespmem:v3+s31+$0x0] =	vst.idx.add.f32.msk $0xffff, v4  }
0x5a8: {  	v6 =	vmul.f32 v6, v28;
	[tilespmem:v10+s4+$0x0] =	vst.idx.add.f32.msk $0xffff, v4;
	v4 =	vadd.s32 $0x600, v8  }
0x5a9: {  	v10 =	vadd.s32 $0x600, v9;
	v0 =	vld.idx.msk [tilespmem:v0+s21+$0x0], $0xffff  }
0x5aa: {  	v3 =	vadd.s32 $0xC00, v33;
	[tilespmem:v1+s31+$0x0] =	vst.idx.add.f32.msk $0xffff, v6  }
0x5ab: {  	[tilespmem:v7+s4+$0x0] =	vst.idx.add.f32.msk $0xffff, v6;
	v7 =	vadd.s32 $0xA80, v35;
	v2 =	vmul.f32 v2, v31  }
0x5ac: {  	v12 =	vadd.s32 s3, v36;
	v11 =	vld.idx.msk [tilespmem:v11+s21+$0x0], $0xffff  }
0x5ad: {  	v14 =	vadd.s32 $0xA80, v40;
	[tilespmem:v4+s31+$0x0] =	vst.idx.add.f32.msk $0xffff, v2  }
0x5ae: {  	[tilespmem:v10+s4+$0x0] =	vst.idx.add.f32.msk $0xffff, v2;
	v2 =	vmul.f32 v0, v27  }
0x5af: {  	[tilespmem:v3+s4+$0x0] =	vst.idx.add.f32.msk $0xffff, v5  }
0x5b0: {  	v6 =	vadd.s32 s19, v56;
	v0 =	vadd.s32 s3, v25;
	[tilespmem:v7+s31+$0x0] =	vst.idx.add.f32.msk $0xffff, v2  }
0x5b1: {  	v5 =	vld.idx.msk [tilespmem:v12+s21+$0x0], $0xffff;
	[tilespmem:$0x1F960] =	vst v0  }
0x5b2: {  	v3 =	vadd.s32 $0x680, v29;
	v0 =	vadd.s32 s3, v41;
	[tilespmem:v14+s4+$0x0] =	vst.idx.add.f32.msk $0xffff, v2  }
0x5b3: {  	[tilespmem:$0x1F970] =	vst v0;
	v0 =	vadd.s32 s3, v42  }
0x5b4: {  	v4 =	vadd.s32 $0x680, v30;
	[tilespmem:$0x1F980] =	vst v0;
	v0 =	vadd.s32 s3, v45  }
0x5b5: {  	v10 =	vadd.s32 s11, v24;
	v7 =	vmul.f32 v11, v28;
	v14 =	vld.idx.msk [tilespmem:v6+s21+$0x0], $0xffff;
	[tilespmem:$0x1F990] =	vst v0;
	v0 =	vadd.s32 s3, v61  }
0x5b6: {  	v1 =	vadd.s32 $0xC80, v32;
	[tilespmem:$0x1F9A0] =	vst v0  }
0x5b7: {  	v2 =	vadd.s32 $0x680, v8;
	v0 =	vadd.s32 s3, v19;
	[tilespmem:v3+s31+$0x0] =	vst.idx.add.f32.msk $0xffff, v7  }
0x5b8: {  	v18 =	vadd.s32 $0x680, v9;
	[tilespmem:$0x1F9B0] =	vst v0  }
0x5b9: {  	v0 =	vadd.s32 $0x780, v8;
	[tilespmem:v4+s4+$0x0] =	vst.idx.add.f32.msk $0xffff, v7  }
0x5ba: {  	v3 =	vmul.f32 v5, v31;
	v10 =	vld.idx.msk [tilespmem:v10+s21+$0x0], $0xffff;
	[tilespmem:$0x1F9C0] =	vst v0  }
0x5bb: {  	[tilespmem:v1+s31+$0x0] =	vst.idx.add.f32.msk $0xffff, v21  }
0x5bc: {  	v17 =	vadd.s32 s3, v24;
	[tilespmem:v2+s31+$0x0] =	vst.idx.add.f32.msk $0xffff, v3  }
0x5bd: {  	v15 =	vadd.s32 $0xB00, v35;
	v0 =	vadd.s32 $0x880, v8;
	[tilespmem:v18+s4+$0x0] =	vst.idx.add.f32.msk $0xffff, v3  }
0x5be: {  	[tilespmem:$0x1F9D0] =	vst v0;
	v0 =	vadd.s32 $0x880, v9  }
0x5bf: {  	[tilespmem:$0x1F9E0] =	vst v0;
	v0 =	vadd.s32 $0x900, v8  }
0x5c0: {  	v14 =	vmul.f32 v14, v27;
	[tilespmem:$0x1F9F0] =	vst v0;
	v0 =	vadd.s32 $0x900, v9  }
0x5c1: {  	v16 =	vadd.s32 $0xB00, v40;
	v17 =	vld.idx.msk [tilespmem:v17+s21+$0x0], $0xffff;
	[tilespmem:$0x1FA00] =	vst v0  }
0x5c2: {  	v0 =	vadd.s32 $0x980, v8;
	[tilespmem:v15+s31+$0x0] =	vst.idx.add.f32.msk $0xffff, v14  }
0x5c3: {  	[tilespmem:$0x1FA10] =	vst v0;
	v0 =	vadd.s32 $0x980, v9  }
0x5c4: {  	[tilespmem:$0x1FA20] =	vst v0;
	v0 =	vadd.s32 $0xA00, v8  }
0x5c5: {  	v1 =	vadd.s32 $0x700, v29;
	[tilespmem:$0x1FA30] =	vst v0  }
0x5c6: {  	v26 =	vadd.s32 s19, v49;
	v59 =	vadd.s32 s3, v62;
	v0 =	vadd.s32 $0xA00, v9;
	[tilespmem:v16+s4+$0x0] =	vst.idx.add.f32.msk $0xffff, v14  }
0x5c7: {  	v54 =	vadd.s32 s3, v56;
	v53 =	vadd.s32 s3, v52;
	[tilespmem:$0x1FA40] =	vst v0;
	v0 =	vadd.s32 $0xA80, v8  }
0x5c8: {  	v18 =	vadd.s32 $0x700, v30;
	v10 =	vmul.f32 v10, v28;
	[tilespmem:$0x1FA50] =	vst v0;
	v0 =	vadd.s32 $0xA80, v9  }
0x5c9: {  	v43 =	vadd.s32 $0xC80, v33;
	v50 =	vadd.s32 $0xB80, v40;
	v47 =	vadd.s32 $0xB80, v35;
	[tilespmem:$0x1FA60] =	vst v0  }
0x5ca: {  	v38 =	vadd.s32 $0xC80, v35;
	v13 =	vadd.s32 s19, v52;
	v0 =	vadd.s32 $0xB00, v8;
	[tilespmem:v1+s31+$0x0] =	vst.idx.add.f32.msk $0xffff, v10  }
0x5cb: {  	v57 =	vadd.s32 $0xC00, v9;
	v19 =	vadd.s32 s11, v25;
	[tilespmem:$0x1FA70] =	vst v0;
	v0 =	vadd.s32 $0xB00, v9  }
0x5cc: {  	v63 =	vadd.s32 $0xB80, v8;
	v58 =	vadd.s32 $0xC80, v8;
	v33 =	vadd.s32 $0xC00, v40;
	[tilespmem:$0x1FA80] =	vst v0  }
0x5cd: {  	v32 =	vadd.s32 $0xC00, v35;
	v35 =	vadd.s32 $0xC80, v40;
	v0 =	vadd.s32 $0xB80, v9;
	[tilespmem:v18+s4+$0x0] =	vst.idx.add.f32.msk $0xffff, v10  }
0x5ce: {  	v40 =	vadd.s32 s3, v49;
	v12 =	vadd.s32 $0x700, v8;
	v11 =	vadd.s32 $0x700, v9;
	[tilespmem:$0x1FA90] =	vst v0  }
0x5cf: {  	v5 =	vadd.s32 $0x800, v9;
	v7 =	vadd.s32 $0x780, v9;
	v4 =	vadd.s32 $0x800, v8;
	v1 =	vld.idx.msk [tilespmem:v13+s21+$0x0], $0xffff  }
0x5d0: {  	s18 =	simm.s32 $0x4;
	s19 =	simm.s32 $0xAF0;
	v18 =	vadd.s32 $0xC00, v8;
	v8 =	vadd.s32 $0xC80, v9;
	v10 =	vmul.f32 v17, v31;
	v13 =	vld.idx.msk [tilespmem:v19+s21+$0x0], $0xffff  }
.LBB2_11:
0x5d1: {  	[tilespmem:$0x1F810] =	vst v59  }
0x5d2: {  	[tilespmem:$0x1F700] =	vst v47;
	v2 =	vmov v8  }
0x5d3: {  	[tilespmem:$0x1F7A0] =	vst v2;
	v2 =	vadd.s32 s19, v48  }
0x5d4: {  	[tilespmem:$0x1F6D0] =	vst v2;
	v2 =	vadd.s32 s19, v44  }
0x5d5: {  	[tilespmem:$0x1F6E0] =	vst v2  }
0x5d6: {  	v2 =	vadd.s32 s19, v37;
	[tilespmem:v43+s4+$0x0] =	vst.idx.add.f32.msk $0xffff, v21  }
0x5d7: {  	[tilespmem:$0x1F730] =	vst v2  }
0x5d8: {  	s0 =	sadd.s32 $0xFFFFFE70, s19;
	v2 =	vadd.s32 s19, v39;
	[tilespmem:v12+s31+$0x0] =	vst.idx.add.f32.msk $0xffff, v10  }
0x5d9: {  	v17 =	vadd.s32 s0, v20;
	[tilespmem:$0x1F790] =	vst v2  }
0x5da: {  	s12 =	sadd.s32 $0x20, s12;
	v2 =	vadd.s32 s19, v23;
	[tilespmem:v11+s4+$0x0] =	vst.idx.add.f32.msk $0xffff, v10  }
0x5db: {  	s15 =	sadd.s32 $0x20, s15;
	v19 =	vld [tilespmem:s12+$0xFFFFFFF0];
	[tilespmem:$0x1F800] =	vst v2;
	v2 =	vadd.s32 s19, v36  }
0x5dc: {  	v8 =	vadd.s32 $0x780, v29;
	s1 =	sadd.s32 $0x20, s1;
	v14 =	vadd.s32 s19, v20;
	v20 =	vld [tilespmem:s15+$0xFFFFFFF0];
	[tilespmem:$0x1F870] =	vst v2;
	v2 =	vadd.s32 s19, v24  }
0x5dd: {  	v10 =	vld [tilespmem:s1+$0xFFFFFFF0];
	v11 =	vadd.s32 $0x780, v30;
	[tilespmem:$0x1F910] =	vst v2;
	v2 =	vadd.s32 s19, v45  }
0x5de: {  	v17 =	vld.idx.msk [tilespmem:v17+s21+$0x0], $0xffff;
	[tilespmem:$0x1F6F0] =	vst v2;
	v2 =	vadd.s32 s19, v61  }
0x5df: {  	v13 =	vmul.f32 v13, v28;
	v12 =	vadd.s32 s11, v41;
	[tilespmem:$0x1F740] =	vst v2;
	v2 =	vld [tilespmem:$0x1FFF0]  }
0x5e0: {  	[tilespmem:$0x1F7D0] =	vst v18;
	v0 =	vmov v27;
	v27 =	vmov v31;
	v31 =	vld [tilespmem:s1+$0x0]  }
0x5e1: {  	[tilespmem:v8+s31+$0x0] =	vst.idx.add.f32.msk $0xffff, v13  }
0x5e2: {  	[tilespmem:v11+s4+$0x0] =	vst.idx.add.f32.msk $0xffff, v13  }
0x5e3: {  	[tilespmem:$0x1F8A0] =	vst v54;
	v3 =	vmov v35;
	v13 =	vmul.f32 v1, v0;
	v1 =	vld.idx.msk [tilespmem:v14+s21+$0x0], $0xffff  }
0x5e4: {  	[tilespmem:$0x1F720] =	vst v3;
	v11 =	vld.idx.msk [tilespmem:v12+s21+$0x0], $0xffff;
	v14 =	vmul.f32 v17, v10;
	v3 =	vadd.s32 s19, v2  }
0x5e5: {  	v54 =	vld [tilespmem:s12+$0x0];
	v12 =	vadd.s32 s0, v22;
	[tilespmem:$0x1F7B0] =	vst v3  }
0x5e6: {  	v17 =	vadd.s32 $0x800, v29;
	v3 =	vadd.s32 s19, v62;
	[tilespmem:v19+s31+$0x0] =	vst.idx.add.f32.msk $0xffff, v14  }
0x5e7: {  	v18 =	vadd.s32 $0x800, v30;
	v8 =	vld [tilespmem:s15+$0x0];
	[tilespmem:$0x1F820] =	vst v3  }
0x5e8: {  	v3 =	vadd.s32 s19, v56;
	[tilespmem:v20+s4+$0x0] =	vst.idx.add.f32.msk $0xffff, v14  }
0x5e9: {  	v11 =	vmul.f32 v11, v28;
	[tilespmem:$0x1F8B0] =	vst v3;
	v3 =	vadd.s32 s19, v52  }
0x5ea: {  	v12 =	vld.idx.msk [tilespmem:v12+s21+$0x0], $0xffff;
	[tilespmem:$0x1F950] =	vst v3  }
0x5eb: {  	v24 =	vadd.s32 s11, v42;
	[tilespmem:v17+s31+$0x0] =	vst.idx.add.f32.msk $0xffff, v11  }
0x5ec: {  	v15 =	vadd.s32 s19, v22;
	v1 =	vmul.f32 v1, v31;
	v3 =	vadd.s32 s19, v49;
	[tilespmem:v18+s4+$0x0] =	vst.idx.add.f32.msk $0xffff, v11  }
0x5ed: {  	[tilespmem:$0x1F770] =	vst v3;
	v11 =	vadd.s32 $0x80, v19;
	v3 =	vld [tilespmem:$0x1F960]  }
0x5ee: {  	[tilespmem:v54+s31+$0x0] =	vst.idx.add.f32.msk $0xffff, v1  }
0x5ef: {  	v23 =	vadd.s32 s19, v25;
	v25 =	vadd.s32 $0x80, v20;
	[tilespmem:v8+s4+$0x0] =	vst.idx.add.f32.msk $0xffff, v1  }
0x5f0: {  	[tilespmem:$0x1F840] =	vst v57;
	v24 =	vld.idx.msk [tilespmem:v24+s21+$0x0], $0xffff;
	v1 =	vmul.f32 v12, v10  }
0x5f1: {  	[tilespmem:$0x1F830] =	vst v33;
	v16 =	vadd.s32 s19, v60;
	v60 =	vadd.s32 s0, v34;
	v12 =	vld.idx.msk [tilespmem:v15+s21+$0x0], $0xffff  }
0x5f2: {  	v15 =	vadd.s32 $0x880, v29;
	[tilespmem:v11+s31+$0x0] =	vst.idx.add.f32.msk $0xffff, v1  }
0x5f3: {  	[tilespmem:$0x1F8C0] =	vst v38;
	v11 =	vld [tilespmem:$0x1FF90]  }
0x5f4: {  	v61 =	vadd.s32 $0x880, v30;
	[tilespmem:v25+s4+$0x0] =	vst.idx.add.f32.msk $0xffff, v1;
	v1 =	vadd.s32 $0x500, v54  }
0x5f5: {  	[tilespmem:$0x1F780] =	vst v1;
	v1 =	vmul.f32 v24, v28;
	v43 =	vld.idx.msk [tilespmem:v3+s21+$0x0], $0xffff;
	v3 =	vmov v23  }
0x5f6: {  	v24 =	vld.idx.msk [tilespmem:v60+s21+$0x0], $0xffff;
	[tilespmem:$0x1F960] =	vst v3  }
0x5f7: {  	v3 =	vadd.s32 $0x580, v54;
	[tilespmem:v15+s31+$0x0] =	vst.idx.add.f32.msk $0xffff, v1  }
0x5f8: {  	v62 =	vadd.s32 s11, v11;
	[tilespmem:$0x1F7E0] =	vst v3  }
0x5f9: {  	v3 =	vadd.s32 $0x580, v8;
	[tilespmem:v61+s4+$0x0] =	vst.idx.add.f32.msk $0xffff, v1  }
0x5fa: {  	v14 =	vadd.s32 $0x80, v54;
	[tilespmem:$0x1F7F0] =	vst v3;
	v3 =	vadd.s32 $0x600, v54  }
0x5fb: {  	v17 =	vadd.s32 $0x80, v8;
	[tilespmem:$0x1F850] =	vst v3;
	v3 =	vadd.s32 $0x600, v8  }
0x5fc: {  	[tilespmem:$0x1F860] =	vst v3;
	v3 =	vadd.s32 $0x680, v54  }
0x5fd: {  	v25 =	vadd.s32 $0x100, v19;
	v15 =	vmul.f32 v12, v31;
	[tilespmem:$0x1F8F0] =	vst v3;
	v3 =	vadd.s32 $0x680, v8;
	v45 =	vld.idx.msk [tilespmem:v62+s21+$0x0], $0xffff  }
0x5fe: {  	v36 =	vadd.s32 $0x100, v20;
	[tilespmem:$0x1F900] =	vst v3;
	v3 =	vld [tilespmem:$0x1F9C0]  }
0x5ff: {  	[tilespmem:v14+s31+$0x0] =	vst.idx.add.f32.msk $0xffff, v15  }
0x600: {  	v38 =	vadd.s32 s19, v55;
	v9 =	vadd.s32 s19, v34;
	[tilespmem:v17+s4+$0x0] =	vst.idx.add.f32.msk $0xffff, v15;
	v17 =	vmul.f32 v24, v10  }
0x601: {  	[tilespmem:$0x1F750] =	vst v26;
	v26 =	vadd.s32 s19, v51;
	v21 =	vadd.s32 s19, v46;
	v47 =	vadd.s32 s19, v41;
	v24 =	vld [tilespmem:$0x1FFA0]  }
0x602: {  	v55 =	vadd.s32 $0x100, v54;
	v51 =	vadd.s32 $0x200, v54;
	v44 =	vadd.s32 $0x300, v54;
	[tilespmem:v25+s31+$0x0] =	vst.idx.add.f32.msk $0xffff, v17  }
0x603: {  	v41 =	vadd.s32 $0x380, v54;
	[tilespmem:v36+s4+$0x0] =	vst.idx.add.f32.msk $0xffff, v17;
	v17 =	vmul.f32 v45, v28;
	v45 =	vadd.s32 $0xA80, v54  }
0x604: {  	v57 =	vmul.f32 v43, v27;
	v43 =	vadd.s32 s0, v46;
	[tilespmem:$0x1F880] =	vst v45;
	v45 =	vadd.s32 $0xA80, v8  }
0x605: {  	v39 =	vadd.s32 $0x400, v54;
	v35 =	vadd.s32 $0x780, v54;
	v60 =	vadd.s32 $0x900, v29;
	v9 =	vld.idx.msk [tilespmem:v9+s21+$0x0], $0xffff;
	[tilespmem:$0x1F890] =	vst v45  }
0x606: {  	v33 =	vadd.s32 $0x480, v54;
	v61 =	vadd.s32 $0x900, v30;
	v45 =	vadd.s32 $0xB00, v54;
	[tilespmem:v3+s31+$0x0] =	vst.idx.add.f32.msk $0xffff, v57;
	v3 =	vmovc v35  }
0x607: {  	v59 =	vadd.s32 $0x800, v54;
	v56 =	vadd.s32 $0x100, v8;
	v62 =	vadd.s32 s11, v24;
	[tilespmem:$0x1F920] =	vst v45  }
0x608: {  	v6 =	vmovc v5;
	v5 =	vmovc v4;
	v4 =	vld [tilespmem:$0x1FEB0];
	v52 =	vadd.s32 $0x180, v54;
	v49 =	vadd.s32 $0x280, v54;
	v45 =	vadd.s32 $0xB00, v8;
	[tilespmem:$0x1F9C0] =	vst v3  }
0x609: {  	v12 =	vadd.s32 $0x700, v54;
	v14 =	vadd.s32 $0x900, v54;
	v46 =	vadd.s32 $0x880, v54;
	[tilespmem:$0x1F930] =	vst v45;
	v3 =	vmovc v63;
	v63 =	vld.idx.msk [tilespmem:v43+s21+$0x0], $0xffff  }
0x60a: {  	v24 =	vadd.s32 $0xA00, v54;
	v35 =	vadd.s32 $0x980, v54;
	v45 =	vadd.s32 $0xB80, v54;
	[tilespmem:v60+s31+$0x0] =	vst.idx.add.f32.msk $0xffff, v17  }
0x60b: {  	v60 =	vmul.f32 v9, v31;
	v9 =	vadd.s32 $0xC00, v54;
	v54 =	vadd.s32 $0xC80, v54;
	[tilespmem:v61+s4+$0x0] =	vst.idx.add.f32.msk $0xffff, v17  }
0x60c: {  	[tilespmem:$0x1F8E0] =	vst v54;
	v54 =	vld.idx.msk [tilespmem:v62+s21+$0x0], $0xffff  }
0x60d: {  	v61 =	vadd.s32 $0x180, v19;
	[tilespmem:v55+s31+$0x0] =	vst.idx.add.f32.msk $0xffff, v60  }
0x60e: {  	v62 =	vadd.s32 $0x180, v20;
	[tilespmem:v56+s4+$0x0] =	vst.idx.add.f32.msk $0xffff, v60  }
0x60f: {  	v21 =	vld.idx.msk [tilespmem:v21+s21+$0x0], $0xffff  }
0x610: {  	v55 =	vadd.s32 s0, v4;
	[tilespmem:v7+s4+$0x0] =	vst.idx.add.f32.msk $0xffff, v57;
	v56 =	vmul.f32 v63, v10  }
0x611: {  	v60 =	vadd.s32 $0x980, v29;
	v57 =	vadd.s32 s11, v2;
	v2 =	vld [tilespmem:$0x1F970]  }
0x612: {  	[tilespmem:v61+s31+$0x0] =	vst.idx.add.f32.msk $0xffff, v56  }
0x613: {  	v63 =	vadd.s32 $0x980, v30;
	[tilespmem:v62+s4+$0x0] =	vst.idx.add.f32.msk $0xffff, v56  }
0x614: {  	v54 =	vmul.f32 v54, v28;
	v62 =	vld [tilespmem:$0x1FFB0]  }
0x615: {  	v55 =	vld.idx.msk [tilespmem:v55+s21+$0x0], $0xffff  }
0x616: {  	v22 =	vadd.s32 $0x180, v8;
	[tilespmem:v60+s31+$0x0] =	vst.idx.add.f32.msk $0xffff, v54  }
0x617: {  	[tilespmem:$0x1F7C0] =	vst v32;
	v32 =	vadd.s32 s19, v4;
	v60 =	vld [tilespmem:$0x1FEC0]  }
0x618: {  	v21 =	vmul.f32 v21, v31;
	[tilespmem:v63+s4+$0x0] =	vst.idx.add.f32.msk $0xffff, v54  }
0x619: {  	v56 =	vld.idx.msk [tilespmem:v57+s21+$0x0], $0xffff  }
0x61a: {  	v63 =	vadd.s32 $0x200, v19;
	[tilespmem:v52+s31+$0x0] =	vst.idx.add.f32.msk $0xffff, v21  }
0x61b: {  	v57 =	vadd.s32 $0x200, v20;
	[tilespmem:v22+s4+$0x0] =	vst.idx.add.f32.msk $0xffff, v21  }
0x61c: {  	[tilespmem:$0x1F8D0] =	vst v58;
	v58 =	vadd.s32 $0x780, v8;
	v22 =	vld.idx.msk [tilespmem:v32+s21+$0x0], $0xffff;
	v52 =	vadd.s32 s0, v60  }
0x61d: {  	v7 =	vmovc v58;
	v32 =	vadd.s32 $0xA00, v29;
	v58 =	vld.idx.msk [tilespmem:v2+s21+$0x0], $0xffff;
	v2 =	vmov v47;
	v21 =	vmul.f32 v55, v10  }
0x61e: {  	v55 =	vadd.s32 $0xA00, v30;
	[tilespmem:$0x1F970] =	vst v2;
	v2 =	vld [tilespmem:$0x1F980]  }
0x61f: {  	[tilespmem:v63+s31+$0x0] =	vst.idx.add.f32.msk $0xffff, v21  }
0x620: {  	[tilespmem:v57+s4+$0x0] =	vst.idx.add.f32.msk $0xffff, v21;
	v21 =	vmul.f32 v56, v28  }
0x621: {  	[tilespmem:$0x1F710] =	vst v50;
	v50 =	vadd.s32 $0x200, v8;
	v52 =	vld.idx.msk [tilespmem:v52+s21+$0x0], $0xffff  }
0x622: {  	[tilespmem:v32+s31+$0x0] =	vst.idx.add.f32.msk $0xffff, v21  }
0x623: {  	v22 =	vmul.f32 v22, v31;
	[tilespmem:v55+s4+$0x0] =	vst.idx.add.f32.msk $0xffff, v21  }
0x624: {  	v63 =	vadd.s32 s11, v62;
	v55 =	vld [tilespmem:$0x1FED0]  }
0x625: {  	[tilespmem:v51+s31+$0x0] =	vst.idx.add.f32.msk $0xffff, v22  }
0x626: {  	[tilespmem:v50+s4+$0x0] =	vst.idx.add.f32.msk $0xffff, v22  }
0x627: {  	v21 =	vadd.s32 $0x280, v19;
	v16 =	vld.idx.msk [tilespmem:v16+s21+$0x0], $0xffff  }
0x628: {  	v54 =	vadd.s32 $0x280, v20;
	v56 =	vld [tilespmem:$0x1FFC0]  }
0x629: {  	v47 =	vmul.f32 v58, v27;
	v32 =	vld.idx.msk [tilespmem:v63+s21+$0x0], $0xffff  }
0x62a: {  	v51 =	vld [tilespmem:$0x1FEE0];
	v22 =	vmul.f32 v52, v10;
	v63 =	vadd.s32 s0, v55  }
0x62b: {  	v57 =	vadd.s32 $0xA80, v29;
	[tilespmem:v5+s31+$0x0] =	vst.idx.add.f32.msk $0xffff, v47  }
0x62c: {  	v48 =	vadd.s32 $0x280, v8;
	[tilespmem:v21+s31+$0x0] =	vst.idx.add.f32.msk $0xffff, v22;
	v16 =	vmul.f32 v16, v31  }
0x62d: {  	v58 =	vadd.s32 $0xA80, v30;
	[tilespmem:v54+s4+$0x0] =	vst.idx.add.f32.msk $0xffff, v22  }
0x62e: {  	v22 =	vmul.f32 v32, v28;
	[tilespmem:v49+s31+$0x0] =	vst.idx.add.f32.msk $0xffff, v16  }
0x62f: {  	v63 =	vld.idx.msk [tilespmem:v63+s21+$0x0], $0xffff  }
0x630: {  	[tilespmem:v57+s31+$0x0] =	vst.idx.add.f32.msk $0xffff, v22  }
0x631: {  	v21 =	vadd.s32 s11, v56;
	[tilespmem:v48+s4+$0x0] =	vst.idx.add.f32.msk $0xffff, v16  }
0x632: {  	[tilespmem:v58+s4+$0x0] =	vst.idx.add.f32.msk $0xffff, v22  }
0x633: {  	v22 =	vadd.s32 $0x300, v19;
	v58 =	vld.idx.msk [tilespmem:v38+s21+$0x0], $0xffff  }
0x634: {  	v52 =	vld [tilespmem:$0x1FFD0];
	v54 =	vadd.s32 $0x300, v20  }
0x635: {  	v48 =	vld [tilespmem:$0x1FEF0]  }
0x636: {  	v57 =	vadd.s32 s0, v51;
	v21 =	vld.idx.msk [tilespmem:v21+s21+$0x0], $0xffff;
	v16 =	vmul.f32 v63, v10  }
0x637: {  	v18 =	vadd.s32 $0x300, v8;
	[tilespmem:v6+s4+$0x0] =	vst.idx.add.f32.msk $0xffff, v47  }
0x638: {  	v4 =	vmov v59;
	v59 =	vadd.s32 $0xB00, v29;
	v32 =	vmul.f32 v58, v31;
	[tilespmem:v22+s31+$0x0] =	vst.idx.add.f32.msk $0xffff, v16  }
0x639: {  	v63 =	vadd.s32 $0xB00, v30;
	[tilespmem:v54+s4+$0x0] =	vst.idx.add.f32.msk $0xffff, v16  }
0x63a: {  	[tilespmem:v44+s31+$0x0] =	vst.idx.add.f32.msk $0xffff, v32  }
0x63b: {  	v22 =	vadd.s32 s11, v52;
	v16 =	vmul.f32 v21, v28;
	v21 =	vld.idx.msk [tilespmem:v57+s21+$0x0], $0xffff  }
0x63c: {  	[tilespmem:v18+s4+$0x0] =	vst.idx.add.f32.msk $0xffff, v32  }
0x63d: {  	[tilespmem:v59+s31+$0x0] =	vst.idx.add.f32.msk $0xffff, v16  }
0x63e: {  	[tilespmem:v63+s4+$0x0] =	vst.idx.add.f32.msk $0xffff, v16;
	v16 =	vadd.s32 $0x380, v19  }
0x63f: {  	[tilespmem:$0x1F940] =	vst v53;
	v53 =	vadd.s32 $0x800, v8;
	v50 =	vadd.s32 $0x380, v20;
	v47 =	vld.idx.msk [tilespmem:v2+s21+$0x0], $0xffff  }
0x640: {  	v37 =	vadd.s32 s19, v42;
	v5 =	vmov v53;
	v53 =	vadd.s32 s0, v48;
	v22 =	vld.idx.msk [tilespmem:v22+s21+$0x0], $0xffff  }
0x641: {  	v2 =	vmov v37;
	v18 =	vmul.f32 v21, v10;
	v21 =	vld.idx.msk [tilespmem:v26+s21+$0x0], $0xffff  }
0x642: {  	[tilespmem:$0x1F980] =	vst v2;
	v2 =	vld [tilespmem:$0x1F6D0];
	v26 =	vadd.s32 $0xB80, v29  }
0x643: {  	[tilespmem:v16+s31+$0x0] =	vst.idx.add.f32.msk $0xffff, v18  }
0x644: {  	v42 =	vadd.s32 $0x380, v8;
	[tilespmem:v50+s4+$0x0] =	vst.idx.add.f32.msk $0xffff, v18  }
0x645: {  	v18 =	vmul.f32 v22, v28;
	v22 =	vld.idx.msk [tilespmem:v53+s21+$0x0], $0xffff  }
0x646: {  	v49 =	vld [tilespmem:$0x1FFE0];
	v21 =	vmul.f32 v21, v31  }
0x647: {  	v54 =	vadd.s32 $0xB80, v30;
	[tilespmem:v26+s31+$0x0] =	vst.idx.add.f32.msk $0xffff, v18  }
0x648: {  	[tilespmem:v41+s31+$0x0] =	vst.idx.add.f32.msk $0xffff, v21  }
0x649: {  	[tilespmem:v42+s4+$0x0] =	vst.idx.add.f32.msk $0xffff, v21  }
0x64a: {  	v21 =	vmul.f32 v22, v10;
	v22 =	vld.idx.msk [tilespmem:v2+s21+$0x0], $0xffff  }
0x64b: {  	v16 =	vadd.s32 s11, v49;
	v2 =	vld [tilespmem:$0x1F9D0]  }
0x64c: {  	[tilespmem:v54+s4+$0x0] =	vst.idx.add.f32.msk $0xffff, v18;
	v18 =	vadd.s32 $0x400, v19  }
0x64d: {  	v57 =	vadd.s32 $0x400, v20;
	_ =	sdelay $0x1  }
0x64e: {  	v44 =	vld [tilespmem:$0x1FF00]  }
0x64f: {  	[tilespmem:$0x1F760] =	vst v40;
	v40 =	vadd.s32 $0x400, v8;
	v16 =	vld.idx.msk [tilespmem:v16+s21+$0x0], $0xffff  }
0x650: {  	v26 =	vmul.f32 v47, v27;
	[tilespmem:v18+s31+$0x0] =	vst.idx.add.f32.msk $0xffff, v21  }
0x651: {  	[tilespmem:v57+s4+$0x0] =	vst.idx.add.f32.msk $0xffff, v21;
	v21 =	vmul.f32 v22, v31  }
0x652: {  	[tilespmem:v2+s31+$0x0] =	vst.idx.add.f32.msk $0xffff, v26  }
0x653: {  	s11 =	smov.u32 s0;
	[tilespmem:v39+s31+$0x0] =	vst.idx.add.f32.msk $0xffff, v21  }
0x654: {  	v58 =	vadd.s32 s11, v44;
	[tilespmem:v40+s4+$0x0] =	vst.idx.add.f32.msk $0xffff, v21  }
0x655: {  	v59 =	vadd.s32 $0xC00, v29;
	v21 =	vmov v0;
	v0 =	vld [tilespmem:$0x1F6E0]  }
0x656: {  	v63 =	vadd.s32 $0xC00, v30  }
0x657: {  	v18 =	vadd.s32 $0xC80, v29  }
0x658: {  	v16 =	vmul.f32 v16, v28  }
0x659: {  	v29 =	vmov v19;
	v19 =	vadd.s32 $0xC80, v30;
	v30 =	vmov v20;
	v20 =	vld.idx.msk [tilespmem:v58+s21+$0x0], $0xffff  }
0x65a: {  	[tilespmem:v59+s31+$0x0] =	vst.idx.add.f32.msk $0xffff, v16  }
0x65b: {  	[tilespmem:v63+s4+$0x0] =	vst.idx.add.f32.msk $0xffff, v16  }
0x65c: {  	[tilespmem:v18+s31+$0x0] =	vst.idx.add.f32.msk $0xffff, v28  }
0x65d: {  	v18 =	vld.idx.msk [tilespmem:v0+s21+$0x0], $0xffff  }
0x65e: {  	v0 =	vld [tilespmem:$0x1F9E0];
	_ =	sdelay $0x6  }
0x65f: {  	v1 =	vadd.s32 $0x880, v8  }
0x660: {  	[tilespmem:v0+s4+$0x0] =	vst.idx.add.f32.msk $0xffff, v26;
	v0 =	vmov v1  }
0x661: {  	[tilespmem:$0x1F9E0] =	vst v0;
	v0 =	vld [tilespmem:$0x1F990];
	_ =	sdelay $0x1  }
0x662: {  	v2 =	vmov v46  }
0x663: {  	[tilespmem:$0x1F9D0] =	vst v2;
	v2 =	vld [tilespmem:$0x1F6F0];
	_ =	sdelay $0x3  }
0x664: {  	[tilespmem:v19+s4+$0x0] =	vst.idx.add.f32.msk $0xffff, v28;
	v28 =	vmov v10  }
0x665: {  	v1 =	vmul.f32 v20, v28;
	v20 =	vld.idx.msk [tilespmem:v0+s21+$0x0], $0xffff;
	v0 =	vmov v2  }
0x666: {  	[tilespmem:$0x1F990] =	vst v0;
	v0 =	vld [tilespmem:$0x1F700];
	_ =	sdelay $0x7  }
0x667: {  	[tilespmem:v0+s31+$0x0] =	vst.idx.add.f32.msk $0xffff, v13  }
0x668: {  	v0 =	vld [tilespmem:$0x1F710];
	_ =	sdelay $0x7  }
0x669: {  	[tilespmem:v0+s4+$0x0] =	vst.idx.add.f32.msk $0xffff, v13  }
0x66a: {  	v0 =	vld [tilespmem:$0x1FA90];
	_ =	sdelay $0x3  }
0x66b: {  	v43 =	vadd.s32 $0xB80, v8  }
0x66c: {  	v10 =	vadd.s32 $0x480, v29;
	v50 =	vmov v0;
	v0 =	vmov v43  }
0x66d: {  	[tilespmem:$0x1FA90] =	vst v0;
	v0 =	vld [tilespmem:$0x1F730];
	_ =	sdelay $0x1  }
0x66e: {  	v34 =	vadd.s32 $0x480, v8;
	_ =	sdelay $0x1  }
0x66f: {  	[tilespmem:v10+s31+$0x0] =	vst.idx.add.f32.msk $0xffff, v1;
	v10 =	vmul.f32 v18, v31;
	_ =	sdelay $0x1  }
0x670: {  	[tilespmem:v33+s31+$0x0] =	vst.idx.add.f32.msk $0xffff, v10  }
0x671: {  	[tilespmem:v34+s4+$0x0] =	vst.idx.add.f32.msk $0xffff, v10  }
0x672: {  	v18 =	vld.idx.msk [tilespmem:v0+s21+$0x0], $0xffff  }
0x673: {  	v0 =	vld [tilespmem:$0x1F9F0];
	_ =	sdelay $0x5  }
0x674: {  	v13 =	vmul.f32 v20, v27;
	_ =	sdelay $0x1  }
0x675: {  	[tilespmem:v0+s31+$0x0] =	vst.idx.add.f32.msk $0xffff, v13;
	v0 =	vmov v14  }
0x676: {  	[tilespmem:$0x1F9F0] =	vst v0;
	v0 =	vld [tilespmem:$0x1FA00];
	_ =	sdelay $0x6  }
0x677: {  	v15 =	vadd.s32 $0x900, v8  }
0x678: {  	[tilespmem:v0+s4+$0x0] =	vst.idx.add.f32.msk $0xffff, v13;
	v0 =	vmov v15  }
0x679: {  	[tilespmem:$0x1FA00] =	vst v0;
	v0 =	vld [tilespmem:$0x1F9A0];
	_ =	sdelay $0x2  }
0x67a: {  	v2 =	vld [tilespmem:$0x1F740];
	_ =	sdelay $0x4  }
0x67b: {  	v13 =	vld.idx.msk [tilespmem:v0+s21+$0x0], $0xffff;
	v0 =	vmov v2  }
0x67c: {  	[tilespmem:$0x1F9A0] =	vst v0;
	v0 =	vld [tilespmem:$0x1F750];
	_ =	sdelay $0x6  }
0x67d: {  	v37 =	vld [tilespmem:$0x1FF10]  }
0x67e: {  	v14 =	vld.idx.msk [tilespmem:v0+s21+$0x0], $0xffff  }
0x67f: {  	v0 =	vld [tilespmem:$0x1F760];
	_ =	sdelay $0x1  }
0x680: {  	v16 =	vadd.s32 $0x480, v30  }
0x681: {  	v19 =	vadd.s32 s11, v37;
	_ =	sdelay $0x1  }
0x682: {  	v26 =	vmov v0;
	v0 =	vld [tilespmem:$0x1F770];
	_ =	sdelay $0x1  }
0x683: {  	[tilespmem:v16+s4+$0x0] =	vst.idx.add.f32.msk $0xffff, v1  }
0x684: {  	v1 =	vld.idx.msk [tilespmem:v19+s21+$0x0], $0xffff;
	_ =	sdelay $0x1  }
0x685: {  	v16 =	vadd.s32 $0x500, v29;
	v40 =	vmov v0;
	v0 =	vld [tilespmem:$0x1F780]  }
0x686: {  	v10 =	vadd.s32 $0x500, v30;
	_ =	sdelay $0x1  }
0x687: {  	v1 =	vmul.f32 v1, v28;
	_ =	sdelay $0x1  }
0x688: {  	[tilespmem:v16+s31+$0x0] =	vst.idx.add.f32.msk $0xffff, v1  }
0x689: {  	[tilespmem:v10+s4+$0x0] =	vst.idx.add.f32.msk $0xffff, v1;
	v10 =	vmul.f32 v18, v31;
	_ =	sdelay $0x1  }
0x68a: {  	[tilespmem:v0+s31+$0x0] =	vst.idx.add.f32.msk $0xffff, v10  }
0x68b: {  	v0 =	vld [tilespmem:$0x1F790];
	_ =	sdelay $0x1  }
0x68c: {  	v23 =	vadd.s32 $0x500, v8;
	_ =	sdelay $0x4  }
0x68d: {  	[tilespmem:v23+s4+$0x0] =	vst.idx.add.f32.msk $0xffff, v10  }
0x68e: {  	v16 =	vld.idx.msk [tilespmem:v0+s21+$0x0], $0xffff  }
0x68f: {  	v0 =	vld [tilespmem:$0x1FA10];
	_ =	sdelay $0x5  }
0x690: {  	v10 =	vmul.f32 v13, v27;
	_ =	sdelay $0x1  }
0x691: {  	[tilespmem:v0+s31+$0x0] =	vst.idx.add.f32.msk $0xffff, v10;
	v0 =	vmov v35  }
0x692: {  	[tilespmem:$0x1FA10] =	vst v0;
	v0 =	vld [tilespmem:$0x1FA20];
	_ =	sdelay $0x6  }
0x693: {  	v36 =	vadd.s32 $0x980, v8  }
0x694: {  	[tilespmem:v0+s4+$0x0] =	vst.idx.add.f32.msk $0xffff, v10;
	v0 =	vmov v36  }
0x695: {  	[tilespmem:$0x1FA20] =	vst v0;
	v0 =	vld [tilespmem:$0x1F9B0];
	_ =	sdelay $0x2  }
0x696: {  	v2 =	vld [tilespmem:$0x1F7B0];
	_ =	sdelay $0x4  }
0x697: {  	v10 =	vld.idx.msk [tilespmem:v0+s21+$0x0], $0xffff;
	v0 =	vmov v2  }
0x698: {  	[tilespmem:$0x1F9B0] =	vst v0;
	v0 =	vld [tilespmem:$0x1F7C0];
	_ =	sdelay $0x1  }
0x699: {  	v39 =	vld [tilespmem:$0x1FF20];
	_ =	sdelay $0x3  }
0x69a: {  	v14 =	vmul.f32 v14, v21  }
0x69b: {  	v19 =	vadd.s32 s11, v39  }
0x69c: {  	[tilespmem:v0+s31+$0x0] =	vst.idx.add.f32.msk $0xffff, v14  }
0x69d: {  	v0 =	vld [tilespmem:$0x1F7D0];
	_ =	sdelay $0x2  }
0x69e: {  	v1 =	vld.idx.msk [tilespmem:v19+s21+$0x0], $0xffff;
	_ =	sdelay $0x1  }
0x69f: {  	v15 =	vadd.s32 $0x580, v29;
	v32 =	vmov v0;
	v0 =	vld [tilespmem:$0x1F7E0]  }
0x6a0: {  	v13 =	vadd.s32 $0x580, v30;
	_ =	sdelay $0x1  }
0x6a1: {  	v1 =	vmul.f32 v1, v28;
	_ =	sdelay $0x1  }
0x6a2: {  	[tilespmem:v15+s31+$0x0] =	vst.idx.add.f32.msk $0xffff, v1  }
0x6a3: {  	[tilespmem:v13+s4+$0x0] =	vst.idx.add.f32.msk $0xffff, v1;
	v13 =	vmul.f32 v16, v31;
	_ =	sdelay $0x1  }
0x6a4: {  	[tilespmem:v0+s31+$0x0] =	vst.idx.add.f32.msk $0xffff, v13  }
0x6a5: {  	v0 =	vld [tilespmem:$0x1F7F0];
	_ =	sdelay $0x7  }
0x6a6: {  	[tilespmem:v0+s4+$0x0] =	vst.idx.add.f32.msk $0xffff, v13  }
0x6a7: {  	v0 =	vld [tilespmem:$0x1F800];
	_ =	sdelay $0x7  }
0x6a8: {  	v15 =	vld.idx.msk [tilespmem:v0+s21+$0x0], $0xffff  }
0x6a9: {  	v0 =	vld [tilespmem:$0x1FA30];
	_ =	sdelay $0x5  }
0x6aa: {  	v10 =	vmul.f32 v10, v27;
	_ =	sdelay $0x1  }
0x6ab: {  	[tilespmem:v0+s31+$0x0] =	vst.idx.add.f32.msk $0xffff, v10;
	v0 =	vmov v24  }
0x6ac: {  	[tilespmem:$0x1FA30] =	vst v0;
	v0 =	vld [tilespmem:$0x1FA40];
	_ =	sdelay $0x6  }
0x6ad: {  	v25 =	vadd.s32 $0xA00, v8  }
0x6ae: {  	[tilespmem:v0+s4+$0x0] =	vst.idx.add.f32.msk $0xffff, v10;
	v0 =	vmov v25  }
0x6af: {  	[tilespmem:$0x1FA40] =	vst v0;
	v0 =	vld [tilespmem:$0x1F810];
	_ =	sdelay $0x7  }
0x6b0: {  	v10 =	vld.idx.msk [tilespmem:v0+s21+$0x0], $0xffff  }
0x6b1: {  	v0 =	vld [tilespmem:$0x1F820];
	_ =	sdelay $0x4  }
0x6b2: {  	v59 =	vmov v0;
	v0 =	vld [tilespmem:$0x1F830];
	_ =	sdelay $0x2  }
0x6b3: {  	v23 =	vld [tilespmem:$0x1FF30];
	_ =	sdelay $0x4  }
0x6b4: {  	v18 =	vadd.s32 s11, v23;
	[tilespmem:v0+s4+$0x0] =	vst.idx.add.f32.msk $0xffff, v14  }
0x6b5: {  	v0 =	vld [tilespmem:$0x1F840];
	_ =	sdelay $0x3  }
0x6b6: {  	v1 =	vld.idx.msk [tilespmem:v18+s21+$0x0], $0xffff  }
0x6b7: {  	v33 =	vmov v0;
	v0 =	vld [tilespmem:$0x1F850]  }
0x6b8: {  	v18 =	vmov v9;
	v9 =	vadd.s32 $0x600, v29;
	_ =	sdelay $0x2  }
0x6b9: {  	v1 =	vmul.f32 v1, v28;
	_ =	sdelay $0x1  }
0x6ba: {  	[tilespmem:v9+s31+$0x0] =	vst.idx.add.f32.msk $0xffff, v1;
	v9 =	vmul.f32 v15, v31;
	_ =	sdelay $0x1  }
0x6bb: {  	[tilespmem:v0+s31+$0x0] =	vst.idx.add.f32.msk $0xffff, v9  }
0x6bc: {  	v0 =	vld [tilespmem:$0x1F860];
	_ =	sdelay $0x7  }
0x6bd: {  	[tilespmem:v0+s4+$0x0] =	vst.idx.add.f32.msk $0xffff, v9  }
0x6be: {  	v0 =	vld [tilespmem:$0x1F870];
	_ =	sdelay $0x7  }
0x6bf: {  	v14 =	vld.idx.msk [tilespmem:v0+s21+$0x0], $0xffff  }
0x6c0: {  	v0 =	vld [tilespmem:$0x1FA50];
	_ =	sdelay $0x2  }
0x6c1: {  	v2 =	vld [tilespmem:$0x1F880];
	_ =	sdelay $0x2  }
0x6c2: {  	v9 =	vmul.f32 v10, v27;
	_ =	sdelay $0x1  }
0x6c3: {  	[tilespmem:v0+s31+$0x0] =	vst.idx.add.f32.msk $0xffff, v9;
	v0 =	vmov v2  }
0x6c4: {  	[tilespmem:$0x1FA50] =	vst v0;
	v0 =	vld [tilespmem:$0x1FA60];
	_ =	sdelay $0x2  }
0x6c5: {  	v2 =	vld [tilespmem:$0x1F890];
	_ =	sdelay $0x4  }
0x6c6: {  	[tilespmem:v0+s4+$0x0] =	vst.idx.add.f32.msk $0xffff, v9;
	v0 =	vmov v2  }
0x6c7: {  	[tilespmem:$0x1FA60] =	vst v0;
	v0 =	vld [tilespmem:$0x1F8A0];
	_ =	sdelay $0x7  }
0x6c8: {  	v9 =	vld.idx.msk [tilespmem:v0+s21+$0x0], $0xffff  }
0x6c9: {  	v0 =	vld [tilespmem:$0x1F8B0];
	_ =	sdelay $0x4  }
0x6ca: {  	v54 =	vmov v0;
	v0 =	vld [tilespmem:$0x1F8C0];
	_ =	sdelay $0x6  }
0x6cb: {  	v36 =	vld [tilespmem:$0x1FF40]  }
0x6cc: {  	[tilespmem:v0+s31+$0x0] =	vst.idx.add.f32.msk $0xffff, v21  }
0x6cd: {  	v0 =	vld [tilespmem:$0x1F8D0];
	_ =	sdelay $0x1  }
0x6ce: {  	v13 =	vadd.s32 $0x600, v30  }
0x6cf: {  	v16 =	vadd.s32 s11, v36;
	_ =	sdelay $0x1  }
0x6d0: {  	v38 =	vmov v0;
	v0 =	vld [tilespmem:$0x1F8E0];
	_ =	sdelay $0x1  }
0x6d1: {  	[tilespmem:v13+s4+$0x0] =	vst.idx.add.f32.msk $0xffff, v1  }
0x6d2: {  	v1 =	vld.idx.msk [tilespmem:v16+s21+$0x0], $0xffff;
	_ =	sdelay $0x1  }
0x6d3: {  	v13 =	vadd.s32 $0x680, v29;
	v58 =	vmov v0;
	v0 =	vld [tilespmem:$0x1F8F0]  }
0x6d4: {  	v10 =	vadd.s32 $0x680, v30;
	_ =	sdelay $0x1  }
0x6d5: {  	v1 =	vmul.f32 v1, v28;
	_ =	sdelay $0x1  }
0x6d6: {  	[tilespmem:v13+s31+$0x0] =	vst.idx.add.f32.msk $0xffff, v1  }
0x6d7: {  	[tilespmem:v10+s4+$0x0] =	vst.idx.add.f32.msk $0xffff, v1;
	v10 =	vmul.f32 v14, v31;
	_ =	sdelay $0x1  }
0x6d8: {  	[tilespmem:v0+s31+$0x0] =	vst.idx.add.f32.msk $0xffff, v10  }
0x6d9: {  	v0 =	vld [tilespmem:$0x1F900];
	_ =	sdelay $0x7  }
0x6da: {  	[tilespmem:v0+s4+$0x0] =	vst.idx.add.f32.msk $0xffff, v10  }
0x6db: {  	v0 =	vld [tilespmem:$0x1F910];
	_ =	sdelay $0x5  }
0x6dc: {  	v24 =	vld [tilespmem:$0x1FF50];
	_ =	sdelay $0x1  }
0x6dd: {  	v14 =	vld.idx.msk [tilespmem:v0+s21+$0x0], $0xffff  }
0x6de: {  	v0 =	vld [tilespmem:$0x1FA70];
	_ =	sdelay $0x1  }
0x6df: {  	v15 =	vadd.s32 s11, v24  }
0x6e0: {  	v2 =	vld [tilespmem:$0x1F920];
	_ =	sdelay $0x2  }
0x6e1: {  	v9 =	vmul.f32 v9, v27  }
0x6e2: {  	v1 =	vld.idx.msk [tilespmem:v15+s21+$0x0], $0xffff  }
0x6e3: {  	[tilespmem:v0+s31+$0x0] =	vst.idx.add.f32.msk $0xffff, v9;
	v0 =	vmov v2  }
0x6e4: {  	[tilespmem:$0x1FA70] =	vst v0;
	v0 =	vld [tilespmem:$0x1FA80];
	_ =	sdelay $0x2  }
0x6e5: {  	v16 =	vmul.f32 v1, v28;
	v1 =	vld [tilespmem:$0x1F930];
	_ =	sdelay $0x2  }
0x6e6: {  	v61 =	vld [tilespmem:$0x1FFA0]  }
0x6e7: {  	v41 =	vld [tilespmem:$0x1FF70]  }
0x6e8: {  	[tilespmem:v0+s4+$0x0] =	vst.idx.add.f32.msk $0xffff, v9;
	v0 =	vmov v1  }
0x6e9: {  	[tilespmem:$0x1FA80] =	vst v0;
	v0 =	vld [tilespmem:$0x1F940]  }
0x6ea: {  	v42 =	vld [tilespmem:$0x1FF80]  }
0x6eb: {  	v22 =	vld [tilespmem:$0x1FE80]  }
0x6ec: {  	v63 =	vmov v45;
	v45 =	vld [tilespmem:$0x1FF90]  }
0x6ed: {  	v25 =	vld [tilespmem:$0x1FF60]  }
0x6ee: {  	v46 =	vld [tilespmem:$0x1FEA0]  }
0x6ef: {  	v20 =	vld [tilespmem:$0x1FE70]  }
0x6f0: {  	v34 =	vld [tilespmem:$0x1FE90];
	v13 =	vadd.s32 $0x700, v29  }
0x6f1: {  	s18 =	sadd.s32 $0x2, s18;
	v10 =	vadd.s32 $0x700, v30;
	v1 =	vld.idx.msk [tilespmem:v0+s21+$0x0], $0xffff  }
0x6f2: {  	p0 =	slt.u32 s18, $0x1E;
	v15 =	vadd.s32 s11, v25;
	v0 =	vld [tilespmem:$0x1F950]  }
.Ltmp5:
0x6f3: {  	v43 =	vld [tilespmem:$0x1F720];
	(pc) =	sbr.rel @p0 .LBB2_11-.Ltmp5, $4  }
0x6f4: {  	v35 =	vld [tilespmem:$0x1F7A0]  }
0x6f5: {  	[tilespmem:v13+s31+$0x0] =	vst.idx.add.f32.msk $0xffff, v16  }
0x6f6: {  	v11 =	vadd.s32 $0x700, v8;
	v17 =	vadd.s32 $0xC00, v8;
	[tilespmem:v10+s4+$0x0] =	vst.idx.add.f32.msk $0xffff, v16  }
0x6f7: {  	s19 =	sadd.s32 $0x320, s19;
	v8 =	vadd.s32 $0xC80, v8;
	v47 =	vmovc v3;
	v57 =	vmovc v17;
	v13 =	vld.idx.msk [tilespmem:v15+s21+$0x0], $0xffff;
	v10 =	vmul.f32 v14, v31;
	v53 =	vmov v0  }
0x6f8: {  	_ = 	snop  }
0x6f9: {  	v9 =	vadd.s32 $0x780, v29  }
0x6fa: {  	v14 =	vadd.s32 $0x780, v30  }
0x6fb: {  	v15 =	vadd.s32 s11, v41  }
0x6fc: {  	v13 =	vmul.f32 v13, v28  }
0x6fd: {  	[tilespmem:v12+s31+$0x0] =	vst.idx.add.f32.msk $0xffff, v10  }
0x6fe: {  	[tilespmem:v9+s31+$0x0] =	vst.idx.add.f32.msk $0xffff, v13  }
0x6ff: {  	[tilespmem:v14+s4+$0x0] =	vst.idx.add.f32.msk $0xffff, v13  }
0x700: {  	v9 =	vld.idx.msk [tilespmem:v15+s21+$0x0], $0xffff  }
0x701: {  	[tilespmem:v11+s4+$0x0] =	vst.idx.add.f32.msk $0xffff, v10  }
0x702: {  	v13 =	vadd.s32 $0x800, v29;
	v0 =	vld [tilespmem:$0x1F960]  }
0x703: {  	v12 =	vadd.s32 $0x800, v30;
	_ =	sdelay $0x1  }
0x704: {  	v9 =	vmul.f32 v9, v28;
	_ =	sdelay $0x1  }
0x705: {  	[tilespmem:v13+s31+$0x0] =	vst.idx.add.f32.msk $0xffff, v9  }
0x706: {  	[tilespmem:v12+s4+$0x0] =	vst.idx.add.f32.msk $0xffff, v9  }
0x707: {  	v2 =	vld [tilespmem:$0x1F9C0]  }
0x708: {  	v0 =	vld.idx.msk [tilespmem:v0+s21+$0x0], $0xffff;
	_ =	sdelay $0x4  }
0x709: {  	v0 =	vmul.f32 v0, v31;
	_ =	sdelay $0x1  }
0x70a: {  	[tilespmem:v2+s31+$0x0] =	vst.idx.add.f32.msk $0xffff, v0  }
0x70b: {  	v15 =	vadd.s32 s11, v42;
	[tilespmem:v7+s4+$0x0] =	vst.idx.add.f32.msk $0xffff, v0  }
0x70c: {  	v2 =	vld [tilespmem:$0x1F970];
	_ =	sdelay $0x3  }
0x70d: {  	v9 =	vld.idx.msk [tilespmem:v15+s21+$0x0], $0xffff;
	_ =	sdelay $0x1  }
0x70e: {  	v13 =	vadd.s32 $0x880, v29  }
0x70f: {  	v14 =	vadd.s32 $0x880, v30  }
0x710: {  	v6 =	vadd.s32 s11, v45;
	v7 =	vld.idx.msk [tilespmem:v2+s21+$0x0], $0xffff  }
0x711: {  	v0 =	vmul.f32 v9, v28;
	_ =	sdelay $0x1  }
0x712: {  	[tilespmem:v13+s31+$0x0] =	vst.idx.add.f32.msk $0xffff, v0  }
0x713: {  	[tilespmem:v14+s4+$0x0] =	vst.idx.add.f32.msk $0xffff, v0  }
0x714: {  	v0 =	vld.idx.msk [tilespmem:v6+s21+$0x0], $0xffff;
	v6 =	vmul.f32 v7, v31;
	_ =	sdelay $0x1  }
0x715: {  	[tilespmem:v4+s31+$0x0] =	vst.idx.add.f32.msk $0xffff, v6  }
0x716: {  	[tilespmem:v5+s4+$0x0] =	vst.idx.add.f32.msk $0xffff, v6  }
0x717: {  	v2 =	vld [tilespmem:$0x1F980]  }
0x718: {  	v7 =	vadd.s32 $0x900, v29  }
0x719: {  	v15 =	vadd.s32 $0x900, v30;
	_ =	sdelay $0x1  }
0x71a: {  	v0 =	vmul.f32 v0, v28;
	_ =	sdelay $0x1  }
0x71b: {  	[tilespmem:v7+s31+$0x0] =	vst.idx.add.f32.msk $0xffff, v0  }
0x71c: {  	[tilespmem:v15+s4+$0x0] =	vst.idx.add.f32.msk $0xffff, v0  }
0x71d: {  	v5 =	vld.idx.msk [tilespmem:v2+s21+$0x0], $0xffff  }
0x71e: {  	v2 =	vld [tilespmem:$0x1F9D0]  }
0x71f: {  	v4 =	vadd.s32 s11, v61;
	_ =	sdelay $0x4  }
0x720: {  	v0 =	vld.idx.msk [tilespmem:v4+s21+$0x0], $0xffff;
	v4 =	vmul.f32 v5, v31;
	_ =	sdelay $0x1  }
0x721: {  	[tilespmem:v2+s31+$0x0] =	vst.idx.add.f32.msk $0xffff, v4  }
0x722: {  	v2 =	vld [tilespmem:$0x1F9E0];
	_ =	sdelay $0x6  }
0x723: {  	v19 =	vld [tilespmem:$0x1FFF0]  }
0x724: {  	[tilespmem:v2+s4+$0x0] =	vst.idx.add.f32.msk $0xffff, v4  }
0x725: {  	v5 =	vadd.s32 $0x980, v29;
	v2 =	vld [tilespmem:$0x1F990]  }
0x726: {  	v6 =	vadd.s32 $0x980, v30;
	_ =	sdelay $0x1  }
0x727: {  	v0 =	vmul.f32 v0, v28;
	_ =	sdelay $0x1  }
0x728: {  	[tilespmem:v5+s31+$0x0] =	vst.idx.add.f32.msk $0xffff, v0  }
0x729: {  	[tilespmem:v6+s4+$0x0] =	vst.idx.add.f32.msk $0xffff, v0  }
0x72a: {  	v5 =	vld [tilespmem:$0x1F9F0]  }
0x72b: {  	v2 =	vld.idx.msk [tilespmem:v2+s21+$0x0], $0xffff;
	_ =	sdelay $0x4  }
0x72c: {  	v2 =	vmul.f32 v2, v31;
	_ =	sdelay $0x1  }
0x72d: {  	[tilespmem:v5+s31+$0x0] =	vst.idx.add.f32.msk $0xffff, v2  }
0x72e: {  	v6 =	vld [tilespmem:$0x1FA00]  }
0x72f: {  	v3 =	vadd.s32 s11, v19;
	_ =	sdelay $0x4  }
0x730: {  	v0 =	vld.idx.msk [tilespmem:v3+s21+$0x0], $0xffff;
	_ =	sdelay $0x1  }
0x731: {  	v3 =	vadd.s32 $0xA00, v29;
	[tilespmem:v6+s4+$0x0] =	vst.idx.add.f32.msk $0xffff, v2  }
0x732: {  	v4 =	vadd.s32 $0xA00, v30;
	v2 =	vld [tilespmem:$0x1F9A0]  }
0x733: {  	v5 =	vadd.s32 s11, v62  }
0x734: {  	v0 =	vmul.f32 v0, v28;
	_ =	sdelay $0x1  }
0x735: {  	[tilespmem:v3+s31+$0x0] =	vst.idx.add.f32.msk $0xffff, v0  }
0x736: {  	[tilespmem:v4+s4+$0x0] =	vst.idx.add.f32.msk $0xffff, v0  }
0x737: {  	v0 =	vld.idx.msk [tilespmem:v5+s21+$0x0], $0xffff  }
0x738: {  	v5 =	vld [tilespmem:$0x1FA10]  }
0x739: {  	v2 =	vld.idx.msk [tilespmem:v2+s21+$0x0], $0xffff;
	_ =	sdelay $0x4  }
0x73a: {  	v2 =	vmul.f32 v2, v31;
	_ =	sdelay $0x1  }
0x73b: {  	[tilespmem:v5+s31+$0x0] =	vst.idx.add.f32.msk $0xffff, v2  }
0x73c: {  	v6 =	vld [tilespmem:$0x1FA20];
	_ =	sdelay $0x7  }
0x73d: {  	v3 =	vadd.s32 $0xA80, v29;
	[tilespmem:v6+s4+$0x0] =	vst.idx.add.f32.msk $0xffff, v2  }
0x73e: {  	v4 =	vadd.s32 $0xA80, v30;
	v2 =	vld [tilespmem:$0x1F9B0]  }
0x73f: {  	v5 =	vadd.s32 s11, v56  }
0x740: {  	v0 =	vmul.f32 v0, v28;
	_ =	sdelay $0x1  }
0x741: {  	[tilespmem:v3+s31+$0x0] =	vst.idx.add.f32.msk $0xffff, v0  }
0x742: {  	[tilespmem:v4+s4+$0x0] =	vst.idx.add.f32.msk $0xffff, v0  }
0x743: {  	v0 =	vld.idx.msk [tilespmem:v5+s21+$0x0], $0xffff  }
0x744: {  	v5 =	vld [tilespmem:$0x1FA30]  }
0x745: {  	v2 =	vld.idx.msk [tilespmem:v2+s21+$0x0], $0xffff;
	_ =	sdelay $0x4  }
0x746: {  	v2 =	vmul.f32 v2, v31;
	_ =	sdelay $0x1  }
0x747: {  	[tilespmem:v5+s31+$0x0] =	vst.idx.add.f32.msk $0xffff, v2  }
0x748: {  	v3 =	vadd.s32 $0xB00, v29;
	v6 =	vld [tilespmem:$0x1FA40]  }
0x749: {  	v4 =	vadd.s32 $0xB00, v30  }
0x74a: {  	v5 =	vadd.s32 s11, v52  }
0x74b: {  	v0 =	vmul.f32 v0, v28;
	_ =	sdelay $0x1  }
0x74c: {  	[tilespmem:v3+s31+$0x0] =	vst.idx.add.f32.msk $0xffff, v0  }
0x74d: {  	[tilespmem:v4+s4+$0x0] =	vst.idx.add.f32.msk $0xffff, v0  }
0x74e: {  	v0 =	vld.idx.msk [tilespmem:v5+s21+$0x0], $0xffff  }
0x74f: {  	[tilespmem:v6+s4+$0x0] =	vst.idx.add.f32.msk $0xffff, v2  }
0x750: {  	v5 =	vld [tilespmem:$0x1FA50]  }
0x751: {  	v2 =	vld.idx.msk [tilespmem:v59+s21+$0x0], $0xffff;
	_ =	sdelay $0x4  }
0x752: {  	v2 =	vmul.f32 v2, v31;
	_ =	sdelay $0x1  }
0x753: {  	[tilespmem:v5+s31+$0x0] =	vst.idx.add.f32.msk $0xffff, v2  }
0x754: {  	v6 =	vld [tilespmem:$0x1FA60]  }
0x755: {  	v3 =	vadd.s32 $0xB80, v29  }
0x756: {  	v4 =	vadd.s32 $0xB80, v30;
	_ =	sdelay $0x1  }
0x757: {  	v0 =	vmul.f32 v0, v28;
	_ =	sdelay $0x1  }
0x758: {  	[tilespmem:v3+s31+$0x0] =	vst.idx.add.f32.msk $0xffff, v0  }
0x759: {  	[tilespmem:v4+s4+$0x0] =	vst.idx.add.f32.msk $0xffff, v0  }
0x75a: {  	[tilespmem:v6+s4+$0x0] =	vst.idx.add.f32.msk $0xffff, v2  }
0x75b: {  	v4 =	vld [tilespmem:$0x1FA70]  }
0x75c: {  	v2 =	vld.idx.msk [tilespmem:v54+s21+$0x0], $0xffff;
	_ =	sdelay $0x4  }
0x75d: {  	v2 =	vmul.f32 v2, v31;
	_ =	sdelay $0x1  }
0x75e: {  	[tilespmem:v4+s31+$0x0] =	vst.idx.add.f32.msk $0xffff, v2  }
0x75f: {  	v5 =	vadd.s32 s11, v49;
	v4 =	vld [tilespmem:$0x1FA80];
	_ =	sdelay $0x4  }
0x760: {  	v0 =	vld.idx.msk [tilespmem:v5+s21+$0x0], $0xffff;
	_ =	sdelay $0x1  }
0x761: {  	v3 =	vadd.s32 $0xC00, v29  }
0x762: {  	[tilespmem:v4+s4+$0x0] =	vst.idx.add.f32.msk $0xffff, v2  }
0x763: {  	v2 =	vld.idx.msk [tilespmem:v53+s21+$0x0], $0xffff  }
0x764: {  	v0 =	vmul.f32 v0, v28;
	v4 =	vadd.s32 $0xC00, v30  }
0x765: {  	v1 =	vmul.f32 v1, v27;
	[tilespmem:v43+s4+$0x0] =	vst.idx.add.f32.msk $0xffff, v21  }
0x766: {  	[tilespmem:v3+s31+$0x0] =	vst.idx.add.f32.msk $0xffff, v0  }
0x767: {  	[tilespmem:v47+s31+$0x0] =	vst.idx.add.f32.msk $0xffff, v1  }
0x768: {  	[tilespmem:v50+s4+$0x0] =	vst.idx.add.f32.msk $0xffff, v1;
	v2 =	vmul.f32 v2, v31  }
0x769: {  	[tilespmem:v4+s4+$0x0] =	vst.idx.add.f32.msk $0xffff, v0  }
0x76a: {  	[tilespmem:v63+s31+$0x0] =	vst.idx.add.f32.msk $0xffff, v2  }
0x76b: {  	v0 =	vld [tilespmem:$0x1FA90];
	_ =	sdelay $0x4  }
0x76c: {  	v1 =	vadd.s32 $0xC80, v29;
	v3 =	vld.idx.msk [tilespmem:v26+s21+$0x0], $0xffff  }
0x76d: {  	v5 =	vadd.s32 $0xC80, v30;
	_ =	sdelay $0x1  }
0x76e: {  	[tilespmem:v0+s4+$0x0] =	vst.idx.add.f32.msk $0xffff, v2  }
0x76f: {  	v0 =	vld.idx.msk [tilespmem:v40+s21+$0x0], $0xffff  }
0x770: {  	[tilespmem:v1+s31+$0x0] =	vst.idx.add.f32.msk $0xffff, v28;
	v1 =	vmul.f32 v3, v27  }
0x771: {  	[tilespmem:v5+s4+$0x0] =	vst.idx.add.f32.msk $0xffff, v28  }
0x772: {  	[tilespmem:v32+s31+$0x0] =	vst.idx.add.f32.msk $0xffff, v1  }
0x773: {  	[tilespmem:v33+s4+$0x0] =	vst.idx.add.f32.msk $0xffff, v1  }
0x774: {  	[tilespmem:v38+s31+$0x0] =	vst.idx.add.f32.msk $0xffff, v27;
	v0 =	vmul.f32 v0, v31  }
0x775: {  	[tilespmem:v35+s4+$0x0] =	vst.idx.add.f32.msk $0xffff, v27  }
0x776: {  	[tilespmem:v18+s31+$0x0] =	vst.idx.add.f32.msk $0xffff, v0  }
0x777: {  	[tilespmem:v57+s4+$0x0] =	vst.idx.add.f32.msk $0xffff, v0  }
0x778: {  	[tilespmem:v58+s31+$0x0] =	vst.idx.add.f32.msk $0xffff, v31  }
0x779: {  	s0 =	simm.s32 $0x9020;
	[tilespmem:v8+s4+$0x0] =	vst.idx.add.f32.msk $0xffff, v31  }
0x77a: {  	s1 =	simm.s32 $0xA020;
	v5 =	vld [tilespmem:s0+$0x10]  }
0x77b: {  	v6 =	vld [tilespmem:s1+$0x10]  }
0x77c: {  	p0 =	por $0x1, $0x1;
	v1 =	vld [tilespmem:s1+$0xFFFFFFE0]  }
.Ltmp6:
0x77d: {  	v2 =	vld [tilespmem:s0+$0xFFFFFFF0];
	(pc) =	sbr.rel @!p0 .LBB2_14-.Ltmp6, $4  }
0x77e: {  	v4 =	vld [tilespmem:s1+$0xFFFFFFF0]  }
0x77f: {  	v0 =	vld [tilespmem:s0+$0x0]  }
0x780: {  	v3 =	vld [tilespmem:s1+$0x0];
	v6 =	vadd.f32 v6, v5  }
0x781: {  	s12 =	simm.s32 $0x9060;
	s11 =	simm.s32 $0x0;
	v5 =	vld [tilespmem:s0+$0xFFFFFFE0]  }
.LBB2_13:
0x782: {  	v7 =	vld [tilespmem:s12+$0x10];
	[tilespmem:s0+$0x10] =	vst v6;
	s1 =	sadd.s32 $0x40, s1  }
0x783: {  	s11 =	sadd.s32 $0x4, s11;
	v6 =	vld [tilespmem:s1+$0x10];
	v4 =	vadd.f32 v4, v2  }
0x784: {  	p0 =	slt.u32 s11, $0xCC;
	v8 =	vld [tilespmem:s1+$0xFFFFFFE0]  }
.Ltmp7:
0x785: {  	v2 =	vld [tilespmem:s12+$0xFFFFFFF0];
	[tilespmem:s0+$0xFFFFFFF0] =	vst v4;
	v3 =	vadd.f32 v3, v0;
	(pc) =	sbr.rel @p0 .LBB2_13-.Ltmp7, $4  }
0x786: {  	v4 =	vld [tilespmem:s1+$0xFFFFFFF0];
	v9 =	vadd.f32 v1, v5  }
0x787: {  	v0 =	vld [tilespmem:s12+$0x0];
	[tilespmem:s0+$0x0] =	vst v3  }
0x788: {  	v3 =	vld [tilespmem:s1+$0x0];
	v6 =	vadd.f32 v6, v7;
	[tilespmem:s0+$0xFFFFFFE0] =	vst v9;
	s0 =	smov.u32 s12  }
0x789: {  	s12 =	sadd.s32 $0x40, s12;
	v5 =	vld [tilespmem:s0+$0xFFFFFFE0];
	v1 =	vmov v8  }
.LBB2_14:
0x78a: {  	_ =	sdelay $0x1  }
0x78b: {  	s1 =	sshll.u32 s9, $0xA;
	p0 =	sne.s32 s10, $0x10;
	v2 =	vadd.f32 v4, v2  }
.Ltmp8:
0x78c: {  	[tilespmem:s0+$0x10] =	vst v6;
	s1 =	sor.u32 s14, s1;
	v0 =	vadd.f32 v3, v0;
	(pc) =	sbr.rel @p0 .LBB2_2-.Ltmp8, $4  }
0x78d: {  	s1 =	sor.u32 s20, s1;
	[tilespmem:s0+$0xFFFFFFF0] =	vst v2;
	v1 =	vadd.f32 v1, v5  }
0x78e: {  	s22 =	rddreg [dreg:$0x4];
	s1 =	sshrl.u32 s1, $0x3;
	[tilespmem:s0+$0x0] =	vst v0  }
0x78f: {  	[tilespmem:s0+$0xFFFFFFE0] =	vst v1;
	s0 =	sadd.s32 s22, s1  }
0x790: {  	v1 =	vimm.f32 $0.0e+00;
	[hbm4b:s0+s16] =	stream.strided.scatter [tilespmem:s31], [sflag:$0x4], $0xD00, s29, s16, $0x38;
	v17 =	vld [tilespmem:$0x1FEB0]  }
0x791: {  	s0 =	simm.s32 $0x3  }
0x792: {  	_ =	swait.ge [sflag:s0], $0xD00  }
0x793: {  	[sflag:s0] =	ssyncset.done $0x0  }
0x794: {  	s1 =	simm.s32 $0x4;
	[sflag:s0] =	ssyncadd.s32 $0xFFFFF300  }
0x795: {  	_ =	swait.ge [sflag:s1], $0xD00  }
0x796: {  	s2 =	rddreg [dreg:$0xb]  }
0x797: {  	s22 =	rddreg [dreg:$0xa];
	s2 =	sadd.s32 $0x1, s2  }
0x798: {  	p0 =	sne.s32 s2, s22  }
.Ltmp9:
0x799: {  	_ = 	snop;
	(pc) =	sbr.rel @p0 .LBB2_1-.Ltmp9, $3  }
0x79a: {  	_ =	sdelay $0x1  }
0x79b: {  	[sflag:s1] =	ssyncset.done $0x0  }
0x79c: {  	[sflag:s1] =	ssyncadd.s32 $0xFFFFF300  }
0x79d: {  	_ =	sfence.sel $0x180000  }
0x79e: {  	[bflag:$0x0] =	sbarrier.arrive $0xFFFF  }
0x79f: {  	_ =	strace $0x90000047  }
0x7a0: {  	s0 =	stileid.u32;
	[bflag:$0x2] =	sbarrier.arrive $0xFFFF  }
0x7a1: {  	p0 =	sne.s32 s0, $0x0;
	s0 =	rddreg [dreg:$0x5]  }
0x7a2: {  	s0 =	sadd.s32 @!p0 $0x100000, s0  }
0x7a3: {  	[sflag:s0] =	ssyncadd.tile.s32 @!p0 $0x1;
	_ =	shalt  }
.Lfunc_end2:
_tile_overlayer_lowered:
.L_overlay_start_2:
0x7a4: {  	(tag) =	ssettag $0x2  }
0x7a5: {  	s0 =	rddreg [dreg:$0x0];
	s2 =	stileid.u32  }
0x7a6: {  	s1 =	rddreg [dreg:$0x1];
	p0 =	sne.s32 s2, $0x0  }
0x7a7: {  	s3 =	rddreg [dreg:$0x2];
	[bflag:$0x3] =	sbarrier.arrive $0xFFFF;
	s2 =	simm.s32 @!p0 $0x1C05  }
0x7a8: {  	[timem:s3], [sflag:s2] =	dma.local @!p0 [hbm:s0], s1  }
0x7a9: {  	s0 =	simm.s32 @!p0 $0x5  }
0x7aa: {  	_ =	swait.ge @!p0 [sflag:s0], s1  }
0x7ab: {  	s1 =	ssub.s32 @!p0 $0x0, s1;
	[sflag:s0] =	ssyncset.done @!p0 $0x0  }
0x7ac: {  	[sflag:s0] =	ssyncadd.s32 @!p0 s1  }
0x7ad: {  	[bflag:$0x3] =	sbarrier.arrive $0xFFFF  }
0x7ae: {  	_ =	shalt  }

</sc_bundles>
